<compile_context>
chip_gen: v7x
topology: tpu7x:2x2x1
jax: 0.10.2.dev20260603
libtpu: 0.0.44.dev20260713+nightly
codegen_flags: <defaults>
</compile_context>

<pallas_src>
import functools

import jax
import jax.numpy as jnp
import numpy as np
from jax import lax
from jax.experimental import pallas as pl
from jax.experimental.pallas import tpu as pltpu
from jax.experimental.pallas import tpu_sc as plsc

_AUTOANG = 0.52917726
_K1 = 16.0
_K2 = 4.0 / 3.0
_K3 = -4.0
_ZMAX = 87
_NREF = 5
_S6 = 1.0
_S8 = 0.7875
_A1 = 0.4289
_A2 = 4.4407

_rng_tab = np.random.RandomState(0)
_RCOV = _rng_tab.uniform(0.4, 2.0, size=(_ZMAX,)).astype(np.float32)
_R2R4 = _rng_tab.uniform(1.5, 6.0, size=(_ZMAX,)).astype(np.float32)
_CN_REF = np.sort(_rng_tab.uniform(0.0, 6.0, size=(_ZMAX, _NREF)).astype(np.float32), axis=1)
_c6_raw = _rng_tab.uniform(1.0, 50.0, size=(_ZMAX, _ZMAX, _NREF, _NREF)).astype(np.float32)
_C6AB = 0.5 * (_c6_raw + np.transpose(_c6_raw, (1, 0, 3, 2)))

_SR = np.sqrt(_R2R4).astype(np.float32)
_RCOV_PAD = np.zeros(96, np.float32); _RCOV_PAD[:_ZMAX] = _RCOV
_SR_PAD = np.zeros(96, np.float32); _SR_PAD[:_ZMAX] = _SR
_CNREF_FLAT = np.zeros(448, np.float32)
_CNREF_FLAT[:_ZMAX * _NREF] = _CN_REF.reshape(-1)
_C6_ROWS = np.zeros((_ZMAX * _ZMAX, 32), np.float32)
_C6_ROWS[:, :25] = _C6AB.reshape(_ZMAX * _ZMAX, 25)

_NC, _NS = 2, 16
_NW = _NC * _NS
_C = 2048
_NROW = _C // 128


def _cn_kernel_body(n_acc, cpw, per_tile,
                    ii_hbm, jj_hbm, r_hbm, z_hbm, rcov_hbm, cn_out,
                    ii_v, jj_v, r_v, zi_v, zj_v, damp_v, rcov_v, zero_v,
                    acc_sh, sem):
    c = lax.axis_index("c")
    s = lax.axis_index("s")
    wid = c * _NS + s

    def zb(k, _):
        zero_v[pl.ds(k * 16, 16)] = jnp.zeros((16,), jnp.float32)
        return 0
    lax.fori_loop(0, per_tile // 16, zb, 0)
    pltpu.sync_copy(zero_v, acc_sh.at[pl.ds(s * per_tile, per_tile)])
    pltpu.sync_copy(rcov_hbm, rcov_v)
    plsc.subcore_barrier()

    def chunk(t, _):
        cid = wid * cpw + t
        pltpu.sync_copy(ii_hbm.at[cid], ii_v)
        pltpu.sync_copy(jj_hbm.at[cid], jj_v)
        pltpu.sync_copy(r_hbm.at[cid], r_v)
        descs = []
        for j in range(_NROW):
            descs.append(pltpu.async_copy(
                z_hbm.at[ii_v.at[j]], zi_v.at[pl.ds(j * 128, 128)], sem))
            descs.append(pltpu.async_copy(
                z_hbm.at[jj_v.at[j]], zj_v.at[pl.ds(j * 128, 128)], sem))
        for d in descs:
            d.wait()

        def vb(i, _):
            sl = pl.ds(i * 16, 16)
            zi = zi_v[sl]
            zj = zj_v[sl]
            r = r_v[sl]
            ri = plsc.load_gather(rcov_v, [zi])
            rj = plsc.load_gather(rcov_v, [zj])
            rco = (_K2 * _AUTOANG) * (ri + rj)
            damp = 1.0 / (1.0 + jnp.exp(-_K1 * (rco / r - 1.0)))
            damp_v[sl] = damp
            return 0
        lax.fori_loop(0, _C // 16, vb, 0)

        descs = []
        for j in range(_NROW):
            descs.append(pltpu.async_copy(
                damp_v.at[pl.ds(j * 128, 128)], acc_sh.at[ii_v.at[j]], sem,
                add=True))
        for d in descs:
            d.wait()
        return 0
    lax.fori_loop(0, cpw, chunk, 0)

    plsc.subcore_barrier()
    pltpu.sync_copy(acc_sh.at[pl.ds(s * per_tile, per_tile)], zero_v)
    pltpu.sync_copy(zero_v,
                    cn_out.at[pl.ds(c * n_acc + s * per_tile, per_tile)])


def _disp_kernel_body(n_acc, cpw, per_tile,
                      ii_hbm, jj_hbm, r_hbm, z_hbm, cn_hbm, c6_hbm,
                      rcov_hbm, sr_hbm, cnref_hbm, e_out,
                      ii_v, jj_v, r_v, zi_v, zj_v, cni_v, cnj_v, p_v,
                      rows_v, ep_v, sr_v, cnref_v, zero_v,
                      acc_sh, sem):
    del rcov_hbm
    c = lax.axis_index("c")
    s = lax.axis_index("s")
    wid = c * _NS + s

    def zb(k, _):
        zero_v[pl.ds(k * 16, 16)] = jnp.zeros((16,), jnp.float32)
        return 0
    lax.fori_loop(0, per_tile // 16, zb, 0)
    pltpu.sync_copy(zero_v, acc_sh.at[pl.ds(s * per_tile, per_tile)])
    pltpu.sync_copy(sr_hbm, sr_v)
    pltpu.sync_copy(cnref_hbm, cnref_v)
    plsc.subcore_barrier()

    def chunk(t, _):
        cid = wid * cpw + t
        pltpu.sync_copy(ii_hbm.at[cid], ii_v)
        pltpu.sync_copy(jj_hbm.at[cid], jj_v)
        pltpu.sync_copy(r_hbm.at[cid], r_v)
        descs = []
        for j in range(_NROW):
            descs.append(pltpu.async_copy(
                z_hbm.at[ii_v.at[j]], zi_v.at[pl.ds(j * 128, 128)], sem))
            descs.append(pltpu.async_copy(
                z_hbm.at[jj_v.at[j]], zj_v.at[pl.ds(j * 128, 128)], sem))
            descs.append(pltpu.async_copy(
                cn_hbm.at[ii_v.at[j]], cni_v.at[pl.ds(j * 128, 128)], sem))
            descs.append(pltpu.async_copy(
                cn_hbm.at[jj_v.at[j]], cnj_v.at[pl.ds(j * 128, 128)], sem))
        for d in descs:
            d.wait()

        def pb(i, _):
            sl = pl.ds(i * 16, 16)
            p_v[sl] = zi_v[sl] * _ZMAX + zj_v[sl]
            return 0
        lax.fori_loop(0, _C // 16, pb, 0)

        descs = []
        for j in range(_NROW):
            descs.append(pltpu.async_copy(
                c6_hbm.at[p_v.at[pl.ds(j * 128, 128)]],
                rows_v.at[pl.ds(j * 128, 128)], sem))
        for d in descs:
            d.wait()

        def vb(i, _):
            sl = pl.ds(i * 16, 16)
            zi = zi_v[sl]
            zj = zj_v[sl]
            r = r_v[sl] * (1.0 / _AUTOANG)
            cni = cni_v[sl]
            cnj = cnj_v[sl]
            li = []
            lj = []
            li_s = jnp.zeros((16,), jnp.float32)
            lj_s = jnp.zeros((16,), jnp.float32)
            zi5 = zi * _NREF
            zj5 = zj * _NREF
            for a in range(_NREF):
                cr = plsc.load_gather(cnref_v, [zi5 + a])
                d0 = cni - cr
                la = jnp.exp(_K3 * d0 * d0)
                li.append(la)
                li_s = li_s + la
                cr = plsc.load_gather(cnref_v, [zj5 + a])
                d0 = cnj - cr
                lb = jnp.exp(_K3 * d0 * d0)
                lj.append(lb)
                lj_s = lj_s + lb
            eidx = i * 16 + lax.iota(jnp.int32, 16)
            zsum = jnp.zeros((16,), jnp.float32)
            for a in range(_NREF):
                acc = jnp.zeros((16,), jnp.float32)
                for b in range(_NREF):
                    kvec = jnp.full((16,), a * _NREF + b, jnp.int32)
                    cab = plsc.load_gather(rows_v, [eidx, kvec])
                    acc = acc + cab * lj[b]
                zsum = zsum + acc * li[a]
            w = li_s * lj_s
            c6 = zsum / w
            sri = plsc.load_gather(sr_v, [zi])
            srj = plsc.load_gather(sr_v, [zj])
            ss = sri * srj
            c8 = (3.0 * c6) * (ss * ss)
            r0 = (_A1 * np.float32(np.sqrt(3.0))) * ss + _A2
            r2 = r * r
            r6 = r2 * r2 * r2
            r8 = r6 * r2
            r0sq = r0 * r0
            r06 = r0sq * r0sq * r0sq
            r08 = r06 * r0sq
            e6 = c6 / (r6 + r06)
            e8 = c8 / (r8 + r08)
            ep_v[sl] = -0.5 * (_S6 * e6 + _S8 * e8)
            return 0
        lax.fori_loop(0, _C // 16, vb, 0)

        descs = []
        for j in range(_NROW):
            descs.append(pltpu.async_copy(
                ep_v.at[pl.ds(j * 128, 128)], acc_sh.at[ii_v.at[j]], sem,
                add=True))
        for d in descs:
            d.wait()
        return 0
    lax.fori_loop(0, cpw, chunk, 0)

    plsc.subcore_barrier()
    pltpu.sync_copy(acc_sh.at[pl.ds(s * per_tile, per_tile)], zero_v)
    pltpu.sync_copy(zero_v,
                    e_out.at[pl.ds(c * n_acc + s * per_tile, per_tile)])


def kernel(Z, edge_dist, edge_index):
    n = Z.shape[0]
    e = edge_dist.shape[0]
    n_acc = ((n + 1 + 127) // 128) * 128
    per_tile = n_acc // _NS
    cpw = -(-e // (_NW * _C))
    e_pad = _NW * cpw * _C

    ii = edge_index[0].astype(jnp.int32)
    jj = edge_index[1].astype(jnp.int32)
    r = edge_dist.astype(jnp.float32)
    pad = e_pad - e
    ii = jnp.concatenate([ii, jnp.full((pad,), n, jnp.int32)])
    jj = jnp.concatenate([jj, jnp.full((pad,), n, jnp.int32)])
    r = jnp.concatenate([r, jnp.full((pad,), 1.0, jnp.float32)])
    nchunks = e_pad // _C
    ii3 = ii.reshape(nchunks, _NROW, 128)
    jj3 = jj.reshape(nchunks, _NROW, 128)
    r2d = r.reshape(nchunks, _C)
    z_pad = jnp.zeros((n_acc,), jnp.int32).at[:n].set(Z.astype(jnp.int32))

    rcov_t = jnp.asarray(_RCOV_PAD)
    sr_t = jnp.asarray(_SR_PAD)
    cnref_t = jnp.asarray(_CNREF_FLAT)
    c6_t = jnp.asarray(_C6_ROWS)

    mesh = plsc.VectorSubcoreMesh(core_axis_name="c", subcore_axis_name="s")

    cn_fn = pl.kernel(
        functools.partial(_cn_kernel_body, n_acc, cpw, per_tile),
        out_type=jax.ShapeDtypeStruct((_NC * n_acc,), jnp.float32),
        mesh=mesh,
        scratch_types=[
            pltpu.VMEM((_NROW, 128), jnp.int32),
            pltpu.VMEM((_NROW, 128), jnp.int32),
            pltpu.VMEM((_C,), jnp.float32),
            pltpu.VMEM((_C,), jnp.int32),
            pltpu.VMEM((_C,), jnp.int32),
            pltpu.VMEM((_C,), jnp.float32),
            pltpu.VMEM((96,), jnp.float32),
            pltpu.VMEM((per_tile,), jnp.float32),
            pltpu.VMEM_SHARED((n_acc,), jnp.float32),
            pltpu.SemaphoreType.DMA,
        ],
        compiler_params=pltpu.CompilerParams(needs_layout_passes=False, use_tc_tiling_on_sc=False),
    )
    cn_partial = cn_fn(ii3, jj3, r2d, z_pad, rcov_t).reshape(_NC, n_acc)
    cn_full = cn_partial[0] + cn_partial[1]

    disp_fn = pl.kernel(
        functools.partial(_disp_kernel_body, n_acc, cpw, per_tile),
        out_type=jax.ShapeDtypeStruct((_NC * n_acc,), jnp.float32),
        mesh=mesh,
        scratch_types=[
            pltpu.VMEM((_NROW, 128), jnp.int32),
            pltpu.VMEM((_NROW, 128), jnp.int32),
            pltpu.VMEM((_C,), jnp.float32),
            pltpu.VMEM((_C,), jnp.int32),
            pltpu.VMEM((_C,), jnp.int32),
            pltpu.VMEM((_C,), jnp.float32),
            pltpu.VMEM((_C,), jnp.float32),
            pltpu.VMEM((_C,), jnp.int32),
            pltpu.VMEM((_C, 32), jnp.float32),
            pltpu.VMEM((_C,), jnp.float32),
            pltpu.VMEM((96,), jnp.float32),
            pltpu.VMEM((448,), jnp.float32),
            pltpu.VMEM((per_tile,), jnp.float32),
            pltpu.VMEM_SHARED((n_acc,), jnp.float32),
            pltpu.SemaphoreType.DMA,
        ],
        compiler_params=pltpu.CompilerParams(needs_layout_passes=False, use_tc_tiling_on_sc=False),
    )
    e_partial = disp_fn(ii3, jj3, r2d, z_pad, cn_full, c6_t,
                        rcov_t, sr_t, cnref_t).reshape(_NC, n_acc)
    return (e_partial[0] + e_partial[1])[:n]

# --- scband reference (transcript-rebuilt; emitter-appended) ---
"""Pipeline reference for scband-d3-dispersion-layer-68728066671215 (READ-ONLY COPY).

The authoritative reference and input builder live on the scoring server;
editing this copy changes nothing except your own understanding.
"""

import jax, jax.numpy as jnp
import numpy as np

d3_autoang = 0.52917726
d3_k1 = 16.0
d3_k2 = 4.0 / 3.0
d3_k3 = -4.0
ZMAX = 87
NREF = 5

_rng = np.random.RandomState(0)
RCOV = jnp.asarray(_rng.uniform(0.4, 2.0, size=(ZMAX,)).astype(np.float32))
R2R4 = jnp.asarray(_rng.uniform(1.5, 6.0, size=(ZMAX,)).astype(np.float32))
CN_REF = jnp.asarray(np.sort(_rng.uniform(0.0, 6.0, size=(ZMAX, NREF)).astype(np.float32), axis=1))
_c6 = _rng.uniform(1.0, 50.0, size=(ZMAX, ZMAX, NREF, NREF)).astype(np.float32)
C6AB = jnp.asarray(0.5 * (_c6 + np.transpose(_c6, (1, 0, 3, 2))))

S6 = 1.0
S8 = 0.7875
A1 = 0.4289
A2 = 4.4407


def edisp(Z, r, idx_i, idx_j, s6, s8, a1, a2):
    # D3(BJ) two-body dispersion with CN-interpolated C6 coefficients.
    n = Z.shape[0]
    Zi = Z[idx_i]
    Zj = Z[idx_j]
    # coordination numbers via counting-function damped sum over neighbors
    rco = d3_k2 * (RCOV[Zi] + RCOV[Zj])
    damp_cn = 1.0 / (1.0 + jnp.exp(-d3_k1 * (rco / r - 1.0)))
    cn = jax.ops.segment_sum(damp_cn, idx_i, num_segments=n)
    cn_i = cn[idx_i]
    cn_j = cn[idx_j]
    # gaussian-weighted interpolation of reference C6 values (the 0/0-prone step)
    cn_ref_i = CN_REF[Zi]  # [E, NREF]
    cn_ref_j = CN_REF[Zj]  # [E, NREF]
    li = jnp.exp(d3_k3 * (cn_i[:, None] - cn_ref_i) ** 2)  # [E, NREF]
    lj = jnp.exp(d3_k3 * (cn_j[:, None] - cn_ref_j) ** 2)  # [E, NREF]
    L = li[:, :, None] * lj[:, None, :]  # [E, NREF, NREF]
    c6ref = C6AB[Zi, Zj]  # [E, NREF, NREF]
    w = jnp.sum(L, axis=(1, 2))
    zsum = jnp.sum(c6ref * L, axis=(1, 2))
    c6 = zsum / w
    c8 = 3.0 * c6 * R2R4[Zi] * R2R4[Zj]
    # Becke-Johnson damping
    r0 = a1 * jnp.sqrt(c8 / c6) + a2
    r2 = r * r
    r6 = r2 * r2 * r2
    r8 = r6 * r2
    e6 = c6 / (r6 + r0 ** 6)
    e8 = c8 / (r8 + r0 ** 8)
    e_pair = -0.5 * (s6 * e6 + s8 * e8)
    return jax.ops.segment_sum(e_pair, idx_i, num_segments=n)


def setup_inputs(seed: int = 0) -> dict:
    key = jax.random.key(seed)
    kz, kd, ke = jax.random.split(key, 3)
    N = 100000
    E = 1600000
    Z = jax.random.randint(kz, (N,), 0, 86, dtype=jnp.int64)
    # plausible interatomic distances in Angstrom (avoid r ~ 0)
    edge_dist = jax.random.uniform(kd, (E,), dtype=jnp.float32) * 4.0 + 0.8
    edge_index = jax.random.randint(ke, (2, E), 0, N, dtype=jnp.int64)
    return {"Z": Z, "edge_dist": edge_dist, "edge_index": edge_index}


def reference(Z, edge_dist, edge_index):
    E_atom_d3 = edisp(Z, edge_dist / d3_autoang, edge_index[0, :], edge_index[1, :], S6, S8, A1, A2)
    return E_atom_d3.reshape(-1)

if __name__ == "__main__":
    import jax
    _d = setup_inputs()
    print(jax.jit(kernel)(*tuple(_d.values())))

</pallas_src>

<mosaic_0001>
#map = affine_map<(d0, d1) -> (0, 0, 0)>
#map1 = affine_map<(d0, d1) -> (0, 0)>
#map2 = affine_map<(d0, d1) -> (0)>
module attributes {stable_mosaic.version = 14 : i64} {
  func.func @_cn_kernel_body(%arg0: i32, %arg1: i32, %arg2: memref<800x16x128xi32, #tpu.memory_space<hbm>>, %arg3: memref<800x16x128xi32, #tpu.memory_space<hbm>>, %arg4: memref<800x2048xf32, #tpu.memory_space<hbm>>, %arg5: memref<100096xi32, #tpu.memory_space<hbm>>, %arg6: memref<96xf32, #tpu.memory_space<hbm>>, %arg7: memref<200192xf32, #tpu.memory_space<hbm>>, %arg8: memref<16x128xi32, #tpu.memory_space<vmem>>, %arg9: memref<16x128xi32, #tpu.memory_space<vmem>>, %arg10: memref<2048xf32, #tpu.memory_space<vmem>>, %arg11: memref<2048xi32, #tpu.memory_space<vmem>>, %arg12: memref<2048xi32, #tpu.memory_space<vmem>>, %arg13: memref<2048xf32, #tpu.memory_space<vmem>>, %arg14: memref<96xf32, #tpu.memory_space<vmem>>, %arg15: memref<6256xf32, #tpu.memory_space<vmem>>, %arg16: memref<100096xf32, #tpu.memory_space<vmem_shared>>, %arg17: memref<!tpu.dma_semaphore, #tpu.memory_space<semaphore_mem>>) attributes {dimension_semantics = [#tpu.dimension_semantics<core_parallel>, #tpu.dimension_semantics<subcore_parallel>], iteration_bounds = array<i64: 2, 16>, scalar_prefetch = 0 : i64, scratch_operands = 10 : i64, tpu.core_type = #tpu.core_type<sc_vector_subcore>, window_params = [{transform_indices = #map}, {transform_indices = #map}, {transform_indices = #map1}, {transform_indices = #map2}, {transform_indices = #map2}, {transform_indices = #map2}]} {
    %mul3A = arith.constant 16 : i32
    %mul3A_0 = arith.muli %arg0, %mul3A : i32
    %add3A = arith.addi %mul3A_0, %arg1 : i32
    %scan3A = arith.constant 0 : i32
    %scan3A_1 = arith.constant 0 : i32
    %scan3A_2 = arith.constant 391 : i32
    %scan3A_3 = arith.addi %scan3A_1, %scan3A_2 : i32
    %scan3A_4 = arith.constant 1 : i32
    %scan3A_5 = scf.for %scan3A_24 = %scan3A_1 to %scan3A_3 step %scan3A_4 iter_args(%scan3A_25 = %scan3A) -> (i32)  : i32 {
      %broadcast_in_dim3A = arith.constant 0.000000e+00 : f32
      %broadcast_in_dim3A_26 = vector.broadcast %broadcast_in_dim3A : f32 to vector<16xf32>
      %mul3A_27 = arith.constant 16 : i32
      %mul3A_28 = arith.muli %scan3A_24, %mul3A_27 : i32
      %swap3A = arith.index_cast %mul3A_28 : i32 to index
      %swap3A_29 = tpu.vector_load %arg15[%swap3A] {strides = array<i32>} : memref<6256xf32, #tpu.memory_space<vmem>>, vector<16xf32>,
      tpu.vector_store %arg15[%swap3A], %broadcast_in_dim3A_26 {strides = array<i32>} : memref<6256xf32, #tpu.memory_space<vmem>>, vector<16xf32>,
      %scan3A_30 = arith.constant 0 : i32
      scf.yield %scan3A_30 : i32
    }
    %scan3A_6 = arith.constant 391 : i32
    %mul3A_7 = arith.constant 6256 : i32
    %mul3A_8 = arith.muli %arg1, %mul3A_7 : i32
    "tpu.region"() ({
      %run_scoped3A = tpu.sem_alloc : memref<!tpu.dma_semaphore, #tpu.memory_space<semaphore_mem>>
      %dma_start3A = tpu.memref_slice %arg16[%mul3A_8] : memref<100096xf32, #tpu.memory_space<vmem_shared>> -> memref<6256xf32, #tpu.memory_space<vmem_shared>>
      %dma_start3A_24 = tpu.memref_slice %arg16[%mul3A_8] : memref<100096xf32, #tpu.memory_space<vmem_shared>> -> memref<6256xf32, #tpu.memory_space<vmem_shared>>
      tpu.enqueue_dma source(%arg15 : memref<6256xf32, #tpu.memory_space<vmem>>) target(%dma_start3A_24 : memref<6256xf32, #tpu.memory_space<vmem_shared>>) target_semaphore(%run_scoped3A : memref<!tpu.dma_semaphore, #tpu.memory_space<semaphore_mem>>)
      %dma_wait3A = tpu.memref_slice %arg16[%mul3A_8] : memref<100096xf32, #tpu.memory_space<vmem_shared>> -> memref<6256xf32, #tpu.memory_space<vmem_shared>>
      %dma_wait3A_25 = tpu.memref_slice %arg16[%mul3A_8] : memref<100096xf32, #tpu.memory_space<vmem_shared>> -> memref<6256xf32, #tpu.memory_space<vmem_shared>>
      tpu.wait_dma2 semaphore(%run_scoped3A : memref<!tpu.dma_semaphore, #tpu.memory_space<semaphore_mem>>) src(%arg15 : memref<6256xf32, #tpu.memory_space<vmem>>) dst(%dma_wait3A_25 : memref<6256xf32, #tpu.memory_space<vmem_shared>>)
      tpu.yield
    }) : () -> ()
    "tpu.region"() ({
      %run_scoped3A = tpu.sem_alloc : memref<!tpu.dma_semaphore, #tpu.memory_space<semaphore_mem>>
      tpu.enqueue_dma source(%arg6 : memref<96xf32, #tpu.memory_space<hbm>>) target(%arg14 : memref<96xf32, #tpu.memory_space<vmem>>) target_semaphore(%run_scoped3A : memref<!tpu.dma_semaphore, #tpu.memory_space<semaphore_mem>>)
      tpu.wait_dma2 semaphore(%run_scoped3A : memref<!tpu.dma_semaphore, #tpu.memory_space<semaphore_mem>>) src(%arg6 : memref<96xf32, #tpu.memory_space<hbm>>) dst(%arg14 : memref<96xf32, #tpu.memory_space<vmem>>)
      tpu.yield
    }) : () -> ()
    %barrier3A = arith.constant 0 : index
    tpu.barrier barrier_id(%barrier3A)
    %scan3A_9 = arith.constant 0 : i32
    %scan3A_10 = arith.constant 0 : i32
    %scan3A_11 = arith.constant 25 : i32
    %scan3A_12 = arith.addi %scan3A_10, %scan3A_11 : i32
    %scan3A_13 = arith.constant 1 : i32
    %scan3A_14 = scf.for %scan3A_24 = %scan3A_10 to %scan3A_12 step %scan3A_13 iter_args(%scan3A_25 = %scan3A_9) -> (i32)  : i32 {
      %mul3A_26 = arith.constant 25 : i32
      %mul3A_27 = arith.muli %add3A, %mul3A_26 : i32
      %add3A_28 = arith.addi %mul3A_27, %scan3A_24 : i32
      "tpu.region"() ({
        %run_scoped3A = tpu.sem_alloc : memref<!tpu.dma_semaphore, #tpu.memory_space<semaphore_mem>>
        %dma_start3A_803 = arith.constant 0 : i32
        %dma_start3A_804 = arith.constant 0 : i32
        %dma_start3A_805 = tpu.memref_slice %arg2[%add3A_28, %dma_start3A_803, %dma_start3A_804] : memref<800x16x128xi32, #tpu.memory_space<hbm>> -> memref<1x16x128xi32, #tpu.memory_space<hbm>>
        %dma_start3A_806 = tpu.memref_squeeze %dma_start3A_805 : memref<1x16x128xi32, #tpu.memory_space<hbm>> -> memref<16x128xi32, #tpu.memory_space<hbm>>
        %dma_start3A_807 = arith.constant 0 : i32
        %dma_start3A_808 = arith.constant 0 : i32
        %dma_start3A_809 = tpu.memref_slice %arg2[%add3A_28, %dma_start3A_807, %dma_start3A_808] : memref<800x16x128xi32, #tpu.memory_space<hbm>> -> memref<1x16x128xi32, #tpu.memory_space<hbm>>
        %dma_start3A_810 = tpu.memref_squeeze %dma_start3A_809 : memref<1x16x128xi32, #tpu.memory_space<hbm>> -> memref<16x128xi32, #tpu.memory_space<hbm>>
        tpu.enqueue_dma source(%dma_start3A_810 : memref<16x128xi32, #tpu.memory_space<hbm>>) target(%arg8 : memref<16x128xi32, #tpu.memory_space<vmem>>) target_semaphore(%run_scoped3A : memref<!tpu.dma_semaphore, #tpu.memory_space<semaphore_mem>>)
        %dma_wait3A_811 = arith.constant 0 : i32
        %dma_wait3A_812 = arith.constant 0 : i32
        %dma_wait3A_813 = tpu.memref_slice %arg2[%add3A_28, %dma_wait3A_811, %dma_wait3A_812] : memref<800x16x128xi32, #tpu.memory_space<hbm>> -> memref<1x16x128xi32, #tpu.memory_space<hbm>>
        %dma_wait3A_814 = tpu.memref_squeeze %dma_wait3A_813 : memref<1x16x128xi32, #tpu.memory_space<hbm>> -> memref<16x128xi32, #tpu.memory_space<hbm>>
        %dma_wait3A_815 = arith.constant 0 : i32
        %dma_wait3A_816 = arith.constant 0 : i32
        %dma_wait3A_817 = tpu.memref_slice %arg2[%add3A_28, %dma_wait3A_815, %dma_wait3A_816] : memref<800x16x128xi32, #tpu.memory_space<hbm>> -> memref<1x16x128xi32, #tpu.memory_space<hbm>>
        %dma_wait3A_818 = tpu.memref_squeeze %dma_wait3A_817 : memref<1x16x128xi32, #tpu.memory_space<hbm>> -> memref<16x128xi32, #tpu.memory_space<hbm>>
        tpu.wait_dma2 semaphore(%run_scoped3A : memref<!tpu.dma_semaphore, #tpu.memory_space<semaphore_mem>>) src(%dma_wait3A_818 : memref<16x128xi32, #tpu.memory_space<hbm>>) dst(%arg8 : memref<16x128xi32, #tpu.memory_space<vmem>>)
        tpu.yield
      }) : () -> ()
      "tpu.region"() ({
        %run_scoped3A = tpu.sem_alloc : memref<!tpu.dma_semaphore, #tpu.memory_space<semaphore_mem>>
        %dma_start3A_803 = arith.constant 0 : i32
        %dma_start3A_804 = arith.constant 0 : i32
        %dma_start3A_805 = tpu.memref_slice %arg3[%add3A_28, %dma_start3A_803, %dma_start3A_804] : memref<800x16x128xi32, #tpu.memory_space<hbm>> -> memref<1x16x128xi32, #tpu.memory_space<hbm>>
        %dma_start3A_806 = tpu.memref_squeeze %dma_start3A_805 : memref<1x16x128xi32, #tpu.memory_space<hbm>> -> memref<16x128xi32, #tpu.memory_space<hbm>>
        %dma_start3A_807 = arith.constant 0 : i32
        %dma_start3A_808 = arith.constant 0 : i32
        %dma_start3A_809 = tpu.memref_slice %arg3[%add3A_28, %dma_start3A_807, %dma_start3A_808] : memref<800x16x128xi32, #tpu.memory_space<hbm>> -> memref<1x16x128xi32, #tpu.memory_space<hbm>>
        %dma_start3A_810 = tpu.memref_squeeze %dma_start3A_809 : memref<1x16x128xi32, #tpu.memory_space<hbm>> -> memref<16x128xi32, #tpu.memory_space<hbm>>
        tpu.enqueue_dma source(%dma_start3A_810 : memref<16x128xi32, #tpu.memory_space<hbm>>) target(%arg9 : memref<16x128xi32, #tpu.memory_space<vmem>>) target_semaphore(%run_scoped3A : memref<!tpu.dma_semaphore, #tpu.memory_space<semaphore_mem>>)
        %dma_wait3A_811 = arith.constant 0 : i32
        %dma_wait3A_812 = arith.constant 0 : i32
        %dma_wait3A_813 = tpu.memref_slice %arg3[%add3A_28, %dma_wait3A_811, %dma_wait3A_812] : memref<800x16x128xi32, #tpu.memory_space<hbm>> -> memref<1x16x128xi32, #tpu.memory_space<hbm>>
        %dma_wait3A_814 = tpu.memref_squeeze %dma_wait3A_813 : memref<1x16x128xi32, #tpu.memory_space<hbm>> -> memref<16x128xi32, #tpu.memory_space<hbm>>
        %dma_wait3A_815 = arith.constant 0 : i32
        %dma_wait3A_816 = arith.constant 0 : i32
        %dma_wait3A_817 = tpu.memref_slice %arg3[%add3A_28, %dma_wait3A_815, %dma_wait3A_816] : memref<800x16x128xi32, #tpu.memory_space<hbm>> -> memref<1x16x128xi32, #tpu.memory_space<hbm>>
        %dma_wait3A_818 = tpu.memref_squeeze %dma_wait3A_817 : memref<1x16x128xi32, #tpu.memory_space<hbm>> -> memref<16x128xi32, #tpu.memory_space<hbm>>
        tpu.wait_dma2 semaphore(%run_scoped3A : memref<!tpu.dma_semaphore, #tpu.memory_space<semaphore_mem>>) src(%dma_wait3A_818 : memref<16x128xi32, #tpu.memory_space<hbm>>) dst(%arg9 : memref<16x128xi32, #tpu.memory_space<vmem>>)
        tpu.yield
      }) : () -> ()
      "tpu.region"() ({
        %run_scoped3A = tpu.sem_alloc : memref<!tpu.dma_semaphore, #tpu.memory_space<semaphore_mem>>
        %dma_start3A_803 = arith.constant 0 : i32
        %dma_start3A_804 = tpu.memref_slice %arg4[%add3A_28, %dma_start3A_803] : memref<800x2048xf32, #tpu.memory_space<hbm>> -> memref<1x2048xf32, #tpu.memory_space<hbm>>
        %dma_start3A_805 = tpu.memref_squeeze %dma_start3A_804 : memref<1x2048xf32, #tpu.memory_space<hbm>> -> memref<2048xf32, #tpu.memory_space<hbm>>
        %dma_start3A_806 = arith.constant 0 : i32
        %dma_start3A_807 = tpu.memref_slice %arg4[%add3A_28, %dma_start3A_806] : memref<800x2048xf32, #tpu.memory_space<hbm>> -> memref<1x2048xf32, #tpu.memory_space<hbm>>
        %dma_start3A_808 = tpu.memref_squeeze %dma_start3A_807 : memref<1x2048xf32, #tpu.memory_space<hbm>> -> memref<2048xf32, #tpu.memory_space<hbm>>
        tpu.enqueue_dma source(%dma_start3A_808 : memref<2048xf32, #tpu.memory_space<hbm>>) target(%arg10 : memref<2048xf32, #tpu.memory_space<vmem>>) target_semaphore(%run_scoped3A : memref<!tpu.dma_semaphore, #tpu.memory_space<semaphore_mem>>)
        %dma_wait3A_809 = arith.constant 0 : i32
        %dma_wait3A_810 = tpu.memref_slice %arg4[%add3A_28, %dma_wait3A_809] : memref<800x2048xf32, #tpu.memory_space<hbm>> -> memref<1x2048xf32, #tpu.memory_space<hbm>>
        %dma_wait3A_811 = tpu.memref_squeeze %dma_wait3A_810 : memref<1x2048xf32, #tpu.memory_space<hbm>> -> memref<2048xf32, #tpu.memory_space<hbm>>
        %dma_wait3A_812 = arith.constant 0 : i32
        %dma_wait3A_813 = tpu.memref_slice %arg4[%add3A_28, %dma_wait3A_812] : memref<800x2048xf32, #tpu.memory_space<hbm>> -> memref<1x2048xf32, #tpu.memory_space<hbm>>
        %dma_wait3A_814 = tpu.memref_squeeze %dma_wait3A_813 : memref<1x2048xf32, #tpu.memory_space<hbm>> -> memref<2048xf32, #tpu.memory_space<hbm>>
        tpu.wait_dma2 semaphore(%run_scoped3A : memref<!tpu.dma_semaphore, #tpu.memory_space<semaphore_mem>>) src(%dma_wait3A_814 : memref<2048xf32, #tpu.memory_space<hbm>>) dst(%arg10 : memref<2048xf32, #tpu.memory_space<vmem>>)
        tpu.yield
      }) : () -> ()
      %dma_start3A = arith.constant 0 : i32
      %dma_start3A_29 = arith.constant 0 : i32
      %dma_start3A_30 = tpu.memref_slice %arg11[%dma_start3A_29] : memref<2048xi32, #tpu.memory_space<vmem>> -> memref<128xi32, #tpu.memory_space<vmem>>
      %dma_start3A_31 = arith.constant 0 : i32
      %dma_start3A_32 = tpu.memref_slice %arg8[%dma_start3A, %dma_start3A_31] : memref<16x128xi32, #tpu.memory_space<vmem>> -> memref<1x128xi32, #tpu.memory_space<vmem>>
      %dma_start3A_33 = tpu.memref_squeeze %dma_start3A_32 : memref<1x128xi32, #tpu.memory_space<vmem>> -> memref<128xi32, #tpu.memory_space<vmem>>
      %dma_start3A_34 = arith.constant 0 : i32
      %dma_start3A_35 = tpu.memref_slice %arg5[%dma_start3A_34] : memref<100096xi32, #tpu.memory_space<hbm>> -> memref<100096xi32, #tpu.memory_space<hbm>>
      tpu.enqueue_indirect_dma source(%dma_start3A_35 : memref<100096xi32, #tpu.memory_space<hbm>>) target(%dma_start3A_30 : memref<128xi32, #tpu.memory_space<vmem>>) offsets(%dma_start3A_33 : memref<128xi32, #tpu.memory_space<vmem>>) semaphore(%arg17 : memref<!tpu.dma_semaphore, #tpu.memory_space<semaphore_mem>>)
      %dma_start3A_36 = arith.constant 0 : i32
      %dma_start3A_37 = arith.constant 0 : i32
      %dma_start3A_38 = tpu.memref_slice %arg12[%dma_start3A_37] : memref<2048xi32, #tpu.memory_space<vmem>> -> memref<128xi32, #tpu.memory_space<vmem>>
      %dma_start3A_39 = arith.constant 0 : i32
      %dma_start3A_40 = tpu.memref_slice %arg9[%dma_start3A_36, %dma_start3A_39] : memref<16x128xi32, #tpu.memory_space<vmem>> -> memref<1x128xi32, #tpu.memory_space<vmem>>
      %dma_start3A_41 = tpu.memref_squeeze %dma_start3A_40 : memref<1x128xi32, #tpu.memory_space<vmem>> -> memref<128xi32, #tpu.memory_space<vmem>>
      %dma_start3A_42 = arith.constant 0 : i32
      %dma_start3A_43 = tpu.memref_slice %arg5[%dma_start3A_42] : memref<100096xi32, #tpu.memory_space<hbm>> -> memref<100096xi32, #tpu.memory_space<hbm>>
      tpu.enqueue_indirect_dma source(%dma_start3A_43 : memref<100096xi32, #tpu.memory_space<hbm>>) target(%dma_start3A_38 : memref<128xi32, #tpu.memory_space<vmem>>) offsets(%dma_start3A_41 : memref<128xi32, #tpu.memory_space<vmem>>) semaphore(%arg17 : memref<!tpu.dma_semaphore, #tpu.memory_space<semaphore_mem>>)
      %dma_start3A_44 = arith.constant 1 : i32
      %dma_start3A_45 = arith.constant 128 : i32
      %dma_start3A_46 = tpu.memref_slice %arg11[%dma_start3A_45] : memref<2048xi32, #tpu.memory_space<vmem>> -> memref<128xi32, #tpu.memory_space<vmem>>
      %dma_start3A_47 = arith.constant 0 : i32
      %dma_start3A_48 = tpu.memref_slice %arg8[%dma_start3A_44, %dma_start3A_47] : memref<16x128xi32, #tpu.memory_space<vmem>> -> memref<1x128xi32, #tpu.memory_space<vmem>>
      %dma_start3A_49 = tpu.memref_squeeze %dma_start3A_48 : memref<1x128xi32, #tpu.memory_space<vmem>> -> memref<128xi32, #tpu.memory_space<vmem>>
      %dma_start3A_50 = arith.constant 0 : i32
      %dma_start3A_51 = tpu.memref_slice %arg5[%dma_start3A_50] : memref<100096xi32, #tpu.memory_space<hbm>> -> memref<100096xi32, #tpu.memory_space<hbm>>
      tpu.enqueue_indirect_dma source(%dma_start3A_51 : memref<100096xi32, #tpu.memory_space<hbm>>) target(%dma_start3A_46 : memref<128xi32, #tpu.memory_space<vmem>>) offsets(%dma_start3A_49 : memref<128xi32, #tpu.memory_space<vmem>>) semaphore(%arg17 : memref<!tpu.dma_semaphore, #tpu.memory_space<semaphore_mem>>)
      %dma_start3A_52 = arith.constant 1 : i32
      %dma_start3A_53 = arith.constant 128 : i32
      %dma_start3A_54 = tpu.memref_slice %arg12[%dma_start3A_53] : memref<2048xi32, #tpu.memory_space<vmem>> -> memref<128xi32, #tpu.memory_space<vmem>>
      %dma_start3A_55 = arith.constant 0 : i32
      %dma_start3A_56 = tpu.memref_slice %arg9[%dma_start3A_52, %dma_start3A_55] : memref<16x128xi32, #tpu.memory_space<vmem>> -> memref<1x128xi32, #tpu.memory_space<vmem>>
      %dma_start3A_57 = tpu.memref_squeeze %dma_start3A_56 : memref<1x128xi32, #tpu.memory_space<vmem>> -> memref<128xi32, #tpu.memory_space<vmem>>
      %dma_start3A_58 = arith.constant 0 : i32
      %dma_start3A_59 = tpu.memref_slice %arg5[%dma_start3A_58] : memref<100096xi32, #tpu.memory_space<hbm>> -> memref<100096xi32, #tpu.memory_space<hbm>>
      tpu.enqueue_indirect_dma source(%dma_start3A_59 : memref<100096xi32, #tpu.memory_space<hbm>>) target(%dma_start3A_54 : memref<128xi32, #tpu.memory_space<vmem>>) offsets(%dma_start3A_57 : memref<128xi32, #tpu.memory_space<vmem>>) semaphore(%arg17 : memref<!tpu.dma_semaphore, #tpu.memory_space<semaphore_mem>>)
      %dma_start3A_60 = arith.constant 2 : i32
      %dma_start3A_61 = arith.constant 256 : i32
      %dma_start3A_62 = tpu.memref_slice %arg11[%dma_start3A_61] : memref<2048xi32, #tpu.memory_space<vmem>> -> memref<128xi32, #tpu.memory_space<vmem>>
      %dma_start3A_63 = arith.constant 0 : i32
      %dma_start3A_64 = tpu.memref_slice %arg8[%dma_start3A_60, %dma_start3A_63] : memref<16x128xi32, #tpu.memory_space<vmem>> -> memref<1x128xi32, #tpu.memory_space<vmem>>
      %dma_start3A_65 = tpu.memref_squeeze %dma_start3A_64 : memref<1x128xi32, #tpu.memory_space<vmem>> -> memref<128xi32, #tpu.memory_space<vmem>>
      %dma_start3A_66 = arith.constant 0 : i32
      %dma_start3A_67 = tpu.memref_slice %arg5[%dma_start3A_66] : memref<100096xi32, #tpu.memory_space<hbm>> -> memref<100096xi32, #tpu.memory_space<hbm>>
      tpu.enqueue_indirect_dma source(%dma_start3A_67 : memref<100096xi32, #tpu.memory_space<hbm>>) target(%dma_start3A_62 : memref<128xi32, #tpu.memory_space<vmem>>) offsets(%dma_start3A_65 : memref<128xi32, #tpu.memory_space<vmem>>) semaphore(%arg17 : memref<!tpu.dma_semaphore, #tpu.memory_space<semaphore_mem>>)
      %dma_start3A_68 = arith.constant 2 : i32
      %dma_start3A_69 = arith.constant 256 : i32
      %dma_start3A_70 = tpu.memref_slice %arg12[%dma_start3A_69] : memref<2048xi32, #tpu.memory_space<vmem>> -> memref<128xi32, #tpu.memory_space<vmem>>
      %dma_start3A_71 = arith.constant 0 : i32
      %dma_start3A_72 = tpu.memref_slice %arg9[%dma_start3A_68, %dma_start3A_71] : memref<16x128xi32, #tpu.memory_space<vmem>> -> memref<1x128xi32, #tpu.memory_space<vmem>>
      %dma_start3A_73 = tpu.memref_squeeze %dma_start3A_72 : memref<1x128xi32, #tpu.memory_space<vmem>> -> memref<128xi32, #tpu.memory_space<vmem>>
      %dma_start3A_74 = arith.constant 0 : i32
      %dma_start3A_75 = tpu.memref_slice %arg5[%dma_start3A_74] : memref<100096xi32, #tpu.memory_space<hbm>> -> memref<100096xi32, #tpu.memory_space<hbm>>
      tpu.enqueue_indirect_dma source(%dma_start3A_75 : memref<100096xi32, #tpu.memory_space<hbm>>) target(%dma_start3A_70 : memref<128xi32, #tpu.memory_space<vmem>>) offsets(%dma_start3A_73 : memref<128xi32, #tpu.memory_space<vmem>>) semaphore(%arg17 : memref<!tpu.dma_semaphore, #tpu.memory_space<semaphore_mem>>)
      %dma_start3A_76 = arith.constant 3 : i32
      %dma_start3A_77 = arith.constant 384 : i32
      %dma_start3A_78 = tpu.memref_slice %arg11[%dma_start3A_77] : memref<2048xi32, #tpu.memory_space<vmem>> -> memref<128xi32, #tpu.memory_space<vmem>>
      %dma_start3A_79 = arith.constant 0 : i32
      %dma_start3A_80 = tpu.memref_slice %arg8[%dma_start3A_76, %dma_start3A_79] : memref<16x128xi32, #tpu.memory_space<vmem>> -> memref<1x128xi32, #tpu.memory_space<vmem>>
      %dma_start3A_81 = tpu.memref_squeeze %dma_start3A_80 : memref<1x128xi32, #tpu.memory_space<vmem>> -> memref<128xi32, #tpu.memory_space<vmem>>
      %dma_start3A_82 = arith.constant 0 : i32
      %dma_start3A_83 = tpu.memref_slice %arg5[%dma_start3A_82] : memref<100096xi32, #tpu.memory_space<hbm>> -> memref<100096xi32, #tpu.memory_space<hbm>>
      tpu.enqueue_indirect_dma source(%dma_start3A_83 : memref<100096xi32, #tpu.memory_space<hbm>>) target(%dma_start3A_78 : memref<128xi32, #tpu.memory_space<vmem>>) offsets(%dma_start3A_81 : memref<128xi32, #tpu.memory_space<vmem>>) semaphore(%arg17 : memref<!tpu.dma_semaphore, #tpu.memory_space<semaphore_mem>>)
      %dma_start3A_84 = arith.constant 3 : i32
      %dma_start3A_85 = arith.constant 384 : i32
      %dma_start3A_86 = tpu.memref_slice %arg12[%dma_start3A_85] : memref<2048xi32, #tpu.memory_space<vmem>> -> memref<128xi32, #tpu.memory_space<vmem>>
      %dma_start3A_87 = arith.constant 0 : i32
      %dma_start3A_88 = tpu.memref_slice %arg9[%dma_start3A_84, %dma_start3A_87] : memref<16x128xi32, #tpu.memory_space<vmem>> -> memref<1x128xi32, #tpu.memory_space<vmem>>
      %dma_start3A_89 = tpu.memref_squeeze %dma_start3A_88 : memref<1x128xi32, #tpu.memory_space<vmem>> -> memref<128xi32, #tpu.memory_space<vmem>>
      %dma_start3A_90 = arith.constant 0 : i32
      %dma_start3A_91 = tpu.memref_slice %arg5[%dma_start3A_90] : memref<100096xi32, #tpu.memory_space<hbm>> -> memref<100096xi32, #tpu.memory_space<hbm>>
      tpu.enqueue_indirect_dma source(%dma_start3A_91 : memref<100096xi32, #tpu.memory_space<hbm>>) target(%dma_start3A_86 : memref<128xi32, #tpu.memory_space<vmem>>) offsets(%dma_start3A_89 : memref<128xi32, #tpu.memory_space<vmem>>) semaphore(%arg17 : memref<!tpu.dma_semaphore, #tpu.memory_space<semaphore_mem>>)
      %dma_start3A_92 = arith.constant 4 : i32
      %dma_start3A_93 = arith.constant 512 : i32
      %dma_start3A_94 = tpu.memref_slice %arg11[%dma_start3A_93] : memref<2048xi32, #tpu.memory_space<vmem>> -> memref<128xi32, #tpu.memory_space<vmem>>
      %dma_start3A_95 = arith.constant 0 : i32
      %dma_start3A_96 = tpu.memref_slice %arg8[%dma_start3A_92, %dma_start3A_95] : memref<16x128xi32, #tpu.memory_space<vmem>> -> memref<1x128xi32, #tpu.memory_space<vmem>>
      %dma_start3A_97 = tpu.memref_squeeze %dma_start3A_96 : memref<1x128xi32, #tpu.memory_space<vmem>> -> memref<128xi32, #tpu.memory_space<vmem>>
      %dma_start3A_98 = arith.constant 0 : i32
      %dma_start3A_99 = tpu.memref_slice %arg5[%dma_start3A_98] : memref<100096xi32, #tpu.memory_space<hbm>> -> memref<100096xi32, #tpu.memory_space<hbm>>
      tpu.enqueue_indirect_dma source(%dma_start3A_99 : memref<100096xi32, #tpu.memory_space<hbm>>) target(%dma_start3A_94 : memref<128xi32, #tpu.memory_space<vmem>>) offsets(%dma_start3A_97 : memref<128xi32, #tpu.memory_space<vmem>>) semaphore(%arg17 : memref<!tpu.dma_semaphore, #tpu.memory_space<semaphore_mem>>)
      %dma_start3A_100 = arith.constant 4 : i32
      %dma_start3A_101 = arith.constant 512 : i32
      %dma_start3A_102 = tpu.memref_slice %arg12[%dma_start3A_101] : memref<2048xi32, #tpu.memory_space<vmem>> -> memref<128xi32, #tpu.memory_space<vmem>>
      %dma_start3A_103 = arith.constant 0 : i32
      %dma_start3A_104 = tpu.memref_slice %arg9[%dma_start3A_100, %dma_start3A_103] : memref<16x128xi32, #tpu.memory_space<vmem>> -> memref<1x128xi32, #tpu.memory_space<vmem>>
      %dma_start3A_105 = tpu.memref_squeeze %dma_start3A_104 : memref<1x128xi32, #tpu.memory_space<vmem>> -> memref<128xi32, #tpu.memory_space<vmem>>
      %dma_start3A_106 = arith.constant 0 : i32
      %dma_start3A_107 = tpu.memref_slice %arg5[%dma_start3A_106] : memref<100096xi32, #tpu.memory_space<hbm>> -> memref<100096xi32, #tpu.memory_space<hbm>>
      tpu.enqueue_indirect_dma source(%dma_start3A_107 : memref<100096xi32, #tpu.memory_space<hbm>>) target(%dma_start3A_102 : memref<128xi32, #tpu.memory_space<vmem>>) offsets(%dma_start3A_105 : memref<128xi32, #tpu.memory_space<vmem>>) semaphore(%arg17 : memref<!tpu.dma_semaphore, #tpu.memory_space<semaphore_mem>>)
      %dma_start3A_108 = arith.constant 5 : i32
      %dma_start3A_109 = arith.constant 640 : i32
      %dma_start3A_110 = tpu.memref_slice %arg11[%dma_start3A_109] : memref<2048xi32, #tpu.memory_space<vmem>> -> memref<128xi32, #tpu.memory_space<vmem>>
      %dma_start3A_111 = arith.constant 0 : i32
      %dma_start3A_112 = tpu.memref_slice %arg8[%dma_start3A_108, %dma_start3A_111] : memref<16x128xi32, #tpu.memory_space<vmem>> -> memref<1x128xi32, #tpu.memory_space<vmem>>
      %dma_start3A_113 = tpu.memref_squeeze %dma_start3A_112 : memref<1x128xi32, #tpu.memory_space<vmem>> -> memref<128xi32, #tpu.memory_space<vmem>>
      %dma_start3A_114 = arith.constant 0 : i32
      %dma_start3A_115 = tpu.memref_slice %arg5[%dma_start3A_114] : memref<100096xi32, #tpu.memory_space<hbm>> -> memref<100096xi32, #tpu.memory_space<hbm>>
      tpu.enqueue_indirect_dma source(%dma_start3A_115 : memref<100096xi32, #tpu.memory_space<hbm>>) target(%dma_start3A_110 : memref<128xi32, #tpu.memory_space<vmem>>) offsets(%dma_start3A_113 : memref<128xi32, #tpu.memory_space<vmem>>) semaphore(%arg17 : memref<!tpu.dma_semaphore, #tpu.memory_space<semaphore_mem>>)
      %dma_start3A_116 = arith.constant 5 : i32
      %dma_start3A_117 = arith.constant 640 : i32
      %dma_start3A_118 = tpu.memref_slice %arg12[%dma_start3A_117] : memref<2048xi32, #tpu.memory_space<vmem>> -> memref<128xi32, #tpu.memory_space<vmem>>
      %dma_start3A_119 = arith.constant 0 : i32
      %dma_start3A_120 = tpu.memref_slice %arg9[%dma_start3A_116, %dma_start3A_119] : memref<16x128xi32, #tpu.memory_space<vmem>> -> memref<1x128xi32, #tpu.memory_space<vmem>>
      %dma_start3A_121 = tpu.memref_squeeze %dma_start3A_120 : memref<1x128xi32, #tpu.memory_space<vmem>> -> memref<128xi32, #tpu.memory_space<vmem>>
      %dma_start3A_122 = arith.constant 0 : i32
      %dma_start3A_123 = tpu.memref_slice %arg5[%dma_start3A_122] : memref<100096xi32, #tpu.memory_space<hbm>> -> memref<100096xi32, #tpu.memory_space<hbm>>
      tpu.enqueue_indirect_dma source(%dma_start3A_123 : memref<100096xi32, #tpu.memory_space<hbm>>) target(%dma_start3A_118 : memref<128xi32, #tpu.memory_space<vmem>>) offsets(%dma_start3A_121 : memref<128xi32, #tpu.memory_space<vmem>>) semaphore(%arg17 : memref<!tpu.dma_semaphore, #tpu.memory_space<semaphore_mem>>)
      %dma_start3A_124 = arith.constant 6 : i32
      %dma_start3A_125 = arith.constant 768 : i32
      %dma_start3A_126 = tpu.memref_slice %arg11[%dma_start3A_125] : memref<2048xi32, #tpu.memory_space<vmem>> -> memref<128xi32, #tpu.memory_space<vmem>>
      %dma_start3A_127 = arith.constant 0 : i32
      %dma_start3A_128 = tpu.memref_slice %arg8[%dma_start3A_124, %dma_start3A_127] : memref<16x128xi32, #tpu.memory_space<vmem>> -> memref<1x128xi32, #tpu.memory_space<vmem>>
      %dma_start3A_129 = tpu.memref_squeeze %dma_start3A_128 : memref<1x128xi32, #tpu.memory_space<vmem>> -> memref<128xi32, #tpu.memory_space<vmem>>
      %dma_start3A_130 = arith.constant 0 : i32
      %dma_start3A_131 = tpu.memref_slice %arg5[%dma_start3A_130] : memref<100096xi32, #tpu.memory_space<hbm>> -> memref<100096xi32, #tpu.memory_space<hbm>>
      tpu.enqueue_indirect_dma source(%dma_start3A_131 : memref<100096xi32, #tpu.memory_space<hbm>>) target(%dma_start3A_126 : memref<128xi32, #tpu.memory_space<vmem>>) offsets(%dma_start3A_129 : memref<128xi32, #tpu.memory_space<vmem>>) semaphore(%arg17 : memref<!tpu.dma_semaphore, #tpu.memory_space<semaphore_mem>>)
      %dma_start3A_132 = arith.constant 6 : i32
      %dma_start3A_133 = arith.constant 768 : i32
      %dma_start3A_134 = tpu.memref_slice %arg12[%dma_start3A_133] : memref<2048xi32, #tpu.memory_space<vmem>> -> memref<128xi32, #tpu.memory_space<vmem>>
      %dma_start3A_135 = arith.constant 0 : i32
      %dma_start3A_136 = tpu.memref_slice %arg9[%dma_start3A_132, %dma_start3A_135] : memref<16x128xi32, #tpu.memory_space<vmem>> -> memref<1x128xi32, #tpu.memory_space<vmem>>
      %dma_start3A_137 = tpu.memref_squeeze %dma_start3A_136 : memref<1x128xi32, #tpu.memory_space<vmem>> -> memref<128xi32, #tpu.memory_space<vmem>>
      %dma_start3A_138 = arith.constant 0 : i32
      %dma_start3A_139 = tpu.memref_slice %arg5[%dma_start3A_138] : memref<100096xi32, #tpu.memory_space<hbm>> -> memref<100096xi32, #tpu.memory_space<hbm>>
      tpu.enqueue_indirect_dma source(%dma_start3A_139 : memref<100096xi32, #tpu.memory_space<hbm>>) target(%dma_start3A_134 : memref<128xi32, #tpu.memory_space<vmem>>) offsets(%dma_start3A_137 : memref<128xi32, #tpu.memory_space<vmem>>) semaphore(%arg17 : memref<!tpu.dma_semaphore, #tpu.memory_space<semaphore_mem>>)
      %dma_start3A_140 = arith.constant 7 : i32
      %dma_start3A_141 = arith.constant 896 : i32
      %dma_start3A_142 = tpu.memref_slice %arg11[%dma_start3A_141] : memref<2048xi32, #tpu.memory_space<vmem>> -> memref<128xi32, #tpu.memory_space<vmem>>
      %dma_start3A_143 = arith.constant 0 : i32
      %dma_start3A_144 = tpu.memref_slice %arg8[%dma_start3A_140, %dma_start3A_143] : memref<16x128xi32, #tpu.memory_space<vmem>> -> memref<1x128xi32, #tpu.memory_space<vmem>>
      %dma_start3A_145 = tpu.memref_squeeze %dma_start3A_144 : memref<1x128xi32, #tpu.memory_space<vmem>> -> memref<128xi32, #tpu.memory_space<vmem>>
      %dma_start3A_146 = arith.constant 0 : i32
      %dma_start3A_147 = tpu.memref_slice %arg5[%dma_start3A_146] : memref<100096xi32, #tpu.memory_space<hbm>> -> memref<100096xi32, #tpu.memory_space<hbm>>
      tpu.enqueue_indirect_dma source(%dma_start3A_147 : memref<100096xi32, #tpu.memory_space<hbm>>) target(%dma_start3A_142 : memref<128xi32, #tpu.memory_space<vmem>>) offsets(%dma_start3A_145 : memref<128xi32, #tpu.memory_space<vmem>>) semaphore(%arg17 : memref<!tpu.dma_semaphore, #tpu.memory_space<semaphore_mem>>)
      %dma_start3A_148 = arith.constant 7 : i32
      %dma_start3A_149 = arith.constant 896 : i32
      %dma_start3A_150 = tpu.memref_slice %arg12[%dma_start3A_149] : memref<2048xi32, #tpu.memory_space<vmem>> -> memref<128xi32, #tpu.memory_space<vmem>>
      %dma_start3A_151 = arith.constant 0 : i32
      %dma_start3A_152 = tpu.memref_slice %arg9[%dma_start3A_148, %dma_start3A_151] : memref<16x128xi32, #tpu.memory_space<vmem>> -> memref<1x128xi32, #tpu.memory_space<vmem>>
      %dma_start3A_153 = tpu.memref_squeeze %dma_start3A_152 : memref<1x128xi32, #tpu.memory_space<vmem>> -> memref<128xi32, #tpu.memory_space<vmem>>
      %dma_start3A_154 = arith.constant 0 : i32
      %dma_start3A_155 = tpu.memref_slice %arg5[%dma_start3A_154] : memref<100096xi32, #tpu.memory_space<hbm>> -> memref<100096xi32, #tpu.memory_space<hbm>>
      tpu.enqueue_indirect_dma source(%dma_start3A_155 : memref<100096xi32, #tpu.memory_space<hbm>>) target(%dma_start3A_150 : memref<128xi32, #tpu.memory_space<vmem>>) offsets(%dma_start3A_153 : memref<128xi32, #tpu.memory_space<vmem>>) semaphore(%arg17 : memref<!tpu.dma_semaphore, #tpu.memory_space<semaphore_mem>>)
      %dma_start3A_156 = arith.constant 8 : i32
      %dma_start3A_157 = arith.constant 1024 : i32
      %dma_start3A_158 = tpu.memref_slice %arg11[%dma_start3A_157] : memref<2048xi32, #tpu.memory_space<vmem>> -> memref<128xi32, #tpu.memory_space<vmem>>
      %dma_start3A_159 = arith.constant 0 : i32
      %dma_start3A_160 = tpu.memref_slice %arg8[%dma_start3A_156, %dma_start3A_159] : memref<16x128xi32, #tpu.memory_space<vmem>> -> memref<1x128xi32, #tpu.memory_space<vmem>>
      %dma_start3A_161 = tpu.memref_squeeze %dma_start3A_160 : memref<1x128xi32, #tpu.memory_space<vmem>> -> memref<128xi32, #tpu.memory_space<vmem>>
      %dma_start3A_162 = arith.constant 0 : i32
      %dma_start3A_163 = tpu.memref_slice %arg5[%dma_start3A_162] : memref<100096xi32, #tpu.memory_space<hbm>> -> memref<100096xi32, #tpu.memory_space<hbm>>
      tpu.enqueue_indirect_dma source(%dma_start3A_163 : memref<100096xi32, #tpu.memory_space<hbm>>) target(%dma_start3A_158 : memref<128xi32, #tpu.memory_space<vmem>>) offsets(%dma_start3A_161 : memref<128xi32, #tpu.memory_space<vmem>>) semaphore(%arg17 : memref<!tpu.dma_semaphore, #tpu.memory_space<semaphore_mem>>)
      %dma_start3A_164 = arith.constant 8 : i32
      %dma_start3A_165 = arith.constant 1024 : i32
      %dma_start3A_166 = tpu.memref_slice %arg12[%dma_start3A_165] : memref<2048xi32, #tpu.memory_space<vmem>> -> memref<128xi32, #tpu.memory_space<vmem>>
      %dma_start3A_167 = arith.constant 0 : i32
      %dma_start3A_168 = tpu.memref_slice %arg9[%dma_start3A_164, %dma_start3A_167] : memref<16x128xi32, #tpu.memory_space<vmem>> -> memref<1x128xi32, #tpu.memory_space<vmem>>
      %dma_start3A_169 = tpu.memref_squeeze %dma_start3A_168 : memref<1x128xi32, #tpu.memory_space<vmem>> -> memref<128xi32, #tpu.memory_space<vmem>>
      %dma_start3A_170 = arith.constant 0 : i32
      %dma_start3A_171 = tpu.memref_slice %arg5[%dma_start3A_170] : memref<100096xi32, #tpu.memory_space<hbm>> -> memref<100096xi32, #tpu.memory_space<hbm>>
      tpu.enqueue_indirect_dma source(%dma_start3A_171 : memref<100096xi32, #tpu.memory_space<hbm>>) target(%dma_start3A_166 : memref<128xi32, #tpu.memory_space<vmem>>) offsets(%dma_start3A_169 : memref<128xi32, #tpu.memory_space<vmem>>) semaphore(%arg17 : memref<!tpu.dma_semaphore, #tpu.memory_space<semaphore_mem>>)
      %dma_start3A_172 = arith.constant 9 : i32
      %dma_start3A_173 = arith.constant 1152 : i32
      %dma_start3A_174 = tpu.memref_slice %arg11[%dma_start3A_173] : memref<2048xi32, #tpu.memory_space<vmem>> -> memref<128xi32, #tpu.memory_space<vmem>>
      %dma_start3A_175 = arith.constant 0 : i32
      %dma_start3A_176 = tpu.memref_slice %arg8[%dma_start3A_172, %dma_start3A_175] : memref<16x128xi32, #tpu.memory_space<vmem>> -> memref<1x128xi32, #tpu.memory_space<vmem>>
      %dma_start3A_177 = tpu.memref_squeeze %dma_start3A_176 : memref<1x128xi32, #tpu.memory_space<vmem>> -> memref<128xi32, #tpu.memory_space<vmem>>
      %dma_start3A_178 = arith.constant 0 : i32
      %dma_start3A_179 = tpu.memref_slice %arg5[%dma_start3A_178] : memref<100096xi32, #tpu.memory_space<hbm>> -> memref<100096xi32, #tpu.memory_space<hbm>>
      tpu.enqueue_indirect_dma source(%dma_start3A_179 : memref<100096xi32, #tpu.memory_space<hbm>>) target(%dma_start3A_174 : memref<128xi32, #tpu.memory_space<vmem>>) offsets(%dma_start3A_177 : memref<128xi32, #tpu.memory_space<vmem>>) semaphore(%arg17 : memref<!tpu.dma_semaphore, #tpu.memory_space<semaphore_mem>>)
      %dma_start3A_180 = arith.constant 9 : i32
      %dma_start3A_181 = arith.constant 1152 : i32
      %dma_start3A_182 = tpu.memref_slice %arg12[%dma_start3A_181] : memref<2048xi32, #tpu.memory_space<vmem>> -> memref<128xi32, #tpu.memory_space<vmem>>
      %dma_start3A_183 = arith.constant 0 : i32
      %dma_start3A_184 = tpu.memref_slice %arg9[%dma_start3A_180, %dma_start3A_183] : memref<16x128xi32, #tpu.memory_space<vmem>> -> memref<1x128xi32, #tpu.memory_space<vmem>>
      %dma_start3A_185 = tpu.memref_squeeze %dma_start3A_184 : memref<1x128xi32, #tpu.memory_space<vmem>> -> memref<128xi32, #tpu.memory_space<vmem>>
      %dma_start3A_186 = arith.constant 0 : i32
      %dma_start3A_187 = tpu.memref_slice %arg5[%dma_start3A_186] : memref<100096xi32, #tpu.memory_space<hbm>> -> memref<100096xi32, #tpu.memory_space<hbm>>
      tpu.enqueue_indirect_dma source(%dma_start3A_187 : memref<100096xi32, #tpu.memory_space<hbm>>) target(%dma_start3A_182 : memref<128xi32, #tpu.memory_space<vmem>>) offsets(%dma_start3A_185 : memref<128xi32, #tpu.memory_space<vmem>>) semaphore(%arg17 : memref<!tpu.dma_semaphore, #tpu.memory_space<semaphore_mem>>)
      %dma_start3A_188 = arith.constant 10 : i32
      %dma_start3A_189 = arith.constant 1280 : i32
      %dma_start3A_190 = tpu.memref_slice %arg11[%dma_start3A_189] : memref<2048xi32, #tpu.memory_space<vmem>> -> memref<128xi32, #tpu.memory_space<vmem>>
      %dma_start3A_191 = arith.constant 0 : i32
      %dma_start3A_192 = tpu.memref_slice %arg8[%dma_start3A_188, %dma_start3A_191] : memref<16x128xi32, #tpu.memory_space<vmem>> -> memref<1x128xi32, #tpu.memory_space<vmem>>
      %dma_start3A_193 = tpu.memref_squeeze %dma_start3A_192 : memref<1x128xi32, #tpu.memory_space<vmem>> -> memref<128xi32, #tpu.memory_space<vmem>>
      %dma_start3A_194 = arith.constant 0 : i32
      %dma_start3A_195 = tpu.memref_slice %arg5[%dma_start3A_194] : memref<100096xi32, #tpu.memory_space<hbm>> -> memref<100096xi32, #tpu.memory_space<hbm>>
      tpu.enqueue_indirect_dma source(%dma_start3A_195 : memref<100096xi32, #tpu.memory_space<hbm>>) target(%dma_start3A_190 : memref<128xi32, #tpu.memory_space<vmem>>) offsets(%dma_start3A_193 : memref<128xi32, #tpu.memory_space<vmem>>) semaphore(%arg17 : memref<!tpu.dma_semaphore, #tpu.memory_space<semaphore_mem>>)
      %dma_start3A_196 = arith.constant 10 : i32
      %dma_start3A_197 = arith.constant 1280 : i32
      %dma_start3A_198 = tpu.memref_slice %arg12[%dma_start3A_197] : memref<2048xi32, #tpu.memory_space<vmem>> -> memref<128xi32, #tpu.memory_space<vmem>>
      %dma_start3A_199 = arith.constant 0 : i32
      %dma_start3A_200 = tpu.memref_slice %arg9[%dma_start3A_196, %dma_start3A_199] : memref<16x128xi32, #tpu.memory_space<vmem>> -> memref<1x128xi32, #tpu.memory_space<vmem>>
      %dma_start3A_201 = tpu.memref_squeeze %dma_start3A_200 : memref<1x128xi32, #tpu.memory_space<vmem>> -> memref<128xi32, #tpu.memory_space<vmem>>
      %dma_start3A_202 = arith.constant 0 : i32
      %dma_start3A_203 = tpu.memref_slice %arg5[%dma_start3A_202] : memref<100096xi32, #tpu.memory_space<hbm>> -> memref<100096xi32, #tpu.memory_space<hbm>>
      tpu.enqueue_indirect_dma source(%dma_start3A_203 : memref<100096xi32, #tpu.memory_space<hbm>>) target(%dma_start3A_198 : memref<128xi32, #tpu.memory_space<vmem>>) offsets(%dma_start3A_201 : memref<128xi32, #tpu.memory_space<vmem>>) semaphore(%arg17 : memref<!tpu.dma_semaphore, #tpu.memory_space<semaphore_mem>>)
      %dma_start3A_204 = arith.constant 11 : i32
      %dma_start3A_205 = arith.constant 1408 : i32
      %dma_start3A_206 = tpu.memref_slice %arg11[%dma_start3A_205] : memref<2048xi32, #tpu.memory_space<vmem>> -> memref<128xi32, #tpu.memory_space<vmem>>
      %dma_start3A_207 = arith.constant 0 : i32
      %dma_start3A_208 = tpu.memref_slice %arg8[%dma_start3A_204, %dma_start3A_207] : memref<16x128xi32, #tpu.memory_space<vmem>> -> memref<1x128xi32, #tpu.memory_space<vmem>>
      %dma_start3A_209 = tpu.memref_squeeze %dma_start3A_208 : memref<1x128xi32, #tpu.memory_space<vmem>> -> memref<128xi32, #tpu.memory_space<vmem>>
      %dma_start3A_210 = arith.constant 0 : i32
      %dma_start3A_211 = tpu.memref_slice %arg5[%dma_start3A_210] : memref<100096xi32, #tpu.memory_space<hbm>> -> memref<100096xi32, #tpu.memory_space<hbm>>
      tpu.enqueue_indirect_dma source(%dma_start3A_211 : memref<100096xi32, #tpu.memory_space<hbm>>) target(%dma_start3A_206 : memref<128xi32, #tpu.memory_space<vmem>>) offsets(%dma_start3A_209 : memref<128xi32, #tpu.memory_space<vmem>>) semaphore(%arg17 : memref<!tpu.dma_semaphore, #tpu.memory_space<semaphore_mem>>)
      %dma_start3A_212 = arith.constant 11 : i32
      %dma_start3A_213 = arith.constant 1408 : i32
      %dma_start3A_214 = tpu.memref_slice %arg12[%dma_start3A_213] : memref<2048xi32, #tpu.memory_space<vmem>> -> memref<128xi32, #tpu.memory_space<vmem>>
      %dma_start3A_215 = arith.constant 0 : i32
      %dma_start3A_216 = tpu.memref_slice %arg9[%dma_start3A_212, %dma_start3A_215] : memref<16x128xi32, #tpu.memory_space<vmem>> -> memref<1x128xi32, #tpu.memory_space<vmem>>
      %dma_start3A_217 = tpu.memref_squeeze %dma_start3A_216 : memref<1x128xi32, #tpu.memory_space<vmem>> -> memref<128xi32, #tpu.memory_space<vmem>>
      %dma_start3A_218 = arith.constant 0 : i32
      %dma_start3A_219 = tpu.memref_slice %arg5[%dma_start3A_218] : memref<100096xi32, #tpu.memory_space<hbm>> -> memref<100096xi32, #tpu.memory_space<hbm>>
      tpu.enqueue_indirect_dma source(%dma_start3A_219 : memref<100096xi32, #tpu.memory_space<hbm>>) target(%dma_start3A_214 : memref<128xi32, #tpu.memory_space<vmem>>) offsets(%dma_start3A_217 : memref<128xi32, #tpu.memory_space<vmem>>) semaphore(%arg17 : memref<!tpu.dma_semaphore, #tpu.memory_space<semaphore_mem>>)
      %dma_start3A_220 = arith.constant 12 : i32
      %dma_start3A_221 = arith.constant 1536 : i32
      %dma_start3A_222 = tpu.memref_slice %arg11[%dma_start3A_221] : memref<2048xi32, #tpu.memory_space<vmem>> -> memref<128xi32, #tpu.memory_space<vmem>>
      %dma_start3A_223 = arith.constant 0 : i32
      %dma_start3A_224 = tpu.memref_slice %arg8[%dma_start3A_220, %dma_start3A_223] : memref<16x128xi32, #tpu.memory_space<vmem>> -> memref<1x128xi32, #tpu.memory_space<vmem>>
      %dma_start3A_225 = tpu.memref_squeeze %dma_start3A_224 : memref<1x128xi32, #tpu.memory_space<vmem>> -> memref<128xi32, #tpu.memory_space<vmem>>
      %dma_start3A_226 = arith.constant 0 : i32
      %dma_start3A_227 = tpu.memref_slice %arg5[%dma_start3A_226] : memref<100096xi32, #tpu.memory_space<hbm>> -> memref<100096xi32, #tpu.memory_space<hbm>>
      tpu.enqueue_indirect_dma source(%dma_start3A_227 : memref<100096xi32, #tpu.memory_space<hbm>>) target(%dma_start3A_222 : memref<128xi32, #tpu.memory_space<vmem>>) offsets(%dma_start3A_225 : memref<128xi32, #tpu.memory_space<vmem>>) semaphore(%arg17 : memref<!tpu.dma_semaphore, #tpu.memory_space<semaphore_mem>>)
      %dma_start3A_228 = arith.constant 12 : i32
      %dma_start3A_229 = arith.constant 1536 : i32
      %dma_start3A_230 = tpu.memref_slice %arg12[%dma_start3A_229] : memref<2048xi32, #tpu.memory_space<vmem>> -> memref<128xi32, #tpu.memory_space<vmem>>
      %dma_start3A_231 = arith.constant 0 : i32
      %dma_start3A_232 = tpu.memref_slice %arg9[%dma_start3A_228, %dma_start3A_231] : memref<16x128xi32, #tpu.memory_space<vmem>> -> memref<1x128xi32, #tpu.memory_space<vmem>>
      %dma_start3A_233 = tpu.memref_squeeze %dma_start3A_232 : memref<1x128xi32, #tpu.memory_space<vmem>> -> memref<128xi32, #tpu.memory_space<vmem>>
      %dma_start3A_234 = arith.constant 0 : i32
      %dma_start3A_235 = tpu.memref_slice %arg5[%dma_start3A_234] : memref<100096xi32, #tpu.memory_space<hbm>> -> memref<100096xi32, #tpu.memory_space<hbm>>
      tpu.enqueue_indirect_dma source(%dma_start3A_235 : memref<100096xi32, #tpu.memory_space<hbm>>) target(%dma_start3A_230 : memref<128xi32, #tpu.memory_space<vmem>>) offsets(%dma_start3A_233 : memref<128xi32, #tpu.memory_space<vmem>>) semaphore(%arg17 : memref<!tpu.dma_semaphore, #tpu.memory_space<semaphore_mem>>)
      %dma_start3A_236 = arith.constant 13 : i32
      %dma_start3A_237 = arith.constant 1664 : i32
      %dma_start3A_238 = tpu.memref_slice %arg11[%dma_start3A_237] : memref<2048xi32, #tpu.memory_space<vmem>> -> memref<128xi32, #tpu.memory_space<vmem>>
      %dma_start3A_239 = arith.constant 0 : i32
      %dma_start3A_240 = tpu.memref_slice %arg8[%dma_start3A_236, %dma_start3A_239] : memref<16x128xi32, #tpu.memory_space<vmem>> -> memref<1x128xi32, #tpu.memory_space<vmem>>
      %dma_start3A_241 = tpu.memref_squeeze %dma_start3A_240 : memref<1x128xi32, #tpu.memory_space<vmem>> -> memref<128xi32, #tpu.memory_space<vmem>>
      %dma_start3A_242 = arith.constant 0 : i32
      %dma_start3A_243 = tpu.memref_slice %arg5[%dma_start3A_242] : memref<100096xi32, #tpu.memory_space<hbm>> -> memref<100096xi32, #tpu.memory_space<hbm>>
      tpu.enqueue_indirect_dma source(%dma_start3A_243 : memref<100096xi32, #tpu.memory_space<hbm>>) target(%dma_start3A_238 : memref<128xi32, #tpu.memory_space<vmem>>) offsets(%dma_start3A_241 : memref<128xi32, #tpu.memory_space<vmem>>) semaphore(%arg17 : memref<!tpu.dma_semaphore, #tpu.memory_space<semaphore_mem>>)
      %dma_start3A_244 = arith.constant 13 : i32
      %dma_start3A_245 = arith.constant 1664 : i32
      %dma_start3A_246 = tpu.memref_slice %arg12[%dma_start3A_245] : memref<2048xi32, #tpu.memory_space<vmem>> -> memref<128xi32, #tpu.memory_space<vmem>>
      %dma_start3A_247 = arith.constant 0 : i32
      %dma_start3A_248 = tpu.memref_slice %arg9[%dma_start3A_244, %dma_start3A_247] : memref<16x128xi32, #tpu.memory_space<vmem>> -> memref<1x128xi32, #tpu.memory_space<vmem>>
      %dma_start3A_249 = tpu.memref_squeeze %dma_start3A_248 : memref<1x128xi32, #tpu.memory_space<vmem>> -> memref<128xi32, #tpu.memory_space<vmem>>
      %dma_start3A_250 = arith.constant 0 : i32
      %dma_start3A_251 = tpu.memref_slice %arg5[%dma_start3A_250] : memref<100096xi32, #tpu.memory_space<hbm>> -> memref<100096xi32, #tpu.memory_space<hbm>>
      tpu.enqueue_indirect_dma source(%dma_start3A_251 : memref<100096xi32, #tpu.memory_space<hbm>>) target(%dma_start3A_246 : memref<128xi32, #tpu.memory_space<vmem>>) offsets(%dma_start3A_249 : memref<128xi32, #tpu.memory_space<vmem>>) semaphore(%arg17 : memref<!tpu.dma_semaphore, #tpu.memory_space<semaphore_mem>>)
      %dma_start3A_252 = arith.constant 14 : i32
      %dma_start3A_253 = arith.constant 1792 : i32
      %dma_start3A_254 = tpu.memref_slice %arg11[%dma_start3A_253] : memref<2048xi32, #tpu.memory_space<vmem>> -> memref<128xi32, #tpu.memory_space<vmem>>
      %dma_start3A_255 = arith.constant 0 : i32
      %dma_start3A_256 = tpu.memref_slice %arg8[%dma_start3A_252, %dma_start3A_255] : memref<16x128xi32, #tpu.memory_space<vmem>> -> memref<1x128xi32, #tpu.memory_space<vmem>>
      %dma_start3A_257 = tpu.memref_squeeze %dma_start3A_256 : memref<1x128xi32, #tpu.memory_space<vmem>> -> memref<128xi32, #tpu.memory_space<vmem>>
      %dma_start3A_258 = arith.constant 0 : i32
      %dma_start3A_259 = tpu.memref_slice %arg5[%dma_start3A_258] : memref<100096xi32, #tpu.memory_space<hbm>> -> memref<100096xi32, #tpu.memory_space<hbm>>
      tpu.enqueue_indirect_dma source(%dma_start3A_259 : memref<100096xi32, #tpu.memory_space<hbm>>) target(%dma_start3A_254 : memref<128xi32, #tpu.memory_space<vmem>>) offsets(%dma_start3A_257 : memref<128xi32, #tpu.memory_space<vmem>>) semaphore(%arg17 : memref<!tpu.dma_semaphore, #tpu.memory_space<semaphore_mem>>)
      %dma_start3A_260 = arith.constant 14 : i32
      %dma_start3A_261 = arith.constant 1792 : i32
      %dma_start3A_262 = tpu.memref_slice %arg12[%dma_start3A_261] : memref<2048xi32, #tpu.memory_space<vmem>> -> memref<128xi32, #tpu.memory_space<vmem>>
      %dma_start3A_263 = arith.constant 0 : i32
      %dma_start3A_264 = tpu.memref_slice %arg9[%dma_start3A_260, %dma_start3A_263] : memref<16x128xi32, #tpu.memory_space<vmem>> -> memref<1x128xi32, #tpu.memory_space<vmem>>
      %dma_start3A_265 = tpu.memref_squeeze %dma_start3A_264 : memref<1x128xi32, #tpu.memory_space<vmem>> -> memref<128xi32, #tpu.memory_space<vmem>>
      %dma_start3A_266 = arith.constant 0 : i32
      %dma_start3A_267 = tpu.memref_slice %arg5[%dma_start3A_266] : memref<100096xi32, #tpu.memory_space<hbm>> -> memref<100096xi32, #tpu.memory_space<hbm>>
      tpu.enqueue_indirect_dma source(%dma_start3A_267 : memref<100096xi32, #tpu.memory_space<hbm>>) target(%dma_start3A_262 : memref<128xi32, #tpu.memory_space<vmem>>) offsets(%dma_start3A_265 : memref<128xi32, #tpu.memory_space<vmem>>) semaphore(%arg17 : memref<!tpu.dma_semaphore, #tpu.memory_space<semaphore_mem>>)
      %dma_start3A_268 = arith.constant 15 : i32
      %dma_start3A_269 = arith.constant 1920 : i32
      %dma_start3A_270 = tpu.memref_slice %arg11[%dma_start3A_269] : memref<2048xi32, #tpu.memory_space<vmem>> -> memref<128xi32, #tpu.memory_space<vmem>>
      %dma_start3A_271 = arith.constant 0 : i32
      %dma_start3A_272 = tpu.memref_slice %arg8[%dma_start3A_268, %dma_start3A_271] : memref<16x128xi32, #tpu.memory_space<vmem>> -> memref<1x128xi32, #tpu.memory_space<vmem>>
      %dma_start3A_273 = tpu.memref_squeeze %dma_start3A_272 : memref<1x128xi32, #tpu.memory_space<vmem>> -> memref<128xi32, #tpu.memory_space<vmem>>
      %dma_start3A_274 = arith.constant 0 : i32
      %dma_start3A_275 = tpu.memref_slice %arg5[%dma_start3A_274] : memref<100096xi32, #tpu.memory_space<hbm>> -> memref<100096xi32, #tpu.memory_space<hbm>>
      tpu.enqueue_indirect_dma source(%dma_start3A_275 : memref<100096xi32, #tpu.memory_space<hbm>>) target(%dma_start3A_270 : memref<128xi32, #tpu.memory_space<vmem>>) offsets(%dma_start3A_273 : memref<128xi32, #tpu.memory_space<vmem>>) semaphore(%arg17 : memref<!tpu.dma_semaphore, #tpu.memory_space<semaphore_mem>>)
      %dma_start3A_276 = arith.constant 15 : i32
      %dma_start3A_277 = arith.constant 1920 : i32
      %dma_start3A_278 = tpu.memref_slice %arg12[%dma_start3A_277] : memref<2048xi32, #tpu.memory_space<vmem>> -> memref<128xi32, #tpu.memory_space<vmem>>
      %dma_start3A_279 = arith.constant 0 : i32
      %dma_start3A_280 = tpu.memref_slice %arg9[%dma_start3A_276, %dma_start3A_279] : memref<16x128xi32, #tpu.memory_space<vmem>> -> memref<1x128xi32, #tpu.memory_space<vmem>>
      %dma_start3A_281 = tpu.memref_squeeze %dma_start3A_280 : memref<1x128xi32, #tpu.memory_space<vmem>> -> memref<128xi32, #tpu.memory_space<vmem>>
      %dma_start3A_282 = arith.constant 0 : i32
      %dma_start3A_283 = tpu.memref_slice %arg5[%dma_start3A_282] : memref<100096xi32, #tpu.memory_space<hbm>> -> memref<100096xi32, #tpu.memory_space<hbm>>
      tpu.enqueue_indirect_dma source(%dma_start3A_283 : memref<100096xi32, #tpu.memory_space<hbm>>) target(%dma_start3A_278 : memref<128xi32, #tpu.memory_space<vmem>>) offsets(%dma_start3A_281 : memref<128xi32, #tpu.memory_space<vmem>>) semaphore(%arg17 : memref<!tpu.dma_semaphore, #tpu.memory_space<semaphore_mem>>)
      %dma_wait3A = arith.constant 0 : i32
      %dma_wait3A_284 = arith.constant 0 : i32
      %dma_wait3A_285 = tpu.memref_slice %arg11[%dma_wait3A_284] : memref<2048xi32, #tpu.memory_space<vmem>> -> memref<128xi32, #tpu.memory_space<vmem>>
      %dma_wait3A_286 = arith.constant 0 : i32
      %dma_wait3A_287 = tpu.memref_slice %arg8[%dma_wait3A, %dma_wait3A_286] : memref<16x128xi32, #tpu.memory_space<vmem>> -> memref<1x128xi32, #tpu.memory_space<vmem>>
      %dma_wait3A_288 = tpu.memref_squeeze %dma_wait3A_287 : memref<1x128xi32, #tpu.memory_space<vmem>> -> memref<128xi32, #tpu.memory_space<vmem>>
      %dma_wait3A_289 = arith.constant 0 : i32
      %dma_wait3A_290 = tpu.memref_slice %arg5[%dma_wait3A_289] : memref<100096xi32, #tpu.memory_space<hbm>> -> memref<100096xi32, #tpu.memory_space<hbm>>
      tpu.wait_indirect_dma semaphore(%arg17 : memref<!tpu.dma_semaphore, #tpu.memory_space<semaphore_mem>>) src(%dma_wait3A_290 : memref<100096xi32, #tpu.memory_space<hbm>>) dst(%dma_wait3A_285 : memref<128xi32, #tpu.memory_space<vmem>>)
      %dma_wait3A_291 = arith.constant 0 : i32
      %dma_wait3A_292 = arith.constant 0 : i32
      %dma_wait3A_293 = tpu.memref_slice %arg12[%dma_wait3A_292] : memref<2048xi32, #tpu.memory_space<vmem>> -> memref<128xi32, #tpu.memory_space<vmem>>
      %dma_wait3A_294 = arith.constant 0 : i32
      %dma_wait3A_295 = tpu.memref_slice %arg9[%dma_wait3A_291, %dma_wait3A_294] : memref<16x128xi32, #tpu.memory_space<vmem>> -> memref<1x128xi32, #tpu.memory_space<vmem>>
      %dma_wait3A_296 = tpu.memref_squeeze %dma_wait3A_295 : memref<1x128xi32, #tpu.memory_space<vmem>> -> memref<128xi32, #tpu.memory_space<vmem>>
      %dma_wait3A_297 = arith.constant 0 : i32
      %dma_wait3A_298 = tpu.memref_slice %arg5[%dma_wait3A_297] : memref<100096xi32, #tpu.memory_space<hbm>> -> memref<100096xi32, #tpu.memory_space<hbm>>
      tpu.wait_indirect_dma semaphore(%arg17 : memref<!tpu.dma_semaphore, #tpu.memory_space<semaphore_mem>>) src(%dma_wait3A_298 : memref<100096xi32, #tpu.memory_space<hbm>>) dst(%dma_wait3A_293 : memref<128xi32, #tpu.memory_space<vmem>>)
      %dma_wait3A_299 = arith.constant 1 : i32
      %dma_wait3A_300 = arith.constant 128 : i32
      %dma_wait3A_301 = tpu.memref_slice %arg11[%dma_wait3A_300] : memref<2048xi32, #tpu.memory_space<vmem>> -> memref<128xi32, #tpu.memory_space<vmem>>
      %dma_wait3A_302 = arith.constant 0 : i32
      %dma_wait3A_303 = tpu.memref_slice %arg8[%dma_wait3A_299, %dma_wait3A_302] : memref<16x128xi32, #tpu.memory_space<vmem>> -> memref<1x128xi32, #tpu.memory_space<vmem>>
      %dma_wait3A_304 = tpu.memref_squeeze %dma_wait3A_303 : memref<1x128xi32, #tpu.memory_space<vmem>> -> memref<128xi32, #tpu.memory_space<vmem>>
      %dma_wait3A_305 = arith.constant 0 : i32
      %dma_wait3A_306 = tpu.memref_slice %arg5[%dma_wait3A_305] : memref<100096xi32, #tpu.memory_space<hbm>> -> memref<100096xi32, #tpu.memory_space<hbm>>
      tpu.wait_indirect_dma semaphore(%arg17 : memref<!tpu.dma_semaphore, #tpu.memory_space<semaphore_mem>>) src(%dma_wait3A_306 : memref<100096xi32, #tpu.memory_space<hbm>>) dst(%dma_wait3A_301 : memref<128xi32, #tpu.memory_space<vmem>>)
      %dma_wait3A_307 = arith.constant 1 : i32
      %dma_wait3A_308 = arith.constant 128 : i32
      %dma_wait3A_309 = tpu.memref_slice %arg12[%dma_wait3A_308] : memref<2048xi32, #tpu.memory_space<vmem>> -> memref<128xi32, #tpu.memory_space<vmem>>
      %dma_wait3A_310 = arith.constant 0 : i32
      %dma_wait3A_311 = tpu.memref_slice %arg9[%dma_wait3A_307, %dma_wait3A_310] : memref<16x128xi32, #tpu.memory_space<vmem>> -> memref<1x128xi32, #tpu.memory_space<vmem>>
      %dma_wait3A_312 = tpu.memref_squeeze %dma_wait3A_311 : memref<1x128xi32, #tpu.memory_space<vmem>> -> memref<128xi32, #tpu.memory_space<vmem>>
      %dma_wait3A_313 = arith.constant 0 : i32
      %dma_wait3A_314 = tpu.memref_slice %arg5[%dma_wait3A_313] : memref<100096xi32, #tpu.memory_space<hbm>> -> memref<100096xi32, #tpu.memory_space<hbm>>
      tpu.wait_indirect_dma semaphore(%arg17 : memref<!tpu.dma_semaphore, #tpu.memory_space<semaphore_mem>>) src(%dma_wait3A_314 : memref<100096xi32, #tpu.memory_space<hbm>>) dst(%dma_wait3A_309 : memref<128xi32, #tpu.memory_space<vmem>>)
      %dma_wait3A_315 = arith.constant 2 : i32
      %dma_wait3A_316 = arith.constant 256 : i32
      %dma_wait3A_317 = tpu.memref_slice %arg11[%dma_wait3A_316] : memref<2048xi32, #tpu.memory_space<vmem>> -> memref<128xi32, #tpu.memory_space<vmem>>
      %dma_wait3A_318 = arith.constant 0 : i32
      %dma_wait3A_319 = tpu.memref_slice %arg8[%dma_wait3A_315, %dma_wait3A_318] : memref<16x128xi32, #tpu.memory_space<vmem>> -> memref<1x128xi32, #tpu.memory_space<vmem>>
      %dma_wait3A_320 = tpu.memref_squeeze %dma_wait3A_319 : memref<1x128xi32, #tpu.memory_space<vmem>> -> memref<128xi32, #tpu.memory_space<vmem>>
      %dma_wait3A_321 = arith.constant 0 : i32
      %dma_wait3A_322 = tpu.memref_slice %arg5[%dma_wait3A_321] : memref<100096xi32, #tpu.memory_space<hbm>> -> memref<100096xi32, #tpu.memory_space<hbm>>
      tpu.wait_indirect_dma semaphore(%arg17 : memref<!tpu.dma_semaphore, #tpu.memory_space<semaphore_mem>>) src(%dma_wait3A_322 : memref<100096xi32, #tpu.memory_space<hbm>>) dst(%dma_wait3A_317 : memref<128xi32, #tpu.memory_space<vmem>>)
      %dma_wait3A_323 = arith.constant 2 : i32
      %dma_wait3A_324 = arith.constant 256 : i32
      %dma_wait3A_325 = tpu.memref_slice %arg12[%dma_wait3A_324] : memref<2048xi32, #tpu.memory_space<vmem>> -> memref<128xi32, #tpu.memory_space<vmem>>
      %dma_wait3A_326 = arith.constant 0 : i32
      %dma_wait3A_327 = tpu.memref_slice %arg9[%dma_wait3A_323, %dma_wait3A_326] : memref<16x128xi32, #tpu.memory_space<vmem>> -> memref<1x128xi32, #tpu.memory_space<vmem>>
      %dma_wait3A_328 = tpu.memref_squeeze %dma_wait3A_327 : memref<1x128xi32, #tpu.memory_space<vmem>> -> memref<128xi32, #tpu.memory_space<vmem>>
      %dma_wait3A_329 = arith.constant 0 : i32
      %dma_wait3A_330 = tpu.memref_slice %arg5[%dma_wait3A_329] : memref<100096xi32, #tpu.memory_space<hbm>> -> memref<100096xi32, #tpu.memory_space<hbm>>
      tpu.wait_indirect_dma semaphore(%arg17 : memref<!tpu.dma_semaphore, #tpu.memory_space<semaphore_mem>>) src(%dma_wait3A_330 : memref<100096xi32, #tpu.memory_space<hbm>>) dst(%dma_wait3A_325 : memref<128xi32, #tpu.memory_space<vmem>>)
      %dma_wait3A_331 = arith.constant 3 : i32
      %dma_wait3A_332 = arith.constant 384 : i32
      %dma_wait3A_333 = tpu.memref_slice %arg11[%dma_wait3A_332] : memref<2048xi32, #tpu.memory_space<vmem>> -> memref<128xi32, #tpu.memory_space<vmem>>
      %dma_wait3A_334 = arith.constant 0 : i32
      %dma_wait3A_335 = tpu.memref_slice %arg8[%dma_wait3A_331, %dma_wait3A_334] : memref<16x128xi32, #tpu.memory_space<vmem>> -> memref<1x128xi32, #tpu.memory_space<vmem>>
      %dma_wait3A_336 = tpu.memref_squeeze %dma_wait3A_335 : memref<1x128xi32, #tpu.memory_space<vmem>> -> memref<128xi32, #tpu.memory_space<vmem>>
      %dma_wait3A_337 = arith.constant 0 : i32
      %dma_wait3A_338 = tpu.memref_slice %arg5[%dma_wait3A_337] : memref<100096xi32, #tpu.memory_space<hbm>> -> memref<100096xi32, #tpu.memory_space<hbm>>
      tpu.wait_indirect_dma semaphore(%arg17 : memref<!tpu.dma_semaphore, #tpu.memory_space<semaphore_mem>>) src(%dma_wait3A_338 : memref<100096xi32, #tpu.memory_space<hbm>>) dst(%dma_wait3A_333 : memref<128xi32, #tpu.memory_space<vmem>>)
      %dma_wait3A_339 = arith.constant 3 : i32
      %dma_wait3A_340 = arith.constant 384 : i32
      %dma_wait3A_341 = tpu.memref_slice %arg12[%dma_wait3A_340] : memref<2048xi32, #tpu.memory_space<vmem>> -> memref<128xi32, #tpu.memory_space<vmem>>
      %dma_wait3A_342 = arith.constant 0 : i32
      %dma_wait3A_343 = tpu.memref_slice %arg9[%dma_wait3A_339, %dma_wait3A_342] : memref<16x128xi32, #tpu.memory_space<vmem>> -> memref<1x128xi32, #tpu.memory_space<vmem>>
      %dma_wait3A_344 = tpu.memref_squeeze %dma_wait3A_343 : memref<1x128xi32, #tpu.memory_space<vmem>> -> memref<128xi32, #tpu.memory_space<vmem>>
      %dma_wait3A_345 = arith.constant 0 : i32
      %dma_wait3A_346 = tpu.memref_slice %arg5[%dma_wait3A_345] : memref<100096xi32, #tpu.memory_space<hbm>> -> memref<100096xi32, #tpu.memory_space<hbm>>
      tpu.wait_indirect_dma semaphore(%arg17 : memref<!tpu.dma_semaphore, #tpu.memory_space<semaphore_mem>>) src(%dma_wait3A_346 : memref<100096xi32, #tpu.memory_space<hbm>>) dst(%dma_wait3A_341 : memref<128xi32, #tpu.memory_space<vmem>>)
      %dma_wait3A_347 = arith.constant 4 : i32
      %dma_wait3A_348 = arith.constant 512 : i32
      %dma_wait3A_349 = tpu.memref_slice %arg11[%dma_wait3A_348] : memref<2048xi32, #tpu.memory_space<vmem>> -> memref<128xi32, #tpu.memory_space<vmem>>
      %dma_wait3A_350 = arith.constant 0 : i32
      %dma_wait3A_351 = tpu.memref_slice %arg8[%dma_wait3A_347, %dma_wait3A_350] : memref<16x128xi32, #tpu.memory_space<vmem>> -> memref<1x128xi32, #tpu.memory_space<vmem>>
      %dma_wait3A_352 = tpu.memref_squeeze %dma_wait3A_351 : memref<1x128xi32, #tpu.memory_space<vmem>> -> memref<128xi32, #tpu.memory_space<vmem>>
      %dma_wait3A_353 = arith.constant 0 : i32
      %dma_wait3A_354 = tpu.memref_slice %arg5[%dma_wait3A_353] : memref<100096xi32, #tpu.memory_space<hbm>> -> memref<100096xi32, #tpu.memory_space<hbm>>
      tpu.wait_indirect_dma semaphore(%arg17 : memref<!tpu.dma_semaphore, #tpu.memory_space<semaphore_mem>>) src(%dma_wait3A_354 : memref<100096xi32, #tpu.memory_space<hbm>>) dst(%dma_wait3A_349 : memref<128xi32, #tpu.memory_space<vmem>>)
      %dma_wait3A_355 = arith.constant 4 : i32
      %dma_wait3A_356 = arith.constant 512 : i32
      %dma_wait3A_357 = tpu.memref_slice %arg12[%dma_wait3A_356] : memref<2048xi32, #tpu.memory_space<vmem>> -> memref<128xi32, #tpu.memory_space<vmem>>
      %dma_wait3A_358 = arith.constant 0 : i32
      %dma_wait3A_359 = tpu.memref_slice %arg9[%dma_wait3A_355, %dma_wait3A_358] : memref<16x128xi32, #tpu.memory_space<vmem>> -> memref<1x128xi32, #tpu.memory_space<vmem>>
      %dma_wait3A_360 = tpu.memref_squeeze %dma_wait3A_359 : memref<1x128xi32, #tpu.memory_space<vmem>> -> memref<128xi32, #tpu.memory_space<vmem>>
      %dma_wait3A_361 = arith.constant 0 : i32
      %dma_wait3A_362 = tpu.memref_slice %arg5[%dma_wait3A_361] : memref<100096xi32, #tpu.memory_space<hbm>> -> memref<100096xi32, #tpu.memory_space<hbm>>
      tpu.wait_indirect_dma semaphore(%arg17 : memref<!tpu.dma_semaphore, #tpu.memory_space<semaphore_mem>>) src(%dma_wait3A_362 : memref<100096xi32, #tpu.memory_space<hbm>>) dst(%dma_wait3A_357 : memref<128xi32, #tpu.memory_space<vmem>>)
      %dma_wait3A_363 = arith.constant 5 : i32
      %dma_wait3A_364 = arith.constant 640 : i32
      %dma_wait3A_365 = tpu.memref_slice %arg11[%dma_wait3A_364] : memref<2048xi32, #tpu.memory_space<vmem>> -> memref<128xi32, #tpu.memory_space<vmem>>
      %dma_wait3A_366 = arith.constant 0 : i32
      %dma_wait3A_367 = tpu.memref_slice %arg8[%dma_wait3A_363, %dma_wait3A_366] : memref<16x128xi32, #tpu.memory_space<vmem>> -> memref<1x128xi32, #tpu.memory_space<vmem>>
      %dma_wait3A_368 = tpu.memref_squeeze %dma_wait3A_367 : memref<1x128xi32, #tpu.memory_space<vmem>> -> memref<128xi32, #tpu.memory_space<vmem>>
      %dma_wait3A_369 = arith.constant 0 : i32
      %dma_wait3A_370 = tpu.memref_slice %arg5[%dma_wait3A_369] : memref<100096xi32, #tpu.memory_space<hbm>> -> memref<100096xi32, #tpu.memory_space<hbm>>
      tpu.wait_indirect_dma semaphore(%arg17 : memref<!tpu.dma_semaphore, #tpu.memory_space<semaphore_mem>>) src(%dma_wait3A_370 : memref<100096xi32, #tpu.memory_space<hbm>>) dst(%dma_wait3A_365 : memref<128xi32, #tpu.memory_space<vmem>>)
      %dma_wait3A_371 = arith.constant 5 : i32
      %dma_wait3A_372 = arith.constant 640 : i32
      %dma_wait3A_373 = tpu.memref_slice %arg12[%dma_wait3A_372] : memref<2048xi32, #tpu.memory_space<vmem>> -> memref<128xi32, #tpu.memory_space<vmem>>
      %dma_wait3A_374 = arith.constant 0 : i32
      %dma_wait3A_375 = tpu.memref_slice %arg9[%dma_wait3A_371, %dma_wait3A_374] : memref<16x128xi32, #tpu.memory_space<vmem>> -> memref<1x128xi32, #tpu.memory_space<vmem>>
      %dma_wait3A_376 = tpu.memref_squeeze %dma_wait3A_375 : memref<1x128xi32, #tpu.memory_space<vmem>> -> memref<128xi32, #tpu.memory_space<vmem>>
      %dma_wait3A_377 = arith.constant 0 : i32
      %dma_wait3A_378 = tpu.memref_slice %arg5[%dma_wait3A_377] : memref<100096xi32, #tpu.memory_space<hbm>> -> memref<100096xi32, #tpu.memory_space<hbm>>
      tpu.wait_indirect_dma semaphore(%arg17 : memref<!tpu.dma_semaphore, #tpu.memory_space<semaphore_mem>>) src(%dma_wait3A_378 : memref<100096xi32, #tpu.memory_space<hbm>>) dst(%dma_wait3A_373 : memref<128xi32, #tpu.memory_space<vmem>>)
      %dma_wait3A_379 = arith.constant 6 : i32
      %dma_wait3A_380 = arith.constant 768 : i32
      %dma_wait3A_381 = tpu.memref_slice %arg11[%dma_wait3A_380] : memref<2048xi32, #tpu.memory_space<vmem>> -> memref<128xi32, #tpu.memory_space<vmem>>
      %dma_wait3A_382 = arith.constant 0 : i32
      %dma_wait3A_383 = tpu.memref_slice %arg8[%dma_wait3A_379, %dma_wait3A_382] : memref<16x128xi32, #tpu.memory_space<vmem>> -> memref<1x128xi32, #tpu.memory_space<vmem>>
      %dma_wait3A_384 = tpu.memref_squeeze %dma_wait3A_383 : memref<1x128xi32, #tpu.memory_space<vmem>> -> memref<128xi32, #tpu.memory_space<vmem>>
      %dma_wait3A_385 = arith.constant 0 : i32
      %dma_wait3A_386 = tpu.memref_slice %arg5[%dma_wait3A_385] : memref<100096xi32, #tpu.memory_space<hbm>> -> memref<100096xi32, #tpu.memory_space<hbm>>
      tpu.wait_indirect_dma semaphore(%arg17 : memref<!tpu.dma_semaphore, #tpu.memory_space<semaphore_mem>>) src(%dma_wait3A_386 : memref<100096xi32, #tpu.memory_space<hbm>>) dst(%dma_wait3A_381 : memref<128xi32, #tpu.memory_space<vmem>>)
      %dma_wait3A_387 = arith.constant 6 : i32
      %dma_wait3A_388 = arith.constant 768 : i32
      %dma_wait3A_389 = tpu.memref_slice %arg12[%dma_wait3A_388] : memref<2048xi32, #tpu.memory_space<vmem>> -> memref<128xi32, #tpu.memory_space<vmem>>
      %dma_wait3A_390 = arith.constant 0 : i32
      %dma_wait3A_391 = tpu.memref_slice %arg9[%dma_wait3A_387, %dma_wait3A_390] : memref<16x128xi32, #tpu.memory_space<vmem>> -> memref<1x128xi32, #tpu.memory_space<vmem>>
      %dma_wait3A_392 = tpu.memref_squeeze %dma_wait3A_391 : memref<1x128xi32, #tpu.memory_space<vmem>> -> memref<128xi32, #tpu.memory_space<vmem>>
      %dma_wait3A_393 = arith.constant 0 : i32
      %dma_wait3A_394 = tpu.memref_slice %arg5[%dma_wait3A_393] : memref<100096xi32, #tpu.memory_space<hbm>> -> memref<100096xi32, #tpu.memory_space<hbm>>
      tpu.wait_indirect_dma semaphore(%arg17 : memref<!tpu.dma_semaphore, #tpu.memory_space<semaphore_mem>>) src(%dma_wait3A_394 : memref<100096xi32, #tpu.memory_space<hbm>>) dst(%dma_wait3A_389 : memref<128xi32, #tpu.memory_space<vmem>>)
      %dma_wait3A_395 = arith.constant 7 : i32
      %dma_wait3A_396 = arith.constant 896 : i32
      %dma_wait3A_397 = tpu.memref_slice %arg11[%dma_wait3A_396] : memref<2048xi32, #tpu.memory_space<vmem>> -> memref<128xi32, #tpu.memory_space<vmem>>
      %dma_wait3A_398 = arith.constant 0 : i32
      %dma_wait3A_399 = tpu.memref_slice %arg8[%dma_wait3A_395, %dma_wait3A_398] : memref<16x128xi32, #tpu.memory_space<vmem>> -> memref<1x128xi32, #tpu.memory_space<vmem>>
      %dma_wait3A_400 = tpu.memref_squeeze %dma_wait3A_399 : memref<1x128xi32, #tpu.memory_space<vmem>> -> memref<128xi32, #tpu.memory_space<vmem>>
      %dma_wait3A_401 = arith.constant 0 : i32
      %dma_wait3A_402 = tpu.memref_slice %arg5[%dma_wait3A_401] : memref<100096xi32, #tpu.memory_space<hbm>> -> memref<100096xi32, #tpu.memory_space<hbm>>
      tpu.wait_indirect_dma semaphore(%arg17 : memref<!tpu.dma_semaphore, #tpu.memory_space<semaphore_mem>>) src(%dma_wait3A_402 : memref<100096xi32, #tpu.memory_space<hbm>>) dst(%dma_wait3A_397 : memref<128xi32, #tpu.memory_space<vmem>>)
      %dma_wait3A_403 = arith.constant 7 : i32
      %dma_wait3A_404 = arith.constant 896 : i32
      %dma_wait3A_405 = tpu.memref_slice %arg12[%dma_wait3A_404] : memref<2048xi32, #tpu.memory_space<vmem>> -> memref<128xi32, #tpu.memory_space<vmem>>
      %dma_wait3A_406 = arith.constant 0 : i32
      %dma_wait3A_407 = tpu.memref_slice %arg9[%dma_wait3A_403, %dma_wait3A_406] : memref<16x128xi32, #tpu.memory_space<vmem>> -> memref<1x128xi32, #tpu.memory_space<vmem>>
      %dma_wait3A_408 = tpu.memref_squeeze %dma_wait3A_407 : memref<1x128xi32, #tpu.memory_space<vmem>> -> memref<128xi32, #tpu.memory_space<vmem>>
      %dma_wait3A_409 = arith.constant 0 : i32
      %dma_wait3A_410 = tpu.memref_slice %arg5[%dma_wait3A_409] : memref<100096xi32, #tpu.memory_space<hbm>> -> memref<100096xi32, #tpu.memory_space<hbm>>
      tpu.wait_indirect_dma semaphore(%arg17 : memref<!tpu.dma_semaphore, #tpu.memory_space<semaphore_mem>>) src(%dma_wait3A_410 : memref<100096xi32, #tpu.memory_space<hbm>>) dst(%dma_wait3A_405 : memref<128xi32, #tpu.memory_space<vmem>>)
      %dma_wait3A_411 = arith.constant 8 : i32
      %dma_wait3A_412 = arith.constant 1024 : i32
      %dma_wait3A_413 = tpu.memref_slice %arg11[%dma_wait3A_412] : memref<2048xi32, #tpu.memory_space<vmem>> -> memref<128xi32, #tpu.memory_space<vmem>>
      %dma_wait3A_414 = arith.constant 0 : i32
      %dma_wait3A_415 = tpu.memref_slice %arg8[%dma_wait3A_411, %dma_wait3A_414] : memref<16x128xi32, #tpu.memory_space<vmem>> -> memref<1x128xi32, #tpu.memory_space<vmem>>
      %dma_wait3A_416 = tpu.memref_squeeze %dma_wait3A_415 : memref<1x128xi32, #tpu.memory_space<vmem>> -> memref<128xi32, #tpu.memory_space<vmem>>
      %dma_wait3A_417 = arith.constant 0 : i32
      %dma_wait3A_418 = tpu.memref_slice %arg5[%dma_wait3A_417] : memref<100096xi32, #tpu.memory_space<hbm>> -> memref<100096xi32, #tpu.memory_space<hbm>>
      tpu.wait_indirect_dma semaphore(%arg17 : memref<!tpu.dma_semaphore, #tpu.memory_space<semaphore_mem>>) src(%dma_wait3A_418 : memref<100096xi32, #tpu.memory_space<hbm>>) dst(%dma_wait3A_413 : memref<128xi32, #tpu.memory_space<vmem>>)
      %dma_wait3A_419 = arith.constant 8 : i32
      %dma_wait3A_420 = arith.constant 1024 : i32
      %dma_wait3A_421 = tpu.memref_slice %arg12[%dma_wait3A_420] : memref<2048xi32, #tpu.memory_space<vmem>> -> memref<128xi32, #tpu.memory_space<vmem>>
      %dma_wait3A_422 = arith.constant 0 : i32
      %dma_wait3A_423 = tpu.memref_slice %arg9[%dma_wait3A_419, %dma_wait3A_422] : memref<16x128xi32, #tpu.memory_space<vmem>> -> memref<1x128xi32, #tpu.memory_space<vmem>>
      %dma_wait3A_424 = tpu.memref_squeeze %dma_wait3A_423 : memref<1x128xi32, #tpu.memory_space<vmem>> -> memref<128xi32, #tpu.memory_space<vmem>>
      %dma_wait3A_425 = arith.constant 0 : i32
      %dma_wait3A_426 = tpu.memref_slice %arg5[%dma_wait3A_425] : memref<100096xi32, #tpu.memory_space<hbm>> -> memref<100096xi32, #tpu.memory_space<hbm>>
      tpu.wait_indirect_dma semaphore(%arg17 : memref<!tpu.dma_semaphore, #tpu.memory_space<semaphore_mem>>) src(%dma_wait3A_426 : memref<100096xi32, #tpu.memory_space<hbm>>) dst(%dma_wait3A_421 : memref<128xi32, #tpu.memory_space<vmem>>)
      %dma_wait3A_427 = arith.constant 9 : i32
      %dma_wait3A_428 = arith.constant 1152 : i32
      %dma_wait3A_429 = tpu.memref_slice %arg11[%dma_wait3A_428] : memref<2048xi32, #tpu.memory_space<vmem>> -> memref<128xi32, #tpu.memory_space<vmem>>
      %dma_wait3A_430 = arith.constant 0 : i32
      %dma_wait3A_431 = tpu.memref_slice %arg8[%dma_wait3A_427, %dma_wait3A_430] : memref<16x128xi32, #tpu.memory_space<vmem>> -> memref<1x128xi32, #tpu.memory_space<vmem>>
      %dma_wait3A_432 = tpu.memref_squeeze %dma_wait3A_431 : memref<1x128xi32, #tpu.memory_space<vmem>> -> memref<128xi32, #tpu.memory_space<vmem>>
      %dma_wait3A_433 = arith.constant 0 : i32
      %dma_wait3A_434 = tpu.memref_slice %arg5[%dma_wait3A_433] : memref<100096xi32, #tpu.memory_space<hbm>> -> memref<100096xi32, #tpu.memory_space<hbm>>
      tpu.wait_indirect_dma semaphore(%arg17 : memref<!tpu.dma_semaphore, #tpu.memory_space<semaphore_mem>>) src(%dma_wait3A_434 : memref<100096xi32, #tpu.memory_space<hbm>>) dst(%dma_wait3A_429 : memref<128xi32, #tpu.memory_space<vmem>>)
      %dma_wait3A_435 = arith.constant 9 : i32
      %dma_wait3A_436 = arith.constant 1152 : i32
      %dma_wait3A_437 = tpu.memref_slice %arg12[%dma_wait3A_436] : memref<2048xi32, #tpu.memory_space<vmem>> -> memref<128xi32, #tpu.memory_space<vmem>>
      %dma_wait3A_438 = arith.constant 0 : i32
      %dma_wait3A_439 = tpu.memref_slice %arg9[%dma_wait3A_435, %dma_wait3A_438] : memref<16x128xi32, #tpu.memory_space<vmem>> -> memref<1x128xi32, #tpu.memory_space<vmem>>
      %dma_wait3A_440 = tpu.memref_squeeze %dma_wait3A_439 : memref<1x128xi32, #tpu.memory_space<vmem>> -> memref<128xi32, #tpu.memory_space<vmem>>
      %dma_wait3A_441 = arith.constant 0 : i32
      %dma_wait3A_442 = tpu.memref_slice %arg5[%dma_wait3A_441] : memref<100096xi32, #tpu.memory_space<hbm>> -> memref<100096xi32, #tpu.memory_space<hbm>>
      tpu.wait_indirect_dma semaphore(%arg17 : memref<!tpu.dma_semaphore, #tpu.memory_space<semaphore_mem>>) src(%dma_wait3A_442 : memref<100096xi32, #tpu.memory_space<hbm>>) dst(%dma_wait3A_437 : memref<128xi32, #tpu.memory_space<vmem>>)
      %dma_wait3A_443 = arith.constant 10 : i32
      %dma_wait3A_444 = arith.constant 1280 : i32
      %dma_wait3A_445 = tpu.memref_slice %arg11[%dma_wait3A_444] : memref<2048xi32, #tpu.memory_space<vmem>> -> memref<128xi32, #tpu.memory_space<vmem>>
      %dma_wait3A_446 = arith.constant 0 : i32
      %dma_wait3A_447 = tpu.memref_slice %arg8[%dma_wait3A_443, %dma_wait3A_446] : memref<16x128xi32, #tpu.memory_space<vmem>> -> memref<1x128xi32, #tpu.memory_space<vmem>>
      %dma_wait3A_448 = tpu.memref_squeeze %dma_wait3A_447 : memref<1x128xi32, #tpu.memory_space<vmem>> -> memref<128xi32, #tpu.memory_space<vmem>>
      %dma_wait3A_449 = arith.constant 0 : i32
      %dma_wait3A_450 = tpu.memref_slice %arg5[%dma_wait3A_449] : memref<100096xi32, #tpu.memory_space<hbm>> -> memref<100096xi32, #tpu.memory_space<hbm>>
      tpu.wait_indirect_dma semaphore(%arg17 : memref<!tpu.dma_semaphore, #tpu.memory_space<semaphore_mem>>) src(%dma_wait3A_450 : memref<100096xi32, #tpu.memory_space<hbm>>) dst(%dma_wait3A_445 : memref<128xi32, #tpu.memory_space<vmem>>)
      %dma_wait3A_451 = arith.constant 10 : i32
      %dma_wait3A_452 = arith.constant 1280 : i32
      %dma_wait3A_453 = tpu.memref_slice %arg12[%dma_wait3A_452] : memref<2048xi32, #tpu.memory_space<vmem>> -> memref<128xi32, #tpu.memory_space<vmem>>
      %dma_wait3A_454 = arith.constant 0 : i32
      %dma_wait3A_455 = tpu.memref_slice %arg9[%dma_wait3A_451, %dma_wait3A_454] : memref<16x128xi32, #tpu.memory_space<vmem>> -> memref<1x128xi32, #tpu.memory_space<vmem>>
      %dma_wait3A_456 = tpu.memref_squeeze %dma_wait3A_455 : memref<1x128xi32, #tpu.memory_space<vmem>> -> memref<128xi32, #tpu.memory_space<vmem>>
      %dma_wait3A_457 = arith.constant 0 : i32
      %dma_wait3A_458 = tpu.memref_slice %arg5[%dma_wait3A_457] : memref<100096xi32, #tpu.memory_space<hbm>> -> memref<100096xi32, #tpu.memory_space<hbm>>
      tpu.wait_indirect_dma semaphore(%arg17 : memref<!tpu.dma_semaphore, #tpu.memory_space<semaphore_mem>>) src(%dma_wait3A_458 : memref<100096xi32, #tpu.memory_space<hbm>>) dst(%dma_wait3A_453 : memref<128xi32, #tpu.memory_space<vmem>>)
      %dma_wait3A_459 = arith.constant 11 : i32
      %dma_wait3A_460 = arith.constant 1408 : i32
      %dma_wait3A_461 = tpu.memref_slice %arg11[%dma_wait3A_460] : memref<2048xi32, #tpu.memory_space<vmem>> -> memref<128xi32, #tpu.memory_space<vmem>>
      %dma_wait3A_462 = arith.constant 0 : i32
      %dma_wait3A_463 = tpu.memref_slice %arg8[%dma_wait3A_459, %dma_wait3A_462] : memref<16x128xi32, #tpu.memory_space<vmem>> -> memref<1x128xi32, #tpu.memory_space<vmem>>
      %dma_wait3A_464 = tpu.memref_squeeze %dma_wait3A_463 : memref<1x128xi32, #tpu.memory_space<vmem>> -> memref<128xi32, #tpu.memory_space<vmem>>
      %dma_wait3A_465 = arith.constant 0 : i32
      %dma_wait3A_466 = tpu.memref_slice %arg5[%dma_wait3A_465] : memref<100096xi32, #tpu.memory_space<hbm>> -> memref<100096xi32, #tpu.memory_space<hbm>>
      tpu.wait_indirect_dma semaphore(%arg17 : memref<!tpu.dma_semaphore, #tpu.memory_space<semaphore_mem>>) src(%dma_wait3A_466 : memref<100096xi32, #tpu.memory_space<hbm>>) dst(%dma_wait3A_461 : memref<128xi32, #tpu.memory_space<vmem>>)
      %dma_wait3A_467 = arith.constant 11 : i32
      %dma_wait3A_468 = arith.constant 1408 : i32
      %dma_wait3A_469 = tpu.memref_slice %arg12[%dma_wait3A_468] : memref<2048xi32, #tpu.memory_space<vmem>> -> memref<128xi32, #tpu.memory_space<vmem>>
      %dma_wait3A_470 = arith.constant 0 : i32
      %dma_wait3A_471 = tpu.memref_slice %arg9[%dma_wait3A_467, %dma_wait3A_470] : memref<16x128xi32, #tpu.memory_space<vmem>> -> memref<1x128xi32, #tpu.memory_space<vmem>>
      %dma_wait3A_472 = tpu.memref_squeeze %dma_wait3A_471 : memref<1x128xi32, #tpu.memory_space<vmem>> -> memref<128xi32, #tpu.memory_space<vmem>>
      %dma_wait3A_473 = arith.constant 0 : i32
      %dma_wait3A_474 = tpu.memref_slice %arg5[%dma_wait3A_473] : memref<100096xi32, #tpu.memory_space<hbm>> -> memref<100096xi32, #tpu.memory_space<hbm>>
      tpu.wait_indirect_dma semaphore(%arg17 : memref<!tpu.dma_semaphore, #tpu.memory_space<semaphore_mem>>) src(%dma_wait3A_474 : memref<100096xi32, #tpu.memory_space<hbm>>) dst(%dma_wait3A_469 : memref<128xi32, #tpu.memory_space<vmem>>)
      %dma_wait3A_475 = arith.constant 12 : i32
      %dma_wait3A_476 = arith.constant 1536 : i32
      %dma_wait3A_477 = tpu.memref_slice %arg11[%dma_wait3A_476] : memref<2048xi32, #tpu.memory_space<vmem>> -> memref<128xi32, #tpu.memory_space<vmem>>
      %dma_wait3A_478 = arith.constant 0 : i32
      %dma_wait3A_479 = tpu.memref_slice %arg8[%dma_wait3A_475, %dma_wait3A_478] : memref<16x128xi32, #tpu.memory_space<vmem>> -> memref<1x128xi32, #tpu.memory_space<vmem>>
      %dma_wait3A_480 = tpu.memref_squeeze %dma_wait3A_479 : memref<1x128xi32, #tpu.memory_space<vmem>> -> memref<128xi32, #tpu.memory_space<vmem>>
      %dma_wait3A_481 = arith.constant 0 : i32
      %dma_wait3A_482 = tpu.memref_slice %arg5[%dma_wait3A_481] : memref<100096xi32, #tpu.memory_space<hbm>> -> memref<100096xi32, #tpu.memory_space<hbm>>
      tpu.wait_indirect_dma semaphore(%arg17 : memref<!tpu.dma_semaphore, #tpu.memory_space<semaphore_mem>>) src(%dma_wait3A_482 : memref<100096xi32, #tpu.memory_space<hbm>>) dst(%dma_wait3A_477 : memref<128xi32, #tpu.memory_space<vmem>>)
      %dma_wait3A_483 = arith.constant 12 : i32
      %dma_wait3A_484 = arith.constant 1536 : i32
      %dma_wait3A_485 = tpu.memref_slice %arg12[%dma_wait3A_484] : memref<2048xi32, #tpu.memory_space<vmem>> -> memref<128xi32, #tpu.memory_space<vmem>>
      %dma_wait3A_486 = arith.constant 0 : i32
      %dma_wait3A_487 = tpu.memref_slice %arg9[%dma_wait3A_483, %dma_wait3A_486] : memref<16x128xi32, #tpu.memory_space<vmem>> -> memref<1x128xi32, #tpu.memory_space<vmem>>
      %dma_wait3A_488 = tpu.memref_squeeze %dma_wait3A_487 : memref<1x128xi32, #tpu.memory_space<vmem>> -> memref<128xi32, #tpu.memory_space<vmem>>
      %dma_wait3A_489 = arith.constant 0 : i32
      %dma_wait3A_490 = tpu.memref_slice %arg5[%dma_wait3A_489] : memref<100096xi32, #tpu.memory_space<hbm>> -> memref<100096xi32, #tpu.memory_space<hbm>>
      tpu.wait_indirect_dma semaphore(%arg17 : memref<!tpu.dma_semaphore, #tpu.memory_space<semaphore_mem>>) src(%dma_wait3A_490 : memref<100096xi32, #tpu.memory_space<hbm>>) dst(%dma_wait3A_485 : memref<128xi32, #tpu.memory_space<vmem>>)
      %dma_wait3A_491 = arith.constant 13 : i32
      %dma_wait3A_492 = arith.constant 1664 : i32
      %dma_wait3A_493 = tpu.memref_slice %arg11[%dma_wait3A_492] : memref<2048xi32, #tpu.memory_space<vmem>> -> memref<128xi32, #tpu.memory_space<vmem>>
      %dma_wait3A_494 = arith.constant 0 : i32
      %dma_wait3A_495 = tpu.memref_slice %arg8[%dma_wait3A_491, %dma_wait3A_494] : memref<16x128xi32, #tpu.memory_space<vmem>> -> memref<1x128xi32, #tpu.memory_space<vmem>>
      %dma_wait3A_496 = tpu.memref_squeeze %dma_wait3A_495 : memref<1x128xi32, #tpu.memory_space<vmem>> -> memref<128xi32, #tpu.memory_space<vmem>>
      %dma_wait3A_497 = arith.constant 0 : i32
      %dma_wait3A_498 = tpu.memref_slice %arg5[%dma_wait3A_497] : memref<100096xi32, #tpu.memory_space<hbm>> -> memref<100096xi32, #tpu.memory_space<hbm>>
      tpu.wait_indirect_dma semaphore(%arg17 : memref<!tpu.dma_semaphore, #tpu.memory_space<semaphore_mem>>) src(%dma_wait3A_498 : memref<100096xi32, #tpu.memory_space<hbm>>) dst(%dma_wait3A_493 : memref<128xi32, #tpu.memory_space<vmem>>)
      %dma_wait3A_499 = arith.constant 13 : i32
      %dma_wait3A_500 = arith.constant 1664 : i32
      %dma_wait3A_501 = tpu.memref_slice %arg12[%dma_wait3A_500] : memref<2048xi32, #tpu.memory_space<vmem>> -> memref<128xi32, #tpu.memory_space<vmem>>
      %dma_wait3A_502 = arith.constant 0 : i32
      %dma_wait3A_503 = tpu.memref_slice %arg9[%dma_wait3A_499, %dma_wait3A_502] : memref<16x128xi32, #tpu.memory_space<vmem>> -> memref<1x128xi32, #tpu.memory_space<vmem>>
      %dma_wait3A_504 = tpu.memref_squeeze %dma_wait3A_503 : memref<1x128xi32, #tpu.memory_space<vmem>> -> memref<128xi32, #tpu.memory_space<vmem>>
      %dma_wait3A_505 = arith.constant 0 : i32
      %dma_wait3A_506 = tpu.memref_slice %arg5[%dma_wait3A_505] : memref<100096xi32, #tpu.memory_space<hbm>> -> memref<100096xi32, #tpu.memory_space<hbm>>
      tpu.wait_indirect_dma semaphore(%arg17 : memref<!tpu.dma_semaphore, #tpu.memory_space<semaphore_mem>>) src(%dma_wait3A_506 : memref<100096xi32, #tpu.memory_space<hbm>>) dst(%dma_wait3A_501 : memref<128xi32, #tpu.memory_space<vmem>>)
      %dma_wait3A_507 = arith.constant 14 : i32
      %dma_wait3A_508 = arith.constant 1792 : i32
      %dma_wait3A_509 = tpu.memref_slice %arg11[%dma_wait3A_508] : memref<2048xi32, #tpu.memory_space<vmem>> -> memref<128xi32, #tpu.memory_space<vmem>>
      %dma_wait3A_510 = arith.constant 0 : i32
      %dma_wait3A_511 = tpu.memref_slice %arg8[%dma_wait3A_507, %dma_wait3A_510] : memref<16x128xi32, #tpu.memory_space<vmem>> -> memref<1x128xi32, #tpu.memory_space<vmem>>
      %dma_wait3A_512 = tpu.memref_squeeze %dma_wait3A_511 : memref<1x128xi32, #tpu.memory_space<vmem>> -> memref<128xi32, #tpu.memory_space<vmem>>
      %dma_wait3A_513 = arith.constant 0 : i32
      %dma_wait3A_514 = tpu.memref_slice %arg5[%dma_wait3A_513] : memref<100096xi32, #tpu.memory_space<hbm>> -> memref<100096xi32, #tpu.memory_space<hbm>>
      tpu.wait_indirect_dma semaphore(%arg17 : memref<!tpu.dma_semaphore, #tpu.memory_space<semaphore_mem>>) src(%dma_wait3A_514 : memref<100096xi32, #tpu.memory_space<hbm>>) dst(%dma_wait3A_509 : memref<128xi32, #tpu.memory_space<vmem>>)
      %dma_wait3A_515 = arith.constant 14 : i32
      %dma_wait3A_516 = arith.constant 1792 : i32
      %dma_wait3A_517 = tpu.memref_slice %arg12[%dma_wait3A_516] : memref<2048xi32, #tpu.memory_space<vmem>> -> memref<128xi32, #tpu.memory_space<vmem>>
      %dma_wait3A_518 = arith.constant 0 : i32
      %dma_wait3A_519 = tpu.memref_slice %arg9[%dma_wait3A_515, %dma_wait3A_518] : memref<16x128xi32, #tpu.memory_space<vmem>> -> memref<1x128xi32, #tpu.memory_space<vmem>>
      %dma_wait3A_520 = tpu.memref_squeeze %dma_wait3A_519 : memref<1x128xi32, #tpu.memory_space<vmem>> -> memref<128xi32, #tpu.memory_space<vmem>>
      %dma_wait3A_521 = arith.constant 0 : i32
      %dma_wait3A_522 = tpu.memref_slice %arg5[%dma_wait3A_521] : memref<100096xi32, #tpu.memory_space<hbm>> -> memref<100096xi32, #tpu.memory_space<hbm>>
      tpu.wait_indirect_dma semaphore(%arg17 : memref<!tpu.dma_semaphore, #tpu.memory_space<semaphore_mem>>) src(%dma_wait3A_522 : memref<100096xi32, #tpu.memory_space<hbm>>) dst(%dma_wait3A_517 : memref<128xi32, #tpu.memory_space<vmem>>)
      %dma_wait3A_523 = arith.constant 15 : i32
      %dma_wait3A_524 = arith.constant 1920 : i32
      %dma_wait3A_525 = tpu.memref_slice %arg11[%dma_wait3A_524] : memref<2048xi32, #tpu.memory_space<vmem>> -> memref<128xi32, #tpu.memory_space<vmem>>
      %dma_wait3A_526 = arith.constant 0 : i32
      %dma_wait3A_527 = tpu.memref_slice %arg8[%dma_wait3A_523, %dma_wait3A_526] : memref<16x128xi32, #tpu.memory_space<vmem>> -> memref<1x128xi32, #tpu.memory_space<vmem>>
      %dma_wait3A_528 = tpu.memref_squeeze %dma_wait3A_527 : memref<1x128xi32, #tpu.memory_space<vmem>> -> memref<128xi32, #tpu.memory_space<vmem>>
      %dma_wait3A_529 = arith.constant 0 : i32
      %dma_wait3A_530 = tpu.memref_slice %arg5[%dma_wait3A_529] : memref<100096xi32, #tpu.memory_space<hbm>> -> memref<100096xi32, #tpu.memory_space<hbm>>
      tpu.wait_indirect_dma semaphore(%arg17 : memref<!tpu.dma_semaphore, #tpu.memory_space<semaphore_mem>>) src(%dma_wait3A_530 : memref<100096xi32, #tpu.memory_space<hbm>>) dst(%dma_wait3A_525 : memref<128xi32, #tpu.memory_space<vmem>>)
      %dma_wait3A_531 = arith.constant 15 : i32
      %dma_wait3A_532 = arith.constant 1920 : i32
      %dma_wait3A_533 = tpu.memref_slice %arg12[%dma_wait3A_532] : memref<2048xi32, #tpu.memory_space<vmem>> -> memref<128xi32, #tpu.memory_space<vmem>>
      %dma_wait3A_534 = arith.constant 0 : i32
      %dma_wait3A_535 = tpu.memref_slice %arg9[%dma_wait3A_531, %dma_wait3A_534] : memref<16x128xi32, #tpu.memory_space<vmem>> -> memref<1x128xi32, #tpu.memory_space<vmem>>
      %dma_wait3A_536 = tpu.memref_squeeze %dma_wait3A_535 : memref<1x128xi32, #tpu.memory_space<vmem>> -> memref<128xi32, #tpu.memory_space<vmem>>
      %dma_wait3A_537 = arith.constant 0 : i32
      %dma_wait3A_538 = tpu.memref_slice %arg5[%dma_wait3A_537] : memref<100096xi32, #tpu.memory_space<hbm>> -> memref<100096xi32, #tpu.memory_space<hbm>>
      tpu.wait_indirect_dma semaphore(%arg17 : memref<!tpu.dma_semaphore, #tpu.memory_space<semaphore_mem>>) src(%dma_wait3A_538 : memref<100096xi32, #tpu.memory_space<hbm>>) dst(%dma_wait3A_533 : memref<128xi32, #tpu.memory_space<vmem>>)
      %scan3A_539 = arith.constant 0 : i32
      %scan3A_540 = arith.constant 0 : i32
      %scan3A_541 = arith.constant 128 : i32
      %scan3A_542 = arith.addi %scan3A_540, %scan3A_541 : i32
      %scan3A_543 = arith.constant 1 : i32
      %scan3A_544 = scf.for %scan3A_803 = %scan3A_540 to %scan3A_542 step %scan3A_543 iter_args(%scan3A_804 = %scan3A_539) -> (i32)  : i32 {
        %mul3A_805 = arith.constant 16 : i32
        %mul3A_806 = arith.muli %scan3A_803, %mul3A_805 : i32
        %get3A = arith.index_cast %mul3A_806 : i32 to index
        %get3A_807 = tpu.vector_load %arg11[%get3A] {strides = array<i32>} : memref<2048xi32, #tpu.memory_space<vmem>>, vector<16xi32>,
        %get3A_808 = arith.index_cast %mul3A_806 : i32 to index
        %get3A_809 = tpu.vector_load %arg12[%get3A_808] {strides = array<i32>} : memref<2048xi32, #tpu.memory_space<vmem>>, vector<16xi32>,
        %get3A_810 = arith.index_cast %mul3A_806 : i32 to index
        %get3A_811 = tpu.vector_load %arg10[%get3A_810] {strides = array<i32>} : memref<2048xf32, #tpu.memory_space<vmem>>, vector<16xf32>,
        %gather3A = tpu.vector_load_idx %arg14[%get3A_807] : memref<96xf32, #tpu.memory_space<vmem>>[vector<16xi32>], vector<16xf32>,
        %gather3A_812 = tpu.vector_load_idx %arg14[%get3A_809] : memref<96xf32, #tpu.memory_space<vmem>>[vector<16xi32>], vector<16xf32>,
        %add3A_813 = arith.addf %gather3A, %gather3A_812 : vector<16xf32>
        %mul3A_814 = arith.constant 0.705569684 : f32
        %mul3A_815 = vector.broadcast %mul3A_814 : f32 to vector<16xf32>
        %mul3A_816 = arith.mulf %mul3A_815, %add3A_813 : vector<16xf32>
        %div3A = arith.divf %mul3A_816, %get3A_811 : vector<16xf32>
        %sub3A = arith.constant 1.000000e+00 : f32
        %sub3A_817 = vector.broadcast %sub3A : f32 to vector<16xf32>
        %sub3A_818 = arith.subf %div3A, %sub3A_817 : vector<16xf32>
        %mul3A_819 = arith.constant -1.600000e+01 : f32
        %mul3A_820 = vector.broadcast %mul3A_819 : f32 to vector<16xf32>
        %mul3A_821 = arith.mulf %mul3A_820, %sub3A_818 : vector<16xf32>
        %exp3A = math.exp %mul3A_821 : vector<16xf32>
        %add3A_822 = arith.constant 1.000000e+00 : f32
        %add3A_823 = vector.broadcast %add3A_822 : f32 to vector<16xf32>
        %add3A_824 = arith.addf %add3A_823, %exp3A : vector<16xf32>
        %div3A_825 = arith.constant 1.000000e+00 : f32
        %div3A_826 = vector.broadcast %div3A_825 : f32 to vector<16xf32>
        %div3A_827 = arith.divf %div3A_826, %add3A_824 : vector<16xf32>
        %swap3A = arith.index_cast %mul3A_806 : i32 to index
        %swap3A_828 = tpu.vector_load %arg13[%swap3A] {strides = array<i32>} : memref<2048xf32, #tpu.memory_space<vmem>>, vector<16xf32>,
        tpu.vector_store %arg13[%swap3A], %div3A_827 {strides = array<i32>} : memref<2048xf32, #tpu.memory_space<vmem>>, vector<16xf32>,
        %scan3A_829 = arith.constant 0 : i32
        scf.yield %scan3A_829 : i32
      }
      %scan3A_545 = arith.constant 128 : i32
      %dma_start3A_546 = arith.constant 0 : i32
      %dma_start3A_547 = arith.constant 0 : i32
      %dma_start3A_548 = tpu.memref_slice %arg13[%dma_start3A_547] : memref<2048xf32, #tpu.memory_space<vmem>> -> memref<128xf32, #tpu.memory_space<vmem>>
      %dma_start3A_549 = arith.constant 0 : i32
      %dma_start3A_550 = tpu.memref_slice %arg8[%dma_start3A_546, %dma_start3A_549] : memref<16x128xi32, #tpu.memory_space<vmem>> -> memref<1x128xi32, #tpu.memory_space<vmem>>
      %dma_start3A_551 = tpu.memref_squeeze %dma_start3A_550 : memref<1x128xi32, #tpu.memory_space<vmem>> -> memref<128xi32, #tpu.memory_space<vmem>>
      %dma_start3A_552 = arith.constant 0 : i32
      %dma_start3A_553 = tpu.memref_slice %arg16[%dma_start3A_552] : memref<100096xf32, #tpu.memory_space<vmem_shared>> -> memref<100096xf32, #tpu.memory_space<vmem_shared>>
      tpu.enqueue_indirect_dma source(%dma_start3A_548 : memref<128xf32, #tpu.memory_space<vmem>>) target(%dma_start3A_553 : memref<100096xf32, #tpu.memory_space<vmem_shared>>) offsets(%dma_start3A_551 : memref<128xi32, #tpu.memory_space<vmem>>) semaphore(%arg17 : memref<!tpu.dma_semaphore, #tpu.memory_space<semaphore_mem>>) {add = true}
      %dma_start3A_554 = arith.constant 1 : i32
      %dma_start3A_555 = arith.constant 128 : i32
      %dma_start3A_556 = tpu.memref_slice %arg13[%dma_start3A_555] : memref<2048xf32, #tpu.memory_space<vmem>> -> memref<128xf32, #tpu.memory_space<vmem>>
      %dma_start3A_557 = arith.constant 0 : i32
      %dma_start3A_558 = tpu.memref_slice %arg8[%dma_start3A_554, %dma_start3A_557] : memref<16x128xi32, #tpu.memory_space<vmem>> -> memref<1x128xi32, #tpu.memory_space<vmem>>
      %dma_start3A_559 = tpu.memref_squeeze %dma_start3A_558 : memref<1x128xi32, #tpu.memory_space<vmem>> -> memref<128xi32, #tpu.memory_space<vmem>>
      %dma_start3A_560 = arith.constant 0 : i32
      %dma_start3A_561 = tpu.memref_slice %arg16[%dma_start3A_560] : memref<100096xf32, #tpu.memory_space<vmem_shared>> -> memref<100096xf32, #tpu.memory_space<vmem_shared>>
      tpu.enqueue_indirect_dma source(%dma_start3A_556 : memref<128xf32, #tpu.memory_space<vmem>>) target(%dma_start3A_561 : memref<100096xf32, #tpu.memory_space<vmem_shared>>) offsets(%dma_start3A_559 : memref<128xi32, #tpu.memory_space<vmem>>) semaphore(%arg17 : memref<!tpu.dma_semaphore, #tpu.memory_space<semaphore_mem>>) {add = true}
      %dma_start3A_562 = arith.constant 2 : i32
      %dma_start3A_563 = arith.constant 256 : i32
      %dma_start3A_564 = tpu.memref_slice %arg13[%dma_start3A_563] : memref<2048xf32, #tpu.memory_space<vmem>> -> memref<128xf32, #tpu.memory_space<vmem>>
      %dma_start3A_565 = arith.constant 0 : i32
      %dma_start3A_566 = tpu.memref_slice %arg8[%dma_start3A_562, %dma_start3A_565] : memref<16x128xi32, #tpu.memory_space<vmem>> -> memref<1x128xi32, #tpu.memory_space<vmem>>
      %dma_start3A_567 = tpu.memref_squeeze %dma_start3A_566 : memref<1x128xi32, #tpu.memory_space<vmem>> -> memref<128xi32, #tpu.memory_space<vmem>>
      %dma_start3A_568 = arith.constant 0 : i32
      %dma_start3A_569 = tpu.memref_slice %arg16[%dma_start3A_568] : memref<100096xf32, #tpu.memory_space<vmem_shared>> -> memref<100096xf32, #tpu.memory_space<vmem_shared>>
      tpu.enqueue_indirect_dma source(%dma_start3A_564 : memref<128xf32, #tpu.memory_space<vmem>>) target(%dma_start3A_569 : memref<100096xf32, #tpu.memory_space<vmem_shared>>) offsets(%dma_start3A_567 : memref<128xi32, #tpu.memory_space<vmem>>) semaphore(%arg17 : memref<!tpu.dma_semaphore, #tpu.memory_space<semaphore_mem>>) {add = true}
      %dma_start3A_570 = arith.constant 3 : i32
      %dma_start3A_571 = arith.constant 384 : i32
      %dma_start3A_572 = tpu.memref_slice %arg13[%dma_start3A_571] : memref<2048xf32, #tpu.memory_space<vmem>> -> memref<128xf32, #tpu.memory_space<vmem>>
      %dma_start3A_573 = arith.constant 0 : i32
      %dma_start3A_574 = tpu.memref_slice %arg8[%dma_start3A_570, %dma_start3A_573] : memref<16x128xi32, #tpu.memory_space<vmem>> -> memref<1x128xi32, #tpu.memory_space<vmem>>
      %dma_start3A_575 = tpu.memref_squeeze %dma_start3A_574 : memref<1x128xi32, #tpu.memory_space<vmem>> -> memref<128xi32, #tpu.memory_space<vmem>>
      %dma_start3A_576 = arith.constant 0 : i32
      %dma_start3A_577 = tpu.memref_slice %arg16[%dma_start3A_576] : memref<100096xf32, #tpu.memory_space<vmem_shared>> -> memref<100096xf32, #tpu.memory_space<vmem_shared>>
      tpu.enqueue_indirect_dma source(%dma_start3A_572 : memref<128xf32, #tpu.memory_space<vmem>>) target(%dma_start3A_577 : memref<100096xf32, #tpu.memory_space<vmem_shared>>) offsets(%dma_start3A_575 : memref<128xi32, #tpu.memory_space<vmem>>) semaphore(%arg17 : memref<!tpu.dma_semaphore, #tpu.memory_space<semaphore_mem>>) {add = true}
      %dma_start3A_578 = arith.constant 4 : i32
      %dma_start3A_579 = arith.constant 512 : i32
      %dma_start3A_580 = tpu.memref_slice %arg13[%dma_start3A_579] : memref<2048xf32, #tpu.memory_space<vmem>> -> memref<128xf32, #tpu.memory_space<vmem>>
      %dma_start3A_581 = arith.constant 0 : i32
      %dma_start3A_582 = tpu.memref_slice %arg8[%dma_start3A_578, %dma_start3A_581] : memref<16x128xi32, #tpu.memory_space<vmem>> -> memref<1x128xi32, #tpu.memory_space<vmem>>
      %dma_start3A_583 = tpu.memref_squeeze %dma_start3A_582 : memref<1x128xi32, #tpu.memory_space<vmem>> -> memref<128xi32, #tpu.memory_space<vmem>>
      %dma_start3A_584 = arith.constant 0 : i32
      %dma_start3A_585 = tpu.memref_slice %arg16[%dma_start3A_584] : memref<100096xf32, #tpu.memory_space<vmem_shared>> -> memref<100096xf32, #tpu.memory_space<vmem_shared>>
      tpu.enqueue_indirect_dma source(%dma_start3A_580 : memref<128xf32, #tpu.memory_space<vmem>>) target(%dma_start3A_585 : memref<100096xf32, #tpu.memory_space<vmem_shared>>) offsets(%dma_start3A_583 : memref<128xi32, #tpu.memory_space<vmem>>) semaphore(%arg17 : memref<!tpu.dma_semaphore, #tpu.memory_space<semaphore_mem>>) {add = true}
      %dma_start3A_586 = arith.constant 5 : i32
      %dma_start3A_587 = arith.constant 640 : i32
      %dma_start3A_588 = tpu.memref_slice %arg13[%dma_start3A_587] : memref<2048xf32, #tpu.memory_space<vmem>> -> memref<128xf32, #tpu.memory_space<vmem>>
      %dma_start3A_589 = arith.constant 0 : i32
      %dma_start3A_590 = tpu.memref_slice %arg8[%dma_start3A_586, %dma_start3A_589] : memref<16x128xi32, #tpu.memory_space<vmem>> -> memref<1x128xi32, #tpu.memory_space<vmem>>
      %dma_start3A_591 = tpu.memref_squeeze %dma_start3A_590 : memref<1x128xi32, #tpu.memory_space<vmem>> -> memref<128xi32, #tpu.memory_space<vmem>>
      %dma_start3A_592 = arith.constant 0 : i32
      %dma_start3A_593 = tpu.memref_slice %arg16[%dma_start3A_592] : memref<100096xf32, #tpu.memory_space<vmem_shared>> -> memref<100096xf32, #tpu.memory_space<vmem_shared>>
      tpu.enqueue_indirect_dma source(%dma_start3A_588 : memref<128xf32, #tpu.memory_space<vmem>>) target(%dma_start3A_593 : memref<100096xf32, #tpu.memory_space<vmem_shared>>) offsets(%dma_start3A_591 : memref<128xi32, #tpu.memory_space<vmem>>) semaphore(%arg17 : memref<!tpu.dma_semaphore, #tpu.memory_space<semaphore_mem>>) {add = true}
      %dma_start3A_594 = arith.constant 6 : i32
      %dma_start3A_595 = arith.constant 768 : i32
      %dma_start3A_596 = tpu.memref_slice %arg13[%dma_start3A_595] : memref<2048xf32, #tpu.memory_space<vmem>> -> memref<128xf32, #tpu.memory_space<vmem>>
      %dma_start3A_597 = arith.constant 0 : i32
      %dma_start3A_598 = tpu.memref_slice %arg8[%dma_start3A_594, %dma_start3A_597] : memref<16x128xi32, #tpu.memory_space<vmem>> -> memref<1x128xi32, #tpu.memory_space<vmem>>
      %dma_start3A_599 = tpu.memref_squeeze %dma_start3A_598 : memref<1x128xi32, #tpu.memory_space<vmem>> -> memref<128xi32, #tpu.memory_space<vmem>>
      %dma_start3A_600 = arith.constant 0 : i32
      %dma_start3A_601 = tpu.memref_slice %arg16[%dma_start3A_600] : memref<100096xf32, #tpu.memory_space<vmem_shared>> -> memref<100096xf32, #tpu.memory_space<vmem_shared>>
      tpu.enqueue_indirect_dma source(%dma_start3A_596 : memref<128xf32, #tpu.memory_space<vmem>>) target(%dma_start3A_601 : memref<100096xf32, #tpu.memory_space<vmem_shared>>) offsets(%dma_start3A_599 : memref<128xi32, #tpu.memory_space<vmem>>) semaphore(%arg17 : memref<!tpu.dma_semaphore, #tpu.memory_space<semaphore_mem>>) {add = true}
      %dma_start3A_602 = arith.constant 7 : i32
      %dma_start3A_603 = arith.constant 896 : i32
      %dma_start3A_604 = tpu.memref_slice %arg13[%dma_start3A_603] : memref<2048xf32, #tpu.memory_space<vmem>> -> memref<128xf32, #tpu.memory_space<vmem>>
      %dma_start3A_605 = arith.constant 0 : i32
      %dma_start3A_606 = tpu.memref_slice %arg8[%dma_start3A_602, %dma_start3A_605] : memref<16x128xi32, #tpu.memory_space<vmem>> -> memref<1x128xi32, #tpu.memory_space<vmem>>
      %dma_start3A_607 = tpu.memref_squeeze %dma_start3A_606 : memref<1x128xi32, #tpu.memory_space<vmem>> -> memref<128xi32, #tpu.memory_space<vmem>>
      %dma_start3A_608 = arith.constant 0 : i32
      %dma_start3A_609 = tpu.memref_slice %arg16[%dma_start3A_608] : memref<100096xf32, #tpu.memory_space<vmem_shared>> -> memref<100096xf32, #tpu.memory_space<vmem_shared>>
      tpu.enqueue_indirect_dma source(%dma_start3A_604 : memref<128xf32, #tpu.memory_space<vmem>>) target(%dma_start3A_609 : memref<100096xf32, #tpu.memory_space<vmem_shared>>) offsets(%dma_start3A_607 : memref<128xi32, #tpu.memory_space<vmem>>) semaphore(%arg17 : memref<!tpu.dma_semaphore, #tpu.memory_space<semaphore_mem>>) {add = true}
      %dma_start3A_610 = arith.constant 8 : i32
      %dma_start3A_611 = arith.constant 1024 : i32
      %dma_start3A_612 = tpu.memref_slice %arg13[%dma_start3A_611] : memref<2048xf32, #tpu.memory_space<vmem>> -> memref<128xf32, #tpu.memory_space<vmem>>
      %dma_start3A_613 = arith.constant 0 : i32
      %dma_start3A_614 = tpu.memref_slice %arg8[%dma_start3A_610, %dma_start3A_613] : memref<16x128xi32, #tpu.memory_space<vmem>> -> memref<1x128xi32, #tpu.memory_space<vmem>>
      %dma_start3A_615 = tpu.memref_squeeze %dma_start3A_614 : memref<1x128xi32, #tpu.memory_space<vmem>> -> memref<128xi32, #tpu.memory_space<vmem>>
      %dma_start3A_616 = arith.constant 0 : i32
      %dma_start3A_617 = tpu.memref_slice %arg16[%dma_start3A_616] : memref<100096xf32, #tpu.memory_space<vmem_shared>> -> memref<100096xf32, #tpu.memory_space<vmem_shared>>
      tpu.enqueue_indirect_dma source(%dma_start3A_612 : memref<128xf32, #tpu.memory_space<vmem>>) target(%dma_start3A_617 : memref<100096xf32, #tpu.memory_space<vmem_shared>>) offsets(%dma_start3A_615 : memref<128xi32, #tpu.memory_space<vmem>>) semaphore(%arg17 : memref<!tpu.dma_semaphore, #tpu.memory_space<semaphore_mem>>) {add = true}
      %dma_start3A_618 = arith.constant 9 : i32
      %dma_start3A_619 = arith.constant 1152 : i32
      %dma_start3A_620 = tpu.memref_slice %arg13[%dma_start3A_619] : memref<2048xf32, #tpu.memory_space<vmem>> -> memref<128xf32, #tpu.memory_space<vmem>>
      %dma_start3A_621 = arith.constant 0 : i32
      %dma_start3A_622 = tpu.memref_slice %arg8[%dma_start3A_618, %dma_start3A_621] : memref<16x128xi32, #tpu.memory_space<vmem>> -> memref<1x128xi32, #tpu.memory_space<vmem>>
      %dma_start3A_623 = tpu.memref_squeeze %dma_start3A_622 : memref<1x128xi32, #tpu.memory_space<vmem>> -> memref<128xi32, #tpu.memory_space<vmem>>
      %dma_start3A_624 = arith.constant 0 : i32
      %dma_start3A_625 = tpu.memref_slice %arg16[%dma_start3A_624] : memref<100096xf32, #tpu.memory_space<vmem_shared>> -> memref<100096xf32, #tpu.memory_space<vmem_shared>>
      tpu.enqueue_indirect_dma source(%dma_start3A_620 : memref<128xf32, #tpu.memory_space<vmem>>) target(%dma_start3A_625 : memref<100096xf32, #tpu.memory_space<vmem_shared>>) offsets(%dma_start3A_623 : memref<128xi32, #tpu.memory_space<vmem>>) semaphore(%arg17 : memref<!tpu.dma_semaphore, #tpu.memory_space<semaphore_mem>>) {add = true}
      %dma_start3A_626 = arith.constant 10 : i32
      %dma_start3A_627 = arith.constant 1280 : i32
      %dma_start3A_628 = tpu.memref_slice %arg13[%dma_start3A_627] : memref<2048xf32, #tpu.memory_space<vmem>> -> memref<128xf32, #tpu.memory_space<vmem>>
      %dma_start3A_629 = arith.constant 0 : i32
      %dma_start3A_630 = tpu.memref_slice %arg8[%dma_start3A_626, %dma_start3A_629] : memref<16x128xi32, #tpu.memory_space<vmem>> -> memref<1x128xi32, #tpu.memory_space<vmem>>
      %dma_start3A_631 = tpu.memref_squeeze %dma_start3A_630 : memref<1x128xi32, #tpu.memory_space<vmem>> -> memref<128xi32, #tpu.memory_space<vmem>>
      %dma_start3A_632 = arith.constant 0 : i32
      %dma_start3A_633 = tpu.memref_slice %arg16[%dma_start3A_632] : memref<100096xf32, #tpu.memory_space<vmem_shared>> -> memref<100096xf32, #tpu.memory_space<vmem_shared>>
      tpu.enqueue_indirect_dma source(%dma_start3A_628 : memref<128xf32, #tpu.memory_space<vmem>>) target(%dma_start3A_633 : memref<100096xf32, #tpu.memory_space<vmem_shared>>) offsets(%dma_start3A_631 : memref<128xi32, #tpu.memory_space<vmem>>) semaphore(%arg17 : memref<!tpu.dma_semaphore, #tpu.memory_space<semaphore_mem>>) {add = true}
      %dma_start3A_634 = arith.constant 11 : i32
      %dma_start3A_635 = arith.constant 1408 : i32
      %dma_start3A_636 = tpu.memref_slice %arg13[%dma_start3A_635] : memref<2048xf32, #tpu.memory_space<vmem>> -> memref<128xf32, #tpu.memory_space<vmem>>
      %dma_start3A_637 = arith.constant 0 : i32
      %dma_start3A_638 = tpu.memref_slice %arg8[%dma_start3A_634, %dma_start3A_637] : memref<16x128xi32, #tpu.memory_space<vmem>> -> memref<1x128xi32, #tpu.memory_space<vmem>>
      %dma_start3A_639 = tpu.memref_squeeze %dma_start3A_638 : memref<1x128xi32, #tpu.memory_space<vmem>> -> memref<128xi32, #tpu.memory_space<vmem>>
      %dma_start3A_640 = arith.constant 0 : i32
      %dma_start3A_641 = tpu.memref_slice %arg16[%dma_start3A_640] : memref<100096xf32, #tpu.memory_space<vmem_shared>> -> memref<100096xf32, #tpu.memory_space<vmem_shared>>
      tpu.enqueue_indirect_dma source(%dma_start3A_636 : memref<128xf32, #tpu.memory_space<vmem>>) target(%dma_start3A_641 : memref<100096xf32, #tpu.memory_space<vmem_shared>>) offsets(%dma_start3A_639 : memref<128xi32, #tpu.memory_space<vmem>>) semaphore(%arg17 : memref<!tpu.dma_semaphore, #tpu.memory_space<semaphore_mem>>) {add = true}
      %dma_start3A_642 = arith.constant 12 : i32
      %dma_start3A_643 = arith.constant 1536 : i32
      %dma_start3A_644 = tpu.memref_slice %arg13[%dma_start3A_643] : memref<2048xf32, #tpu.memory_space<vmem>> -> memref<128xf32, #tpu.memory_space<vmem>>
      %dma_start3A_645 = arith.constant 0 : i32
      %dma_start3A_646 = tpu.memref_slice %arg8[%dma_start3A_642, %dma_start3A_645] : memref<16x128xi32, #tpu.memory_space<vmem>> -> memref<1x128xi32, #tpu.memory_space<vmem>>
      %dma_start3A_647 = tpu.memref_squeeze %dma_start3A_646 : memref<1x128xi32, #tpu.memory_space<vmem>> -> memref<128xi32, #tpu.memory_space<vmem>>
      %dma_start3A_648 = arith.constant 0 : i32
      %dma_start3A_649 = tpu.memref_slice %arg16[%dma_start3A_648] : memref<100096xf32, #tpu.memory_space<vmem_shared>> -> memref<100096xf32, #tpu.memory_space<vmem_shared>>
      tpu.enqueue_indirect_dma source(%dma_start3A_644 : memref<128xf32, #tpu.memory_space<vmem>>) target(%dma_start3A_649 : memref<100096xf32, #tpu.memory_space<vmem_shared>>) offsets(%dma_start3A_647 : memref<128xi32, #tpu.memory_space<vmem>>) semaphore(%arg17 : memref<!tpu.dma_semaphore, #tpu.memory_space<semaphore_mem>>) {add = true}
      %dma_start3A_650 = arith.constant 13 : i32
      %dma_start3A_651 = arith.constant 1664 : i32
      %dma_start3A_652 = tpu.memref_slice %arg13[%dma_start3A_651] : memref<2048xf32, #tpu.memory_space<vmem>> -> memref<128xf32, #tpu.memory_space<vmem>>
      %dma_start3A_653 = arith.constant 0 : i32
      %dma_start3A_654 = tpu.memref_slice %arg8[%dma_start3A_650, %dma_start3A_653] : memref<16x128xi32, #tpu.memory_space<vmem>> -> memref<1x128xi32, #tpu.memory_space<vmem>>
      %dma_start3A_655 = tpu.memref_squeeze %dma_start3A_654 : memref<1x128xi32, #tpu.memory_space<vmem>> -> memref<128xi32, #tpu.memory_space<vmem>>
      %dma_start3A_656 = arith.constant 0 : i32
      %dma_start3A_657 = tpu.memref_slice %arg16[%dma_start3A_656] : memref<100096xf32, #tpu.memory_space<vmem_shared>> -> memref<100096xf32, #tpu.memory_space<vmem_shared>>
      tpu.enqueue_indirect_dma source(%dma_start3A_652 : memref<128xf32, #tpu.memory_space<vmem>>) target(%dma_start3A_657 : memref<100096xf32, #tpu.memory_space<vmem_shared>>) offsets(%dma_start3A_655 : memref<128xi32, #tpu.memory_space<vmem>>) semaphore(%arg17 : memref<!tpu.dma_semaphore, #tpu.memory_space<semaphore_mem>>) {add = true}
      %dma_start3A_658 = arith.constant 14 : i32
      %dma_start3A_659 = arith.constant 1792 : i32
      %dma_start3A_660 = tpu.memref_slice %arg13[%dma_start3A_659] : memref<2048xf32, #tpu.memory_space<vmem>> -> memref<128xf32, #tpu.memory_space<vmem>>
      %dma_start3A_661 = arith.constant 0 : i32
      %dma_start3A_662 = tpu.memref_slice %arg8[%dma_start3A_658, %dma_start3A_661] : memref<16x128xi32, #tpu.memory_space<vmem>> -> memref<1x128xi32, #tpu.memory_space<vmem>>
      %dma_start3A_663 = tpu.memref_squeeze %dma_start3A_662 : memref<1x128xi32, #tpu.memory_space<vmem>> -> memref<128xi32, #tpu.memory_space<vmem>>
      %dma_start3A_664 = arith.constant 0 : i32
      %dma_start3A_665 = tpu.memref_slice %arg16[%dma_start3A_664] : memref<100096xf32, #tpu.memory_space<vmem_shared>> -> memref<100096xf32, #tpu.memory_space<vmem_shared>>
      tpu.enqueue_indirect_dma source(%dma_start3A_660 : memref<128xf32, #tpu.memory_space<vmem>>) target(%dma_start3A_665 : memref<100096xf32, #tpu.memory_space<vmem_shared>>) offsets(%dma_start3A_663 : memref<128xi32, #tpu.memory_space<vmem>>) semaphore(%arg17 : memref<!tpu.dma_semaphore, #tpu.memory_space<semaphore_mem>>) {add = true}
      %dma_start3A_666 = arith.constant 15 : i32
      %dma_start3A_667 = arith.constant 1920 : i32
      %dma_start3A_668 = tpu.memref_slice %arg13[%dma_start3A_667] : memref<2048xf32, #tpu.memory_space<vmem>> -> memref<128xf32, #tpu.memory_space<vmem>>
      %dma_start3A_669 = arith.constant 0 : i32
      %dma_start3A_670 = tpu.memref_slice %arg8[%dma_start3A_666, %dma_start3A_669] : memref<16x128xi32, #tpu.memory_space<vmem>> -> memref<1x128xi32, #tpu.memory_space<vmem>>
      %dma_start3A_671 = tpu.memref_squeeze %dma_start3A_670 : memref<1x128xi32, #tpu.memory_space<vmem>> -> memref<128xi32, #tpu.memory_space<vmem>>
      %dma_start3A_672 = arith.constant 0 : i32
      %dma_start3A_673 = tpu.memref_slice %arg16[%dma_start3A_672] : memref<100096xf32, #tpu.memory_space<vmem_shared>> -> memref<100096xf32, #tpu.memory_space<vmem_shared>>
      tpu.enqueue_indirect_dma source(%dma_start3A_668 : memref<128xf32, #tpu.memory_space<vmem>>) target(%dma_start3A_673 : memref<100096xf32, #tpu.memory_space<vmem_shared>>) offsets(%dma_start3A_671 : memref<128xi32, #tpu.memory_space<vmem>>) semaphore(%arg17 : memref<!tpu.dma_semaphore, #tpu.memory_space<semaphore_mem>>) {add = true}
      %dma_wait3A_674 = arith.constant 0 : i32
      %dma_wait3A_675 = arith.constant 0 : i32
      %dma_wait3A_676 = tpu.memref_slice %arg13[%dma_wait3A_675] : memref<2048xf32, #tpu.memory_space<vmem>> -> memref<128xf32, #tpu.memory_space<vmem>>
      %dma_wait3A_677 = arith.constant 0 : i32
      %dma_wait3A_678 = tpu.memref_slice %arg8[%dma_wait3A_674, %dma_wait3A_677] : memref<16x128xi32, #tpu.memory_space<vmem>> -> memref<1x128xi32, #tpu.memory_space<vmem>>
      %dma_wait3A_679 = tpu.memref_squeeze %dma_wait3A_678 : memref<1x128xi32, #tpu.memory_space<vmem>> -> memref<128xi32, #tpu.memory_space<vmem>>
      %dma_wait3A_680 = arith.constant 0 : i32
      %dma_wait3A_681 = tpu.memref_slice %arg16[%dma_wait3A_680] : memref<100096xf32, #tpu.memory_space<vmem_shared>> -> memref<100096xf32, #tpu.memory_space<vmem_shared>>
      tpu.wait_indirect_dma semaphore(%arg17 : memref<!tpu.dma_semaphore, #tpu.memory_space<semaphore_mem>>) src(%dma_wait3A_676 : memref<128xf32, #tpu.memory_space<vmem>>) dst(%dma_wait3A_681 : memref<100096xf32, #tpu.memory_space<vmem_shared>>)
      %dma_wait3A_682 = arith.constant 1 : i32
      %dma_wait3A_683 = arith.constant 128 : i32
      %dma_wait3A_684 = tpu.memref_slice %arg13[%dma_wait3A_683] : memref<2048xf32, #tpu.memory_space<vmem>> -> memref<128xf32, #tpu.memory_space<vmem>>
      %dma_wait3A_685 = arith.constant 0 : i32
      %dma_wait3A_686 = tpu.memref_slice %arg8[%dma_wait3A_682, %dma_wait3A_685] : memref<16x128xi32, #tpu.memory_space<vmem>> -> memref<1x128xi32, #tpu.memory_space<vmem>>
      %dma_wait3A_687 = tpu.memref_squeeze %dma_wait3A_686 : memref<1x128xi32, #tpu.memory_space<vmem>> -> memref<128xi32, #tpu.memory_space<vmem>>
      %dma_wait3A_688 = arith.constant 0 : i32
      %dma_wait3A_689 = tpu.memref_slice %arg16[%dma_wait3A_688] : memref<100096xf32, #tpu.memory_space<vmem_shared>> -> memref<100096xf32, #tpu.memory_space<vmem_shared>>
      tpu.wait_indirect_dma semaphore(%arg17 : memref<!tpu.dma_semaphore, #tpu.memory_space<semaphore_mem>>) src(%dma_wait3A_684 : memref<128xf32, #tpu.memory_space<vmem>>) dst(%dma_wait3A_689 : memref<100096xf32, #tpu.memory_space<vmem_shared>>)
      %dma_wait3A_690 = arith.constant 2 : i32
      %dma_wait3A_691 = arith.constant 256 : i32
      %dma_wait3A_692 = tpu.memref_slice %arg13[%dma_wait3A_691] : memref<2048xf32, #tpu.memory_space<vmem>> -> memref<128xf32, #tpu.memory_space<vmem>>
      %dma_wait3A_693 = arith.constant 0 : i32
      %dma_wait3A_694 = tpu.memref_slice %arg8[%dma_wait3A_690, %dma_wait3A_693] : memref<16x128xi32, #tpu.memory_space<vmem>> -> memref<1x128xi32, #tpu.memory_space<vmem>>
      %dma_wait3A_695 = tpu.memref_squeeze %dma_wait3A_694 : memref<1x128xi32, #tpu.memory_space<vmem>> -> memref<128xi32, #tpu.memory_space<vmem>>
      %dma_wait3A_696 = arith.constant 0 : i32
      %dma_wait3A_697 = tpu.memref_slice %arg16[%dma_wait3A_696] : memref<100096xf32, #tpu.memory_space<vmem_shared>> -> memref<100096xf32, #tpu.memory_space<vmem_shared>>
      tpu.wait_indirect_dma semaphore(%arg17 : memref<!tpu.dma_semaphore, #tpu.memory_space<semaphore_mem>>) src(%dma_wait3A_692 : memref<128xf32, #tpu.memory_space<vmem>>) dst(%dma_wait3A_697 : memref<100096xf32, #tpu.memory_space<vmem_shared>>)
      %dma_wait3A_698 = arith.constant 3 : i32
      %dma_wait3A_699 = arith.constant 384 : i32
      %dma_wait3A_700 = tpu.memref_slice %arg13[%dma_wait3A_699] : memref<2048xf32, #tpu.memory_space<vmem>> -> memref<128xf32, #tpu.memory_space<vmem>>
      %dma_wait3A_701 = arith.constant 0 : i32
      %dma_wait3A_702 = tpu.memref_slice %arg8[%dma_wait3A_698, %dma_wait3A_701] : memref<16x128xi32, #tpu.memory_space<vmem>> -> memref<1x128xi32, #tpu.memory_space<vmem>>
      %dma_wait3A_703 = tpu.memref_squeeze %dma_wait3A_702 : memref<1x128xi32, #tpu.memory_space<vmem>> -> memref<128xi32, #tpu.memory_space<vmem>>
      %dma_wait3A_704 = arith.constant 0 : i32
      %dma_wait3A_705 = tpu.memref_slice %arg16[%dma_wait3A_704] : memref<100096xf32, #tpu.memory_space<vmem_shared>> -> memref<100096xf32, #tpu.memory_space<vmem_shared>>
      tpu.wait_indirect_dma semaphore(%arg17 : memref<!tpu.dma_semaphore, #tpu.memory_space<semaphore_mem>>) src(%dma_wait3A_700 : memref<128xf32, #tpu.memory_space<vmem>>) dst(%dma_wait3A_705 : memref<100096xf32, #tpu.memory_space<vmem_shared>>)
      %dma_wait3A_706 = arith.constant 4 : i32
      %dma_wait3A_707 = arith.constant 512 : i32
      %dma_wait3A_708 = tpu.memref_slice %arg13[%dma_wait3A_707] : memref<2048xf32, #tpu.memory_space<vmem>> -> memref<128xf32, #tpu.memory_space<vmem>>
      %dma_wait3A_709 = arith.constant 0 : i32
      %dma_wait3A_710 = tpu.memref_slice %arg8[%dma_wait3A_706, %dma_wait3A_709] : memref<16x128xi32, #tpu.memory_space<vmem>> -> memref<1x128xi32, #tpu.memory_space<vmem>>
      %dma_wait3A_711 = tpu.memref_squeeze %dma_wait3A_710 : memref<1x128xi32, #tpu.memory_space<vmem>> -> memref<128xi32, #tpu.memory_space<vmem>>
      %dma_wait3A_712 = arith.constant 0 : i32
      %dma_wait3A_713 = tpu.memref_slice %arg16[%dma_wait3A_712] : memref<100096xf32, #tpu.memory_space<vmem_shared>> -> memref<100096xf32, #tpu.memory_space<vmem_shared>>
      tpu.wait_indirect_dma semaphore(%arg17 : memref<!tpu.dma_semaphore, #tpu.memory_space<semaphore_mem>>) src(%dma_wait3A_708 : memref<128xf32, #tpu.memory_space<vmem>>) dst(%dma_wait3A_713 : memref<100096xf32, #tpu.memory_space<vmem_shared>>)
      %dma_wait3A_714 = arith.constant 5 : i32
      %dma_wait3A_715 = arith.constant 640 : i32
      %dma_wait3A_716 = tpu.memref_slice %arg13[%dma_wait3A_715] : memref<2048xf32, #tpu.memory_space<vmem>> -> memref<128xf32, #tpu.memory_space<vmem>>
      %dma_wait3A_717 = arith.constant 0 : i32
      %dma_wait3A_718 = tpu.memref_slice %arg8[%dma_wait3A_714, %dma_wait3A_717] : memref<16x128xi32, #tpu.memory_space<vmem>> -> memref<1x128xi32, #tpu.memory_space<vmem>>
      %dma_wait3A_719 = tpu.memref_squeeze %dma_wait3A_718 : memref<1x128xi32, #tpu.memory_space<vmem>> -> memref<128xi32, #tpu.memory_space<vmem>>
      %dma_wait3A_720 = arith.constant 0 : i32
      %dma_wait3A_721 = tpu.memref_slice %arg16[%dma_wait3A_720] : memref<100096xf32, #tpu.memory_space<vmem_shared>> -> memref<100096xf32, #tpu.memory_space<vmem_shared>>
      tpu.wait_indirect_dma semaphore(%arg17 : memref<!tpu.dma_semaphore, #tpu.memory_space<semaphore_mem>>) src(%dma_wait3A_716 : memref<128xf32, #tpu.memory_space<vmem>>) dst(%dma_wait3A_721 : memref<100096xf32, #tpu.memory_space<vmem_shared>>)
      %dma_wait3A_722 = arith.constant 6 : i32
      %dma_wait3A_723 = arith.constant 768 : i32
      %dma_wait3A_724 = tpu.memref_slice %arg13[%dma_wait3A_723] : memref<2048xf32, #tpu.memory_space<vmem>> -> memref<128xf32, #tpu.memory_space<vmem>>
      %dma_wait3A_725 = arith.constant 0 : i32
      %dma_wait3A_726 = tpu.memref_slice %arg8[%dma_wait3A_722, %dma_wait3A_725] : memref<16x128xi32, #tpu.memory_space<vmem>> -> memref<1x128xi32, #tpu.memory_space<vmem>>
      %dma_wait3A_727 = tpu.memref_squeeze %dma_wait3A_726 : memref<1x128xi32, #tpu.memory_space<vmem>> -> memref<128xi32, #tpu.memory_space<vmem>>
      %dma_wait3A_728 = arith.constant 0 : i32
      %dma_wait3A_729 = tpu.memref_slice %arg16[%dma_wait3A_728] : memref<100096xf32, #tpu.memory_space<vmem_shared>> -> memref<100096xf32, #tpu.memory_space<vmem_shared>>
      tpu.wait_indirect_dma semaphore(%arg17 : memref<!tpu.dma_semaphore, #tpu.memory_space<semaphore_mem>>) src(%dma_wait3A_724 : memref<128xf32, #tpu.memory_space<vmem>>) dst(%dma_wait3A_729 : memref<100096xf32, #tpu.memory_space<vmem_shared>>)
      %dma_wait3A_730 = arith.constant 7 : i32
      %dma_wait3A_731 = arith.constant 896 : i32
      %dma_wait3A_732 = tpu.memref_slice %arg13[%dma_wait3A_731] : memref<2048xf32, #tpu.memory_space<vmem>> -> memref<128xf32, #tpu.memory_space<vmem>>
      %dma_wait3A_733 = arith.constant 0 : i32
      %dma_wait3A_734 = tpu.memref_slice %arg8[%dma_wait3A_730, %dma_wait3A_733] : memref<16x128xi32, #tpu.memory_space<vmem>> -> memref<1x128xi32, #tpu.memory_space<vmem>>
      %dma_wait3A_735 = tpu.memref_squeeze %dma_wait3A_734 : memref<1x128xi32, #tpu.memory_space<vmem>> -> memref<128xi32, #tpu.memory_space<vmem>>
      %dma_wait3A_736 = arith.constant 0 : i32
      %dma_wait3A_737 = tpu.memref_slice %arg16[%dma_wait3A_736] : memref<100096xf32, #tpu.memory_space<vmem_shared>> -> memref<100096xf32, #tpu.memory_space<vmem_shared>>
      tpu.wait_indirect_dma semaphore(%arg17 : memref<!tpu.dma_semaphore, #tpu.memory_space<semaphore_mem>>) src(%dma_wait3A_732 : memref<128xf32, #tpu.memory_space<vmem>>) dst(%dma_wait3A_737 : memref<100096xf32, #tpu.memory_space<vmem_shared>>)
      %dma_wait3A_738 = arith.constant 8 : i32
      %dma_wait3A_739 = arith.constant 1024 : i32
      %dma_wait3A_740 = tpu.memref_slice %arg13[%dma_wait3A_739] : memref<2048xf32, #tpu.memory_space<vmem>> -> memref<128xf32, #tpu.memory_space<vmem>>
      %dma_wait3A_741 = arith.constant 0 : i32
      %dma_wait3A_742 = tpu.memref_slice %arg8[%dma_wait3A_738, %dma_wait3A_741] : memref<16x128xi32, #tpu.memory_space<vmem>> -> memref<1x128xi32, #tpu.memory_space<vmem>>
      %dma_wait3A_743 = tpu.memref_squeeze %dma_wait3A_742 : memref<1x128xi32, #tpu.memory_space<vmem>> -> memref<128xi32, #tpu.memory_space<vmem>>
      %dma_wait3A_744 = arith.constant 0 : i32
      %dma_wait3A_745 = tpu.memref_slice %arg16[%dma_wait3A_744] : memref<100096xf32, #tpu.memory_space<vmem_shared>> -> memref<100096xf32, #tpu.memory_space<vmem_shared>>
      tpu.wait_indirect_dma semaphore(%arg17 : memref<!tpu.dma_semaphore, #tpu.memory_space<semaphore_mem>>) src(%dma_wait3A_740 : memref<128xf32, #tpu.memory_space<vmem>>) dst(%dma_wait3A_745 : memref<100096xf32, #tpu.memory_space<vmem_shared>>)
      %dma_wait3A_746 = arith.constant 9 : i32
      %dma_wait3A_747 = arith.constant 1152 : i32
      %dma_wait3A_748 = tpu.memref_slice %arg13[%dma_wait3A_747] : memref<2048xf32, #tpu.memory_space<vmem>> -> memref<128xf32, #tpu.memory_space<vmem>>
      %dma_wait3A_749 = arith.constant 0 : i32
      %dma_wait3A_750 = tpu.memref_slice %arg8[%dma_wait3A_746, %dma_wait3A_749] : memref<16x128xi32, #tpu.memory_space<vmem>> -> memref<1x128xi32, #tpu.memory_space<vmem>>
      %dma_wait3A_751 = tpu.memref_squeeze %dma_wait3A_750 : memref<1x128xi32, #tpu.memory_space<vmem>> -> memref<128xi32, #tpu.memory_space<vmem>>
      %dma_wait3A_752 = arith.constant 0 : i32
      %dma_wait3A_753 = tpu.memref_slice %arg16[%dma_wait3A_752] : memref<100096xf32, #tpu.memory_space<vmem_shared>> -> memref<100096xf32, #tpu.memory_space<vmem_shared>>
      tpu.wait_indirect_dma semaphore(%arg17 : memref<!tpu.dma_semaphore, #tpu.memory_space<semaphore_mem>>) src(%dma_wait3A_748 : memref<128xf32, #tpu.memory_space<vmem>>) dst(%dma_wait3A_753 : memref<100096xf32, #tpu.memory_space<vmem_shared>>)
      %dma_wait3A_754 = arith.constant 10 : i32
      %dma_wait3A_755 = arith.constant 1280 : i32
      %dma_wait3A_756 = tpu.memref_slice %arg13[%dma_wait3A_755] : memref<2048xf32, #tpu.memory_space<vmem>> -> memref<128xf32, #tpu.memory_space<vmem>>
      %dma_wait3A_757 = arith.constant 0 : i32
      %dma_wait3A_758 = tpu.memref_slice %arg8[%dma_wait3A_754, %dma_wait3A_757] : memref<16x128xi32, #tpu.memory_space<vmem>> -> memref<1x128xi32, #tpu.memory_space<vmem>>
      %dma_wait3A_759 = tpu.memref_squeeze %dma_wait3A_758 : memref<1x128xi32, #tpu.memory_space<vmem>> -> memref<128xi32, #tpu.memory_space<vmem>>
      %dma_wait3A_760 = arith.constant 0 : i32
      %dma_wait3A_761 = tpu.memref_slice %arg16[%dma_wait3A_760] : memref<100096xf32, #tpu.memory_space<vmem_shared>> -> memref<100096xf32, #tpu.memory_space<vmem_shared>>
      tpu.wait_indirect_dma semaphore(%arg17 : memref<!tpu.dma_semaphore, #tpu.memory_space<semaphore_mem>>) src(%dma_wait3A_756 : memref<128xf32, #tpu.memory_space<vmem>>) dst(%dma_wait3A_761 : memref<100096xf32, #tpu.memory_space<vmem_shared>>)
      %dma_wait3A_762 = arith.constant 11 : i32
      %dma_wait3A_763 = arith.constant 1408 : i32
      %dma_wait3A_764 = tpu.memref_slice %arg13[%dma_wait3A_763] : memref<2048xf32, #tpu.memory_space<vmem>> -> memref<128xf32, #tpu.memory_space<vmem>>
      %dma_wait3A_765 = arith.constant 0 : i32
      %dma_wait3A_766 = tpu.memref_slice %arg8[%dma_wait3A_762, %dma_wait3A_765] : memref<16x128xi32, #tpu.memory_space<vmem>> -> memref<1x128xi32, #tpu.memory_space<vmem>>
      %dma_wait3A_767 = tpu.memref_squeeze %dma_wait3A_766 : memref<1x128xi32, #tpu.memory_space<vmem>> -> memref<128xi32, #tpu.memory_space<vmem>>
      %dma_wait3A_768 = arith.constant 0 : i32
      %dma_wait3A_769 = tpu.memref_slice %arg16[%dma_wait3A_768] : memref<100096xf32, #tpu.memory_space<vmem_shared>> -> memref<100096xf32, #tpu.memory_space<vmem_shared>>
      tpu.wait_indirect_dma semaphore(%arg17 : memref<!tpu.dma_semaphore, #tpu.memory_space<semaphore_mem>>) src(%dma_wait3A_764 : memref<128xf32, #tpu.memory_space<vmem>>) dst(%dma_wait3A_769 : memref<100096xf32, #tpu.memory_space<vmem_shared>>)
      %dma_wait3A_770 = arith.constant 12 : i32
      %dma_wait3A_771 = arith.constant 1536 : i32
      %dma_wait3A_772 = tpu.memref_slice %arg13[%dma_wait3A_771] : memref<2048xf32, #tpu.memory_space<vmem>> -> memref<128xf32, #tpu.memory_space<vmem>>
      %dma_wait3A_773 = arith.constant 0 : i32
      %dma_wait3A_774 = tpu.memref_slice %arg8[%dma_wait3A_770, %dma_wait3A_773] : memref<16x128xi32, #tpu.memory_space<vmem>> -> memref<1x128xi32, #tpu.memory_space<vmem>>
      %dma_wait3A_775 = tpu.memref_squeeze %dma_wait3A_774 : memref<1x128xi32, #tpu.memory_space<vmem>> -> memref<128xi32, #tpu.memory_space<vmem>>
      %dma_wait3A_776 = arith.constant 0 : i32
      %dma_wait3A_777 = tpu.memref_slice %arg16[%dma_wait3A_776] : memref<100096xf32, #tpu.memory_space<vmem_shared>> -> memref<100096xf32, #tpu.memory_space<vmem_shared>>
      tpu.wait_indirect_dma semaphore(%arg17 : memref<!tpu.dma_semaphore, #tpu.memory_space<semaphore_mem>>) src(%dma_wait3A_772 : memref<128xf32, #tpu.memory_space<vmem>>) dst(%dma_wait3A_777 : memref<100096xf32, #tpu.memory_space<vmem_shared>>)
      %dma_wait3A_778 = arith.constant 13 : i32
      %dma_wait3A_779 = arith.constant 1664 : i32
      %dma_wait3A_780 = tpu.memref_slice %arg13[%dma_wait3A_779] : memref<2048xf32, #tpu.memory_space<vmem>> -> memref<128xf32, #tpu.memory_space<vmem>>
      %dma_wait3A_781 = arith.constant 0 : i32
      %dma_wait3A_782 = tpu.memref_slice %arg8[%dma_wait3A_778, %dma_wait3A_781] : memref<16x128xi32, #tpu.memory_space<vmem>> -> memref<1x128xi32, #tpu.memory_space<vmem>>
      %dma_wait3A_783 = tpu.memref_squeeze %dma_wait3A_782 : memref<1x128xi32, #tpu.memory_space<vmem>> -> memref<128xi32, #tpu.memory_space<vmem>>
      %dma_wait3A_784 = arith.constant 0 : i32
      %dma_wait3A_785 = tpu.memref_slice %arg16[%dma_wait3A_784] : memref<100096xf32, #tpu.memory_space<vmem_shared>> -> memref<100096xf32, #tpu.memory_space<vmem_shared>>
      tpu.wait_indirect_dma semaphore(%arg17 : memref<!tpu.dma_semaphore, #tpu.memory_space<semaphore_mem>>) src(%dma_wait3A_780 : memref<128xf32, #tpu.memory_space<vmem>>) dst(%dma_wait3A_785 : memref<100096xf32, #tpu.memory_space<vmem_shared>>)
      %dma_wait3A_786 = arith.constant 14 : i32
      %dma_wait3A_787 = arith.constant 1792 : i32
      %dma_wait3A_788 = tpu.memref_slice %arg13[%dma_wait3A_787] : memref<2048xf32, #tpu.memory_space<vmem>> -> memref<128xf32, #tpu.memory_space<vmem>>
      %dma_wait3A_789 = arith.constant 0 : i32
      %dma_wait3A_790 = tpu.memref_slice %arg8[%dma_wait3A_786, %dma_wait3A_789] : memref<16x128xi32, #tpu.memory_space<vmem>> -> memref<1x128xi32, #tpu.memory_space<vmem>>
      %dma_wait3A_791 = tpu.memref_squeeze %dma_wait3A_790 : memref<1x128xi32, #tpu.memory_space<vmem>> -> memref<128xi32, #tpu.memory_space<vmem>>
      %dma_wait3A_792 = arith.constant 0 : i32
      %dma_wait3A_793 = tpu.memref_slice %arg16[%dma_wait3A_792] : memref<100096xf32, #tpu.memory_space<vmem_shared>> -> memref<100096xf32, #tpu.memory_space<vmem_shared>>
      tpu.wait_indirect_dma semaphore(%arg17 : memref<!tpu.dma_semaphore, #tpu.memory_space<semaphore_mem>>) src(%dma_wait3A_788 : memref<128xf32, #tpu.memory_space<vmem>>) dst(%dma_wait3A_793 : memref<100096xf32, #tpu.memory_space<vmem_shared>>)
      %dma_wait3A_794 = arith.constant 15 : i32
      %dma_wait3A_795 = arith.constant 1920 : i32
      %dma_wait3A_796 = tpu.memref_slice %arg13[%dma_wait3A_795] : memref<2048xf32, #tpu.memory_space<vmem>> -> memref<128xf32, #tpu.memory_space<vmem>>
      %dma_wait3A_797 = arith.constant 0 : i32
      %dma_wait3A_798 = tpu.memref_slice %arg8[%dma_wait3A_794, %dma_wait3A_797] : memref<16x128xi32, #tpu.memory_space<vmem>> -> memref<1x128xi32, #tpu.memory_space<vmem>>
      %dma_wait3A_799 = tpu.memref_squeeze %dma_wait3A_798 : memref<1x128xi32, #tpu.memory_space<vmem>> -> memref<128xi32, #tpu.memory_space<vmem>>
      %dma_wait3A_800 = arith.constant 0 : i32
      %dma_wait3A_801 = tpu.memref_slice %arg16[%dma_wait3A_800] : memref<100096xf32, #tpu.memory_space<vmem_shared>> -> memref<100096xf32, #tpu.memory_space<vmem_shared>>
      tpu.wait_indirect_dma semaphore(%arg17 : memref<!tpu.dma_semaphore, #tpu.memory_space<semaphore_mem>>) src(%dma_wait3A_796 : memref<128xf32, #tpu.memory_space<vmem>>) dst(%dma_wait3A_801 : memref<100096xf32, #tpu.memory_space<vmem_shared>>)
      %scan3A_802 = arith.constant 0 : i32
      scf.yield %scan3A_802 : i32
    }
    %scan3A_15 = arith.constant 25 : i32
    %barrier3A_16 = arith.constant 0 : index
    tpu.barrier barrier_id(%barrier3A_16)
    %mul3A_17 = arith.constant 6256 : i32
    %mul3A_18 = arith.muli %arg1, %mul3A_17 : i32
    "tpu.region"() ({
      %run_scoped3A = tpu.sem_alloc : memref<!tpu.dma_semaphore, #tpu.memory_space<semaphore_mem>>
      %dma_start3A = tpu.memref_slice %arg16[%mul3A_18] : memref<100096xf32, #tpu.memory_space<vmem_shared>> -> memref<6256xf32, #tpu.memory_space<vmem_shared>>
      %dma_start3A_24 = tpu.memref_slice %arg16[%mul3A_18] : memref<100096xf32, #tpu.memory_space<vmem_shared>> -> memref<6256xf32, #tpu.memory_space<vmem_shared>>
      tpu.enqueue_dma source(%dma_start3A_24 : memref<6256xf32, #tpu.memory_space<vmem_shared>>) target(%arg15 : memref<6256xf32, #tpu.memory_space<vmem>>) target_semaphore(%run_scoped3A : memref<!tpu.dma_semaphore, #tpu.memory_space<semaphore_mem>>)
      %dma_wait3A = tpu.memref_slice %arg16[%mul3A_18] : memref<100096xf32, #tpu.memory_space<vmem_shared>> -> memref<6256xf32, #tpu.memory_space<vmem_shared>>
      %dma_wait3A_25 = tpu.memref_slice %arg16[%mul3A_18] : memref<100096xf32, #tpu.memory_space<vmem_shared>> -> memref<6256xf32, #tpu.memory_space<vmem_shared>>
      tpu.wait_dma2 semaphore(%run_scoped3A : memref<!tpu.dma_semaphore, #tpu.memory_space<semaphore_mem>>) src(%dma_wait3A_25 : memref<6256xf32, #tpu.memory_space<vmem_shared>>) dst(%arg15 : memref<6256xf32, #tpu.memory_space<vmem>>)
      tpu.yield
    }) : () -> ()
    %mul3A_19 = arith.constant 100096 : i32
    %mul3A_20 = arith.muli %arg0, %mul3A_19 : i32
    %mul3A_21 = arith.constant 6256 : i32
    %mul3A_22 = arith.muli %arg1, %mul3A_21 : i32
    %add3A_23 = arith.addi %mul3A_20, %mul3A_22 : i32
    "tpu.region"() ({
      %run_scoped3A = tpu.sem_alloc : memref<!tpu.dma_semaphore, #tpu.memory_space<semaphore_mem>>
      %dma_start3A = tpu.memref_slice %arg7[%add3A_23] : memref<200192xf32, #tpu.memory_space<hbm>> -> memref<6256xf32, #tpu.memory_space<hbm>>
      %dma_start3A_24 = tpu.memref_slice %arg7[%add3A_23] : memref<200192xf32, #tpu.memory_space<hbm>> -> memref<6256xf32, #tpu.memory_space<hbm>>
      tpu.enqueue_dma source(%arg15 : memref<6256xf32, #tpu.memory_space<vmem>>) target(%dma_start3A_24 : memref<6256xf32, #tpu.memory_space<hbm>>) target_semaphore(%run_scoped3A : memref<!tpu.dma_semaphore, #tpu.memory_space<semaphore_mem>>)
      %dma_wait3A = tpu.memref_slice %arg7[%add3A_23] : memref<200192xf32, #tpu.memory_space<hbm>> -> memref<6256xf32, #tpu.memory_space<hbm>>
      %dma_wait3A_25 = tpu.memref_slice %arg7[%add3A_23] : memref<200192xf32, #tpu.memory_space<hbm>> -> memref<6256xf32, #tpu.memory_space<hbm>>
      tpu.wait_dma2 semaphore(%run_scoped3A : memref<!tpu.dma_semaphore, #tpu.memory_space<semaphore_mem>>) src(%arg15 : memref<6256xf32, #tpu.memory_space<vmem>>) dst(%dma_wait3A_25 : memref<6256xf32, #tpu.memory_space<hbm>>)
      tpu.yield
    }) : () -> ()
    return
  }
}

#map = affine_map<(d0, d1) -> (0, 0, 0)>
#map1 = affine_map<(d0, d1) -> (0, 0)>
#map2 = affine_map<(d0, d1) -> (0)>
module attributes {stable_mosaic.version = 14 : i64} {
  func.func @_disp_kernel_body(%arg0: i32, %arg1: i32, %arg2: memref<800x16x128xi32, #tpu.memory_space<hbm>>, %arg3: memref<800x16x128xi32, #tpu.memory_space<hbm>>, %arg4: memref<800x2048xf32, #tpu.memory_space<hbm>>, %arg5: memref<100096xi32, #tpu.memory_space<hbm>>, %arg6: memref<100096xf32, #tpu.memory_space<hbm>>, %arg7: memref<7569x32xf32, #tpu.memory_space<hbm>>, %arg8: memref<96xf32, #tpu.memory_space<hbm>>, %arg9: memref<96xf32, #tpu.memory_space<hbm>>, %arg10: memref<448xf32, #tpu.memory_space<hbm>>, %arg11: memref<200192xf32, #tpu.memory_space<hbm>>, %arg12: memref<16x128xi32, #tpu.memory_space<vmem>>, %arg13: memref<16x128xi32, #tpu.memory_space<vmem>>, %arg14: memref<2048xf32, #tpu.memory_space<vmem>>, %arg15: memref<2048xi32, #tpu.memory_space<vmem>>, %arg16: memref<2048xi32, #tpu.memory_space<vmem>>, %arg17: memref<2048xf32, #tpu.memory_space<vmem>>, %arg18: memref<2048xf32, #tpu.memory_space<vmem>>, %arg19: memref<2048xi32, #tpu.memory_space<vmem>>, %arg20: memref<2048x32xf32, #tpu.memory_space<vmem>>, %arg21: memref<2048xf32, #tpu.memory_space<vmem>>, %arg22: memref<96xf32, #tpu.memory_space<vmem>>, %arg23: memref<448xf32, #tpu.memory_space<vmem>>, %arg24: memref<6256xf32, #tpu.memory_space<vmem>>, %arg25: memref<100096xf32, #tpu.memory_space<vmem_shared>>, %arg26: memref<!tpu.dma_semaphore, #tpu.memory_space<semaphore_mem>>) attributes {dimension_semantics = [#tpu.dimension_semantics<core_parallel>, #tpu.dimension_semantics<subcore_parallel>], iteration_bounds = array<i64: 2, 16>, scalar_prefetch = 0 : i64, scratch_operands = 15 : i64, tpu.core_type = #tpu.core_type<sc_vector_subcore>, window_params = [{transform_indices = #map}, {transform_indices = #map}, {transform_indices = #map1}, {transform_indices = #map2}, {transform_indices = #map2}, {transform_indices = #map1}, {transform_indices = #map2}, {transform_indices = #map2}, {transform_indices = #map2}, {transform_indices = #map2}]} {
    %mul3A = arith.constant 16 : i32
    %mul3A_0 = arith.muli %arg0, %mul3A : i32
    %add3A = arith.addi %mul3A_0, %arg1 : i32
    %scan3A = arith.constant 0 : i32
    %scan3A_1 = arith.constant 0 : i32
    %scan3A_2 = arith.constant 391 : i32
    %scan3A_3 = arith.addi %scan3A_1, %scan3A_2 : i32
    %scan3A_4 = arith.constant 1 : i32
    %scan3A_5 = scf.for %scan3A_24 = %scan3A_1 to %scan3A_3 step %scan3A_4 iter_args(%scan3A_25 = %scan3A) -> (i32)  : i32 {
      %broadcast_in_dim3A = arith.constant 0.000000e+00 : f32
      %broadcast_in_dim3A_26 = vector.broadcast %broadcast_in_dim3A : f32 to vector<16xf32>
      %mul3A_27 = arith.constant 16 : i32
      %mul3A_28 = arith.muli %scan3A_24, %mul3A_27 : i32
      %swap3A = arith.index_cast %mul3A_28 : i32 to index
      %swap3A_29 = tpu.vector_load %arg24[%swap3A] {strides = array<i32>} : memref<6256xf32, #tpu.memory_space<vmem>>, vector<16xf32>,
      tpu.vector_store %arg24[%swap3A], %broadcast_in_dim3A_26 {strides = array<i32>} : memref<6256xf32, #tpu.memory_space<vmem>>, vector<16xf32>,
      %scan3A_30 = arith.constant 0 : i32
      scf.yield %scan3A_30 : i32
    }
    %scan3A_6 = arith.constant 391 : i32
    %mul3A_7 = arith.constant 6256 : i32
    %mul3A_8 = arith.muli %arg1, %mul3A_7 : i32
    "tpu.region"() ({
      %run_scoped3A = tpu.sem_alloc : memref<!tpu.dma_semaphore, #tpu.memory_space<semaphore_mem>>
      %dma_start3A = tpu.memref_slice %arg25[%mul3A_8] : memref<100096xf32, #tpu.memory_space<vmem_shared>> -> memref<6256xf32, #tpu.memory_space<vmem_shared>>
      %dma_start3A_24 = tpu.memref_slice %arg25[%mul3A_8] : memref<100096xf32, #tpu.memory_space<vmem_shared>> -> memref<6256xf32, #tpu.memory_space<vmem_shared>>
      tpu.enqueue_dma source(%arg24 : memref<6256xf32, #tpu.memory_space<vmem>>) target(%dma_start3A_24 : memref<6256xf32, #tpu.memory_space<vmem_shared>>) target_semaphore(%run_scoped3A : memref<!tpu.dma_semaphore, #tpu.memory_space<semaphore_mem>>)
      %dma_wait3A = tpu.memref_slice %arg25[%mul3A_8] : memref<100096xf32, #tpu.memory_space<vmem_shared>> -> memref<6256xf32, #tpu.memory_space<vmem_shared>>
      %dma_wait3A_25 = tpu.memref_slice %arg25[%mul3A_8] : memref<100096xf32, #tpu.memory_space<vmem_shared>> -> memref<6256xf32, #tpu.memory_space<vmem_shared>>
      tpu.wait_dma2 semaphore(%run_scoped3A : memref<!tpu.dma_semaphore, #tpu.memory_space<semaphore_mem>>) src(%arg24 : memref<6256xf32, #tpu.memory_space<vmem>>) dst(%dma_wait3A_25 : memref<6256xf32, #tpu.memory_space<vmem_shared>>)
      tpu.yield
    }) : () -> ()
    "tpu.region"() ({
      %run_scoped3A = tpu.sem_alloc : memref<!tpu.dma_semaphore, #tpu.memory_space<semaphore_mem>>
      tpu.enqueue_dma source(%arg9 : memref<96xf32, #tpu.memory_space<hbm>>) target(%arg22 : memref<96xf32, #tpu.memory_space<vmem>>) target_semaphore(%run_scoped3A : memref<!tpu.dma_semaphore, #tpu.memory_space<semaphore_mem>>)
      tpu.wait_dma2 semaphore(%run_scoped3A : memref<!tpu.dma_semaphore, #tpu.memory_space<semaphore_mem>>) src(%arg9 : memref<96xf32, #tpu.memory_space<hbm>>) dst(%arg22 : memref<96xf32, #tpu.memory_space<vmem>>)
      tpu.yield
    }) : () -> ()
    "tpu.region"() ({
      %run_scoped3A = tpu.sem_alloc : memref<!tpu.dma_semaphore, #tpu.memory_space<semaphore_mem>>
      tpu.enqueue_dma source(%arg10 : memref<448xf32, #tpu.memory_space<hbm>>) target(%arg23 : memref<448xf32, #tpu.memory_space<vmem>>) target_semaphore(%run_scoped3A : memref<!tpu.dma_semaphore, #tpu.memory_space<semaphore_mem>>)
      tpu.wait_dma2 semaphore(%run_scoped3A : memref<!tpu.dma_semaphore, #tpu.memory_space<semaphore_mem>>) src(%arg10 : memref<448xf32, #tpu.memory_space<hbm>>) dst(%arg23 : memref<448xf32, #tpu.memory_space<vmem>>)
      tpu.yield
    }) : () -> ()
    %barrier3A = arith.constant 0 : index
    tpu.barrier barrier_id(%barrier3A)
    %scan3A_9 = arith.constant 0 : i32
    %scan3A_10 = arith.constant 0 : i32
    %scan3A_11 = arith.constant 25 : i32
    %scan3A_12 = arith.addi %scan3A_10, %scan3A_11 : i32
    %scan3A_13 = arith.constant 1 : i32
    %scan3A_14 = scf.for %scan3A_24 = %scan3A_10 to %scan3A_12 step %scan3A_13 iter_args(%scan3A_25 = %scan3A_9) -> (i32)  : i32 {
      %mul3A_26 = arith.constant 25 : i32
      %mul3A_27 = arith.muli %add3A, %mul3A_26 : i32
      %add3A_28 = arith.addi %mul3A_27, %scan3A_24 : i32
      "tpu.region"() ({
        %run_scoped3A = tpu.sem_alloc : memref<!tpu.dma_semaphore, #tpu.memory_space<semaphore_mem>>
        %dma_start3A_1578 = arith.constant 0 : i32
        %dma_start3A_1579 = arith.constant 0 : i32
        %dma_start3A_1580 = tpu.memref_slice %arg2[%add3A_28, %dma_start3A_1578, %dma_start3A_1579] : memref<800x16x128xi32, #tpu.memory_space<hbm>> -> memref<1x16x128xi32, #tpu.memory_space<hbm>>
        %dma_start3A_1581 = tpu.memref_squeeze %dma_start3A_1580 : memref<1x16x128xi32, #tpu.memory_space<hbm>> -> memref<16x128xi32, #tpu.memory_space<hbm>>
        %dma_start3A_1582 = arith.constant 0 : i32
        %dma_start3A_1583 = arith.constant 0 : i32
        %dma_start3A_1584 = tpu.memref_slice %arg2[%add3A_28, %dma_start3A_1582, %dma_start3A_1583] : memref<800x16x128xi32, #tpu.memory_space<hbm>> -> memref<1x16x128xi32, #tpu.memory_space<hbm>>
        %dma_start3A_1585 = tpu.memref_squeeze %dma_start3A_1584 : memref<1x16x128xi32, #tpu.memory_space<hbm>> -> memref<16x128xi32, #tpu.memory_space<hbm>>
        tpu.enqueue_dma source(%dma_start3A_1585 : memref<16x128xi32, #tpu.memory_space<hbm>>) target(%arg12 : memref<16x128xi32, #tpu.memory_space<vmem>>) target_semaphore(%run_scoped3A : memref<!tpu.dma_semaphore, #tpu.memory_space<semaphore_mem>>)
        %dma_wait3A_1586 = arith.constant 0 : i32
        %dma_wait3A_1587 = arith.constant 0 : i32
        %dma_wait3A_1588 = tpu.memref_slice %arg2[%add3A_28, %dma_wait3A_1586, %dma_wait3A_1587] : memref<800x16x128xi32, #tpu.memory_space<hbm>> -> memref<1x16x128xi32, #tpu.memory_space<hbm>>
        %dma_wait3A_1589 = tpu.memref_squeeze %dma_wait3A_1588 : memref<1x16x128xi32, #tpu.memory_space<hbm>> -> memref<16x128xi32, #tpu.memory_space<hbm>>
        %dma_wait3A_1590 = arith.constant 0 : i32
        %dma_wait3A_1591 = arith.constant 0 : i32
        %dma_wait3A_1592 = tpu.memref_slice %arg2[%add3A_28, %dma_wait3A_1590, %dma_wait3A_1591] : memref<800x16x128xi32, #tpu.memory_space<hbm>> -> memref<1x16x128xi32, #tpu.memory_space<hbm>>
        %dma_wait3A_1593 = tpu.memref_squeeze %dma_wait3A_1592 : memref<1x16x128xi32, #tpu.memory_space<hbm>> -> memref<16x128xi32, #tpu.memory_space<hbm>>
        tpu.wait_dma2 semaphore(%run_scoped3A : memref<!tpu.dma_semaphore, #tpu.memory_space<semaphore_mem>>) src(%dma_wait3A_1593 : memref<16x128xi32, #tpu.memory_space<hbm>>) dst(%arg12 : memref<16x128xi32, #tpu.memory_space<vmem>>)
        tpu.yield
      }) : () -> ()
      "tpu.region"() ({
        %run_scoped3A = tpu.sem_alloc : memref<!tpu.dma_semaphore, #tpu.memory_space<semaphore_mem>>
        %dma_start3A_1578 = arith.constant 0 : i32
        %dma_start3A_1579 = arith.constant 0 : i32
        %dma_start3A_1580 = tpu.memref_slice %arg3[%add3A_28, %dma_start3A_1578, %dma_start3A_1579] : memref<800x16x128xi32, #tpu.memory_space<hbm>> -> memref<1x16x128xi32, #tpu.memory_space<hbm>>
        %dma_start3A_1581 = tpu.memref_squeeze %dma_start3A_1580 : memref<1x16x128xi32, #tpu.memory_space<hbm>> -> memref<16x128xi32, #tpu.memory_space<hbm>>
        %dma_start3A_1582 = arith.constant 0 : i32
        %dma_start3A_1583 = arith.constant 0 : i32
        %dma_start3A_1584 = tpu.memref_slice %arg3[%add3A_28, %dma_start3A_1582, %dma_start3A_1583] : memref<800x16x128xi32, #tpu.memory_space<hbm>> -> memref<1x16x128xi32, #tpu.memory_space<hbm>>
        %dma_start3A_1585 = tpu.memref_squeeze %dma_start3A_1584 : memref<1x16x128xi32, #tpu.memory_space<hbm>> -> memref<16x128xi32, #tpu.memory_space<hbm>>
        tpu.enqueue_dma source(%dma_start3A_1585 : memref<16x128xi32, #tpu.memory_space<hbm>>) target(%arg13 : memref<16x128xi32, #tpu.memory_space<vmem>>) target_semaphore(%run_scoped3A : memref<!tpu.dma_semaphore, #tpu.memory_space<semaphore_mem>>)
        %dma_wait3A_1586 = arith.constant 0 : i32
        %dma_wait3A_1587 = arith.constant 0 : i32
        %dma_wait3A_1588 = tpu.memref_slice %arg3[%add3A_28, %dma_wait3A_1586, %dma_wait3A_1587] : memref<800x16x128xi32, #tpu.memory_space<hbm>> -> memref<1x16x128xi32, #tpu.memory_space<hbm>>
        %dma_wait3A_1589 = tpu.memref_squeeze %dma_wait3A_1588 : memref<1x16x128xi32, #tpu.memory_space<hbm>> -> memref<16x128xi32, #tpu.memory_space<hbm>>
        %dma_wait3A_1590 = arith.constant 0 : i32
        %dma_wait3A_1591 = arith.constant 0 : i32
        %dma_wait3A_1592 = tpu.memref_slice %arg3[%add3A_28, %dma_wait3A_1590, %dma_wait3A_1591] : memref<800x16x128xi32, #tpu.memory_space<hbm>> -> memref<1x16x128xi32, #tpu.memory_space<hbm>>
        %dma_wait3A_1593 = tpu.memref_squeeze %dma_wait3A_1592 : memref<1x16x128xi32, #tpu.memory_space<hbm>> -> memref<16x128xi32, #tpu.memory_space<hbm>>
        tpu.wait_dma2 semaphore(%run_scoped3A : memref<!tpu.dma_semaphore, #tpu.memory_space<semaphore_mem>>) src(%dma_wait3A_1593 : memref<16x128xi32, #tpu.memory_space<hbm>>) dst(%arg13 : memref<16x128xi32, #tpu.memory_space<vmem>>)
        tpu.yield
      }) : () -> ()
      "tpu.region"() ({
        %run_scoped3A = tpu.sem_alloc : memref<!tpu.dma_semaphore, #tpu.memory_space<semaphore_mem>>
        %dma_start3A_1578 = arith.constant 0 : i32
        %dma_start3A_1579 = tpu.memref_slice %arg4[%add3A_28, %dma_start3A_1578] : memref<800x2048xf32, #tpu.memory_space<hbm>> -> memref<1x2048xf32, #tpu.memory_space<hbm>>
        %dma_start3A_1580 = tpu.memref_squeeze %dma_start3A_1579 : memref<1x2048xf32, #tpu.memory_space<hbm>> -> memref<2048xf32, #tpu.memory_space<hbm>>
        %dma_start3A_1581 = arith.constant 0 : i32
        %dma_start3A_1582 = tpu.memref_slice %arg4[%add3A_28, %dma_start3A_1581] : memref<800x2048xf32, #tpu.memory_space<hbm>> -> memref<1x2048xf32, #tpu.memory_space<hbm>>
        %dma_start3A_1583 = tpu.memref_squeeze %dma_start3A_1582 : memref<1x2048xf32, #tpu.memory_space<hbm>> -> memref<2048xf32, #tpu.memory_space<hbm>>
        tpu.enqueue_dma source(%dma_start3A_1583 : memref<2048xf32, #tpu.memory_space<hbm>>) target(%arg14 : memref<2048xf32, #tpu.memory_space<vmem>>) target_semaphore(%run_scoped3A : memref<!tpu.dma_semaphore, #tpu.memory_space<semaphore_mem>>)
        %dma_wait3A_1584 = arith.constant 0 : i32
        %dma_wait3A_1585 = tpu.memref_slice %arg4[%add3A_28, %dma_wait3A_1584] : memref<800x2048xf32, #tpu.memory_space<hbm>> -> memref<1x2048xf32, #tpu.memory_space<hbm>>
        %dma_wait3A_1586 = tpu.memref_squeeze %dma_wait3A_1585 : memref<1x2048xf32, #tpu.memory_space<hbm>> -> memref<2048xf32, #tpu.memory_space<hbm>>
        %dma_wait3A_1587 = arith.constant 0 : i32
        %dma_wait3A_1588 = tpu.memref_slice %arg4[%add3A_28, %dma_wait3A_1587] : memref<800x2048xf32, #tpu.memory_space<hbm>> -> memref<1x2048xf32, #tpu.memory_space<hbm>>
        %dma_wait3A_1589 = tpu.memref_squeeze %dma_wait3A_1588 : memref<1x2048xf32, #tpu.memory_space<hbm>> -> memref<2048xf32, #tpu.memory_space<hbm>>
        tpu.wait_dma2 semaphore(%run_scoped3A : memref<!tpu.dma_semaphore, #tpu.memory_space<semaphore_mem>>) src(%dma_wait3A_1589 : memref<2048xf32, #tpu.memory_space<hbm>>) dst(%arg14 : memref<2048xf32, #tpu.memory_space<vmem>>)
        tpu.yield
      }) : () -> ()
      %dma_start3A = arith.constant 0 : i32
      %dma_start3A_29 = arith.constant 0 : i32
      %dma_start3A_30 = tpu.memref_slice %arg15[%dma_start3A_29] : memref<2048xi32, #tpu.memory_space<vmem>> -> memref<128xi32, #tpu.memory_space<vmem>>
      %dma_start3A_31 = arith.constant 0 : i32
      %dma_start3A_32 = tpu.memref_slice %arg12[%dma_start3A, %dma_start3A_31] : memref<16x128xi32, #tpu.memory_space<vmem>> -> memref<1x128xi32, #tpu.memory_space<vmem>>
      %dma_start3A_33 = tpu.memref_squeeze %dma_start3A_32 : memref<1x128xi32, #tpu.memory_space<vmem>> -> memref<128xi32, #tpu.memory_space<vmem>>
      %dma_start3A_34 = arith.constant 0 : i32
      %dma_start3A_35 = tpu.memref_slice %arg5[%dma_start3A_34] : memref<100096xi32, #tpu.memory_space<hbm>> -> memref<100096xi32, #tpu.memory_space<hbm>>
      tpu.enqueue_indirect_dma source(%dma_start3A_35 : memref<100096xi32, #tpu.memory_space<hbm>>) target(%dma_start3A_30 : memref<128xi32, #tpu.memory_space<vmem>>) offsets(%dma_start3A_33 : memref<128xi32, #tpu.memory_space<vmem>>) semaphore(%arg26 : memref<!tpu.dma_semaphore, #tpu.memory_space<semaphore_mem>>)
      %dma_start3A_36 = arith.constant 0 : i32
      %dma_start3A_37 = arith.constant 0 : i32
      %dma_start3A_38 = tpu.memref_slice %arg16[%dma_start3A_37] : memref<2048xi32, #tpu.memory_space<vmem>> -> memref<128xi32, #tpu.memory_space<vmem>>
      %dma_start3A_39 = arith.constant 0 : i32
      %dma_start3A_40 = tpu.memref_slice %arg13[%dma_start3A_36, %dma_start3A_39] : memref<16x128xi32, #tpu.memory_space<vmem>> -> memref<1x128xi32, #tpu.memory_space<vmem>>
      %dma_start3A_41 = tpu.memref_squeeze %dma_start3A_40 : memref<1x128xi32, #tpu.memory_space<vmem>> -> memref<128xi32, #tpu.memory_space<vmem>>
      %dma_start3A_42 = arith.constant 0 : i32
      %dma_start3A_43 = tpu.memref_slice %arg5[%dma_start3A_42] : memref<100096xi32, #tpu.memory_space<hbm>> -> memref<100096xi32, #tpu.memory_space<hbm>>
      tpu.enqueue_indirect_dma source(%dma_start3A_43 : memref<100096xi32, #tpu.memory_space<hbm>>) target(%dma_start3A_38 : memref<128xi32, #tpu.memory_space<vmem>>) offsets(%dma_start3A_41 : memref<128xi32, #tpu.memory_space<vmem>>) semaphore(%arg26 : memref<!tpu.dma_semaphore, #tpu.memory_space<semaphore_mem>>)
      %dma_start3A_44 = arith.constant 0 : i32
      %dma_start3A_45 = arith.constant 0 : i32
      %dma_start3A_46 = tpu.memref_slice %arg17[%dma_start3A_45] : memref<2048xf32, #tpu.memory_space<vmem>> -> memref<128xf32, #tpu.memory_space<vmem>>
      %dma_start3A_47 = arith.constant 0 : i32
      %dma_start3A_48 = tpu.memref_slice %arg12[%dma_start3A_44, %dma_start3A_47] : memref<16x128xi32, #tpu.memory_space<vmem>> -> memref<1x128xi32, #tpu.memory_space<vmem>>
      %dma_start3A_49 = tpu.memref_squeeze %dma_start3A_48 : memref<1x128xi32, #tpu.memory_space<vmem>> -> memref<128xi32, #tpu.memory_space<vmem>>
      %dma_start3A_50 = arith.constant 0 : i32
      %dma_start3A_51 = tpu.memref_slice %arg6[%dma_start3A_50] : memref<100096xf32, #tpu.memory_space<hbm>> -> memref<100096xf32, #tpu.memory_space<hbm>>
      tpu.enqueue_indirect_dma source(%dma_start3A_51 : memref<100096xf32, #tpu.memory_space<hbm>>) target(%dma_start3A_46 : memref<128xf32, #tpu.memory_space<vmem>>) offsets(%dma_start3A_49 : memref<128xi32, #tpu.memory_space<vmem>>) semaphore(%arg26 : memref<!tpu.dma_semaphore, #tpu.memory_space<semaphore_mem>>)
      %dma_start3A_52 = arith.constant 0 : i32
      %dma_start3A_53 = arith.constant 0 : i32
      %dma_start3A_54 = tpu.memref_slice %arg18[%dma_start3A_53] : memref<2048xf32, #tpu.memory_space<vmem>> -> memref<128xf32, #tpu.memory_space<vmem>>
      %dma_start3A_55 = arith.constant 0 : i32
      %dma_start3A_56 = tpu.memref_slice %arg13[%dma_start3A_52, %dma_start3A_55] : memref<16x128xi32, #tpu.memory_space<vmem>> -> memref<1x128xi32, #tpu.memory_space<vmem>>
      %dma_start3A_57 = tpu.memref_squeeze %dma_start3A_56 : memref<1x128xi32, #tpu.memory_space<vmem>> -> memref<128xi32, #tpu.memory_space<vmem>>
      %dma_start3A_58 = arith.constant 0 : i32
      %dma_start3A_59 = tpu.memref_slice %arg6[%dma_start3A_58] : memref<100096xf32, #tpu.memory_space<hbm>> -> memref<100096xf32, #tpu.memory_space<hbm>>
      tpu.enqueue_indirect_dma source(%dma_start3A_59 : memref<100096xf32, #tpu.memory_space<hbm>>) target(%dma_start3A_54 : memref<128xf32, #tpu.memory_space<vmem>>) offsets(%dma_start3A_57 : memref<128xi32, #tpu.memory_space<vmem>>) semaphore(%arg26 : memref<!tpu.dma_semaphore, #tpu.memory_space<semaphore_mem>>)
      %dma_start3A_60 = arith.constant 1 : i32
      %dma_start3A_61 = arith.constant 128 : i32
      %dma_start3A_62 = tpu.memref_slice %arg15[%dma_start3A_61] : memref<2048xi32, #tpu.memory_space<vmem>> -> memref<128xi32, #tpu.memory_space<vmem>>
      %dma_start3A_63 = arith.constant 0 : i32
      %dma_start3A_64 = tpu.memref_slice %arg12[%dma_start3A_60, %dma_start3A_63] : memref<16x128xi32, #tpu.memory_space<vmem>> -> memref<1x128xi32, #tpu.memory_space<vmem>>
      %dma_start3A_65 = tpu.memref_squeeze %dma_start3A_64 : memref<1x128xi32, #tpu.memory_space<vmem>> -> memref<128xi32, #tpu.memory_space<vmem>>
      %dma_start3A_66 = arith.constant 0 : i32
      %dma_start3A_67 = tpu.memref_slice %arg5[%dma_start3A_66] : memref<100096xi32, #tpu.memory_space<hbm>> -> memref<100096xi32, #tpu.memory_space<hbm>>
      tpu.enqueue_indirect_dma source(%dma_start3A_67 : memref<100096xi32, #tpu.memory_space<hbm>>) target(%dma_start3A_62 : memref<128xi32, #tpu.memory_space<vmem>>) offsets(%dma_start3A_65 : memref<128xi32, #tpu.memory_space<vmem>>) semaphore(%arg26 : memref<!tpu.dma_semaphore, #tpu.memory_space<semaphore_mem>>)
      %dma_start3A_68 = arith.constant 1 : i32
      %dma_start3A_69 = arith.constant 128 : i32
      %dma_start3A_70 = tpu.memref_slice %arg16[%dma_start3A_69] : memref<2048xi32, #tpu.memory_space<vmem>> -> memref<128xi32, #tpu.memory_space<vmem>>
      %dma_start3A_71 = arith.constant 0 : i32
      %dma_start3A_72 = tpu.memref_slice %arg13[%dma_start3A_68, %dma_start3A_71] : memref<16x128xi32, #tpu.memory_space<vmem>> -> memref<1x128xi32, #tpu.memory_space<vmem>>
      %dma_start3A_73 = tpu.memref_squeeze %dma_start3A_72 : memref<1x128xi32, #tpu.memory_space<vmem>> -> memref<128xi32, #tpu.memory_space<vmem>>
      %dma_start3A_74 = arith.constant 0 : i32
      %dma_start3A_75 = tpu.memref_slice %arg5[%dma_start3A_74] : memref<100096xi32, #tpu.memory_space<hbm>> -> memref<100096xi32, #tpu.memory_space<hbm>>
      tpu.enqueue_indirect_dma source(%dma_start3A_75 : memref<100096xi32, #tpu.memory_space<hbm>>) target(%dma_start3A_70 : memref<128xi32, #tpu.memory_space<vmem>>) offsets(%dma_start3A_73 : memref<128xi32, #tpu.memory_space<vmem>>) semaphore(%arg26 : memref<!tpu.dma_semaphore, #tpu.memory_space<semaphore_mem>>)
      %dma_start3A_76 = arith.constant 1 : i32
      %dma_start3A_77 = arith.constant 128 : i32
      %dma_start3A_78 = tpu.memref_slice %arg17[%dma_start3A_77] : memref<2048xf32, #tpu.memory_space<vmem>> -> memref<128xf32, #tpu.memory_space<vmem>>
      %dma_start3A_79 = arith.constant 0 : i32
      %dma_start3A_80 = tpu.memref_slice %arg12[%dma_start3A_76, %dma_start3A_79] : memref<16x128xi32, #tpu.memory_space<vmem>> -> memref<1x128xi32, #tpu.memory_space<vmem>>
      %dma_start3A_81 = tpu.memref_squeeze %dma_start3A_80 : memref<1x128xi32, #tpu.memory_space<vmem>> -> memref<128xi32, #tpu.memory_space<vmem>>
      %dma_start3A_82 = arith.constant 0 : i32
      %dma_start3A_83 = tpu.memref_slice %arg6[%dma_start3A_82] : memref<100096xf32, #tpu.memory_space<hbm>> -> memref<100096xf32, #tpu.memory_space<hbm>>
      tpu.enqueue_indirect_dma source(%dma_start3A_83 : memref<100096xf32, #tpu.memory_space<hbm>>) target(%dma_start3A_78 : memref<128xf32, #tpu.memory_space<vmem>>) offsets(%dma_start3A_81 : memref<128xi32, #tpu.memory_space<vmem>>) semaphore(%arg26 : memref<!tpu.dma_semaphore, #tpu.memory_space<semaphore_mem>>)
      %dma_start3A_84 = arith.constant 1 : i32
      %dma_start3A_85 = arith.constant 128 : i32
      %dma_start3A_86 = tpu.memref_slice %arg18[%dma_start3A_85] : memref<2048xf32, #tpu.memory_space<vmem>> -> memref<128xf32, #tpu.memory_space<vmem>>
      %dma_start3A_87 = arith.constant 0 : i32
      %dma_start3A_88 = tpu.memref_slice %arg13[%dma_start3A_84, %dma_start3A_87] : memref<16x128xi32, #tpu.memory_space<vmem>> -> memref<1x128xi32, #tpu.memory_space<vmem>>
      %dma_start3A_89 = tpu.memref_squeeze %dma_start3A_88 : memref<1x128xi32, #tpu.memory_space<vmem>> -> memref<128xi32, #tpu.memory_space<vmem>>
      %dma_start3A_90 = arith.constant 0 : i32
      %dma_start3A_91 = tpu.memref_slice %arg6[%dma_start3A_90] : memref<100096xf32, #tpu.memory_space<hbm>> -> memref<100096xf32, #tpu.memory_space<hbm>>
      tpu.enqueue_indirect_dma source(%dma_start3A_91 : memref<100096xf32, #tpu.memory_space<hbm>>) target(%dma_start3A_86 : memref<128xf32, #tpu.memory_space<vmem>>) offsets(%dma_start3A_89 : memref<128xi32, #tpu.memory_space<vmem>>) semaphore(%arg26 : memref<!tpu.dma_semaphore, #tpu.memory_space<semaphore_mem>>)
      %dma_start3A_92 = arith.constant 2 : i32
      %dma_start3A_93 = arith.constant 256 : i32
      %dma_start3A_94 = tpu.memref_slice %arg15[%dma_start3A_93] : memref<2048xi32, #tpu.memory_space<vmem>> -> memref<128xi32, #tpu.memory_space<vmem>>
      %dma_start3A_95 = arith.constant 0 : i32
      %dma_start3A_96 = tpu.memref_slice %arg12[%dma_start3A_92, %dma_start3A_95] : memref<16x128xi32, #tpu.memory_space<vmem>> -> memref<1x128xi32, #tpu.memory_space<vmem>>
      %dma_start3A_97 = tpu.memref_squeeze %dma_start3A_96 : memref<1x128xi32, #tpu.memory_space<vmem>> -> memref<128xi32, #tpu.memory_space<vmem>>
      %dma_start3A_98 = arith.constant 0 : i32
      %dma_start3A_99 = tpu.memref_slice %arg5[%dma_start3A_98] : memref<100096xi32, #tpu.memory_space<hbm>> -> memref<100096xi32, #tpu.memory_space<hbm>>
      tpu.enqueue_indirect_dma source(%dma_start3A_99 : memref<100096xi32, #tpu.memory_space<hbm>>) target(%dma_start3A_94 : memref<128xi32, #tpu.memory_space<vmem>>) offsets(%dma_start3A_97 : memref<128xi32, #tpu.memory_space<vmem>>) semaphore(%arg26 : memref<!tpu.dma_semaphore, #tpu.memory_space<semaphore_mem>>)
      %dma_start3A_100 = arith.constant 2 : i32
      %dma_start3A_101 = arith.constant 256 : i32
      %dma_start3A_102 = tpu.memref_slice %arg16[%dma_start3A_101] : memref<2048xi32, #tpu.memory_space<vmem>> -> memref<128xi32, #tpu.memory_space<vmem>>
      %dma_start3A_103 = arith.constant 0 : i32
      %dma_start3A_104 = tpu.memref_slice %arg13[%dma_start3A_100, %dma_start3A_103] : memref<16x128xi32, #tpu.memory_space<vmem>> -> memref<1x128xi32, #tpu.memory_space<vmem>>
      %dma_start3A_105 = tpu.memref_squeeze %dma_start3A_104 : memref<1x128xi32, #tpu.memory_space<vmem>> -> memref<128xi32, #tpu.memory_space<vmem>>
      %dma_start3A_106 = arith.constant 0 : i32
      %dma_start3A_107 = tpu.memref_slice %arg5[%dma_start3A_106] : memref<100096xi32, #tpu.memory_space<hbm>> -> memref<100096xi32, #tpu.memory_space<hbm>>
      tpu.enqueue_indirect_dma source(%dma_start3A_107 : memref<100096xi32, #tpu.memory_space<hbm>>) target(%dma_start3A_102 : memref<128xi32, #tpu.memory_space<vmem>>) offsets(%dma_start3A_105 : memref<128xi32, #tpu.memory_space<vmem>>) semaphore(%arg26 : memref<!tpu.dma_semaphore, #tpu.memory_space<semaphore_mem>>)
      %dma_start3A_108 = arith.constant 2 : i32
      %dma_start3A_109 = arith.constant 256 : i32
      %dma_start3A_110 = tpu.memref_slice %arg17[%dma_start3A_109] : memref<2048xf32, #tpu.memory_space<vmem>> -> memref<128xf32, #tpu.memory_space<vmem>>
      %dma_start3A_111 = arith.constant 0 : i32
      %dma_start3A_112 = tpu.memref_slice %arg12[%dma_start3A_108, %dma_start3A_111] : memref<16x128xi32, #tpu.memory_space<vmem>> -> memref<1x128xi32, #tpu.memory_space<vmem>>
      %dma_start3A_113 = tpu.memref_squeeze %dma_start3A_112 : memref<1x128xi32, #tpu.memory_space<vmem>> -> memref<128xi32, #tpu.memory_space<vmem>>
      %dma_start3A_114 = arith.constant 0 : i32
      %dma_start3A_115 = tpu.memref_slice %arg6[%dma_start3A_114] : memref<100096xf32, #tpu.memory_space<hbm>> -> memref<100096xf32, #tpu.memory_space<hbm>>
      tpu.enqueue_indirect_dma source(%dma_start3A_115 : memref<100096xf32, #tpu.memory_space<hbm>>) target(%dma_start3A_110 : memref<128xf32, #tpu.memory_space<vmem>>) offsets(%dma_start3A_113 : memref<128xi32, #tpu.memory_space<vmem>>) semaphore(%arg26 : memref<!tpu.dma_semaphore, #tpu.memory_space<semaphore_mem>>)
      %dma_start3A_116 = arith.constant 2 : i32
      %dma_start3A_117 = arith.constant 256 : i32
      %dma_start3A_118 = tpu.memref_slice %arg18[%dma_start3A_117] : memref<2048xf32, #tpu.memory_space<vmem>> -> memref<128xf32, #tpu.memory_space<vmem>>
      %dma_start3A_119 = arith.constant 0 : i32
      %dma_start3A_120 = tpu.memref_slice %arg13[%dma_start3A_116, %dma_start3A_119] : memref<16x128xi32, #tpu.memory_space<vmem>> -> memref<1x128xi32, #tpu.memory_space<vmem>>
      %dma_start3A_121 = tpu.memref_squeeze %dma_start3A_120 : memref<1x128xi32, #tpu.memory_space<vmem>> -> memref<128xi32, #tpu.memory_space<vmem>>
      %dma_start3A_122 = arith.constant 0 : i32
      %dma_start3A_123 = tpu.memref_slice %arg6[%dma_start3A_122] : memref<100096xf32, #tpu.memory_space<hbm>> -> memref<100096xf32, #tpu.memory_space<hbm>>
      tpu.enqueue_indirect_dma source(%dma_start3A_123 : memref<100096xf32, #tpu.memory_space<hbm>>) target(%dma_start3A_118 : memref<128xf32, #tpu.memory_space<vmem>>) offsets(%dma_start3A_121 : memref<128xi32, #tpu.memory_space<vmem>>) semaphore(%arg26 : memref<!tpu.dma_semaphore, #tpu.memory_space<semaphore_mem>>)
      %dma_start3A_124 = arith.constant 3 : i32
      %dma_start3A_125 = arith.constant 384 : i32
      %dma_start3A_126 = tpu.memref_slice %arg15[%dma_start3A_125] : memref<2048xi32, #tpu.memory_space<vmem>> -> memref<128xi32, #tpu.memory_space<vmem>>
      %dma_start3A_127 = arith.constant 0 : i32
      %dma_start3A_128 = tpu.memref_slice %arg12[%dma_start3A_124, %dma_start3A_127] : memref<16x128xi32, #tpu.memory_space<vmem>> -> memref<1x128xi32, #tpu.memory_space<vmem>>
      %dma_start3A_129 = tpu.memref_squeeze %dma_start3A_128 : memref<1x128xi32, #tpu.memory_space<vmem>> -> memref<128xi32, #tpu.memory_space<vmem>>
      %dma_start3A_130 = arith.constant 0 : i32
      %dma_start3A_131 = tpu.memref_slice %arg5[%dma_start3A_130] : memref<100096xi32, #tpu.memory_space<hbm>> -> memref<100096xi32, #tpu.memory_space<hbm>>
      tpu.enqueue_indirect_dma source(%dma_start3A_131 : memref<100096xi32, #tpu.memory_space<hbm>>) target(%dma_start3A_126 : memref<128xi32, #tpu.memory_space<vmem>>) offsets(%dma_start3A_129 : memref<128xi32, #tpu.memory_space<vmem>>) semaphore(%arg26 : memref<!tpu.dma_semaphore, #tpu.memory_space<semaphore_mem>>)
      %dma_start3A_132 = arith.constant 3 : i32
      %dma_start3A_133 = arith.constant 384 : i32
      %dma_start3A_134 = tpu.memref_slice %arg16[%dma_start3A_133] : memref<2048xi32, #tpu.memory_space<vmem>> -> memref<128xi32, #tpu.memory_space<vmem>>
      %dma_start3A_135 = arith.constant 0 : i32
      %dma_start3A_136 = tpu.memref_slice %arg13[%dma_start3A_132, %dma_start3A_135] : memref<16x128xi32, #tpu.memory_space<vmem>> -> memref<1x128xi32, #tpu.memory_space<vmem>>
      %dma_start3A_137 = tpu.memref_squeeze %dma_start3A_136 : memref<1x128xi32, #tpu.memory_space<vmem>> -> memref<128xi32, #tpu.memory_space<vmem>>
      %dma_start3A_138 = arith.constant 0 : i32
      %dma_start3A_139 = tpu.memref_slice %arg5[%dma_start3A_138] : memref<100096xi32, #tpu.memory_space<hbm>> -> memref<100096xi32, #tpu.memory_space<hbm>>
      tpu.enqueue_indirect_dma source(%dma_start3A_139 : memref<100096xi32, #tpu.memory_space<hbm>>) target(%dma_start3A_134 : memref<128xi32, #tpu.memory_space<vmem>>) offsets(%dma_start3A_137 : memref<128xi32, #tpu.memory_space<vmem>>) semaphore(%arg26 : memref<!tpu.dma_semaphore, #tpu.memory_space<semaphore_mem>>)
      %dma_start3A_140 = arith.constant 3 : i32
      %dma_start3A_141 = arith.constant 384 : i32
      %dma_start3A_142 = tpu.memref_slice %arg17[%dma_start3A_141] : memref<2048xf32, #tpu.memory_space<vmem>> -> memref<128xf32, #tpu.memory_space<vmem>>
      %dma_start3A_143 = arith.constant 0 : i32
      %dma_start3A_144 = tpu.memref_slice %arg12[%dma_start3A_140, %dma_start3A_143] : memref<16x128xi32, #tpu.memory_space<vmem>> -> memref<1x128xi32, #tpu.memory_space<vmem>>
      %dma_start3A_145 = tpu.memref_squeeze %dma_start3A_144 : memref<1x128xi32, #tpu.memory_space<vmem>> -> memref<128xi32, #tpu.memory_space<vmem>>
      %dma_start3A_146 = arith.constant 0 : i32
      %dma_start3A_147 = tpu.memref_slice %arg6[%dma_start3A_146] : memref<100096xf32, #tpu.memory_space<hbm>> -> memref<100096xf32, #tpu.memory_space<hbm>>
      tpu.enqueue_indirect_dma source(%dma_start3A_147 : memref<100096xf32, #tpu.memory_space<hbm>>) target(%dma_start3A_142 : memref<128xf32, #tpu.memory_space<vmem>>) offsets(%dma_start3A_145 : memref<128xi32, #tpu.memory_space<vmem>>) semaphore(%arg26 : memref<!tpu.dma_semaphore, #tpu.memory_space<semaphore_mem>>)
      %dma_start3A_148 = arith.constant 3 : i32
      %dma_start3A_149 = arith.constant 384 : i32
      %dma_start3A_150 = tpu.memref_slice %arg18[%dma_start3A_149] : memref<2048xf32, #tpu.memory_space<vmem>> -> memref<128xf32, #tpu.memory_space<vmem>>
      %dma_start3A_151 = arith.constant 0 : i32
      %dma_start3A_152 = tpu.memref_slice %arg13[%dma_start3A_148, %dma_start3A_151] : memref<16x128xi32, #tpu.memory_space<vmem>> -> memref<1x128xi32, #tpu.memory_space<vmem>>
      %dma_start3A_153 = tpu.memref_squeeze %dma_start3A_152 : memref<1x128xi32, #tpu.memory_space<vmem>> -> memref<128xi32, #tpu.memory_space<vmem>>
      %dma_start3A_154 = arith.constant 0 : i32
      %dma_start3A_155 = tpu.memref_slice %arg6[%dma_start3A_154] : memref<100096xf32, #tpu.memory_space<hbm>> -> memref<100096xf32, #tpu.memory_space<hbm>>
      tpu.enqueue_indirect_dma source(%dma_start3A_155 : memref<100096xf32, #tpu.memory_space<hbm>>) target(%dma_start3A_150 : memref<128xf32, #tpu.memory_space<vmem>>) offsets(%dma_start3A_153 : memref<128xi32, #tpu.memory_space<vmem>>) semaphore(%arg26 : memref<!tpu.dma_semaphore, #tpu.memory_space<semaphore_mem>>)
      %dma_start3A_156 = arith.constant 4 : i32
      %dma_start3A_157 = arith.constant 512 : i32
      %dma_start3A_158 = tpu.memref_slice %arg15[%dma_start3A_157] : memref<2048xi32, #tpu.memory_space<vmem>> -> memref<128xi32, #tpu.memory_space<vmem>>
      %dma_start3A_159 = arith.constant 0 : i32
      %dma_start3A_160 = tpu.memref_slice %arg12[%dma_start3A_156, %dma_start3A_159] : memref<16x128xi32, #tpu.memory_space<vmem>> -> memref<1x128xi32, #tpu.memory_space<vmem>>
      %dma_start3A_161 = tpu.memref_squeeze %dma_start3A_160 : memref<1x128xi32, #tpu.memory_space<vmem>> -> memref<128xi32, #tpu.memory_space<vmem>>
      %dma_start3A_162 = arith.constant 0 : i32
      %dma_start3A_163 = tpu.memref_slice %arg5[%dma_start3A_162] : memref<100096xi32, #tpu.memory_space<hbm>> -> memref<100096xi32, #tpu.memory_space<hbm>>
      tpu.enqueue_indirect_dma source(%dma_start3A_163 : memref<100096xi32, #tpu.memory_space<hbm>>) target(%dma_start3A_158 : memref<128xi32, #tpu.memory_space<vmem>>) offsets(%dma_start3A_161 : memref<128xi32, #tpu.memory_space<vmem>>) semaphore(%arg26 : memref<!tpu.dma_semaphore, #tpu.memory_space<semaphore_mem>>)
      %dma_start3A_164 = arith.constant 4 : i32
      %dma_start3A_165 = arith.constant 512 : i32
      %dma_start3A_166 = tpu.memref_slice %arg16[%dma_start3A_165] : memref<2048xi32, #tpu.memory_space<vmem>> -> memref<128xi32, #tpu.memory_space<vmem>>
      %dma_start3A_167 = arith.constant 0 : i32
      %dma_start3A_168 = tpu.memref_slice %arg13[%dma_start3A_164, %dma_start3A_167] : memref<16x128xi32, #tpu.memory_space<vmem>> -> memref<1x128xi32, #tpu.memory_space<vmem>>
      %dma_start3A_169 = tpu.memref_squeeze %dma_start3A_168 : memref<1x128xi32, #tpu.memory_space<vmem>> -> memref<128xi32, #tpu.memory_space<vmem>>
      %dma_start3A_170 = arith.constant 0 : i32
      %dma_start3A_171 = tpu.memref_slice %arg5[%dma_start3A_170] : memref<100096xi32, #tpu.memory_space<hbm>> -> memref<100096xi32, #tpu.memory_space<hbm>>
      tpu.enqueue_indirect_dma source(%dma_start3A_171 : memref<100096xi32, #tpu.memory_space<hbm>>) target(%dma_start3A_166 : memref<128xi32, #tpu.memory_space<vmem>>) offsets(%dma_start3A_169 : memref<128xi32, #tpu.memory_space<vmem>>) semaphore(%arg26 : memref<!tpu.dma_semaphore, #tpu.memory_space<semaphore_mem>>)
      %dma_start3A_172 = arith.constant 4 : i32
      %dma_start3A_173 = arith.constant 512 : i32
      %dma_start3A_174 = tpu.memref_slice %arg17[%dma_start3A_173] : memref<2048xf32, #tpu.memory_space<vmem>> -> memref<128xf32, #tpu.memory_space<vmem>>
      %dma_start3A_175 = arith.constant 0 : i32
      %dma_start3A_176 = tpu.memref_slice %arg12[%dma_start3A_172, %dma_start3A_175] : memref<16x128xi32, #tpu.memory_space<vmem>> -> memref<1x128xi32, #tpu.memory_space<vmem>>
      %dma_start3A_177 = tpu.memref_squeeze %dma_start3A_176 : memref<1x128xi32, #tpu.memory_space<vmem>> -> memref<128xi32, #tpu.memory_space<vmem>>
      %dma_start3A_178 = arith.constant 0 : i32
      %dma_start3A_179 = tpu.memref_slice %arg6[%dma_start3A_178] : memref<100096xf32, #tpu.memory_space<hbm>> -> memref<100096xf32, #tpu.memory_space<hbm>>
      tpu.enqueue_indirect_dma source(%dma_start3A_179 : memref<100096xf32, #tpu.memory_space<hbm>>) target(%dma_start3A_174 : memref<128xf32, #tpu.memory_space<vmem>>) offsets(%dma_start3A_177 : memref<128xi32, #tpu.memory_space<vmem>>) semaphore(%arg26 : memref<!tpu.dma_semaphore, #tpu.memory_space<semaphore_mem>>)
      %dma_start3A_180 = arith.constant 4 : i32
      %dma_start3A_181 = arith.constant 512 : i32
      %dma_start3A_182 = tpu.memref_slice %arg18[%dma_start3A_181] : memref<2048xf32, #tpu.memory_space<vmem>> -> memref<128xf32, #tpu.memory_space<vmem>>
      %dma_start3A_183 = arith.constant 0 : i32
      %dma_start3A_184 = tpu.memref_slice %arg13[%dma_start3A_180, %dma_start3A_183] : memref<16x128xi32, #tpu.memory_space<vmem>> -> memref<1x128xi32, #tpu.memory_space<vmem>>
      %dma_start3A_185 = tpu.memref_squeeze %dma_start3A_184 : memref<1x128xi32, #tpu.memory_space<vmem>> -> memref<128xi32, #tpu.memory_space<vmem>>
      %dma_start3A_186 = arith.constant 0 : i32
      %dma_start3A_187 = tpu.memref_slice %arg6[%dma_start3A_186] : memref<100096xf32, #tpu.memory_space<hbm>> -> memref<100096xf32, #tpu.memory_space<hbm>>
      tpu.enqueue_indirect_dma source(%dma_start3A_187 : memref<100096xf32, #tpu.memory_space<hbm>>) target(%dma_start3A_182 : memref<128xf32, #tpu.memory_space<vmem>>) offsets(%dma_start3A_185 : memref<128xi32, #tpu.memory_space<vmem>>) semaphore(%arg26 : memref<!tpu.dma_semaphore, #tpu.memory_space<semaphore_mem>>)
      %dma_start3A_188 = arith.constant 5 : i32
      %dma_start3A_189 = arith.constant 640 : i32
      %dma_start3A_190 = tpu.memref_slice %arg15[%dma_start3A_189] : memref<2048xi32, #tpu.memory_space<vmem>> -> memref<128xi32, #tpu.memory_space<vmem>>
      %dma_start3A_191 = arith.constant 0 : i32
      %dma_start3A_192 = tpu.memref_slice %arg12[%dma_start3A_188, %dma_start3A_191] : memref<16x128xi32, #tpu.memory_space<vmem>> -> memref<1x128xi32, #tpu.memory_space<vmem>>
      %dma_start3A_193 = tpu.memref_squeeze %dma_start3A_192 : memref<1x128xi32, #tpu.memory_space<vmem>> -> memref<128xi32, #tpu.memory_space<vmem>>
      %dma_start3A_194 = arith.constant 0 : i32
      %dma_start3A_195 = tpu.memref_slice %arg5[%dma_start3A_194] : memref<100096xi32, #tpu.memory_space<hbm>> -> memref<100096xi32, #tpu.memory_space<hbm>>
      tpu.enqueue_indirect_dma source(%dma_start3A_195 : memref<100096xi32, #tpu.memory_space<hbm>>) target(%dma_start3A_190 : memref<128xi32, #tpu.memory_space<vmem>>) offsets(%dma_start3A_193 : memref<128xi32, #tpu.memory_space<vmem>>) semaphore(%arg26 : memref<!tpu.dma_semaphore, #tpu.memory_space<semaphore_mem>>)
      %dma_start3A_196 = arith.constant 5 : i32
      %dma_start3A_197 = arith.constant 640 : i32
      %dma_start3A_198 = tpu.memref_slice %arg16[%dma_start3A_197] : memref<2048xi32, #tpu.memory_space<vmem>> -> memref<128xi32, #tpu.memory_space<vmem>>
      %dma_start3A_199 = arith.constant 0 : i32
      %dma_start3A_200 = tpu.memref_slice %arg13[%dma_start3A_196, %dma_start3A_199] : memref<16x128xi32, #tpu.memory_space<vmem>> -> memref<1x128xi32, #tpu.memory_space<vmem>>
      %dma_start3A_201 = tpu.memref_squeeze %dma_start3A_200 : memref<1x128xi32, #tpu.memory_space<vmem>> -> memref<128xi32, #tpu.memory_space<vmem>>
      %dma_start3A_202 = arith.constant 0 : i32
      %dma_start3A_203 = tpu.memref_slice %arg5[%dma_start3A_202] : memref<100096xi32, #tpu.memory_space<hbm>> -> memref<100096xi32, #tpu.memory_space<hbm>>
      tpu.enqueue_indirect_dma source(%dma_start3A_203 : memref<100096xi32, #tpu.memory_space<hbm>>) target(%dma_start3A_198 : memref<128xi32, #tpu.memory_space<vmem>>) offsets(%dma_start3A_201 : memref<128xi32, #tpu.memory_space<vmem>>) semaphore(%arg26 : memref<!tpu.dma_semaphore, #tpu.memory_space<semaphore_mem>>)
      %dma_start3A_204 = arith.constant 5 : i32
      %dma_start3A_205 = arith.constant 640 : i32
      %dma_start3A_206 = tpu.memref_slice %arg17[%dma_start3A_205] : memref<2048xf32, #tpu.memory_space<vmem>> -> memref<128xf32, #tpu.memory_space<vmem>>
      %dma_start3A_207 = arith.constant 0 : i32
      %dma_start3A_208 = tpu.memref_slice %arg12[%dma_start3A_204, %dma_start3A_207] : memref<16x128xi32, #tpu.memory_space<vmem>> -> memref<1x128xi32, #tpu.memory_space<vmem>>
      %dma_start3A_209 = tpu.memref_squeeze %dma_start3A_208 : memref<1x128xi32, #tpu.memory_space<vmem>> -> memref<128xi32, #tpu.memory_space<vmem>>
      %dma_start3A_210 = arith.constant 0 : i32
      %dma_start3A_211 = tpu.memref_slice %arg6[%dma_start3A_210] : memref<100096xf32, #tpu.memory_space<hbm>> -> memref<100096xf32, #tpu.memory_space<hbm>>
      tpu.enqueue_indirect_dma source(%dma_start3A_211 : memref<100096xf32, #tpu.memory_space<hbm>>) target(%dma_start3A_206 : memref<128xf32, #tpu.memory_space<vmem>>) offsets(%dma_start3A_209 : memref<128xi32, #tpu.memory_space<vmem>>) semaphore(%arg26 : memref<!tpu.dma_semaphore, #tpu.memory_space<semaphore_mem>>)
      %dma_start3A_212 = arith.constant 5 : i32
      %dma_start3A_213 = arith.constant 640 : i32
      %dma_start3A_214 = tpu.memref_slice %arg18[%dma_start3A_213] : memref<2048xf32, #tpu.memory_space<vmem>> -> memref<128xf32, #tpu.memory_space<vmem>>
      %dma_start3A_215 = arith.constant 0 : i32
      %dma_start3A_216 = tpu.memref_slice %arg13[%dma_start3A_212, %dma_start3A_215] : memref<16x128xi32, #tpu.memory_space<vmem>> -> memref<1x128xi32, #tpu.memory_space<vmem>>
      %dma_start3A_217 = tpu.memref_squeeze %dma_start3A_216 : memref<1x128xi32, #tpu.memory_space<vmem>> -> memref<128xi32, #tpu.memory_space<vmem>>
      %dma_start3A_218 = arith.constant 0 : i32
      %dma_start3A_219 = tpu.memref_slice %arg6[%dma_start3A_218] : memref<100096xf32, #tpu.memory_space<hbm>> -> memref<100096xf32, #tpu.memory_space<hbm>>
      tpu.enqueue_indirect_dma source(%dma_start3A_219 : memref<100096xf32, #tpu.memory_space<hbm>>) target(%dma_start3A_214 : memref<128xf32, #tpu.memory_space<vmem>>) offsets(%dma_start3A_217 : memref<128xi32, #tpu.memory_space<vmem>>) semaphore(%arg26 : memref<!tpu.dma_semaphore, #tpu.memory_space<semaphore_mem>>)
      %dma_start3A_220 = arith.constant 6 : i32
      %dma_start3A_221 = arith.constant 768 : i32
      %dma_start3A_222 = tpu.memref_slice %arg15[%dma_start3A_221] : memref<2048xi32, #tpu.memory_space<vmem>> -> memref<128xi32, #tpu.memory_space<vmem>>
      %dma_start3A_223 = arith.constant 0 : i32
      %dma_start3A_224 = tpu.memref_slice %arg12[%dma_start3A_220, %dma_start3A_223] : memref<16x128xi32, #tpu.memory_space<vmem>> -> memref<1x128xi32, #tpu.memory_space<vmem>>
      %dma_start3A_225 = tpu.memref_squeeze %dma_start3A_224 : memref<1x128xi32, #tpu.memory_space<vmem>> -> memref<128xi32, #tpu.memory_space<vmem>>
      %dma_start3A_226 = arith.constant 0 : i32
      %dma_start3A_227 = tpu.memref_slice %arg5[%dma_start3A_226] : memref<100096xi32, #tpu.memory_space<hbm>> -> memref<100096xi32, #tpu.memory_space<hbm>>
      tpu.enqueue_indirect_dma source(%dma_start3A_227 : memref<100096xi32, #tpu.memory_space<hbm>>) target(%dma_start3A_222 : memref<128xi32, #tpu.memory_space<vmem>>) offsets(%dma_start3A_225 : memref<128xi32, #tpu.memory_space<vmem>>) semaphore(%arg26 : memref<!tpu.dma_semaphore, #tpu.memory_space<semaphore_mem>>)
      %dma_start3A_228 = arith.constant 6 : i32
      %dma_start3A_229 = arith.constant 768 : i32
      %dma_start3A_230 = tpu.memref_slice %arg16[%dma_start3A_229] : memref<2048xi32, #tpu.memory_space<vmem>> -> memref<128xi32, #tpu.memory_space<vmem>>
      %dma_start3A_231 = arith.constant 0 : i32
      %dma_start3A_232 = tpu.memref_slice %arg13[%dma_start3A_228, %dma_start3A_231] : memref<16x128xi32, #tpu.memory_space<vmem>> -> memref<1x128xi32, #tpu.memory_space<vmem>>
      %dma_start3A_233 = tpu.memref_squeeze %dma_start3A_232 : memref<1x128xi32, #tpu.memory_space<vmem>> -> memref<128xi32, #tpu.memory_space<vmem>>
      %dma_start3A_234 = arith.constant 0 : i32
      %dma_start3A_235 = tpu.memref_slice %arg5[%dma_start3A_234] : memref<100096xi32, #tpu.memory_space<hbm>> -> memref<100096xi32, #tpu.memory_space<hbm>>
      tpu.enqueue_indirect_dma source(%dma_start3A_235 : memref<100096xi32, #tpu.memory_space<hbm>>) target(%dma_start3A_230 : memref<128xi32, #tpu.memory_space<vmem>>) offsets(%dma_start3A_233 : memref<128xi32, #tpu.memory_space<vmem>>) semaphore(%arg26 : memref<!tpu.dma_semaphore, #tpu.memory_space<semaphore_mem>>)
      %dma_start3A_236 = arith.constant 6 : i32
      %dma_start3A_237 = arith.constant 768 : i32
      %dma_start3A_238 = tpu.memref_slice %arg17[%dma_start3A_237] : memref<2048xf32, #tpu.memory_space<vmem>> -> memref<128xf32, #tpu.memory_space<vmem>>
      %dma_start3A_239 = arith.constant 0 : i32
      %dma_start3A_240 = tpu.memref_slice %arg12[%dma_start3A_236, %dma_start3A_239] : memref<16x128xi32, #tpu.memory_space<vmem>> -> memref<1x128xi32, #tpu.memory_space<vmem>>
      %dma_start3A_241 = tpu.memref_squeeze %dma_start3A_240 : memref<1x128xi32, #tpu.memory_space<vmem>> -> memref<128xi32, #tpu.memory_space<vmem>>
      %dma_start3A_242 = arith.constant 0 : i32
      %dma_start3A_243 = tpu.memref_slice %arg6[%dma_start3A_242] : memref<100096xf32, #tpu.memory_space<hbm>> -> memref<100096xf32, #tpu.memory_space<hbm>>
      tpu.enqueue_indirect_dma source(%dma_start3A_243 : memref<100096xf32, #tpu.memory_space<hbm>>) target(%dma_start3A_238 : memref<128xf32, #tpu.memory_space<vmem>>) offsets(%dma_start3A_241 : memref<128xi32, #tpu.memory_space<vmem>>) semaphore(%arg26 : memref<!tpu.dma_semaphore, #tpu.memory_space<semaphore_mem>>)
      %dma_start3A_244 = arith.constant 6 : i32
      %dma_start3A_245 = arith.constant 768 : i32
      %dma_start3A_246 = tpu.memref_slice %arg18[%dma_start3A_245] : memref<2048xf32, #tpu.memory_space<vmem>> -> memref<128xf32, #tpu.memory_space<vmem>>
      %dma_start3A_247 = arith.constant 0 : i32
      %dma_start3A_248 = tpu.memref_slice %arg13[%dma_start3A_244, %dma_start3A_247] : memref<16x128xi32, #tpu.memory_space<vmem>> -> memref<1x128xi32, #tpu.memory_space<vmem>>
      %dma_start3A_249 = tpu.memref_squeeze %dma_start3A_248 : memref<1x128xi32, #tpu.memory_space<vmem>> -> memref<128xi32, #tpu.memory_space<vmem>>
      %dma_start3A_250 = arith.constant 0 : i32
      %dma_start3A_251 = tpu.memref_slice %arg6[%dma_start3A_250] : memref<100096xf32, #tpu.memory_space<hbm>> -> memref<100096xf32, #tpu.memory_space<hbm>>
      tpu.enqueue_indirect_dma source(%dma_start3A_251 : memref<100096xf32, #tpu.memory_space<hbm>>) target(%dma_start3A_246 : memref<128xf32, #tpu.memory_space<vmem>>) offsets(%dma_start3A_249 : memref<128xi32, #tpu.memory_space<vmem>>) semaphore(%arg26 : memref<!tpu.dma_semaphore, #tpu.memory_space<semaphore_mem>>)
      %dma_start3A_252 = arith.constant 7 : i32
      %dma_start3A_253 = arith.constant 896 : i32
      %dma_start3A_254 = tpu.memref_slice %arg15[%dma_start3A_253] : memref<2048xi32, #tpu.memory_space<vmem>> -> memref<128xi32, #tpu.memory_space<vmem>>
      %dma_start3A_255 = arith.constant 0 : i32
      %dma_start3A_256 = tpu.memref_slice %arg12[%dma_start3A_252, %dma_start3A_255] : memref<16x128xi32, #tpu.memory_space<vmem>> -> memref<1x128xi32, #tpu.memory_space<vmem>>
      %dma_start3A_257 = tpu.memref_squeeze %dma_start3A_256 : memref<1x128xi32, #tpu.memory_space<vmem>> -> memref<128xi32, #tpu.memory_space<vmem>>
      %dma_start3A_258 = arith.constant 0 : i32
      %dma_start3A_259 = tpu.memref_slice %arg5[%dma_start3A_258] : memref<100096xi32, #tpu.memory_space<hbm>> -> memref<100096xi32, #tpu.memory_space<hbm>>
      tpu.enqueue_indirect_dma source(%dma_start3A_259 : memref<100096xi32, #tpu.memory_space<hbm>>) target(%dma_start3A_254 : memref<128xi32, #tpu.memory_space<vmem>>) offsets(%dma_start3A_257 : memref<128xi32, #tpu.memory_space<vmem>>) semaphore(%arg26 : memref<!tpu.dma_semaphore, #tpu.memory_space<semaphore_mem>>)
      %dma_start3A_260 = arith.constant 7 : i32
      %dma_start3A_261 = arith.constant 896 : i32
      %dma_start3A_262 = tpu.memref_slice %arg16[%dma_start3A_261] : memref<2048xi32, #tpu.memory_space<vmem>> -> memref<128xi32, #tpu.memory_space<vmem>>
      %dma_start3A_263 = arith.constant 0 : i32
      %dma_start3A_264 = tpu.memref_slice %arg13[%dma_start3A_260, %dma_start3A_263] : memref<16x128xi32, #tpu.memory_space<vmem>> -> memref<1x128xi32, #tpu.memory_space<vmem>>
      %dma_start3A_265 = tpu.memref_squeeze %dma_start3A_264 : memref<1x128xi32, #tpu.memory_space<vmem>> -> memref<128xi32, #tpu.memory_space<vmem>>
      %dma_start3A_266 = arith.constant 0 : i32
      %dma_start3A_267 = tpu.memref_slice %arg5[%dma_start3A_266] : memref<100096xi32, #tpu.memory_space<hbm>> -> memref<100096xi32, #tpu.memory_space<hbm>>
      tpu.enqueue_indirect_dma source(%dma_start3A_267 : memref<100096xi32, #tpu.memory_space<hbm>>) target(%dma_start3A_262 : memref<128xi32, #tpu.memory_space<vmem>>) offsets(%dma_start3A_265 : memref<128xi32, #tpu.memory_space<vmem>>) semaphore(%arg26 : memref<!tpu.dma_semaphore, #tpu.memory_space<semaphore_mem>>)
      %dma_start3A_268 = arith.constant 7 : i32
      %dma_start3A_269 = arith.constant 896 : i32
      %dma_start3A_270 = tpu.memref_slice %arg17[%dma_start3A_269] : memref<2048xf32, #tpu.memory_space<vmem>> -> memref<128xf32, #tpu.memory_space<vmem>>
      %dma_start3A_271 = arith.constant 0 : i32
      %dma_start3A_272 = tpu.memref_slice %arg12[%dma_start3A_268, %dma_start3A_271] : memref<16x128xi32, #tpu.memory_space<vmem>> -> memref<1x128xi32, #tpu.memory_space<vmem>>
      %dma_start3A_273 = tpu.memref_squeeze %dma_start3A_272 : memref<1x128xi32, #tpu.memory_space<vmem>> -> memref<128xi32, #tpu.memory_space<vmem>>
      %dma_start3A_274 = arith.constant 0 : i32
      %dma_start3A_275 = tpu.memref_slice %arg6[%dma_start3A_274] : memref<100096xf32, #tpu.memory_space<hbm>> -> memref<100096xf32, #tpu.memory_space<hbm>>
      tpu.enqueue_indirect_dma source(%dma_start3A_275 : memref<100096xf32, #tpu.memory_space<hbm>>) target(%dma_start3A_270 : memref<128xf32, #tpu.memory_space<vmem>>) offsets(%dma_start3A_273 : memref<128xi32, #tpu.memory_space<vmem>>) semaphore(%arg26 : memref<!tpu.dma_semaphore, #tpu.memory_space<semaphore_mem>>)
      %dma_start3A_276 = arith.constant 7 : i32
      %dma_start3A_277 = arith.constant 896 : i32
      %dma_start3A_278 = tpu.memref_slice %arg18[%dma_start3A_277] : memref<2048xf32, #tpu.memory_space<vmem>> -> memref<128xf32, #tpu.memory_space<vmem>>
      %dma_start3A_279 = arith.constant 0 : i32
      %dma_start3A_280 = tpu.memref_slice %arg13[%dma_start3A_276, %dma_start3A_279] : memref<16x128xi32, #tpu.memory_space<vmem>> -> memref<1x128xi32, #tpu.memory_space<vmem>>
      %dma_start3A_281 = tpu.memref_squeeze %dma_start3A_280 : memref<1x128xi32, #tpu.memory_space<vmem>> -> memref<128xi32, #tpu.memory_space<vmem>>
      %dma_start3A_282 = arith.constant 0 : i32
      %dma_start3A_283 = tpu.memref_slice %arg6[%dma_start3A_282] : memref<100096xf32, #tpu.memory_space<hbm>> -> memref<100096xf32, #tpu.memory_space<hbm>>
      tpu.enqueue_indirect_dma source(%dma_start3A_283 : memref<100096xf32, #tpu.memory_space<hbm>>) target(%dma_start3A_278 : memref<128xf32, #tpu.memory_space<vmem>>) offsets(%dma_start3A_281 : memref<128xi32, #tpu.memory_space<vmem>>) semaphore(%arg26 : memref<!tpu.dma_semaphore, #tpu.memory_space<semaphore_mem>>)
      %dma_start3A_284 = arith.constant 8 : i32
      %dma_start3A_285 = arith.constant 1024 : i32
      %dma_start3A_286 = tpu.memref_slice %arg15[%dma_start3A_285] : memref<2048xi32, #tpu.memory_space<vmem>> -> memref<128xi32, #tpu.memory_space<vmem>>
      %dma_start3A_287 = arith.constant 0 : i32
      %dma_start3A_288 = tpu.memref_slice %arg12[%dma_start3A_284, %dma_start3A_287] : memref<16x128xi32, #tpu.memory_space<vmem>> -> memref<1x128xi32, #tpu.memory_space<vmem>>
      %dma_start3A_289 = tpu.memref_squeeze %dma_start3A_288 : memref<1x128xi32, #tpu.memory_space<vmem>> -> memref<128xi32, #tpu.memory_space<vmem>>
      %dma_start3A_290 = arith.constant 0 : i32
      %dma_start3A_291 = tpu.memref_slice %arg5[%dma_start3A_290] : memref<100096xi32, #tpu.memory_space<hbm>> -> memref<100096xi32, #tpu.memory_space<hbm>>
      tpu.enqueue_indirect_dma source(%dma_start3A_291 : memref<100096xi32, #tpu.memory_space<hbm>>) target(%dma_start3A_286 : memref<128xi32, #tpu.memory_space<vmem>>) offsets(%dma_start3A_289 : memref<128xi32, #tpu.memory_space<vmem>>) semaphore(%arg26 : memref<!tpu.dma_semaphore, #tpu.memory_space<semaphore_mem>>)
      %dma_start3A_292 = arith.constant 8 : i32
      %dma_start3A_293 = arith.constant 1024 : i32
      %dma_start3A_294 = tpu.memref_slice %arg16[%dma_start3A_293] : memref<2048xi32, #tpu.memory_space<vmem>> -> memref<128xi32, #tpu.memory_space<vmem>>
      %dma_start3A_295 = arith.constant 0 : i32
      %dma_start3A_296 = tpu.memref_slice %arg13[%dma_start3A_292, %dma_start3A_295] : memref<16x128xi32, #tpu.memory_space<vmem>> -> memref<1x128xi32, #tpu.memory_space<vmem>>
      %dma_start3A_297 = tpu.memref_squeeze %dma_start3A_296 : memref<1x128xi32, #tpu.memory_space<vmem>> -> memref<128xi32, #tpu.memory_space<vmem>>
      %dma_start3A_298 = arith.constant 0 : i32
      %dma_start3A_299 = tpu.memref_slice %arg5[%dma_start3A_298] : memref<100096xi32, #tpu.memory_space<hbm>> -> memref<100096xi32, #tpu.memory_space<hbm>>
      tpu.enqueue_indirect_dma source(%dma_start3A_299 : memref<100096xi32, #tpu.memory_space<hbm>>) target(%dma_start3A_294 : memref<128xi32, #tpu.memory_space<vmem>>) offsets(%dma_start3A_297 : memref<128xi32, #tpu.memory_space<vmem>>) semaphore(%arg26 : memref<!tpu.dma_semaphore, #tpu.memory_space<semaphore_mem>>)
      %dma_start3A_300 = arith.constant 8 : i32
      %dma_start3A_301 = arith.constant 1024 : i32
      %dma_start3A_302 = tpu.memref_slice %arg17[%dma_start3A_301] : memref<2048xf32, #tpu.memory_space<vmem>> -> memref<128xf32, #tpu.memory_space<vmem>>
      %dma_start3A_303 = arith.constant 0 : i32
      %dma_start3A_304 = tpu.memref_slice %arg12[%dma_start3A_300, %dma_start3A_303] : memref<16x128xi32, #tpu.memory_space<vmem>> -> memref<1x128xi32, #tpu.memory_space<vmem>>
      %dma_start3A_305 = tpu.memref_squeeze %dma_start3A_304 : memref<1x128xi32, #tpu.memory_space<vmem>> -> memref<128xi32, #tpu.memory_space<vmem>>
      %dma_start3A_306 = arith.constant 0 : i32
      %dma_start3A_307 = tpu.memref_slice %arg6[%dma_start3A_306] : memref<100096xf32, #tpu.memory_space<hbm>> -> memref<100096xf32, #tpu.memory_space<hbm>>
      tpu.enqueue_indirect_dma source(%dma_start3A_307 : memref<100096xf32, #tpu.memory_space<hbm>>) target(%dma_start3A_302 : memref<128xf32, #tpu.memory_space<vmem>>) offsets(%dma_start3A_305 : memref<128xi32, #tpu.memory_space<vmem>>) semaphore(%arg26 : memref<!tpu.dma_semaphore, #tpu.memory_space<semaphore_mem>>)
      %dma_start3A_308 = arith.constant 8 : i32
      %dma_start3A_309 = arith.constant 1024 : i32
      %dma_start3A_310 = tpu.memref_slice %arg18[%dma_start3A_309] : memref<2048xf32, #tpu.memory_space<vmem>> -> memref<128xf32, #tpu.memory_space<vmem>>
      %dma_start3A_311 = arith.constant 0 : i32
      %dma_start3A_312 = tpu.memref_slice %arg13[%dma_start3A_308, %dma_start3A_311] : memref<16x128xi32, #tpu.memory_space<vmem>> -> memref<1x128xi32, #tpu.memory_space<vmem>>
      %dma_start3A_313 = tpu.memref_squeeze %dma_start3A_312 : memref<1x128xi32, #tpu.memory_space<vmem>> -> memref<128xi32, #tpu.memory_space<vmem>>
      %dma_start3A_314 = arith.constant 0 : i32
      %dma_start3A_315 = tpu.memref_slice %arg6[%dma_start3A_314] : memref<100096xf32, #tpu.memory_space<hbm>> -> memref<100096xf32, #tpu.memory_space<hbm>>
      tpu.enqueue_indirect_dma source(%dma_start3A_315 : memref<100096xf32, #tpu.memory_space<hbm>>) target(%dma_start3A_310 : memref<128xf32, #tpu.memory_space<vmem>>) offsets(%dma_start3A_313 : memref<128xi32, #tpu.memory_space<vmem>>) semaphore(%arg26 : memref<!tpu.dma_semaphore, #tpu.memory_space<semaphore_mem>>)
      %dma_start3A_316 = arith.constant 9 : i32
      %dma_start3A_317 = arith.constant 1152 : i32
      %dma_start3A_318 = tpu.memref_slice %arg15[%dma_start3A_317] : memref<2048xi32, #tpu.memory_space<vmem>> -> memref<128xi32, #tpu.memory_space<vmem>>
      %dma_start3A_319 = arith.constant 0 : i32
      %dma_start3A_320 = tpu.memref_slice %arg12[%dma_start3A_316, %dma_start3A_319] : memref<16x128xi32, #tpu.memory_space<vmem>> -> memref<1x128xi32, #tpu.memory_space<vmem>>
      %dma_start3A_321 = tpu.memref_squeeze %dma_start3A_320 : memref<1x128xi32, #tpu.memory_space<vmem>> -> memref<128xi32, #tpu.memory_space<vmem>>
      %dma_start3A_322 = arith.constant 0 : i32
      %dma_start3A_323 = tpu.memref_slice %arg5[%dma_start3A_322] : memref<100096xi32, #tpu.memory_space<hbm>> -> memref<100096xi32, #tpu.memory_space<hbm>>
      tpu.enqueue_indirect_dma source(%dma_start3A_323 : memref<100096xi32, #tpu.memory_space<hbm>>) target(%dma_start3A_318 : memref<128xi32, #tpu.memory_space<vmem>>) offsets(%dma_start3A_321 : memref<128xi32, #tpu.memory_space<vmem>>) semaphore(%arg26 : memref<!tpu.dma_semaphore, #tpu.memory_space<semaphore_mem>>)
      %dma_start3A_324 = arith.constant 9 : i32
      %dma_start3A_325 = arith.constant 1152 : i32
      %dma_start3A_326 = tpu.memref_slice %arg16[%dma_start3A_325] : memref<2048xi32, #tpu.memory_space<vmem>> -> memref<128xi32, #tpu.memory_space<vmem>>
      %dma_start3A_327 = arith.constant 0 : i32
      %dma_start3A_328 = tpu.memref_slice %arg13[%dma_start3A_324, %dma_start3A_327] : memref<16x128xi32, #tpu.memory_space<vmem>> -> memref<1x128xi32, #tpu.memory_space<vmem>>
      %dma_start3A_329 = tpu.memref_squeeze %dma_start3A_328 : memref<1x128xi32, #tpu.memory_space<vmem>> -> memref<128xi32, #tpu.memory_space<vmem>>
      %dma_start3A_330 = arith.constant 0 : i32
      %dma_start3A_331 = tpu.memref_slice %arg5[%dma_start3A_330] : memref<100096xi32, #tpu.memory_space<hbm>> -> memref<100096xi32, #tpu.memory_space<hbm>>
      tpu.enqueue_indirect_dma source(%dma_start3A_331 : memref<100096xi32, #tpu.memory_space<hbm>>) target(%dma_start3A_326 : memref<128xi32, #tpu.memory_space<vmem>>) offsets(%dma_start3A_329 : memref<128xi32, #tpu.memory_space<vmem>>) semaphore(%arg26 : memref<!tpu.dma_semaphore, #tpu.memory_space<semaphore_mem>>)
      %dma_start3A_332 = arith.constant 9 : i32
      %dma_start3A_333 = arith.constant 1152 : i32
      %dma_start3A_334 = tpu.memref_slice %arg17[%dma_start3A_333] : memref<2048xf32, #tpu.memory_space<vmem>> -> memref<128xf32, #tpu.memory_space<vmem>>
      %dma_start3A_335 = arith.constant 0 : i32
      %dma_start3A_336 = tpu.memref_slice %arg12[%dma_start3A_332, %dma_start3A_335] : memref<16x128xi32, #tpu.memory_space<vmem>> -> memref<1x128xi32, #tpu.memory_space<vmem>>
      %dma_start3A_337 = tpu.memref_squeeze %dma_start3A_336 : memref<1x128xi32, #tpu.memory_space<vmem>> -> memref<128xi32, #tpu.memory_space<vmem>>
      %dma_start3A_338 = arith.constant 0 : i32
      %dma_start3A_339 = tpu.memref_slice %arg6[%dma_start3A_338] : memref<100096xf32, #tpu.memory_space<hbm>> -> memref<100096xf32, #tpu.memory_space<hbm>>
      tpu.enqueue_indirect_dma source(%dma_start3A_339 : memref<100096xf32, #tpu.memory_space<hbm>>) target(%dma_start3A_334 : memref<128xf32, #tpu.memory_space<vmem>>) offsets(%dma_start3A_337 : memref<128xi32, #tpu.memory_space<vmem>>) semaphore(%arg26 : memref<!tpu.dma_semaphore, #tpu.memory_space<semaphore_mem>>)
      %dma_start3A_340 = arith.constant 9 : i32
      %dma_start3A_341 = arith.constant 1152 : i32
      %dma_start3A_342 = tpu.memref_slice %arg18[%dma_start3A_341] : memref<2048xf32, #tpu.memory_space<vmem>> -> memref<128xf32, #tpu.memory_space<vmem>>
      %dma_start3A_343 = arith.constant 0 : i32
      %dma_start3A_344 = tpu.memref_slice %arg13[%dma_start3A_340, %dma_start3A_343] : memref<16x128xi32, #tpu.memory_space<vmem>> -> memref<1x128xi32, #tpu.memory_space<vmem>>
      %dma_start3A_345 = tpu.memref_squeeze %dma_start3A_344 : memref<1x128xi32, #tpu.memory_space<vmem>> -> memref<128xi32, #tpu.memory_space<vmem>>
      %dma_start3A_346 = arith.constant 0 : i32
      %dma_start3A_347 = tpu.memref_slice %arg6[%dma_start3A_346] : memref<100096xf32, #tpu.memory_space<hbm>> -> memref<100096xf32, #tpu.memory_space<hbm>>
      tpu.enqueue_indirect_dma source(%dma_start3A_347 : memref<100096xf32, #tpu.memory_space<hbm>>) target(%dma_start3A_342 : memref<128xf32, #tpu.memory_space<vmem>>) offsets(%dma_start3A_345 : memref<128xi32, #tpu.memory_space<vmem>>) semaphore(%arg26 : memref<!tpu.dma_semaphore, #tpu.memory_space<semaphore_mem>>)
      %dma_start3A_348 = arith.constant 10 : i32
      %dma_start3A_349 = arith.constant 1280 : i32
      %dma_start3A_350 = tpu.memref_slice %arg15[%dma_start3A_349] : memref<2048xi32, #tpu.memory_space<vmem>> -> memref<128xi32, #tpu.memory_space<vmem>>
      %dma_start3A_351 = arith.constant 0 : i32
      %dma_start3A_352 = tpu.memref_slice %arg12[%dma_start3A_348, %dma_start3A_351] : memref<16x128xi32, #tpu.memory_space<vmem>> -> memref<1x128xi32, #tpu.memory_space<vmem>>
      %dma_start3A_353 = tpu.memref_squeeze %dma_start3A_352 : memref<1x128xi32, #tpu.memory_space<vmem>> -> memref<128xi32, #tpu.memory_space<vmem>>
      %dma_start3A_354 = arith.constant 0 : i32
      %dma_start3A_355 = tpu.memref_slice %arg5[%dma_start3A_354] : memref<100096xi32, #tpu.memory_space<hbm>> -> memref<100096xi32, #tpu.memory_space<hbm>>
      tpu.enqueue_indirect_dma source(%dma_start3A_355 : memref<100096xi32, #tpu.memory_space<hbm>>) target(%dma_start3A_350 : memref<128xi32, #tpu.memory_space<vmem>>) offsets(%dma_start3A_353 : memref<128xi32, #tpu.memory_space<vmem>>) semaphore(%arg26 : memref<!tpu.dma_semaphore, #tpu.memory_space<semaphore_mem>>)
      %dma_start3A_356 = arith.constant 10 : i32
      %dma_start3A_357 = arith.constant 1280 : i32
      %dma_start3A_358 = tpu.memref_slice %arg16[%dma_start3A_357] : memref<2048xi32, #tpu.memory_space<vmem>> -> memref<128xi32, #tpu.memory_space<vmem>>
      %dma_start3A_359 = arith.constant 0 : i32
      %dma_start3A_360 = tpu.memref_slice %arg13[%dma_start3A_356, %dma_start3A_359] : memref<16x128xi32, #tpu.memory_space<vmem>> -> memref<1x128xi32, #tpu.memory_space<vmem>>
      %dma_start3A_361 = tpu.memref_squeeze %dma_start3A_360 : memref<1x128xi32, #tpu.memory_space<vmem>> -> memref<128xi32, #tpu.memory_space<vmem>>
      %dma_start3A_362 = arith.constant 0 : i32
      %dma_start3A_363 = tpu.memref_slice %arg5[%dma_start3A_362] : memref<100096xi32, #tpu.memory_space<hbm>> -> memref<100096xi32, #tpu.memory_space<hbm>>
      tpu.enqueue_indirect_dma source(%dma_start3A_363 : memref<100096xi32, #tpu.memory_space<hbm>>) target(%dma_start3A_358 : memref<128xi32, #tpu.memory_space<vmem>>) offsets(%dma_start3A_361 : memref<128xi32, #tpu.memory_space<vmem>>) semaphore(%arg26 : memref<!tpu.dma_semaphore, #tpu.memory_space<semaphore_mem>>)
      %dma_start3A_364 = arith.constant 10 : i32
      %dma_start3A_365 = arith.constant 1280 : i32
      %dma_start3A_366 = tpu.memref_slice %arg17[%dma_start3A_365] : memref<2048xf32, #tpu.memory_space<vmem>> -> memref<128xf32, #tpu.memory_space<vmem>>
      %dma_start3A_367 = arith.constant 0 : i32
      %dma_start3A_368 = tpu.memref_slice %arg12[%dma_start3A_364, %dma_start3A_367] : memref<16x128xi32, #tpu.memory_space<vmem>> -> memref<1x128xi32, #tpu.memory_space<vmem>>
      %dma_start3A_369 = tpu.memref_squeeze %dma_start3A_368 : memref<1x128xi32, #tpu.memory_space<vmem>> -> memref<128xi32, #tpu.memory_space<vmem>>
      %dma_start3A_370 = arith.constant 0 : i32
      %dma_start3A_371 = tpu.memref_slice %arg6[%dma_start3A_370] : memref<100096xf32, #tpu.memory_space<hbm>> -> memref<100096xf32, #tpu.memory_space<hbm>>
      tpu.enqueue_indirect_dma source(%dma_start3A_371 : memref<100096xf32, #tpu.memory_space<hbm>>) target(%dma_start3A_366 : memref<128xf32, #tpu.memory_space<vmem>>) offsets(%dma_start3A_369 : memref<128xi32, #tpu.memory_space<vmem>>) semaphore(%arg26 : memref<!tpu.dma_semaphore, #tpu.memory_space<semaphore_mem>>)
      %dma_start3A_372 = arith.constant 10 : i32
      %dma_start3A_373 = arith.constant 1280 : i32
      %dma_start3A_374 = tpu.memref_slice %arg18[%dma_start3A_373] : memref<2048xf32, #tpu.memory_space<vmem>> -> memref<128xf32, #tpu.memory_space<vmem>>
      %dma_start3A_375 = arith.constant 0 : i32
      %dma_start3A_376 = tpu.memref_slice %arg13[%dma_start3A_372, %dma_start3A_375] : memref<16x128xi32, #tpu.memory_space<vmem>> -> memref<1x128xi32, #tpu.memory_space<vmem>>
      %dma_start3A_377 = tpu.memref_squeeze %dma_start3A_376 : memref<1x128xi32, #tpu.memory_space<vmem>> -> memref<128xi32, #tpu.memory_space<vmem>>
      %dma_start3A_378 = arith.constant 0 : i32
      %dma_start3A_379 = tpu.memref_slice %arg6[%dma_start3A_378] : memref<100096xf32, #tpu.memory_space<hbm>> -> memref<100096xf32, #tpu.memory_space<hbm>>
      tpu.enqueue_indirect_dma source(%dma_start3A_379 : memref<100096xf32, #tpu.memory_space<hbm>>) target(%dma_start3A_374 : memref<128xf32, #tpu.memory_space<vmem>>) offsets(%dma_start3A_377 : memref<128xi32, #tpu.memory_space<vmem>>) semaphore(%arg26 : memref<!tpu.dma_semaphore, #tpu.memory_space<semaphore_mem>>)
      %dma_start3A_380 = arith.constant 11 : i32
      %dma_start3A_381 = arith.constant 1408 : i32
      %dma_start3A_382 = tpu.memref_slice %arg15[%dma_start3A_381] : memref<2048xi32, #tpu.memory_space<vmem>> -> memref<128xi32, #tpu.memory_space<vmem>>
      %dma_start3A_383 = arith.constant 0 : i32
      %dma_start3A_384 = tpu.memref_slice %arg12[%dma_start3A_380, %dma_start3A_383] : memref<16x128xi32, #tpu.memory_space<vmem>> -> memref<1x128xi32, #tpu.memory_space<vmem>>
      %dma_start3A_385 = tpu.memref_squeeze %dma_start3A_384 : memref<1x128xi32, #tpu.memory_space<vmem>> -> memref<128xi32, #tpu.memory_space<vmem>>
      %dma_start3A_386 = arith.constant 0 : i32
      %dma_start3A_387 = tpu.memref_slice %arg5[%dma_start3A_386] : memref<100096xi32, #tpu.memory_space<hbm>> -> memref<100096xi32, #tpu.memory_space<hbm>>
      tpu.enqueue_indirect_dma source(%dma_start3A_387 : memref<100096xi32, #tpu.memory_space<hbm>>) target(%dma_start3A_382 : memref<128xi32, #tpu.memory_space<vmem>>) offsets(%dma_start3A_385 : memref<128xi32, #tpu.memory_space<vmem>>) semaphore(%arg26 : memref<!tpu.dma_semaphore, #tpu.memory_space<semaphore_mem>>)
      %dma_start3A_388 = arith.constant 11 : i32
      %dma_start3A_389 = arith.constant 1408 : i32
      %dma_start3A_390 = tpu.memref_slice %arg16[%dma_start3A_389] : memref<2048xi32, #tpu.memory_space<vmem>> -> memref<128xi32, #tpu.memory_space<vmem>>
      %dma_start3A_391 = arith.constant 0 : i32
      %dma_start3A_392 = tpu.memref_slice %arg13[%dma_start3A_388, %dma_start3A_391] : memref<16x128xi32, #tpu.memory_space<vmem>> -> memref<1x128xi32, #tpu.memory_space<vmem>>
      %dma_start3A_393 = tpu.memref_squeeze %dma_start3A_392 : memref<1x128xi32, #tpu.memory_space<vmem>> -> memref<128xi32, #tpu.memory_space<vmem>>
      %dma_start3A_394 = arith.constant 0 : i32
      %dma_start3A_395 = tpu.memref_slice %arg5[%dma_start3A_394] : memref<100096xi32, #tpu.memory_space<hbm>> -> memref<100096xi32, #tpu.memory_space<hbm>>
      tpu.enqueue_indirect_dma source(%dma_start3A_395 : memref<100096xi32, #tpu.memory_space<hbm>>) target(%dma_start3A_390 : memref<128xi32, #tpu.memory_space<vmem>>) offsets(%dma_start3A_393 : memref<128xi32, #tpu.memory_space<vmem>>) semaphore(%arg26 : memref<!tpu.dma_semaphore, #tpu.memory_space<semaphore_mem>>)
      %dma_start3A_396 = arith.constant 11 : i32
      %dma_start3A_397 = arith.constant 1408 : i32
      %dma_start3A_398 = tpu.memref_slice %arg17[%dma_start3A_397] : memref<2048xf32, #tpu.memory_space<vmem>> -> memref<128xf32, #tpu.memory_space<vmem>>
      %dma_start3A_399 = arith.constant 0 : i32
      %dma_start3A_400 = tpu.memref_slice %arg12[%dma_start3A_396, %dma_start3A_399] : memref<16x128xi32, #tpu.memory_space<vmem>> -> memref<1x128xi32, #tpu.memory_space<vmem>>
      %dma_start3A_401 = tpu.memref_squeeze %dma_start3A_400 : memref<1x128xi32, #tpu.memory_space<vmem>> -> memref<128xi32, #tpu.memory_space<vmem>>
      %dma_start3A_402 = arith.constant 0 : i32
      %dma_start3A_403 = tpu.memref_slice %arg6[%dma_start3A_402] : memref<100096xf32, #tpu.memory_space<hbm>> -> memref<100096xf32, #tpu.memory_space<hbm>>
      tpu.enqueue_indirect_dma source(%dma_start3A_403 : memref<100096xf32, #tpu.memory_space<hbm>>) target(%dma_start3A_398 : memref<128xf32, #tpu.memory_space<vmem>>) offsets(%dma_start3A_401 : memref<128xi32, #tpu.memory_space<vmem>>) semaphore(%arg26 : memref<!tpu.dma_semaphore, #tpu.memory_space<semaphore_mem>>)
      %dma_start3A_404 = arith.constant 11 : i32
      %dma_start3A_405 = arith.constant 1408 : i32
      %dma_start3A_406 = tpu.memref_slice %arg18[%dma_start3A_405] : memref<2048xf32, #tpu.memory_space<vmem>> -> memref<128xf32, #tpu.memory_space<vmem>>
      %dma_start3A_407 = arith.constant 0 : i32
      %dma_start3A_408 = tpu.memref_slice %arg13[%dma_start3A_404, %dma_start3A_407] : memref<16x128xi32, #tpu.memory_space<vmem>> -> memref<1x128xi32, #tpu.memory_space<vmem>>
      %dma_start3A_409 = tpu.memref_squeeze %dma_start3A_408 : memref<1x128xi32, #tpu.memory_space<vmem>> -> memref<128xi32, #tpu.memory_space<vmem>>
      %dma_start3A_410 = arith.constant 0 : i32
      %dma_start3A_411 = tpu.memref_slice %arg6[%dma_start3A_410] : memref<100096xf32, #tpu.memory_space<hbm>> -> memref<100096xf32, #tpu.memory_space<hbm>>
      tpu.enqueue_indirect_dma source(%dma_start3A_411 : memref<100096xf32, #tpu.memory_space<hbm>>) target(%dma_start3A_406 : memref<128xf32, #tpu.memory_space<vmem>>) offsets(%dma_start3A_409 : memref<128xi32, #tpu.memory_space<vmem>>) semaphore(%arg26 : memref<!tpu.dma_semaphore, #tpu.memory_space<semaphore_mem>>)
      %dma_start3A_412 = arith.constant 12 : i32
      %dma_start3A_413 = arith.constant 1536 : i32
      %dma_start3A_414 = tpu.memref_slice %arg15[%dma_start3A_413] : memref<2048xi32, #tpu.memory_space<vmem>> -> memref<128xi32, #tpu.memory_space<vmem>>
      %dma_start3A_415 = arith.constant 0 : i32
      %dma_start3A_416 = tpu.memref_slice %arg12[%dma_start3A_412, %dma_start3A_415] : memref<16x128xi32, #tpu.memory_space<vmem>> -> memref<1x128xi32, #tpu.memory_space<vmem>>
      %dma_start3A_417 = tpu.memref_squeeze %dma_start3A_416 : memref<1x128xi32, #tpu.memory_space<vmem>> -> memref<128xi32, #tpu.memory_space<vmem>>
      %dma_start3A_418 = arith.constant 0 : i32
      %dma_start3A_419 = tpu.memref_slice %arg5[%dma_start3A_418] : memref<100096xi32, #tpu.memory_space<hbm>> -> memref<100096xi32, #tpu.memory_space<hbm>>
      tpu.enqueue_indirect_dma source(%dma_start3A_419 : memref<100096xi32, #tpu.memory_space<hbm>>) target(%dma_start3A_414 : memref<128xi32, #tpu.memory_space<vmem>>) offsets(%dma_start3A_417 : memref<128xi32, #tpu.memory_space<vmem>>) semaphore(%arg26 : memref<!tpu.dma_semaphore, #tpu.memory_space<semaphore_mem>>)
      %dma_start3A_420 = arith.constant 12 : i32
      %dma_start3A_421 = arith.constant 1536 : i32
      %dma_start3A_422 = tpu.memref_slice %arg16[%dma_start3A_421] : memref<2048xi32, #tpu.memory_space<vmem>> -> memref<128xi32, #tpu.memory_space<vmem>>
      %dma_start3A_423 = arith.constant 0 : i32
      %dma_start3A_424 = tpu.memref_slice %arg13[%dma_start3A_420, %dma_start3A_423] : memref<16x128xi32, #tpu.memory_space<vmem>> -> memref<1x128xi32, #tpu.memory_space<vmem>>
      %dma_start3A_425 = tpu.memref_squeeze %dma_start3A_424 : memref<1x128xi32, #tpu.memory_space<vmem>> -> memref<128xi32, #tpu.memory_space<vmem>>
      %dma_start3A_426 = arith.constant 0 : i32
      %dma_start3A_427 = tpu.memref_slice %arg5[%dma_start3A_426] : memref<100096xi32, #tpu.memory_space<hbm>> -> memref<100096xi32, #tpu.memory_space<hbm>>
      tpu.enqueue_indirect_dma source(%dma_start3A_427 : memref<100096xi32, #tpu.memory_space<hbm>>) target(%dma_start3A_422 : memref<128xi32, #tpu.memory_space<vmem>>) offsets(%dma_start3A_425 : memref<128xi32, #tpu.memory_space<vmem>>) semaphore(%arg26 : memref<!tpu.dma_semaphore, #tpu.memory_space<semaphore_mem>>)
      %dma_start3A_428 = arith.constant 12 : i32
      %dma_start3A_429 = arith.constant 1536 : i32
      %dma_start3A_430 = tpu.memref_slice %arg17[%dma_start3A_429] : memref<2048xf32, #tpu.memory_space<vmem>> -> memref<128xf32, #tpu.memory_space<vmem>>
      %dma_start3A_431 = arith.constant 0 : i32
      %dma_start3A_432 = tpu.memref_slice %arg12[%dma_start3A_428, %dma_start3A_431] : memref<16x128xi32, #tpu.memory_space<vmem>> -> memref<1x128xi32, #tpu.memory_space<vmem>>
      %dma_start3A_433 = tpu.memref_squeeze %dma_start3A_432 : memref<1x128xi32, #tpu.memory_space<vmem>> -> memref<128xi32, #tpu.memory_space<vmem>>
      %dma_start3A_434 = arith.constant 0 : i32
      %dma_start3A_435 = tpu.memref_slice %arg6[%dma_start3A_434] : memref<100096xf32, #tpu.memory_space<hbm>> -> memref<100096xf32, #tpu.memory_space<hbm>>
      tpu.enqueue_indirect_dma source(%dma_start3A_435 : memref<100096xf32, #tpu.memory_space<hbm>>) target(%dma_start3A_430 : memref<128xf32, #tpu.memory_space<vmem>>) offsets(%dma_start3A_433 : memref<128xi32, #tpu.memory_space<vmem>>) semaphore(%arg26 : memref<!tpu.dma_semaphore, #tpu.memory_space<semaphore_mem>>)
      %dma_start3A_436 = arith.constant 12 : i32
      %dma_start3A_437 = arith.constant 1536 : i32
      %dma_start3A_438 = tpu.memref_slice %arg18[%dma_start3A_437] : memref<2048xf32, #tpu.memory_space<vmem>> -> memref<128xf32, #tpu.memory_space<vmem>>
      %dma_start3A_439 = arith.constant 0 : i32
      %dma_start3A_440 = tpu.memref_slice %arg13[%dma_start3A_436, %dma_start3A_439] : memref<16x128xi32, #tpu.memory_space<vmem>> -> memref<1x128xi32, #tpu.memory_space<vmem>>
      %dma_start3A_441 = tpu.memref_squeeze %dma_start3A_440 : memref<1x128xi32, #tpu.memory_space<vmem>> -> memref<128xi32, #tpu.memory_space<vmem>>
      %dma_start3A_442 = arith.constant 0 : i32
      %dma_start3A_443 = tpu.memref_slice %arg6[%dma_start3A_442] : memref<100096xf32, #tpu.memory_space<hbm>> -> memref<100096xf32, #tpu.memory_space<hbm>>
      tpu.enqueue_indirect_dma source(%dma_start3A_443 : memref<100096xf32, #tpu.memory_space<hbm>>) target(%dma_start3A_438 : memref<128xf32, #tpu.memory_space<vmem>>) offsets(%dma_start3A_441 : memref<128xi32, #tpu.memory_space<vmem>>) semaphore(%arg26 : memref<!tpu.dma_semaphore, #tpu.memory_space<semaphore_mem>>)
      %dma_start3A_444 = arith.constant 13 : i32
      %dma_start3A_445 = arith.constant 1664 : i32
      %dma_start3A_446 = tpu.memref_slice %arg15[%dma_start3A_445] : memref<2048xi32, #tpu.memory_space<vmem>> -> memref<128xi32, #tpu.memory_space<vmem>>
      %dma_start3A_447 = arith.constant 0 : i32
      %dma_start3A_448 = tpu.memref_slice %arg12[%dma_start3A_444, %dma_start3A_447] : memref<16x128xi32, #tpu.memory_space<vmem>> -> memref<1x128xi32, #tpu.memory_space<vmem>>
      %dma_start3A_449 = tpu.memref_squeeze %dma_start3A_448 : memref<1x128xi32, #tpu.memory_space<vmem>> -> memref<128xi32, #tpu.memory_space<vmem>>
      %dma_start3A_450 = arith.constant 0 : i32
      %dma_start3A_451 = tpu.memref_slice %arg5[%dma_start3A_450] : memref<100096xi32, #tpu.memory_space<hbm>> -> memref<100096xi32, #tpu.memory_space<hbm>>
      tpu.enqueue_indirect_dma source(%dma_start3A_451 : memref<100096xi32, #tpu.memory_space<hbm>>) target(%dma_start3A_446 : memref<128xi32, #tpu.memory_space<vmem>>) offsets(%dma_start3A_449 : memref<128xi32, #tpu.memory_space<vmem>>) semaphore(%arg26 : memref<!tpu.dma_semaphore, #tpu.memory_space<semaphore_mem>>)
      %dma_start3A_452 = arith.constant 13 : i32
      %dma_start3A_453 = arith.constant 1664 : i32
      %dma_start3A_454 = tpu.memref_slice %arg16[%dma_start3A_453] : memref<2048xi32, #tpu.memory_space<vmem>> -> memref<128xi32, #tpu.memory_space<vmem>>
      %dma_start3A_455 = arith.constant 0 : i32
      %dma_start3A_456 = tpu.memref_slice %arg13[%dma_start3A_452, %dma_start3A_455] : memref<16x128xi32, #tpu.memory_space<vmem>> -> memref<1x128xi32, #tpu.memory_space<vmem>>
      %dma_start3A_457 = tpu.memref_squeeze %dma_start3A_456 : memref<1x128xi32, #tpu.memory_space<vmem>> -> memref<128xi32, #tpu.memory_space<vmem>>
      %dma_start3A_458 = arith.constant 0 : i32
      %dma_start3A_459 = tpu.memref_slice %arg5[%dma_start3A_458] : memref<100096xi32, #tpu.memory_space<hbm>> -> memref<100096xi32, #tpu.memory_space<hbm>>
      tpu.enqueue_indirect_dma source(%dma_start3A_459 : memref<100096xi32, #tpu.memory_space<hbm>>) target(%dma_start3A_454 : memref<128xi32, #tpu.memory_space<vmem>>) offsets(%dma_start3A_457 : memref<128xi32, #tpu.memory_space<vmem>>) semaphore(%arg26 : memref<!tpu.dma_semaphore, #tpu.memory_space<semaphore_mem>>)
      %dma_start3A_460 = arith.constant 13 : i32
      %dma_start3A_461 = arith.constant 1664 : i32
      %dma_start3A_462 = tpu.memref_slice %arg17[%dma_start3A_461] : memref<2048xf32, #tpu.memory_space<vmem>> -> memref<128xf32, #tpu.memory_space<vmem>>
      %dma_start3A_463 = arith.constant 0 : i32
      %dma_start3A_464 = tpu.memref_slice %arg12[%dma_start3A_460, %dma_start3A_463] : memref<16x128xi32, #tpu.memory_space<vmem>> -> memref<1x128xi32, #tpu.memory_space<vmem>>
      %dma_start3A_465 = tpu.memref_squeeze %dma_start3A_464 : memref<1x128xi32, #tpu.memory_space<vmem>> -> memref<128xi32, #tpu.memory_space<vmem>>
      %dma_start3A_466 = arith.constant 0 : i32
      %dma_start3A_467 = tpu.memref_slice %arg6[%dma_start3A_466] : memref<100096xf32, #tpu.memory_space<hbm>> -> memref<100096xf32, #tpu.memory_space<hbm>>
      tpu.enqueue_indirect_dma source(%dma_start3A_467 : memref<100096xf32, #tpu.memory_space<hbm>>) target(%dma_start3A_462 : memref<128xf32, #tpu.memory_space<vmem>>) offsets(%dma_start3A_465 : memref<128xi32, #tpu.memory_space<vmem>>) semaphore(%arg26 : memref<!tpu.dma_semaphore, #tpu.memory_space<semaphore_mem>>)
      %dma_start3A_468 = arith.constant 13 : i32
      %dma_start3A_469 = arith.constant 1664 : i32
      %dma_start3A_470 = tpu.memref_slice %arg18[%dma_start3A_469] : memref<2048xf32, #tpu.memory_space<vmem>> -> memref<128xf32, #tpu.memory_space<vmem>>
      %dma_start3A_471 = arith.constant 0 : i32
      %dma_start3A_472 = tpu.memref_slice %arg13[%dma_start3A_468, %dma_start3A_471] : memref<16x128xi32, #tpu.memory_space<vmem>> -> memref<1x128xi32, #tpu.memory_space<vmem>>
      %dma_start3A_473 = tpu.memref_squeeze %dma_start3A_472 : memref<1x128xi32, #tpu.memory_space<vmem>> -> memref<128xi32, #tpu.memory_space<vmem>>
      %dma_start3A_474 = arith.constant 0 : i32
      %dma_start3A_475 = tpu.memref_slice %arg6[%dma_start3A_474] : memref<100096xf32, #tpu.memory_space<hbm>> -> memref<100096xf32, #tpu.memory_space<hbm>>
      tpu.enqueue_indirect_dma source(%dma_start3A_475 : memref<100096xf32, #tpu.memory_space<hbm>>) target(%dma_start3A_470 : memref<128xf32, #tpu.memory_space<vmem>>) offsets(%dma_start3A_473 : memref<128xi32, #tpu.memory_space<vmem>>) semaphore(%arg26 : memref<!tpu.dma_semaphore, #tpu.memory_space<semaphore_mem>>)
      %dma_start3A_476 = arith.constant 14 : i32
      %dma_start3A_477 = arith.constant 1792 : i32
      %dma_start3A_478 = tpu.memref_slice %arg15[%dma_start3A_477] : memref<2048xi32, #tpu.memory_space<vmem>> -> memref<128xi32, #tpu.memory_space<vmem>>
      %dma_start3A_479 = arith.constant 0 : i32
      %dma_start3A_480 = tpu.memref_slice %arg12[%dma_start3A_476, %dma_start3A_479] : memref<16x128xi32, #tpu.memory_space<vmem>> -> memref<1x128xi32, #tpu.memory_space<vmem>>
      %dma_start3A_481 = tpu.memref_squeeze %dma_start3A_480 : memref<1x128xi32, #tpu.memory_space<vmem>> -> memref<128xi32, #tpu.memory_space<vmem>>
      %dma_start3A_482 = arith.constant 0 : i32
      %dma_start3A_483 = tpu.memref_slice %arg5[%dma_start3A_482] : memref<100096xi32, #tpu.memory_space<hbm>> -> memref<100096xi32, #tpu.memory_space<hbm>>
      tpu.enqueue_indirect_dma source(%dma_start3A_483 : memref<100096xi32, #tpu.memory_space<hbm>>) target(%dma_start3A_478 : memref<128xi32, #tpu.memory_space<vmem>>) offsets(%dma_start3A_481 : memref<128xi32, #tpu.memory_space<vmem>>) semaphore(%arg26 : memref<!tpu.dma_semaphore, #tpu.memory_space<semaphore_mem>>)
      %dma_start3A_484 = arith.constant 14 : i32
      %dma_start3A_485 = arith.constant 1792 : i32
      %dma_start3A_486 = tpu.memref_slice %arg16[%dma_start3A_485] : memref<2048xi32, #tpu.memory_space<vmem>> -> memref<128xi32, #tpu.memory_space<vmem>>
      %dma_start3A_487 = arith.constant 0 : i32
      %dma_start3A_488 = tpu.memref_slice %arg13[%dma_start3A_484, %dma_start3A_487] : memref<16x128xi32, #tpu.memory_space<vmem>> -> memref<1x128xi32, #tpu.memory_space<vmem>>
      %dma_start3A_489 = tpu.memref_squeeze %dma_start3A_488 : memref<1x128xi32, #tpu.memory_space<vmem>> -> memref<128xi32, #tpu.memory_space<vmem>>
      %dma_start3A_490 = arith.constant 0 : i32
      %dma_start3A_491 = tpu.memref_slice %arg5[%dma_start3A_490] : memref<100096xi32, #tpu.memory_space<hbm>> -> memref<100096xi32, #tpu.memory_space<hbm>>
      tpu.enqueue_indirect_dma source(%dma_start3A_491 : memref<100096xi32, #tpu.memory_space<hbm>>) target(%dma_start3A_486 : memref<128xi32, #tpu.memory_space<vmem>>) offsets(%dma_start3A_489 : memref<128xi32, #tpu.memory_space<vmem>>) semaphore(%arg26 : memref<!tpu.dma_semaphore, #tpu.memory_space<semaphore_mem>>)
      %dma_start3A_492 = arith.constant 14 : i32
      %dma_start3A_493 = arith.constant 1792 : i32
      %dma_start3A_494 = tpu.memref_slice %arg17[%dma_start3A_493] : memref<2048xf32, #tpu.memory_space<vmem>> -> memref<128xf32, #tpu.memory_space<vmem>>
      %dma_start3A_495 = arith.constant 0 : i32
      %dma_start3A_496 = tpu.memref_slice %arg12[%dma_start3A_492, %dma_start3A_495] : memref<16x128xi32, #tpu.memory_space<vmem>> -> memref<1x128xi32, #tpu.memory_space<vmem>>
      %dma_start3A_497 = tpu.memref_squeeze %dma_start3A_496 : memref<1x128xi32, #tpu.memory_space<vmem>> -> memref<128xi32, #tpu.memory_space<vmem>>
      %dma_start3A_498 = arith.constant 0 : i32
      %dma_start3A_499 = tpu.memref_slice %arg6[%dma_start3A_498] : memref<100096xf32, #tpu.memory_space<hbm>> -> memref<100096xf32, #tpu.memory_space<hbm>>
      tpu.enqueue_indirect_dma source(%dma_start3A_499 : memref<100096xf32, #tpu.memory_space<hbm>>) target(%dma_start3A_494 : memref<128xf32, #tpu.memory_space<vmem>>) offsets(%dma_start3A_497 : memref<128xi32, #tpu.memory_space<vmem>>) semaphore(%arg26 : memref<!tpu.dma_semaphore, #tpu.memory_space<semaphore_mem>>)
      %dma_start3A_500 = arith.constant 14 : i32
      %dma_start3A_501 = arith.constant 1792 : i32
      %dma_start3A_502 = tpu.memref_slice %arg18[%dma_start3A_501] : memref<2048xf32, #tpu.memory_space<vmem>> -> memref<128xf32, #tpu.memory_space<vmem>>
      %dma_start3A_503 = arith.constant 0 : i32
      %dma_start3A_504 = tpu.memref_slice %arg13[%dma_start3A_500, %dma_start3A_503] : memref<16x128xi32, #tpu.memory_space<vmem>> -> memref<1x128xi32, #tpu.memory_space<vmem>>
      %dma_start3A_505 = tpu.memref_squeeze %dma_start3A_504 : memref<1x128xi32, #tpu.memory_space<vmem>> -> memref<128xi32, #tpu.memory_space<vmem>>
      %dma_start3A_506 = arith.constant 0 : i32
      %dma_start3A_507 = tpu.memref_slice %arg6[%dma_start3A_506] : memref<100096xf32, #tpu.memory_space<hbm>> -> memref<100096xf32, #tpu.memory_space<hbm>>
      tpu.enqueue_indirect_dma source(%dma_start3A_507 : memref<100096xf32, #tpu.memory_space<hbm>>) target(%dma_start3A_502 : memref<128xf32, #tpu.memory_space<vmem>>) offsets(%dma_start3A_505 : memref<128xi32, #tpu.memory_space<vmem>>) semaphore(%arg26 : memref<!tpu.dma_semaphore, #tpu.memory_space<semaphore_mem>>)
      %dma_start3A_508 = arith.constant 15 : i32
      %dma_start3A_509 = arith.constant 1920 : i32
      %dma_start3A_510 = tpu.memref_slice %arg15[%dma_start3A_509] : memref<2048xi32, #tpu.memory_space<vmem>> -> memref<128xi32, #tpu.memory_space<vmem>>
      %dma_start3A_511 = arith.constant 0 : i32
      %dma_start3A_512 = tpu.memref_slice %arg12[%dma_start3A_508, %dma_start3A_511] : memref<16x128xi32, #tpu.memory_space<vmem>> -> memref<1x128xi32, #tpu.memory_space<vmem>>
      %dma_start3A_513 = tpu.memref_squeeze %dma_start3A_512 : memref<1x128xi32, #tpu.memory_space<vmem>> -> memref<128xi32, #tpu.memory_space<vmem>>
      %dma_start3A_514 = arith.constant 0 : i32
      %dma_start3A_515 = tpu.memref_slice %arg5[%dma_start3A_514] : memref<100096xi32, #tpu.memory_space<hbm>> -> memref<100096xi32, #tpu.memory_space<hbm>>
      tpu.enqueue_indirect_dma source(%dma_start3A_515 : memref<100096xi32, #tpu.memory_space<hbm>>) target(%dma_start3A_510 : memref<128xi32, #tpu.memory_space<vmem>>) offsets(%dma_start3A_513 : memref<128xi32, #tpu.memory_space<vmem>>) semaphore(%arg26 : memref<!tpu.dma_semaphore, #tpu.memory_space<semaphore_mem>>)
      %dma_start3A_516 = arith.constant 15 : i32
      %dma_start3A_517 = arith.constant 1920 : i32
      %dma_start3A_518 = tpu.memref_slice %arg16[%dma_start3A_517] : memref<2048xi32, #tpu.memory_space<vmem>> -> memref<128xi32, #tpu.memory_space<vmem>>
      %dma_start3A_519 = arith.constant 0 : i32
      %dma_start3A_520 = tpu.memref_slice %arg13[%dma_start3A_516, %dma_start3A_519] : memref<16x128xi32, #tpu.memory_space<vmem>> -> memref<1x128xi32, #tpu.memory_space<vmem>>
      %dma_start3A_521 = tpu.memref_squeeze %dma_start3A_520 : memref<1x128xi32, #tpu.memory_space<vmem>> -> memref<128xi32, #tpu.memory_space<vmem>>
      %dma_start3A_522 = arith.constant 0 : i32
      %dma_start3A_523 = tpu.memref_slice %arg5[%dma_start3A_522] : memref<100096xi32, #tpu.memory_space<hbm>> -> memref<100096xi32, #tpu.memory_space<hbm>>
      tpu.enqueue_indirect_dma source(%dma_start3A_523 : memref<100096xi32, #tpu.memory_space<hbm>>) target(%dma_start3A_518 : memref<128xi32, #tpu.memory_space<vmem>>) offsets(%dma_start3A_521 : memref<128xi32, #tpu.memory_space<vmem>>) semaphore(%arg26 : memref<!tpu.dma_semaphore, #tpu.memory_space<semaphore_mem>>)
      %dma_start3A_524 = arith.constant 15 : i32
      %dma_start3A_525 = arith.constant 1920 : i32
      %dma_start3A_526 = tpu.memref_slice %arg17[%dma_start3A_525] : memref<2048xf32, #tpu.memory_space<vmem>> -> memref<128xf32, #tpu.memory_space<vmem>>
      %dma_start3A_527 = arith.constant 0 : i32
      %dma_start3A_528 = tpu.memref_slice %arg12[%dma_start3A_524, %dma_start3A_527] : memref<16x128xi32, #tpu.memory_space<vmem>> -> memref<1x128xi32, #tpu.memory_space<vmem>>
      %dma_start3A_529 = tpu.memref_squeeze %dma_start3A_528 : memref<1x128xi32, #tpu.memory_space<vmem>> -> memref<128xi32, #tpu.memory_space<vmem>>
      %dma_start3A_530 = arith.constant 0 : i32
      %dma_start3A_531 = tpu.memref_slice %arg6[%dma_start3A_530] : memref<100096xf32, #tpu.memory_space<hbm>> -> memref<100096xf32, #tpu.memory_space<hbm>>
      tpu.enqueue_indirect_dma source(%dma_start3A_531 : memref<100096xf32, #tpu.memory_space<hbm>>) target(%dma_start3A_526 : memref<128xf32, #tpu.memory_space<vmem>>) offsets(%dma_start3A_529 : memref<128xi32, #tpu.memory_space<vmem>>) semaphore(%arg26 : memref<!tpu.dma_semaphore, #tpu.memory_space<semaphore_mem>>)
      %dma_start3A_532 = arith.constant 15 : i32
      %dma_start3A_533 = arith.constant 1920 : i32
      %dma_start3A_534 = tpu.memref_slice %arg18[%dma_start3A_533] : memref<2048xf32, #tpu.memory_space<vmem>> -> memref<128xf32, #tpu.memory_space<vmem>>
      %dma_start3A_535 = arith.constant 0 : i32
      %dma_start3A_536 = tpu.memref_slice %arg13[%dma_start3A_532, %dma_start3A_535] : memref<16x128xi32, #tpu.memory_space<vmem>> -> memref<1x128xi32, #tpu.memory_space<vmem>>
      %dma_start3A_537 = tpu.memref_squeeze %dma_start3A_536 : memref<1x128xi32, #tpu.memory_space<vmem>> -> memref<128xi32, #tpu.memory_space<vmem>>
      %dma_start3A_538 = arith.constant 0 : i32
      %dma_start3A_539 = tpu.memref_slice %arg6[%dma_start3A_538] : memref<100096xf32, #tpu.memory_space<hbm>> -> memref<100096xf32, #tpu.memory_space<hbm>>
      tpu.enqueue_indirect_dma source(%dma_start3A_539 : memref<100096xf32, #tpu.memory_space<hbm>>) target(%dma_start3A_534 : memref<128xf32, #tpu.memory_space<vmem>>) offsets(%dma_start3A_537 : memref<128xi32, #tpu.memory_space<vmem>>) semaphore(%arg26 : memref<!tpu.dma_semaphore, #tpu.memory_space<semaphore_mem>>)
      %dma_wait3A = arith.constant 0 : i32
      %dma_wait3A_540 = arith.constant 0 : i32
      %dma_wait3A_541 = tpu.memref_slice %arg15[%dma_wait3A_540] : memref<2048xi32, #tpu.memory_space<vmem>> -> memref<128xi32, #tpu.memory_space<vmem>>
      %dma_wait3A_542 = arith.constant 0 : i32
      %dma_wait3A_543 = tpu.memref_slice %arg12[%dma_wait3A, %dma_wait3A_542] : memref<16x128xi32, #tpu.memory_space<vmem>> -> memref<1x128xi32, #tpu.memory_space<vmem>>
      %dma_wait3A_544 = tpu.memref_squeeze %dma_wait3A_543 : memref<1x128xi32, #tpu.memory_space<vmem>> -> memref<128xi32, #tpu.memory_space<vmem>>
      %dma_wait3A_545 = arith.constant 0 : i32
      %dma_wait3A_546 = tpu.memref_slice %arg5[%dma_wait3A_545] : memref<100096xi32, #tpu.memory_space<hbm>> -> memref<100096xi32, #tpu.memory_space<hbm>>
      tpu.wait_indirect_dma semaphore(%arg26 : memref<!tpu.dma_semaphore, #tpu.memory_space<semaphore_mem>>) src(%dma_wait3A_546 : memref<100096xi32, #tpu.memory_space<hbm>>) dst(%dma_wait3A_541 : memref<128xi32, #tpu.memory_space<vmem>>)
      %dma_wait3A_547 = arith.constant 0 : i32
      %dma_wait3A_548 = arith.constant 0 : i32
      %dma_wait3A_549 = tpu.memref_slice %arg16[%dma_wait3A_548] : memref<2048xi32, #tpu.memory_space<vmem>> -> memref<128xi32, #tpu.memory_space<vmem>>
      %dma_wait3A_550 = arith.constant 0 : i32
      %dma_wait3A_551 = tpu.memref_slice %arg13[%dma_wait3A_547, %dma_wait3A_550] : memref<16x128xi32, #tpu.memory_space<vmem>> -> memref<1x128xi32, #tpu.memory_space<vmem>>
      %dma_wait3A_552 = tpu.memref_squeeze %dma_wait3A_551 : memref<1x128xi32, #tpu.memory_space<vmem>> -> memref<128xi32, #tpu.memory_space<vmem>>
      %dma_wait3A_553 = arith.constant 0 : i32
      %dma_wait3A_554 = tpu.memref_slice %arg5[%dma_wait3A_553] : memref<100096xi32, #tpu.memory_space<hbm>> -> memref<100096xi32, #tpu.memory_space<hbm>>
      tpu.wait_indirect_dma semaphore(%arg26 : memref<!tpu.dma_semaphore, #tpu.memory_space<semaphore_mem>>) src(%dma_wait3A_554 : memref<100096xi32, #tpu.memory_space<hbm>>) dst(%dma_wait3A_549 : memref<128xi32, #tpu.memory_space<vmem>>)
      %dma_wait3A_555 = arith.constant 0 : i32
      %dma_wait3A_556 = arith.constant 0 : i32
      %dma_wait3A_557 = tpu.memref_slice %arg17[%dma_wait3A_556] : memref<2048xf32, #tpu.memory_space<vmem>> -> memref<128xf32, #tpu.memory_space<vmem>>
      %dma_wait3A_558 = arith.constant 0 : i32
      %dma_wait3A_559 = tpu.memref_slice %arg12[%dma_wait3A_555, %dma_wait3A_558] : memref<16x128xi32, #tpu.memory_space<vmem>> -> memref<1x128xi32, #tpu.memory_space<vmem>>
      %dma_wait3A_560 = tpu.memref_squeeze %dma_wait3A_559 : memref<1x128xi32, #tpu.memory_space<vmem>> -> memref<128xi32, #tpu.memory_space<vmem>>
      %dma_wait3A_561 = arith.constant 0 : i32
      %dma_wait3A_562 = tpu.memref_slice %arg6[%dma_wait3A_561] : memref<100096xf32, #tpu.memory_space<hbm>> -> memref<100096xf32, #tpu.memory_space<hbm>>
      tpu.wait_indirect_dma semaphore(%arg26 : memref<!tpu.dma_semaphore, #tpu.memory_space<semaphore_mem>>) src(%dma_wait3A_562 : memref<100096xf32, #tpu.memory_space<hbm>>) dst(%dma_wait3A_557 : memref<128xf32, #tpu.memory_space<vmem>>)
      %dma_wait3A_563 = arith.constant 0 : i32
      %dma_wait3A_564 = arith.constant 0 : i32
      %dma_wait3A_565 = tpu.memref_slice %arg18[%dma_wait3A_564] : memref<2048xf32, #tpu.memory_space<vmem>> -> memref<128xf32, #tpu.memory_space<vmem>>
      %dma_wait3A_566 = arith.constant 0 : i32
      %dma_wait3A_567 = tpu.memref_slice %arg13[%dma_wait3A_563, %dma_wait3A_566] : memref<16x128xi32, #tpu.memory_space<vmem>> -> memref<1x128xi32, #tpu.memory_space<vmem>>
      %dma_wait3A_568 = tpu.memref_squeeze %dma_wait3A_567 : memref<1x128xi32, #tpu.memory_space<vmem>> -> memref<128xi32, #tpu.memory_space<vmem>>
      %dma_wait3A_569 = arith.constant 0 : i32
      %dma_wait3A_570 = tpu.memref_slice %arg6[%dma_wait3A_569] : memref<100096xf32, #tpu.memory_space<hbm>> -> memref<100096xf32, #tpu.memory_space<hbm>>
      tpu.wait_indirect_dma semaphore(%arg26 : memref<!tpu.dma_semaphore, #tpu.memory_space<semaphore_mem>>) src(%dma_wait3A_570 : memref<100096xf32, #tpu.memory_space<hbm>>) dst(%dma_wait3A_565 : memref<128xf32, #tpu.memory_space<vmem>>)
      %dma_wait3A_571 = arith.constant 1 : i32
      %dma_wait3A_572 = arith.constant 128 : i32
      %dma_wait3A_573 = tpu.memref_slice %arg15[%dma_wait3A_572] : memref<2048xi32, #tpu.memory_space<vmem>> -> memref<128xi32, #tpu.memory_space<vmem>>
      %dma_wait3A_574 = arith.constant 0 : i32
      %dma_wait3A_575 = tpu.memref_slice %arg12[%dma_wait3A_571, %dma_wait3A_574] : memref<16x128xi32, #tpu.memory_space<vmem>> -> memref<1x128xi32, #tpu.memory_space<vmem>>
      %dma_wait3A_576 = tpu.memref_squeeze %dma_wait3A_575 : memref<1x128xi32, #tpu.memory_space<vmem>> -> memref<128xi32, #tpu.memory_space<vmem>>
      %dma_wait3A_577 = arith.constant 0 : i32
      %dma_wait3A_578 = tpu.memref_slice %arg5[%dma_wait3A_577] : memref<100096xi32, #tpu.memory_space<hbm>> -> memref<100096xi32, #tpu.memory_space<hbm>>
      tpu.wait_indirect_dma semaphore(%arg26 : memref<!tpu.dma_semaphore, #tpu.memory_space<semaphore_mem>>) src(%dma_wait3A_578 : memref<100096xi32, #tpu.memory_space<hbm>>) dst(%dma_wait3A_573 : memref<128xi32, #tpu.memory_space<vmem>>)
      %dma_wait3A_579 = arith.constant 1 : i32
      %dma_wait3A_580 = arith.constant 128 : i32
      %dma_wait3A_581 = tpu.memref_slice %arg16[%dma_wait3A_580] : memref<2048xi32, #tpu.memory_space<vmem>> -> memref<128xi32, #tpu.memory_space<vmem>>
      %dma_wait3A_582 = arith.constant 0 : i32
      %dma_wait3A_583 = tpu.memref_slice %arg13[%dma_wait3A_579, %dma_wait3A_582] : memref<16x128xi32, #tpu.memory_space<vmem>> -> memref<1x128xi32, #tpu.memory_space<vmem>>
      %dma_wait3A_584 = tpu.memref_squeeze %dma_wait3A_583 : memref<1x128xi32, #tpu.memory_space<vmem>> -> memref<128xi32, #tpu.memory_space<vmem>>
      %dma_wait3A_585 = arith.constant 0 : i32
      %dma_wait3A_586 = tpu.memref_slice %arg5[%dma_wait3A_585] : memref<100096xi32, #tpu.memory_space<hbm>> -> memref<100096xi32, #tpu.memory_space<hbm>>
      tpu.wait_indirect_dma semaphore(%arg26 : memref<!tpu.dma_semaphore, #tpu.memory_space<semaphore_mem>>) src(%dma_wait3A_586 : memref<100096xi32, #tpu.memory_space<hbm>>) dst(%dma_wait3A_581 : memref<128xi32, #tpu.memory_space<vmem>>)
      %dma_wait3A_587 = arith.constant 1 : i32
      %dma_wait3A_588 = arith.constant 128 : i32
      %dma_wait3A_589 = tpu.memref_slice %arg17[%dma_wait3A_588] : memref<2048xf32, #tpu.memory_space<vmem>> -> memref<128xf32, #tpu.memory_space<vmem>>
      %dma_wait3A_590 = arith.constant 0 : i32
      %dma_wait3A_591 = tpu.memref_slice %arg12[%dma_wait3A_587, %dma_wait3A_590] : memref<16x128xi32, #tpu.memory_space<vmem>> -> memref<1x128xi32, #tpu.memory_space<vmem>>
      %dma_wait3A_592 = tpu.memref_squeeze %dma_wait3A_591 : memref<1x128xi32, #tpu.memory_space<vmem>> -> memref<128xi32, #tpu.memory_space<vmem>>
      %dma_wait3A_593 = arith.constant 0 : i32
      %dma_wait3A_594 = tpu.memref_slice %arg6[%dma_wait3A_593] : memref<100096xf32, #tpu.memory_space<hbm>> -> memref<100096xf32, #tpu.memory_space<hbm>>
      tpu.wait_indirect_dma semaphore(%arg26 : memref<!tpu.dma_semaphore, #tpu.memory_space<semaphore_mem>>) src(%dma_wait3A_594 : memref<100096xf32, #tpu.memory_space<hbm>>) dst(%dma_wait3A_589 : memref<128xf32, #tpu.memory_space<vmem>>)
      %dma_wait3A_595 = arith.constant 1 : i32
      %dma_wait3A_596 = arith.constant 128 : i32
      %dma_wait3A_597 = tpu.memref_slice %arg18[%dma_wait3A_596] : memref<2048xf32, #tpu.memory_space<vmem>> -> memref<128xf32, #tpu.memory_space<vmem>>
      %dma_wait3A_598 = arith.constant 0 : i32
      %dma_wait3A_599 = tpu.memref_slice %arg13[%dma_wait3A_595, %dma_wait3A_598] : memref<16x128xi32, #tpu.memory_space<vmem>> -> memref<1x128xi32, #tpu.memory_space<vmem>>
      %dma_wait3A_600 = tpu.memref_squeeze %dma_wait3A_599 : memref<1x128xi32, #tpu.memory_space<vmem>> -> memref<128xi32, #tpu.memory_space<vmem>>
      %dma_wait3A_601 = arith.constant 0 : i32
      %dma_wait3A_602 = tpu.memref_slice %arg6[%dma_wait3A_601] : memref<100096xf32, #tpu.memory_space<hbm>> -> memref<100096xf32, #tpu.memory_space<hbm>>
      tpu.wait_indirect_dma semaphore(%arg26 : memref<!tpu.dma_semaphore, #tpu.memory_space<semaphore_mem>>) src(%dma_wait3A_602 : memref<100096xf32, #tpu.memory_space<hbm>>) dst(%dma_wait3A_597 : memref<128xf32, #tpu.memory_space<vmem>>)
      %dma_wait3A_603 = arith.constant 2 : i32
      %dma_wait3A_604 = arith.constant 256 : i32
      %dma_wait3A_605 = tpu.memref_slice %arg15[%dma_wait3A_604] : memref<2048xi32, #tpu.memory_space<vmem>> -> memref<128xi32, #tpu.memory_space<vmem>>
      %dma_wait3A_606 = arith.constant 0 : i32
      %dma_wait3A_607 = tpu.memref_slice %arg12[%dma_wait3A_603, %dma_wait3A_606] : memref<16x128xi32, #tpu.memory_space<vmem>> -> memref<1x128xi32, #tpu.memory_space<vmem>>
      %dma_wait3A_608 = tpu.memref_squeeze %dma_wait3A_607 : memref<1x128xi32, #tpu.memory_space<vmem>> -> memref<128xi32, #tpu.memory_space<vmem>>
      %dma_wait3A_609 = arith.constant 0 : i32
      %dma_wait3A_610 = tpu.memref_slice %arg5[%dma_wait3A_609] : memref<100096xi32, #tpu.memory_space<hbm>> -> memref<100096xi32, #tpu.memory_space<hbm>>
      tpu.wait_indirect_dma semaphore(%arg26 : memref<!tpu.dma_semaphore, #tpu.memory_space<semaphore_mem>>) src(%dma_wait3A_610 : memref<100096xi32, #tpu.memory_space<hbm>>) dst(%dma_wait3A_605 : memref<128xi32, #tpu.memory_space<vmem>>)
      %dma_wait3A_611 = arith.constant 2 : i32
      %dma_wait3A_612 = arith.constant 256 : i32
      %dma_wait3A_613 = tpu.memref_slice %arg16[%dma_wait3A_612] : memref<2048xi32, #tpu.memory_space<vmem>> -> memref<128xi32, #tpu.memory_space<vmem>>
      %dma_wait3A_614 = arith.constant 0 : i32
      %dma_wait3A_615 = tpu.memref_slice %arg13[%dma_wait3A_611, %dma_wait3A_614] : memref<16x128xi32, #tpu.memory_space<vmem>> -> memref<1x128xi32, #tpu.memory_space<vmem>>
      %dma_wait3A_616 = tpu.memref_squeeze %dma_wait3A_615 : memref<1x128xi32, #tpu.memory_space<vmem>> -> memref<128xi32, #tpu.memory_space<vmem>>
      %dma_wait3A_617 = arith.constant 0 : i32
      %dma_wait3A_618 = tpu.memref_slice %arg5[%dma_wait3A_617] : memref<100096xi32, #tpu.memory_space<hbm>> -> memref<100096xi32, #tpu.memory_space<hbm>>
      tpu.wait_indirect_dma semaphore(%arg26 : memref<!tpu.dma_semaphore, #tpu.memory_space<semaphore_mem>>) src(%dma_wait3A_618 : memref<100096xi32, #tpu.memory_space<hbm>>) dst(%dma_wait3A_613 : memref<128xi32, #tpu.memory_space<vmem>>)
      %dma_wait3A_619 = arith.constant 2 : i32
      %dma_wait3A_620 = arith.constant 256 : i32
      %dma_wait3A_621 = tpu.memref_slice %arg17[%dma_wait3A_620] : memref<2048xf32, #tpu.memory_space<vmem>> -> memref<128xf32, #tpu.memory_space<vmem>>
      %dma_wait3A_622 = arith.constant 0 : i32
      %dma_wait3A_623 = tpu.memref_slice %arg12[%dma_wait3A_619, %dma_wait3A_622] : memref<16x128xi32, #tpu.memory_space<vmem>> -> memref<1x128xi32, #tpu.memory_space<vmem>>
      %dma_wait3A_624 = tpu.memref_squeeze %dma_wait3A_623 : memref<1x128xi32, #tpu.memory_space<vmem>> -> memref<128xi32, #tpu.memory_space<vmem>>
      %dma_wait3A_625 = arith.constant 0 : i32
      %dma_wait3A_626 = tpu.memref_slice %arg6[%dma_wait3A_625] : memref<100096xf32, #tpu.memory_space<hbm>> -> memref<100096xf32, #tpu.memory_space<hbm>>
      tpu.wait_indirect_dma semaphore(%arg26 : memref<!tpu.dma_semaphore, #tpu.memory_space<semaphore_mem>>) src(%dma_wait3A_626 : memref<100096xf32, #tpu.memory_space<hbm>>) dst(%dma_wait3A_621 : memref<128xf32, #tpu.memory_space<vmem>>)
      %dma_wait3A_627 = arith.constant 2 : i32
      %dma_wait3A_628 = arith.constant 256 : i32
      %dma_wait3A_629 = tpu.memref_slice %arg18[%dma_wait3A_628] : memref<2048xf32, #tpu.memory_space<vmem>> -> memref<128xf32, #tpu.memory_space<vmem>>
      %dma_wait3A_630 = arith.constant 0 : i32
      %dma_wait3A_631 = tpu.memref_slice %arg13[%dma_wait3A_627, %dma_wait3A_630] : memref<16x128xi32, #tpu.memory_space<vmem>> -> memref<1x128xi32, #tpu.memory_space<vmem>>
      %dma_wait3A_632 = tpu.memref_squeeze %dma_wait3A_631 : memref<1x128xi32, #tpu.memory_space<vmem>> -> memref<128xi32, #tpu.memory_space<vmem>>
      %dma_wait3A_633 = arith.constant 0 : i32
      %dma_wait3A_634 = tpu.memref_slice %arg6[%dma_wait3A_633] : memref<100096xf32, #tpu.memory_space<hbm>> -> memref<100096xf32, #tpu.memory_space<hbm>>
      tpu.wait_indirect_dma semaphore(%arg26 : memref<!tpu.dma_semaphore, #tpu.memory_space<semaphore_mem>>) src(%dma_wait3A_634 : memref<100096xf32, #tpu.memory_space<hbm>>) dst(%dma_wait3A_629 : memref<128xf32, #tpu.memory_space<vmem>>)
      %dma_wait3A_635 = arith.constant 3 : i32
      %dma_wait3A_636 = arith.constant 384 : i32
      %dma_wait3A_637 = tpu.memref_slice %arg15[%dma_wait3A_636] : memref<2048xi32, #tpu.memory_space<vmem>> -> memref<128xi32, #tpu.memory_space<vmem>>
      %dma_wait3A_638 = arith.constant 0 : i32
      %dma_wait3A_639 = tpu.memref_slice %arg12[%dma_wait3A_635, %dma_wait3A_638] : memref<16x128xi32, #tpu.memory_space<vmem>> -> memref<1x128xi32, #tpu.memory_space<vmem>>
      %dma_wait3A_640 = tpu.memref_squeeze %dma_wait3A_639 : memref<1x128xi32, #tpu.memory_space<vmem>> -> memref<128xi32, #tpu.memory_space<vmem>>
      %dma_wait3A_641 = arith.constant 0 : i32
      %dma_wait3A_642 = tpu.memref_slice %arg5[%dma_wait3A_641] : memref<100096xi32, #tpu.memory_space<hbm>> -> memref<100096xi32, #tpu.memory_space<hbm>>
      tpu.wait_indirect_dma semaphore(%arg26 : memref<!tpu.dma_semaphore, #tpu.memory_space<semaphore_mem>>) src(%dma_wait3A_642 : memref<100096xi32, #tpu.memory_space<hbm>>) dst(%dma_wait3A_637 : memref<128xi32, #tpu.memory_space<vmem>>)
      %dma_wait3A_643 = arith.constant 3 : i32
      %dma_wait3A_644 = arith.constant 384 : i32
      %dma_wait3A_645 = tpu.memref_slice %arg16[%dma_wait3A_644] : memref<2048xi32, #tpu.memory_space<vmem>> -> memref<128xi32, #tpu.memory_space<vmem>>
      %dma_wait3A_646 = arith.constant 0 : i32
      %dma_wait3A_647 = tpu.memref_slice %arg13[%dma_wait3A_643, %dma_wait3A_646] : memref<16x128xi32, #tpu.memory_space<vmem>> -> memref<1x128xi32, #tpu.memory_space<vmem>>
      %dma_wait3A_648 = tpu.memref_squeeze %dma_wait3A_647 : memref<1x128xi32, #tpu.memory_space<vmem>> -> memref<128xi32, #tpu.memory_space<vmem>>
      %dma_wait3A_649 = arith.constant 0 : i32
      %dma_wait3A_650 = tpu.memref_slice %arg5[%dma_wait3A_649] : memref<100096xi32, #tpu.memory_space<hbm>> -> memref<100096xi32, #tpu.memory_space<hbm>>
      tpu.wait_indirect_dma semaphore(%arg26 : memref<!tpu.dma_semaphore, #tpu.memory_space<semaphore_mem>>) src(%dma_wait3A_650 : memref<100096xi32, #tpu.memory_space<hbm>>) dst(%dma_wait3A_645 : memref<128xi32, #tpu.memory_space<vmem>>)
      %dma_wait3A_651 = arith.constant 3 : i32
      %dma_wait3A_652 = arith.constant 384 : i32
      %dma_wait3A_653 = tpu.memref_slice %arg17[%dma_wait3A_652] : memref<2048xf32, #tpu.memory_space<vmem>> -> memref<128xf32, #tpu.memory_space<vmem>>
      %dma_wait3A_654 = arith.constant 0 : i32
      %dma_wait3A_655 = tpu.memref_slice %arg12[%dma_wait3A_651, %dma_wait3A_654] : memref<16x128xi32, #tpu.memory_space<vmem>> -> memref<1x128xi32, #tpu.memory_space<vmem>>
      %dma_wait3A_656 = tpu.memref_squeeze %dma_wait3A_655 : memref<1x128xi32, #tpu.memory_space<vmem>> -> memref<128xi32, #tpu.memory_space<vmem>>
      %dma_wait3A_657 = arith.constant 0 : i32
      %dma_wait3A_658 = tpu.memref_slice %arg6[%dma_wait3A_657] : memref<100096xf32, #tpu.memory_space<hbm>> -> memref<100096xf32, #tpu.memory_space<hbm>>
      tpu.wait_indirect_dma semaphore(%arg26 : memref<!tpu.dma_semaphore, #tpu.memory_space<semaphore_mem>>) src(%dma_wait3A_658 : memref<100096xf32, #tpu.memory_space<hbm>>) dst(%dma_wait3A_653 : memref<128xf32, #tpu.memory_space<vmem>>)
      %dma_wait3A_659 = arith.constant 3 : i32
      %dma_wait3A_660 = arith.constant 384 : i32
      %dma_wait3A_661 = tpu.memref_slice %arg18[%dma_wait3A_660] : memref<2048xf32, #tpu.memory_space<vmem>> -> memref<128xf32, #tpu.memory_space<vmem>>
      %dma_wait3A_662 = arith.constant 0 : i32
      %dma_wait3A_663 = tpu.memref_slice %arg13[%dma_wait3A_659, %dma_wait3A_662] : memref<16x128xi32, #tpu.memory_space<vmem>> -> memref<1x128xi32, #tpu.memory_space<vmem>>
      %dma_wait3A_664 = tpu.memref_squeeze %dma_wait3A_663 : memref<1x128xi32, #tpu.memory_space<vmem>> -> memref<128xi32, #tpu.memory_space<vmem>>
      %dma_wait3A_665 = arith.constant 0 : i32
      %dma_wait3A_666 = tpu.memref_slice %arg6[%dma_wait3A_665] : memref<100096xf32, #tpu.memory_space<hbm>> -> memref<100096xf32, #tpu.memory_space<hbm>>
      tpu.wait_indirect_dma semaphore(%arg26 : memref<!tpu.dma_semaphore, #tpu.memory_space<semaphore_mem>>) src(%dma_wait3A_666 : memref<100096xf32, #tpu.memory_space<hbm>>) dst(%dma_wait3A_661 : memref<128xf32, #tpu.memory_space<vmem>>)
      %dma_wait3A_667 = arith.constant 4 : i32
      %dma_wait3A_668 = arith.constant 512 : i32
      %dma_wait3A_669 = tpu.memref_slice %arg15[%dma_wait3A_668] : memref<2048xi32, #tpu.memory_space<vmem>> -> memref<128xi32, #tpu.memory_space<vmem>>
      %dma_wait3A_670 = arith.constant 0 : i32
      %dma_wait3A_671 = tpu.memref_slice %arg12[%dma_wait3A_667, %dma_wait3A_670] : memref<16x128xi32, #tpu.memory_space<vmem>> -> memref<1x128xi32, #tpu.memory_space<vmem>>
      %dma_wait3A_672 = tpu.memref_squeeze %dma_wait3A_671 : memref<1x128xi32, #tpu.memory_space<vmem>> -> memref<128xi32, #tpu.memory_space<vmem>>
      %dma_wait3A_673 = arith.constant 0 : i32
      %dma_wait3A_674 = tpu.memref_slice %arg5[%dma_wait3A_673] : memref<100096xi32, #tpu.memory_space<hbm>> -> memref<100096xi32, #tpu.memory_space<hbm>>
      tpu.wait_indirect_dma semaphore(%arg26 : memref<!tpu.dma_semaphore, #tpu.memory_space<semaphore_mem>>) src(%dma_wait3A_674 : memref<100096xi32, #tpu.memory_space<hbm>>) dst(%dma_wait3A_669 : memref<128xi32, #tpu.memory_space<vmem>>)
      %dma_wait3A_675 = arith.constant 4 : i32
      %dma_wait3A_676 = arith.constant 512 : i32
      %dma_wait3A_677 = tpu.memref_slice %arg16[%dma_wait3A_676] : memref<2048xi32, #tpu.memory_space<vmem>> -> memref<128xi32, #tpu.memory_space<vmem>>
      %dma_wait3A_678 = arith.constant 0 : i32
      %dma_wait3A_679 = tpu.memref_slice %arg13[%dma_wait3A_675, %dma_wait3A_678] : memref<16x128xi32, #tpu.memory_space<vmem>> -> memref<1x128xi32, #tpu.memory_space<vmem>>
      %dma_wait3A_680 = tpu.memref_squeeze %dma_wait3A_679 : memref<1x128xi32, #tpu.memory_space<vmem>> -> memref<128xi32, #tpu.memory_space<vmem>>
      %dma_wait3A_681 = arith.constant 0 : i32
      %dma_wait3A_682 = tpu.memref_slice %arg5[%dma_wait3A_681] : memref<100096xi32, #tpu.memory_space<hbm>> -> memref<100096xi32, #tpu.memory_space<hbm>>
      tpu.wait_indirect_dma semaphore(%arg26 : memref<!tpu.dma_semaphore, #tpu.memory_space<semaphore_mem>>) src(%dma_wait3A_682 : memref<100096xi32, #tpu.memory_space<hbm>>) dst(%dma_wait3A_677 : memref<128xi32, #tpu.memory_space<vmem>>)
      %dma_wait3A_683 = arith.constant 4 : i32
      %dma_wait3A_684 = arith.constant 512 : i32
      %dma_wait3A_685 = tpu.memref_slice %arg17[%dma_wait3A_684] : memref<2048xf32, #tpu.memory_space<vmem>> -> memref<128xf32, #tpu.memory_space<vmem>>
      %dma_wait3A_686 = arith.constant 0 : i32
      %dma_wait3A_687 = tpu.memref_slice %arg12[%dma_wait3A_683, %dma_wait3A_686] : memref<16x128xi32, #tpu.memory_space<vmem>> -> memref<1x128xi32, #tpu.memory_space<vmem>>
      %dma_wait3A_688 = tpu.memref_squeeze %dma_wait3A_687 : memref<1x128xi32, #tpu.memory_space<vmem>> -> memref<128xi32, #tpu.memory_space<vmem>>
      %dma_wait3A_689 = arith.constant 0 : i32
      %dma_wait3A_690 = tpu.memref_slice %arg6[%dma_wait3A_689] : memref<100096xf32, #tpu.memory_space<hbm>> -> memref<100096xf32, #tpu.memory_space<hbm>>
      tpu.wait_indirect_dma semaphore(%arg26 : memref<!tpu.dma_semaphore, #tpu.memory_space<semaphore_mem>>) src(%dma_wait3A_690 : memref<100096xf32, #tpu.memory_space<hbm>>) dst(%dma_wait3A_685 : memref<128xf32, #tpu.memory_space<vmem>>)
      %dma_wait3A_691 = arith.constant 4 : i32
      %dma_wait3A_692 = arith.constant 512 : i32
      %dma_wait3A_693 = tpu.memref_slice %arg18[%dma_wait3A_692] : memref<2048xf32, #tpu.memory_space<vmem>> -> memref<128xf32, #tpu.memory_space<vmem>>
      %dma_wait3A_694 = arith.constant 0 : i32
      %dma_wait3A_695 = tpu.memref_slice %arg13[%dma_wait3A_691, %dma_wait3A_694] : memref<16x128xi32, #tpu.memory_space<vmem>> -> memref<1x128xi32, #tpu.memory_space<vmem>>
      %dma_wait3A_696 = tpu.memref_squeeze %dma_wait3A_695 : memref<1x128xi32, #tpu.memory_space<vmem>> -> memref<128xi32, #tpu.memory_space<vmem>>
      %dma_wait3A_697 = arith.constant 0 : i32
      %dma_wait3A_698 = tpu.memref_slice %arg6[%dma_wait3A_697] : memref<100096xf32, #tpu.memory_space<hbm>> -> memref<100096xf32, #tpu.memory_space<hbm>>
      tpu.wait_indirect_dma semaphore(%arg26 : memref<!tpu.dma_semaphore, #tpu.memory_space<semaphore_mem>>) src(%dma_wait3A_698 : memref<100096xf32, #tpu.memory_space<hbm>>) dst(%dma_wait3A_693 : memref<128xf32, #tpu.memory_space<vmem>>)
      %dma_wait3A_699 = arith.constant 5 : i32
      %dma_wait3A_700 = arith.constant 640 : i32
      %dma_wait3A_701 = tpu.memref_slice %arg15[%dma_wait3A_700] : memref<2048xi32, #tpu.memory_space<vmem>> -> memref<128xi32, #tpu.memory_space<vmem>>
      %dma_wait3A_702 = arith.constant 0 : i32
      %dma_wait3A_703 = tpu.memref_slice %arg12[%dma_wait3A_699, %dma_wait3A_702] : memref<16x128xi32, #tpu.memory_space<vmem>> -> memref<1x128xi32, #tpu.memory_space<vmem>>
      %dma_wait3A_704 = tpu.memref_squeeze %dma_wait3A_703 : memref<1x128xi32, #tpu.memory_space<vmem>> -> memref<128xi32, #tpu.memory_space<vmem>>
      %dma_wait3A_705 = arith.constant 0 : i32
      %dma_wait3A_706 = tpu.memref_slice %arg5[%dma_wait3A_705] : memref<100096xi32, #tpu.memory_space<hbm>> -> memref<100096xi32, #tpu.memory_space<hbm>>
      tpu.wait_indirect_dma semaphore(%arg26 : memref<!tpu.dma_semaphore, #tpu.memory_space<semaphore_mem>>) src(%dma_wait3A_706 : memref<100096xi32, #tpu.memory_space<hbm>>) dst(%dma_wait3A_701 : memref<128xi32, #tpu.memory_space<vmem>>)
      %dma_wait3A_707 = arith.constant 5 : i32
      %dma_wait3A_708 = arith.constant 640 : i32
      %dma_wait3A_709 = tpu.memref_slice %arg16[%dma_wait3A_708] : memref<2048xi32, #tpu.memory_space<vmem>> -> memref<128xi32, #tpu.memory_space<vmem>>
      %dma_wait3A_710 = arith.constant 0 : i32
      %dma_wait3A_711 = tpu.memref_slice %arg13[%dma_wait3A_707, %dma_wait3A_710] : memref<16x128xi32, #tpu.memory_space<vmem>> -> memref<1x128xi32, #tpu.memory_space<vmem>>
      %dma_wait3A_712 = tpu.memref_squeeze %dma_wait3A_711 : memref<1x128xi32, #tpu.memory_space<vmem>> -> memref<128xi32, #tpu.memory_space<vmem>>
      %dma_wait3A_713 = arith.constant 0 : i32
      %dma_wait3A_714 = tpu.memref_slice %arg5[%dma_wait3A_713] : memref<100096xi32, #tpu.memory_space<hbm>> -> memref<100096xi32, #tpu.memory_space<hbm>>
      tpu.wait_indirect_dma semaphore(%arg26 : memref<!tpu.dma_semaphore, #tpu.memory_space<semaphore_mem>>) src(%dma_wait3A_714 : memref<100096xi32, #tpu.memory_space<hbm>>) dst(%dma_wait3A_709 : memref<128xi32, #tpu.memory_space<vmem>>)
      %dma_wait3A_715 = arith.constant 5 : i32
      %dma_wait3A_716 = arith.constant 640 : i32
      %dma_wait3A_717 = tpu.memref_slice %arg17[%dma_wait3A_716] : memref<2048xf32, #tpu.memory_space<vmem>> -> memref<128xf32, #tpu.memory_space<vmem>>
      %dma_wait3A_718 = arith.constant 0 : i32
      %dma_wait3A_719 = tpu.memref_slice %arg12[%dma_wait3A_715, %dma_wait3A_718] : memref<16x128xi32, #tpu.memory_space<vmem>> -> memref<1x128xi32, #tpu.memory_space<vmem>>
      %dma_wait3A_720 = tpu.memref_squeeze %dma_wait3A_719 : memref<1x128xi32, #tpu.memory_space<vmem>> -> memref<128xi32, #tpu.memory_space<vmem>>
      %dma_wait3A_721 = arith.constant 0 : i32
      %dma_wait3A_722 = tpu.memref_slice %arg6[%dma_wait3A_721] : memref<100096xf32, #tpu.memory_space<hbm>> -> memref<100096xf32, #tpu.memory_space<hbm>>
      tpu.wait_indirect_dma semaphore(%arg26 : memref<!tpu.dma_semaphore, #tpu.memory_space<semaphore_mem>>) src(%dma_wait3A_722 : memref<100096xf32, #tpu.memory_space<hbm>>) dst(%dma_wait3A_717 : memref<128xf32, #tpu.memory_space<vmem>>)
      %dma_wait3A_723 = arith.constant 5 : i32
      %dma_wait3A_724 = arith.constant 640 : i32
      %dma_wait3A_725 = tpu.memref_slice %arg18[%dma_wait3A_724] : memref<2048xf32, #tpu.memory_space<vmem>> -> memref<128xf32, #tpu.memory_space<vmem>>
      %dma_wait3A_726 = arith.constant 0 : i32
      %dma_wait3A_727 = tpu.memref_slice %arg13[%dma_wait3A_723, %dma_wait3A_726] : memref<16x128xi32, #tpu.memory_space<vmem>> -> memref<1x128xi32, #tpu.memory_space<vmem>>
      %dma_wait3A_728 = tpu.memref_squeeze %dma_wait3A_727 : memref<1x128xi32, #tpu.memory_space<vmem>> -> memref<128xi32, #tpu.memory_space<vmem>>
      %dma_wait3A_729 = arith.constant 0 : i32
      %dma_wait3A_730 = tpu.memref_slice %arg6[%dma_wait3A_729] : memref<100096xf32, #tpu.memory_space<hbm>> -> memref<100096xf32, #tpu.memory_space<hbm>>
      tpu.wait_indirect_dma semaphore(%arg26 : memref<!tpu.dma_semaphore, #tpu.memory_space<semaphore_mem>>) src(%dma_wait3A_730 : memref<100096xf32, #tpu.memory_space<hbm>>) dst(%dma_wait3A_725 : memref<128xf32, #tpu.memory_space<vmem>>)
      %dma_wait3A_731 = arith.constant 6 : i32
      %dma_wait3A_732 = arith.constant 768 : i32
      %dma_wait3A_733 = tpu.memref_slice %arg15[%dma_wait3A_732] : memref<2048xi32, #tpu.memory_space<vmem>> -> memref<128xi32, #tpu.memory_space<vmem>>
      %dma_wait3A_734 = arith.constant 0 : i32
      %dma_wait3A_735 = tpu.memref_slice %arg12[%dma_wait3A_731, %dma_wait3A_734] : memref<16x128xi32, #tpu.memory_space<vmem>> -> memref<1x128xi32, #tpu.memory_space<vmem>>
      %dma_wait3A_736 = tpu.memref_squeeze %dma_wait3A_735 : memref<1x128xi32, #tpu.memory_space<vmem>> -> memref<128xi32, #tpu.memory_space<vmem>>
      %dma_wait3A_737 = arith.constant 0 : i32
      %dma_wait3A_738 = tpu.memref_slice %arg5[%dma_wait3A_737] : memref<100096xi32, #tpu.memory_space<hbm>> -> memref<100096xi32, #tpu.memory_space<hbm>>
      tpu.wait_indirect_dma semaphore(%arg26 : memref<!tpu.dma_semaphore, #tpu.memory_space<semaphore_mem>>) src(%dma_wait3A_738 : memref<100096xi32, #tpu.memory_space<hbm>>) dst(%dma_wait3A_733 : memref<128xi32, #tpu.memory_space<vmem>>)
      %dma_wait3A_739 = arith.constant 6 : i32
      %dma_wait3A_740 = arith.constant 768 : i32
      %dma_wait3A_741 = tpu.memref_slice %arg16[%dma_wait3A_740] : memref<2048xi32, #tpu.memory_space<vmem>> -> memref<128xi32, #tpu.memory_space<vmem>>
      %dma_wait3A_742 = arith.constant 0 : i32
      %dma_wait3A_743 = tpu.memref_slice %arg13[%dma_wait3A_739, %dma_wait3A_742] : memref<16x128xi32, #tpu.memory_space<vmem>> -> memref<1x128xi32, #tpu.memory_space<vmem>>
      %dma_wait3A_744 = tpu.memref_squeeze %dma_wait3A_743 : memref<1x128xi32, #tpu.memory_space<vmem>> -> memref<128xi32, #tpu.memory_space<vmem>>
      %dma_wait3A_745 = arith.constant 0 : i32
      %dma_wait3A_746 = tpu.memref_slice %arg5[%dma_wait3A_745] : memref<100096xi32, #tpu.memory_space<hbm>> -> memref<100096xi32, #tpu.memory_space<hbm>>
      tpu.wait_indirect_dma semaphore(%arg26 : memref<!tpu.dma_semaphore, #tpu.memory_space<semaphore_mem>>) src(%dma_wait3A_746 : memref<100096xi32, #tpu.memory_space<hbm>>) dst(%dma_wait3A_741 : memref<128xi32, #tpu.memory_space<vmem>>)
      %dma_wait3A_747 = arith.constant 6 : i32
      %dma_wait3A_748 = arith.constant 768 : i32
      %dma_wait3A_749 = tpu.memref_slice %arg17[%dma_wait3A_748] : memref<2048xf32, #tpu.memory_space<vmem>> -> memref<128xf32, #tpu.memory_space<vmem>>
      %dma_wait3A_750 = arith.constant 0 : i32
      %dma_wait3A_751 = tpu.memref_slice %arg12[%dma_wait3A_747, %dma_wait3A_750] : memref<16x128xi32, #tpu.memory_space<vmem>> -> memref<1x128xi32, #tpu.memory_space<vmem>>
      %dma_wait3A_752 = tpu.memref_squeeze %dma_wait3A_751 : memref<1x128xi32, #tpu.memory_space<vmem>> -> memref<128xi32, #tpu.memory_space<vmem>>
      %dma_wait3A_753 = arith.constant 0 : i32
      %dma_wait3A_754 = tpu.memref_slice %arg6[%dma_wait3A_753] : memref<100096xf32, #tpu.memory_space<hbm>> -> memref<100096xf32, #tpu.memory_space<hbm>>
      tpu.wait_indirect_dma semaphore(%arg26 : memref<!tpu.dma_semaphore, #tpu.memory_space<semaphore_mem>>) src(%dma_wait3A_754 : memref<100096xf32, #tpu.memory_space<hbm>>) dst(%dma_wait3A_749 : memref<128xf32, #tpu.memory_space<vmem>>)
      %dma_wait3A_755 = arith.constant 6 : i32
      %dma_wait3A_756 = arith.constant 768 : i32
      %dma_wait3A_757 = tpu.memref_slice %arg18[%dma_wait3A_756] : memref<2048xf32, #tpu.memory_space<vmem>> -> memref<128xf32, #tpu.memory_space<vmem>>
      %dma_wait3A_758 = arith.constant 0 : i32
      %dma_wait3A_759 = tpu.memref_slice %arg13[%dma_wait3A_755, %dma_wait3A_758] : memref<16x128xi32, #tpu.memory_space<vmem>> -> memref<1x128xi32, #tpu.memory_space<vmem>>
      %dma_wait3A_760 = tpu.memref_squeeze %dma_wait3A_759 : memref<1x128xi32, #tpu.memory_space<vmem>> -> memref<128xi32, #tpu.memory_space<vmem>>
      %dma_wait3A_761 = arith.constant 0 : i32
      %dma_wait3A_762 = tpu.memref_slice %arg6[%dma_wait3A_761] : memref<100096xf32, #tpu.memory_space<hbm>> -> memref<100096xf32, #tpu.memory_space<hbm>>
      tpu.wait_indirect_dma semaphore(%arg26 : memref<!tpu.dma_semaphore, #tpu.memory_space<semaphore_mem>>) src(%dma_wait3A_762 : memref<100096xf32, #tpu.memory_space<hbm>>) dst(%dma_wait3A_757 : memref<128xf32, #tpu.memory_space<vmem>>)
      %dma_wait3A_763 = arith.constant 7 : i32
      %dma_wait3A_764 = arith.constant 896 : i32
      %dma_wait3A_765 = tpu.memref_slice %arg15[%dma_wait3A_764] : memref<2048xi32, #tpu.memory_space<vmem>> -> memref<128xi32, #tpu.memory_space<vmem>>
      %dma_wait3A_766 = arith.constant 0 : i32
      %dma_wait3A_767 = tpu.memref_slice %arg12[%dma_wait3A_763, %dma_wait3A_766] : memref<16x128xi32, #tpu.memory_space<vmem>> -> memref<1x128xi32, #tpu.memory_space<vmem>>
      %dma_wait3A_768 = tpu.memref_squeeze %dma_wait3A_767 : memref<1x128xi32, #tpu.memory_space<vmem>> -> memref<128xi32, #tpu.memory_space<vmem>>
      %dma_wait3A_769 = arith.constant 0 : i32
      %dma_wait3A_770 = tpu.memref_slice %arg5[%dma_wait3A_769] : memref<100096xi32, #tpu.memory_space<hbm>> -> memref<100096xi32, #tpu.memory_space<hbm>>
      tpu.wait_indirect_dma semaphore(%arg26 : memref<!tpu.dma_semaphore, #tpu.memory_space<semaphore_mem>>) src(%dma_wait3A_770 : memref<100096xi32, #tpu.memory_space<hbm>>) dst(%dma_wait3A_765 : memref<128xi32, #tpu.memory_space<vmem>>)
      %dma_wait3A_771 = arith.constant 7 : i32
      %dma_wait3A_772 = arith.constant 896 : i32
      %dma_wait3A_773 = tpu.memref_slice %arg16[%dma_wait3A_772] : memref<2048xi32, #tpu.memory_space<vmem>> -> memref<128xi32, #tpu.memory_space<vmem>>
      %dma_wait3A_774 = arith.constant 0 : i32
      %dma_wait3A_775 = tpu.memref_slice %arg13[%dma_wait3A_771, %dma_wait3A_774] : memref<16x128xi32, #tpu.memory_space<vmem>> -> memref<1x128xi32, #tpu.memory_space<vmem>>
      %dma_wait3A_776 = tpu.memref_squeeze %dma_wait3A_775 : memref<1x128xi32, #tpu.memory_space<vmem>> -> memref<128xi32, #tpu.memory_space<vmem>>
      %dma_wait3A_777 = arith.constant 0 : i32
      %dma_wait3A_778 = tpu.memref_slice %arg5[%dma_wait3A_777] : memref<100096xi32, #tpu.memory_space<hbm>> -> memref<100096xi32, #tpu.memory_space<hbm>>
      tpu.wait_indirect_dma semaphore(%arg26 : memref<!tpu.dma_semaphore, #tpu.memory_space<semaphore_mem>>) src(%dma_wait3A_778 : memref<100096xi32, #tpu.memory_space<hbm>>) dst(%dma_wait3A_773 : memref<128xi32, #tpu.memory_space<vmem>>)
      %dma_wait3A_779 = arith.constant 7 : i32
      %dma_wait3A_780 = arith.constant 896 : i32
      %dma_wait3A_781 = tpu.memref_slice %arg17[%dma_wait3A_780] : memref<2048xf32, #tpu.memory_space<vmem>> -> memref<128xf32, #tpu.memory_space<vmem>>
      %dma_wait3A_782 = arith.constant 0 : i32
      %dma_wait3A_783 = tpu.memref_slice %arg12[%dma_wait3A_779, %dma_wait3A_782] : memref<16x128xi32, #tpu.memory_space<vmem>> -> memref<1x128xi32, #tpu.memory_space<vmem>>
      %dma_wait3A_784 = tpu.memref_squeeze %dma_wait3A_783 : memref<1x128xi32, #tpu.memory_space<vmem>> -> memref<128xi32, #tpu.memory_space<vmem>>
      %dma_wait3A_785 = arith.constant 0 : i32
      %dma_wait3A_786 = tpu.memref_slice %arg6[%dma_wait3A_785] : memref<100096xf32, #tpu.memory_space<hbm>> -> memref<100096xf32, #tpu.memory_space<hbm>>
      tpu.wait_indirect_dma semaphore(%arg26 : memref<!tpu.dma_semaphore, #tpu.memory_space<semaphore_mem>>) src(%dma_wait3A_786 : memref<100096xf32, #tpu.memory_space<hbm>>) dst(%dma_wait3A_781 : memref<128xf32, #tpu.memory_space<vmem>>)
      %dma_wait3A_787 = arith.constant 7 : i32
      %dma_wait3A_788 = arith.constant 896 : i32
      %dma_wait3A_789 = tpu.memref_slice %arg18[%dma_wait3A_788] : memref<2048xf32, #tpu.memory_space<vmem>> -> memref<128xf32, #tpu.memory_space<vmem>>
      %dma_wait3A_790 = arith.constant 0 : i32
      %dma_wait3A_791 = tpu.memref_slice %arg13[%dma_wait3A_787, %dma_wait3A_790] : memref<16x128xi32, #tpu.memory_space<vmem>> -> memref<1x128xi32, #tpu.memory_space<vmem>>
      %dma_wait3A_792 = tpu.memref_squeeze %dma_wait3A_791 : memref<1x128xi32, #tpu.memory_space<vmem>> -> memref<128xi32, #tpu.memory_space<vmem>>
      %dma_wait3A_793 = arith.constant 0 : i32
      %dma_wait3A_794 = tpu.memref_slice %arg6[%dma_wait3A_793] : memref<100096xf32, #tpu.memory_space<hbm>> -> memref<100096xf32, #tpu.memory_space<hbm>>
      tpu.wait_indirect_dma semaphore(%arg26 : memref<!tpu.dma_semaphore, #tpu.memory_space<semaphore_mem>>) src(%dma_wait3A_794 : memref<100096xf32, #tpu.memory_space<hbm>>) dst(%dma_wait3A_789 : memref<128xf32, #tpu.memory_space<vmem>>)
      %dma_wait3A_795 = arith.constant 8 : i32
      %dma_wait3A_796 = arith.constant 1024 : i32
      %dma_wait3A_797 = tpu.memref_slice %arg15[%dma_wait3A_796] : memref<2048xi32, #tpu.memory_space<vmem>> -> memref<128xi32, #tpu.memory_space<vmem>>
      %dma_wait3A_798 = arith.constant 0 : i32
      %dma_wait3A_799 = tpu.memref_slice %arg12[%dma_wait3A_795, %dma_wait3A_798] : memref<16x128xi32, #tpu.memory_space<vmem>> -> memref<1x128xi32, #tpu.memory_space<vmem>>
      %dma_wait3A_800 = tpu.memref_squeeze %dma_wait3A_799 : memref<1x128xi32, #tpu.memory_space<vmem>> -> memref<128xi32, #tpu.memory_space<vmem>>
      %dma_wait3A_801 = arith.constant 0 : i32
      %dma_wait3A_802 = tpu.memref_slice %arg5[%dma_wait3A_801] : memref<100096xi32, #tpu.memory_space<hbm>> -> memref<100096xi32, #tpu.memory_space<hbm>>
      tpu.wait_indirect_dma semaphore(%arg26 : memref<!tpu.dma_semaphore, #tpu.memory_space<semaphore_mem>>) src(%dma_wait3A_802 : memref<100096xi32, #tpu.memory_space<hbm>>) dst(%dma_wait3A_797 : memref<128xi32, #tpu.memory_space<vmem>>)
      %dma_wait3A_803 = arith.constant 8 : i32
      %dma_wait3A_804 = arith.constant 1024 : i32
      %dma_wait3A_805 = tpu.memref_slice %arg16[%dma_wait3A_804] : memref<2048xi32, #tpu.memory_space<vmem>> -> memref<128xi32, #tpu.memory_space<vmem>>
      %dma_wait3A_806 = arith.constant 0 : i32
      %dma_wait3A_807 = tpu.memref_slice %arg13[%dma_wait3A_803, %dma_wait3A_806] : memref<16x128xi32, #tpu.memory_space<vmem>> -> memref<1x128xi32, #tpu.memory_space<vmem>>
      %dma_wait3A_808 = tpu.memref_squeeze %dma_wait3A_807 : memref<1x128xi32, #tpu.memory_space<vmem>> -> memref<128xi32, #tpu.memory_space<vmem>>
      %dma_wait3A_809 = arith.constant 0 : i32
      %dma_wait3A_810 = tpu.memref_slice %arg5[%dma_wait3A_809] : memref<100096xi32, #tpu.memory_space<hbm>> -> memref<100096xi32, #tpu.memory_space<hbm>>
      tpu.wait_indirect_dma semaphore(%arg26 : memref<!tpu.dma_semaphore, #tpu.memory_space<semaphore_mem>>) src(%dma_wait3A_810 : memref<100096xi32, #tpu.memory_space<hbm>>) dst(%dma_wait3A_805 : memref<128xi32, #tpu.memory_space<vmem>>)
      %dma_wait3A_811 = arith.constant 8 : i32
      %dma_wait3A_812 = arith.constant 1024 : i32
      %dma_wait3A_813 = tpu.memref_slice %arg17[%dma_wait3A_812] : memref<2048xf32, #tpu.memory_space<vmem>> -> memref<128xf32, #tpu.memory_space<vmem>>
      %dma_wait3A_814 = arith.constant 0 : i32
      %dma_wait3A_815 = tpu.memref_slice %arg12[%dma_wait3A_811, %dma_wait3A_814] : memref<16x128xi32, #tpu.memory_space<vmem>> -> memref<1x128xi32, #tpu.memory_space<vmem>>
      %dma_wait3A_816 = tpu.memref_squeeze %dma_wait3A_815 : memref<1x128xi32, #tpu.memory_space<vmem>> -> memref<128xi32, #tpu.memory_space<vmem>>
      %dma_wait3A_817 = arith.constant 0 : i32
      %dma_wait3A_818 = tpu.memref_slice %arg6[%dma_wait3A_817] : memref<100096xf32, #tpu.memory_space<hbm>> -> memref<100096xf32, #tpu.memory_space<hbm>>
      tpu.wait_indirect_dma semaphore(%arg26 : memref<!tpu.dma_semaphore, #tpu.memory_space<semaphore_mem>>) src(%dma_wait3A_818 : memref<100096xf32, #tpu.memory_space<hbm>>) dst(%dma_wait3A_813 : memref<128xf32, #tpu.memory_space<vmem>>)
      %dma_wait3A_819 = arith.constant 8 : i32
      %dma_wait3A_820 = arith.constant 1024 : i32
      %dma_wait3A_821 = tpu.memref_slice %arg18[%dma_wait3A_820] : memref<2048xf32, #tpu.memory_space<vmem>> -> memref<128xf32, #tpu.memory_space<vmem>>
      %dma_wait3A_822 = arith.constant 0 : i32
      %dma_wait3A_823 = tpu.memref_slice %arg13[%dma_wait3A_819, %dma_wait3A_822] : memref<16x128xi32, #tpu.memory_space<vmem>> -> memref<1x128xi32, #tpu.memory_space<vmem>>
      %dma_wait3A_824 = tpu.memref_squeeze %dma_wait3A_823 : memref<1x128xi32, #tpu.memory_space<vmem>> -> memref<128xi32, #tpu.memory_space<vmem>>
      %dma_wait3A_825 = arith.constant 0 : i32
      %dma_wait3A_826 = tpu.memref_slice %arg6[%dma_wait3A_825] : memref<100096xf32, #tpu.memory_space<hbm>> -> memref<100096xf32, #tpu.memory_space<hbm>>
      tpu.wait_indirect_dma semaphore(%arg26 : memref<!tpu.dma_semaphore, #tpu.memory_space<semaphore_mem>>) src(%dma_wait3A_826 : memref<100096xf32, #tpu.memory_space<hbm>>) dst(%dma_wait3A_821 : memref<128xf32, #tpu.memory_space<vmem>>)
      %dma_wait3A_827 = arith.constant 9 : i32
      %dma_wait3A_828 = arith.constant 1152 : i32
      %dma_wait3A_829 = tpu.memref_slice %arg15[%dma_wait3A_828] : memref<2048xi32, #tpu.memory_space<vmem>> -> memref<128xi32, #tpu.memory_space<vmem>>
      %dma_wait3A_830 = arith.constant 0 : i32
      %dma_wait3A_831 = tpu.memref_slice %arg12[%dma_wait3A_827, %dma_wait3A_830] : memref<16x128xi32, #tpu.memory_space<vmem>> -> memref<1x128xi32, #tpu.memory_space<vmem>>
      %dma_wait3A_832 = tpu.memref_squeeze %dma_wait3A_831 : memref<1x128xi32, #tpu.memory_space<vmem>> -> memref<128xi32, #tpu.memory_space<vmem>>
      %dma_wait3A_833 = arith.constant 0 : i32
      %dma_wait3A_834 = tpu.memref_slice %arg5[%dma_wait3A_833] : memref<100096xi32, #tpu.memory_space<hbm>> -> memref<100096xi32, #tpu.memory_space<hbm>>
      tpu.wait_indirect_dma semaphore(%arg26 : memref<!tpu.dma_semaphore, #tpu.memory_space<semaphore_mem>>) src(%dma_wait3A_834 : memref<100096xi32, #tpu.memory_space<hbm>>) dst(%dma_wait3A_829 : memref<128xi32, #tpu.memory_space<vmem>>)
      %dma_wait3A_835 = arith.constant 9 : i32
      %dma_wait3A_836 = arith.constant 1152 : i32
      %dma_wait3A_837 = tpu.memref_slice %arg16[%dma_wait3A_836] : memref<2048xi32, #tpu.memory_space<vmem>> -> memref<128xi32, #tpu.memory_space<vmem>>
      %dma_wait3A_838 = arith.constant 0 : i32
      %dma_wait3A_839 = tpu.memref_slice %arg13[%dma_wait3A_835, %dma_wait3A_838] : memref<16x128xi32, #tpu.memory_space<vmem>> -> memref<1x128xi32, #tpu.memory_space<vmem>>
      %dma_wait3A_840 = tpu.memref_squeeze %dma_wait3A_839 : memref<1x128xi32, #tpu.memory_space<vmem>> -> memref<128xi32, #tpu.memory_space<vmem>>
      %dma_wait3A_841 = arith.constant 0 : i32
      %dma_wait3A_842 = tpu.memref_slice %arg5[%dma_wait3A_841] : memref<100096xi32, #tpu.memory_space<hbm>> -> memref<100096xi32, #tpu.memory_space<hbm>>
      tpu.wait_indirect_dma semaphore(%arg26 : memref<!tpu.dma_semaphore, #tpu.memory_space<semaphore_mem>>) src(%dma_wait3A_842 : memref<100096xi32, #tpu.memory_space<hbm>>) dst(%dma_wait3A_837 : memref<128xi32, #tpu.memory_space<vmem>>)
      %dma_wait3A_843 = arith.constant 9 : i32
      %dma_wait3A_844 = arith.constant 1152 : i32
      %dma_wait3A_845 = tpu.memref_slice %arg17[%dma_wait3A_844] : memref<2048xf32, #tpu.memory_space<vmem>> -> memref<128xf32, #tpu.memory_space<vmem>>
      %dma_wait3A_846 = arith.constant 0 : i32
      %dma_wait3A_847 = tpu.memref_slice %arg12[%dma_wait3A_843, %dma_wait3A_846] : memref<16x128xi32, #tpu.memory_space<vmem>> -> memref<1x128xi32, #tpu.memory_space<vmem>>
      %dma_wait3A_848 = tpu.memref_squeeze %dma_wait3A_847 : memref<1x128xi32, #tpu.memory_space<vmem>> -> memref<128xi32, #tpu.memory_space<vmem>>
      %dma_wait3A_849 = arith.constant 0 : i32
      %dma_wait3A_850 = tpu.memref_slice %arg6[%dma_wait3A_849] : memref<100096xf32, #tpu.memory_space<hbm>> -> memref<100096xf32, #tpu.memory_space<hbm>>
      tpu.wait_indirect_dma semaphore(%arg26 : memref<!tpu.dma_semaphore, #tpu.memory_space<semaphore_mem>>) src(%dma_wait3A_850 : memref<100096xf32, #tpu.memory_space<hbm>>) dst(%dma_wait3A_845 : memref<128xf32, #tpu.memory_space<vmem>>)
      %dma_wait3A_851 = arith.constant 9 : i32
      %dma_wait3A_852 = arith.constant 1152 : i32
      %dma_wait3A_853 = tpu.memref_slice %arg18[%dma_wait3A_852] : memref<2048xf32, #tpu.memory_space<vmem>> -> memref<128xf32, #tpu.memory_space<vmem>>
      %dma_wait3A_854 = arith.constant 0 : i32
      %dma_wait3A_855 = tpu.memref_slice %arg13[%dma_wait3A_851, %dma_wait3A_854] : memref<16x128xi32, #tpu.memory_space<vmem>> -> memref<1x128xi32, #tpu.memory_space<vmem>>
      %dma_wait3A_856 = tpu.memref_squeeze %dma_wait3A_855 : memref<1x128xi32, #tpu.memory_space<vmem>> -> memref<128xi32, #tpu.memory_space<vmem>>
      %dma_wait3A_857 = arith.constant 0 : i32
      %dma_wait3A_858 = tpu.memref_slice %arg6[%dma_wait3A_857] : memref<100096xf32, #tpu.memory_space<hbm>> -> memref<100096xf32, #tpu.memory_space<hbm>>
      tpu.wait_indirect_dma semaphore(%arg26 : memref<!tpu.dma_semaphore, #tpu.memory_space<semaphore_mem>>) src(%dma_wait3A_858 : memref<100096xf32, #tpu.memory_space<hbm>>) dst(%dma_wait3A_853 : memref<128xf32, #tpu.memory_space<vmem>>)
      %dma_wait3A_859 = arith.constant 10 : i32
      %dma_wait3A_860 = arith.constant 1280 : i32
      %dma_wait3A_861 = tpu.memref_slice %arg15[%dma_wait3A_860] : memref<2048xi32, #tpu.memory_space<vmem>> -> memref<128xi32, #tpu.memory_space<vmem>>
      %dma_wait3A_862 = arith.constant 0 : i32
      %dma_wait3A_863 = tpu.memref_slice %arg12[%dma_wait3A_859, %dma_wait3A_862] : memref<16x128xi32, #tpu.memory_space<vmem>> -> memref<1x128xi32, #tpu.memory_space<vmem>>
      %dma_wait3A_864 = tpu.memref_squeeze %dma_wait3A_863 : memref<1x128xi32, #tpu.memory_space<vmem>> -> memref<128xi32, #tpu.memory_space<vmem>>
      %dma_wait3A_865 = arith.constant 0 : i32
      %dma_wait3A_866 = tpu.memref_slice %arg5[%dma_wait3A_865] : memref<100096xi32, #tpu.memory_space<hbm>> -> memref<100096xi32, #tpu.memory_space<hbm>>
      tpu.wait_indirect_dma semaphore(%arg26 : memref<!tpu.dma_semaphore, #tpu.memory_space<semaphore_mem>>) src(%dma_wait3A_866 : memref<100096xi32, #tpu.memory_space<hbm>>) dst(%dma_wait3A_861 : memref<128xi32, #tpu.memory_space<vmem>>)
      %dma_wait3A_867 = arith.constant 10 : i32
      %dma_wait3A_868 = arith.constant 1280 : i32
      %dma_wait3A_869 = tpu.memref_slice %arg16[%dma_wait3A_868] : memref<2048xi32, #tpu.memory_space<vmem>> -> memref<128xi32, #tpu.memory_space<vmem>>
      %dma_wait3A_870 = arith.constant 0 : i32
      %dma_wait3A_871 = tpu.memref_slice %arg13[%dma_wait3A_867, %dma_wait3A_870] : memref<16x128xi32, #tpu.memory_space<vmem>> -> memref<1x128xi32, #tpu.memory_space<vmem>>
      %dma_wait3A_872 = tpu.memref_squeeze %dma_wait3A_871 : memref<1x128xi32, #tpu.memory_space<vmem>> -> memref<128xi32, #tpu.memory_space<vmem>>
      %dma_wait3A_873 = arith.constant 0 : i32
      %dma_wait3A_874 = tpu.memref_slice %arg5[%dma_wait3A_873] : memref<100096xi32, #tpu.memory_space<hbm>> -> memref<100096xi32, #tpu.memory_space<hbm>>
      tpu.wait_indirect_dma semaphore(%arg26 : memref<!tpu.dma_semaphore, #tpu.memory_space<semaphore_mem>>) src(%dma_wait3A_874 : memref<100096xi32, #tpu.memory_space<hbm>>) dst(%dma_wait3A_869 : memref<128xi32, #tpu.memory_space<vmem>>)
      %dma_wait3A_875 = arith.constant 10 : i32
      %dma_wait3A_876 = arith.constant 1280 : i32
      %dma_wait3A_877 = tpu.memref_slice %arg17[%dma_wait3A_876] : memref<2048xf32, #tpu.memory_space<vmem>> -> memref<128xf32, #tpu.memory_space<vmem>>
      %dma_wait3A_878 = arith.constant 0 : i32
      %dma_wait3A_879 = tpu.memref_slice %arg12[%dma_wait3A_875, %dma_wait3A_878] : memref<16x128xi32, #tpu.memory_space<vmem>> -> memref<1x128xi32, #tpu.memory_space<vmem>>
      %dma_wait3A_880 = tpu.memref_squeeze %dma_wait3A_879 : memref<1x128xi32, #tpu.memory_space<vmem>> -> memref<128xi32, #tpu.memory_space<vmem>>
      %dma_wait3A_881 = arith.constant 0 : i32
      %dma_wait3A_882 = tpu.memref_slice %arg6[%dma_wait3A_881] : memref<100096xf32, #tpu.memory_space<hbm>> -> memref<100096xf32, #tpu.memory_space<hbm>>
      tpu.wait_indirect_dma semaphore(%arg26 : memref<!tpu.dma_semaphore, #tpu.memory_space<semaphore_mem>>) src(%dma_wait3A_882 : memref<100096xf32, #tpu.memory_space<hbm>>) dst(%dma_wait3A_877 : memref<128xf32, #tpu.memory_space<vmem>>)
      %dma_wait3A_883 = arith.constant 10 : i32
      %dma_wait3A_884 = arith.constant 1280 : i32
      %dma_wait3A_885 = tpu.memref_slice %arg18[%dma_wait3A_884] : memref<2048xf32, #tpu.memory_space<vmem>> -> memref<128xf32, #tpu.memory_space<vmem>>
      %dma_wait3A_886 = arith.constant 0 : i32
      %dma_wait3A_887 = tpu.memref_slice %arg13[%dma_wait3A_883, %dma_wait3A_886] : memref<16x128xi32, #tpu.memory_space<vmem>> -> memref<1x128xi32, #tpu.memory_space<vmem>>
      %dma_wait3A_888 = tpu.memref_squeeze %dma_wait3A_887 : memref<1x128xi32, #tpu.memory_space<vmem>> -> memref<128xi32, #tpu.memory_space<vmem>>
      %dma_wait3A_889 = arith.constant 0 : i32
      %dma_wait3A_890 = tpu.memref_slice %arg6[%dma_wait3A_889] : memref<100096xf32, #tpu.memory_space<hbm>> -> memref<100096xf32, #tpu.memory_space<hbm>>
      tpu.wait_indirect_dma semaphore(%arg26 : memref<!tpu.dma_semaphore, #tpu.memory_space<semaphore_mem>>) src(%dma_wait3A_890 : memref<100096xf32, #tpu.memory_space<hbm>>) dst(%dma_wait3A_885 : memref<128xf32, #tpu.memory_space<vmem>>)
      %dma_wait3A_891 = arith.constant 11 : i32
      %dma_wait3A_892 = arith.constant 1408 : i32
      %dma_wait3A_893 = tpu.memref_slice %arg15[%dma_wait3A_892] : memref<2048xi32, #tpu.memory_space<vmem>> -> memref<128xi32, #tpu.memory_space<vmem>>
      %dma_wait3A_894 = arith.constant 0 : i32
      %dma_wait3A_895 = tpu.memref_slice %arg12[%dma_wait3A_891, %dma_wait3A_894] : memref<16x128xi32, #tpu.memory_space<vmem>> -> memref<1x128xi32, #tpu.memory_space<vmem>>
      %dma_wait3A_896 = tpu.memref_squeeze %dma_wait3A_895 : memref<1x128xi32, #tpu.memory_space<vmem>> -> memref<128xi32, #tpu.memory_space<vmem>>
      %dma_wait3A_897 = arith.constant 0 : i32
      %dma_wait3A_898 = tpu.memref_slice %arg5[%dma_wait3A_897] : memref<100096xi32, #tpu.memory_space<hbm>> -> memref<100096xi32, #tpu.memory_space<hbm>>
      tpu.wait_indirect_dma semaphore(%arg26 : memref<!tpu.dma_semaphore, #tpu.memory_space<semaphore_mem>>) src(%dma_wait3A_898 : memref<100096xi32, #tpu.memory_space<hbm>>) dst(%dma_wait3A_893 : memref<128xi32, #tpu.memory_space<vmem>>)
      %dma_wait3A_899 = arith.constant 11 : i32
      %dma_wait3A_900 = arith.constant 1408 : i32
      %dma_wait3A_901 = tpu.memref_slice %arg16[%dma_wait3A_900] : memref<2048xi32, #tpu.memory_space<vmem>> -> memref<128xi32, #tpu.memory_space<vmem>>
      %dma_wait3A_902 = arith.constant 0 : i32
      %dma_wait3A_903 = tpu.memref_slice %arg13[%dma_wait3A_899, %dma_wait3A_902] : memref<16x128xi32, #tpu.memory_space<vmem>> -> memref<1x128xi32, #tpu.memory_space<vmem>>
      %dma_wait3A_904 = tpu.memref_squeeze %dma_wait3A_903 : memref<1x128xi32, #tpu.memory_space<vmem>> -> memref<128xi32, #tpu.memory_space<vmem>>
      %dma_wait3A_905 = arith.constant 0 : i32
      %dma_wait3A_906 = tpu.memref_slice %arg5[%dma_wait3A_905] : memref<100096xi32, #tpu.memory_space<hbm>> -> memref<100096xi32, #tpu.memory_space<hbm>>
      tpu.wait_indirect_dma semaphore(%arg26 : memref<!tpu.dma_semaphore, #tpu.memory_space<semaphore_mem>>) src(%dma_wait3A_906 : memref<100096xi32, #tpu.memory_space<hbm>>) dst(%dma_wait3A_901 : memref<128xi32, #tpu.memory_space<vmem>>)
      %dma_wait3A_907 = arith.constant 11 : i32
      %dma_wait3A_908 = arith.constant 1408 : i32
      %dma_wait3A_909 = tpu.memref_slice %arg17[%dma_wait3A_908] : memref<2048xf32, #tpu.memory_space<vmem>> -> memref<128xf32, #tpu.memory_space<vmem>>
      %dma_wait3A_910 = arith.constant 0 : i32
      %dma_wait3A_911 = tpu.memref_slice %arg12[%dma_wait3A_907, %dma_wait3A_910] : memref<16x128xi32, #tpu.memory_space<vmem>> -> memref<1x128xi32, #tpu.memory_space<vmem>>
      %dma_wait3A_912 = tpu.memref_squeeze %dma_wait3A_911 : memref<1x128xi32, #tpu.memory_space<vmem>> -> memref<128xi32, #tpu.memory_space<vmem>>
      %dma_wait3A_913 = arith.constant 0 : i32
      %dma_wait3A_914 = tpu.memref_slice %arg6[%dma_wait3A_913] : memref<100096xf32, #tpu.memory_space<hbm>> -> memref<100096xf32, #tpu.memory_space<hbm>>
      tpu.wait_indirect_dma semaphore(%arg26 : memref<!tpu.dma_semaphore, #tpu.memory_space<semaphore_mem>>) src(%dma_wait3A_914 : memref<100096xf32, #tpu.memory_space<hbm>>) dst(%dma_wait3A_909 : memref<128xf32, #tpu.memory_space<vmem>>)
      %dma_wait3A_915 = arith.constant 11 : i32
      %dma_wait3A_916 = arith.constant 1408 : i32
      %dma_wait3A_917 = tpu.memref_slice %arg18[%dma_wait3A_916] : memref<2048xf32, #tpu.memory_space<vmem>> -> memref<128xf32, #tpu.memory_space<vmem>>
      %dma_wait3A_918 = arith.constant 0 : i32
      %dma_wait3A_919 = tpu.memref_slice %arg13[%dma_wait3A_915, %dma_wait3A_918] : memref<16x128xi32, #tpu.memory_space<vmem>> -> memref<1x128xi32, #tpu.memory_space<vmem>>
      %dma_wait3A_920 = tpu.memref_squeeze %dma_wait3A_919 : memref<1x128xi32, #tpu.memory_space<vmem>> -> memref<128xi32, #tpu.memory_space<vmem>>
      %dma_wait3A_921 = arith.constant 0 : i32
      %dma_wait3A_922 = tpu.memref_slice %arg6[%dma_wait3A_921] : memref<100096xf32, #tpu.memory_space<hbm>> -> memref<100096xf32, #tpu.memory_space<hbm>>
      tpu.wait_indirect_dma semaphore(%arg26 : memref<!tpu.dma_semaphore, #tpu.memory_space<semaphore_mem>>) src(%dma_wait3A_922 : memref<100096xf32, #tpu.memory_space<hbm>>) dst(%dma_wait3A_917 : memref<128xf32, #tpu.memory_space<vmem>>)
      %dma_wait3A_923 = arith.constant 12 : i32
      %dma_wait3A_924 = arith.constant 1536 : i32
      %dma_wait3A_925 = tpu.memref_slice %arg15[%dma_wait3A_924] : memref<2048xi32, #tpu.memory_space<vmem>> -> memref<128xi32, #tpu.memory_space<vmem>>
      %dma_wait3A_926 = arith.constant 0 : i32
      %dma_wait3A_927 = tpu.memref_slice %arg12[%dma_wait3A_923, %dma_wait3A_926] : memref<16x128xi32, #tpu.memory_space<vmem>> -> memref<1x128xi32, #tpu.memory_space<vmem>>
      %dma_wait3A_928 = tpu.memref_squeeze %dma_wait3A_927 : memref<1x128xi32, #tpu.memory_space<vmem>> -> memref<128xi32, #tpu.memory_space<vmem>>
      %dma_wait3A_929 = arith.constant 0 : i32
      %dma_wait3A_930 = tpu.memref_slice %arg5[%dma_wait3A_929] : memref<100096xi32, #tpu.memory_space<hbm>> -> memref<100096xi32, #tpu.memory_space<hbm>>
      tpu.wait_indirect_dma semaphore(%arg26 : memref<!tpu.dma_semaphore, #tpu.memory_space<semaphore_mem>>) src(%dma_wait3A_930 : memref<100096xi32, #tpu.memory_space<hbm>>) dst(%dma_wait3A_925 : memref<128xi32, #tpu.memory_space<vmem>>)
      %dma_wait3A_931 = arith.constant 12 : i32
      %dma_wait3A_932 = arith.constant 1536 : i32
      %dma_wait3A_933 = tpu.memref_slice %arg16[%dma_wait3A_932] : memref<2048xi32, #tpu.memory_space<vmem>> -> memref<128xi32, #tpu.memory_space<vmem>>
      %dma_wait3A_934 = arith.constant 0 : i32
      %dma_wait3A_935 = tpu.memref_slice %arg13[%dma_wait3A_931, %dma_wait3A_934] : memref<16x128xi32, #tpu.memory_space<vmem>> -> memref<1x128xi32, #tpu.memory_space<vmem>>
      %dma_wait3A_936 = tpu.memref_squeeze %dma_wait3A_935 : memref<1x128xi32, #tpu.memory_space<vmem>> -> memref<128xi32, #tpu.memory_space<vmem>>
      %dma_wait3A_937 = arith.constant 0 : i32
      %dma_wait3A_938 = tpu.memref_slice %arg5[%dma_wait3A_937] : memref<100096xi32, #tpu.memory_space<hbm>> -> memref<100096xi32, #tpu.memory_space<hbm>>
      tpu.wait_indirect_dma semaphore(%arg26 : memref<!tpu.dma_semaphore, #tpu.memory_space<semaphore_mem>>) src(%dma_wait3A_938 : memref<100096xi32, #tpu.memory_space<hbm>>) dst(%dma_wait3A_933 : memref<128xi32, #tpu.memory_space<vmem>>)
      %dma_wait3A_939 = arith.constant 12 : i32
      %dma_wait3A_940 = arith.constant 1536 : i32
      %dma_wait3A_941 = tpu.memref_slice %arg17[%dma_wait3A_940] : memref<2048xf32, #tpu.memory_space<vmem>> -> memref<128xf32, #tpu.memory_space<vmem>>
      %dma_wait3A_942 = arith.constant 0 : i32
      %dma_wait3A_943 = tpu.memref_slice %arg12[%dma_wait3A_939, %dma_wait3A_942] : memref<16x128xi32, #tpu.memory_space<vmem>> -> memref<1x128xi32, #tpu.memory_space<vmem>>
      %dma_wait3A_944 = tpu.memref_squeeze %dma_wait3A_943 : memref<1x128xi32, #tpu.memory_space<vmem>> -> memref<128xi32, #tpu.memory_space<vmem>>
      %dma_wait3A_945 = arith.constant 0 : i32
      %dma_wait3A_946 = tpu.memref_slice %arg6[%dma_wait3A_945] : memref<100096xf32, #tpu.memory_space<hbm>> -> memref<100096xf32, #tpu.memory_space<hbm>>
      tpu.wait_indirect_dma semaphore(%arg26 : memref<!tpu.dma_semaphore, #tpu.memory_space<semaphore_mem>>) src(%dma_wait3A_946 : memref<100096xf32, #tpu.memory_space<hbm>>) dst(%dma_wait3A_941 : memref<128xf32, #tpu.memory_space<vmem>>)
      %dma_wait3A_947 = arith.constant 12 : i32
      %dma_wait3A_948 = arith.constant 1536 : i32
      %dma_wait3A_949 = tpu.memref_slice %arg18[%dma_wait3A_948] : memref<2048xf32, #tpu.memory_space<vmem>> -> memref<128xf32, #tpu.memory_space<vmem>>
      %dma_wait3A_950 = arith.constant 0 : i32
      %dma_wait3A_951 = tpu.memref_slice %arg13[%dma_wait3A_947, %dma_wait3A_950] : memref<16x128xi32, #tpu.memory_space<vmem>> -> memref<1x128xi32, #tpu.memory_space<vmem>>
      %dma_wait3A_952 = tpu.memref_squeeze %dma_wait3A_951 : memref<1x128xi32, #tpu.memory_space<vmem>> -> memref<128xi32, #tpu.memory_space<vmem>>
      %dma_wait3A_953 = arith.constant 0 : i32
      %dma_wait3A_954 = tpu.memref_slice %arg6[%dma_wait3A_953] : memref<100096xf32, #tpu.memory_space<hbm>> -> memref<100096xf32, #tpu.memory_space<hbm>>
      tpu.wait_indirect_dma semaphore(%arg26 : memref<!tpu.dma_semaphore, #tpu.memory_space<semaphore_mem>>) src(%dma_wait3A_954 : memref<100096xf32, #tpu.memory_space<hbm>>) dst(%dma_wait3A_949 : memref<128xf32, #tpu.memory_space<vmem>>)
      %dma_wait3A_955 = arith.constant 13 : i32
      %dma_wait3A_956 = arith.constant 1664 : i32
      %dma_wait3A_957 = tpu.memref_slice %arg15[%dma_wait3A_956] : memref<2048xi32, #tpu.memory_space<vmem>> -> memref<128xi32, #tpu.memory_space<vmem>>
      %dma_wait3A_958 = arith.constant 0 : i32
      %dma_wait3A_959 = tpu.memref_slice %arg12[%dma_wait3A_955, %dma_wait3A_958] : memref<16x128xi32, #tpu.memory_space<vmem>> -> memref<1x128xi32, #tpu.memory_space<vmem>>
      %dma_wait3A_960 = tpu.memref_squeeze %dma_wait3A_959 : memref<1x128xi32, #tpu.memory_space<vmem>> -> memref<128xi32, #tpu.memory_space<vmem>>
      %dma_wait3A_961 = arith.constant 0 : i32
      %dma_wait3A_962 = tpu.memref_slice %arg5[%dma_wait3A_961] : memref<100096xi32, #tpu.memory_space<hbm>> -> memref<100096xi32, #tpu.memory_space<hbm>>
      tpu.wait_indirect_dma semaphore(%arg26 : memref<!tpu.dma_semaphore, #tpu.memory_space<semaphore_mem>>) src(%dma_wait3A_962 : memref<100096xi32, #tpu.memory_space<hbm>>) dst(%dma_wait3A_957 : memref<128xi32, #tpu.memory_space<vmem>>)
      %dma_wait3A_963 = arith.constant 13 : i32
      %dma_wait3A_964 = arith.constant 1664 : i32
      %dma_wait3A_965 = tpu.memref_slice %arg16[%dma_wait3A_964] : memref<2048xi32, #tpu.memory_space<vmem>> -> memref<128xi32, #tpu.memory_space<vmem>>
      %dma_wait3A_966 = arith.constant 0 : i32
      %dma_wait3A_967 = tpu.memref_slice %arg13[%dma_wait3A_963, %dma_wait3A_966] : memref<16x128xi32, #tpu.memory_space<vmem>> -> memref<1x128xi32, #tpu.memory_space<vmem>>
      %dma_wait3A_968 = tpu.memref_squeeze %dma_wait3A_967 : memref<1x128xi32, #tpu.memory_space<vmem>> -> memref<128xi32, #tpu.memory_space<vmem>>
      %dma_wait3A_969 = arith.constant 0 : i32
      %dma_wait3A_970 = tpu.memref_slice %arg5[%dma_wait3A_969] : memref<100096xi32, #tpu.memory_space<hbm>> -> memref<100096xi32, #tpu.memory_space<hbm>>
      tpu.wait_indirect_dma semaphore(%arg26 : memref<!tpu.dma_semaphore, #tpu.memory_space<semaphore_mem>>) src(%dma_wait3A_970 : memref<100096xi32, #tpu.memory_space<hbm>>) dst(%dma_wait3A_965 : memref<128xi32, #tpu.memory_space<vmem>>)
      %dma_wait3A_971 = arith.constant 13 : i32
      %dma_wait3A_972 = arith.constant 1664 : i32
      %dma_wait3A_973 = tpu.memref_slice %arg17[%dma_wait3A_972] : memref<2048xf32, #tpu.memory_space<vmem>> -> memref<128xf32, #tpu.memory_space<vmem>>
      %dma_wait3A_974 = arith.constant 0 : i32
      %dma_wait3A_975 = tpu.memref_slice %arg12[%dma_wait3A_971, %dma_wait3A_974] : memref<16x128xi32, #tpu.memory_space<vmem>> -> memref<1x128xi32, #tpu.memory_space<vmem>>
      %dma_wait3A_976 = tpu.memref_squeeze %dma_wait3A_975 : memref<1x128xi32, #tpu.memory_space<vmem>> -> memref<128xi32, #tpu.memory_space<vmem>>
      %dma_wait3A_977 = arith.constant 0 : i32
      %dma_wait3A_978 = tpu.memref_slice %arg6[%dma_wait3A_977] : memref<100096xf32, #tpu.memory_space<hbm>> -> memref<100096xf32, #tpu.memory_space<hbm>>
      tpu.wait_indirect_dma semaphore(%arg26 : memref<!tpu.dma_semaphore, #tpu.memory_space<semaphore_mem>>) src(%dma_wait3A_978 : memref<100096xf32, #tpu.memory_space<hbm>>) dst(%dma_wait3A_973 : memref<128xf32, #tpu.memory_space<vmem>>)
      %dma_wait3A_979 = arith.constant 13 : i32
      %dma_wait3A_980 = arith.constant 1664 : i32
      %dma_wait3A_981 = tpu.memref_slice %arg18[%dma_wait3A_980] : memref<2048xf32, #tpu.memory_space<vmem>> -> memref<128xf32, #tpu.memory_space<vmem>>
      %dma_wait3A_982 = arith.constant 0 : i32
      %dma_wait3A_983 = tpu.memref_slice %arg13[%dma_wait3A_979, %dma_wait3A_982] : memref<16x128xi32, #tpu.memory_space<vmem>> -> memref<1x128xi32, #tpu.memory_space<vmem>>
      %dma_wait3A_984 = tpu.memref_squeeze %dma_wait3A_983 : memref<1x128xi32, #tpu.memory_space<vmem>> -> memref<128xi32, #tpu.memory_space<vmem>>
      %dma_wait3A_985 = arith.constant 0 : i32
      %dma_wait3A_986 = tpu.memref_slice %arg6[%dma_wait3A_985] : memref<100096xf32, #tpu.memory_space<hbm>> -> memref<100096xf32, #tpu.memory_space<hbm>>
      tpu.wait_indirect_dma semaphore(%arg26 : memref<!tpu.dma_semaphore, #tpu.memory_space<semaphore_mem>>) src(%dma_wait3A_986 : memref<100096xf32, #tpu.memory_space<hbm>>) dst(%dma_wait3A_981 : memref<128xf32, #tpu.memory_space<vmem>>)
      %dma_wait3A_987 = arith.constant 14 : i32
      %dma_wait3A_988 = arith.constant 1792 : i32
      %dma_wait3A_989 = tpu.memref_slice %arg15[%dma_wait3A_988] : memref<2048xi32, #tpu.memory_space<vmem>> -> memref<128xi32, #tpu.memory_space<vmem>>
      %dma_wait3A_990 = arith.constant 0 : i32
      %dma_wait3A_991 = tpu.memref_slice %arg12[%dma_wait3A_987, %dma_wait3A_990] : memref<16x128xi32, #tpu.memory_space<vmem>> -> memref<1x128xi32, #tpu.memory_space<vmem>>
      %dma_wait3A_992 = tpu.memref_squeeze %dma_wait3A_991 : memref<1x128xi32, #tpu.memory_space<vmem>> -> memref<128xi32, #tpu.memory_space<vmem>>
      %dma_wait3A_993 = arith.constant 0 : i32
      %dma_wait3A_994 = tpu.memref_slice %arg5[%dma_wait3A_993] : memref<100096xi32, #tpu.memory_space<hbm>> -> memref<100096xi32, #tpu.memory_space<hbm>>
      tpu.wait_indirect_dma semaphore(%arg26 : memref<!tpu.dma_semaphore, #tpu.memory_space<semaphore_mem>>) src(%dma_wait3A_994 : memref<100096xi32, #tpu.memory_space<hbm>>) dst(%dma_wait3A_989 : memref<128xi32, #tpu.memory_space<vmem>>)
      %dma_wait3A_995 = arith.constant 14 : i32
      %dma_wait3A_996 = arith.constant 1792 : i32
      %dma_wait3A_997 = tpu.memref_slice %arg16[%dma_wait3A_996] : memref<2048xi32, #tpu.memory_space<vmem>> -> memref<128xi32, #tpu.memory_space<vmem>>
      %dma_wait3A_998 = arith.constant 0 : i32
      %dma_wait3A_999 = tpu.memref_slice %arg13[%dma_wait3A_995, %dma_wait3A_998] : memref<16x128xi32, #tpu.memory_space<vmem>> -> memref<1x128xi32, #tpu.memory_space<vmem>>
      %dma_wait3A_1000 = tpu.memref_squeeze %dma_wait3A_999 : memref<1x128xi32, #tpu.memory_space<vmem>> -> memref<128xi32, #tpu.memory_space<vmem>>
      %dma_wait3A_1001 = arith.constant 0 : i32
      %dma_wait3A_1002 = tpu.memref_slice %arg5[%dma_wait3A_1001] : memref<100096xi32, #tpu.memory_space<hbm>> -> memref<100096xi32, #tpu.memory_space<hbm>>
      tpu.wait_indirect_dma semaphore(%arg26 : memref<!tpu.dma_semaphore, #tpu.memory_space<semaphore_mem>>) src(%dma_wait3A_1002 : memref<100096xi32, #tpu.memory_space<hbm>>) dst(%dma_wait3A_997 : memref<128xi32, #tpu.memory_space<vmem>>)
      %dma_wait3A_1003 = arith.constant 14 : i32
      %dma_wait3A_1004 = arith.constant 1792 : i32
      %dma_wait3A_1005 = tpu.memref_slice %arg17[%dma_wait3A_1004] : memref<2048xf32, #tpu.memory_space<vmem>> -> memref<128xf32, #tpu.memory_space<vmem>>
      %dma_wait3A_1006 = arith.constant 0 : i32
      %dma_wait3A_1007 = tpu.memref_slice %arg12[%dma_wait3A_1003, %dma_wait3A_1006] : memref<16x128xi32, #tpu.memory_space<vmem>> -> memref<1x128xi32, #tpu.memory_space<vmem>>
      %dma_wait3A_1008 = tpu.memref_squeeze %dma_wait3A_1007 : memref<1x128xi32, #tpu.memory_space<vmem>> -> memref<128xi32, #tpu.memory_space<vmem>>
      %dma_wait3A_1009 = arith.constant 0 : i32
      %dma_wait3A_1010 = tpu.memref_slice %arg6[%dma_wait3A_1009] : memref<100096xf32, #tpu.memory_space<hbm>> -> memref<100096xf32, #tpu.memory_space<hbm>>
      tpu.wait_indirect_dma semaphore(%arg26 : memref<!tpu.dma_semaphore, #tpu.memory_space<semaphore_mem>>) src(%dma_wait3A_1010 : memref<100096xf32, #tpu.memory_space<hbm>>) dst(%dma_wait3A_1005 : memref<128xf32, #tpu.memory_space<vmem>>)
      %dma_wait3A_1011 = arith.constant 14 : i32
      %dma_wait3A_1012 = arith.constant 1792 : i32
      %dma_wait3A_1013 = tpu.memref_slice %arg18[%dma_wait3A_1012] : memref<2048xf32, #tpu.memory_space<vmem>> -> memref<128xf32, #tpu.memory_space<vmem>>
      %dma_wait3A_1014 = arith.constant 0 : i32
      %dma_wait3A_1015 = tpu.memref_slice %arg13[%dma_wait3A_1011, %dma_wait3A_1014] : memref<16x128xi32, #tpu.memory_space<vmem>> -> memref<1x128xi32, #tpu.memory_space<vmem>>
      %dma_wait3A_1016 = tpu.memref_squeeze %dma_wait3A_1015 : memref<1x128xi32, #tpu.memory_space<vmem>> -> memref<128xi32, #tpu.memory_space<vmem>>
      %dma_wait3A_1017 = arith.constant 0 : i32
      %dma_wait3A_1018 = tpu.memref_slice %arg6[%dma_wait3A_1017] : memref<100096xf32, #tpu.memory_space<hbm>> -> memref<100096xf32, #tpu.memory_space<hbm>>
      tpu.wait_indirect_dma semaphore(%arg26 : memref<!tpu.dma_semaphore, #tpu.memory_space<semaphore_mem>>) src(%dma_wait3A_1018 : memref<100096xf32, #tpu.memory_space<hbm>>) dst(%dma_wait3A_1013 : memref<128xf32, #tpu.memory_space<vmem>>)
      %dma_wait3A_1019 = arith.constant 15 : i32
      %dma_wait3A_1020 = arith.constant 1920 : i32
      %dma_wait3A_1021 = tpu.memref_slice %arg15[%dma_wait3A_1020] : memref<2048xi32, #tpu.memory_space<vmem>> -> memref<128xi32, #tpu.memory_space<vmem>>
      %dma_wait3A_1022 = arith.constant 0 : i32
      %dma_wait3A_1023 = tpu.memref_slice %arg12[%dma_wait3A_1019, %dma_wait3A_1022] : memref<16x128xi32, #tpu.memory_space<vmem>> -> memref<1x128xi32, #tpu.memory_space<vmem>>
      %dma_wait3A_1024 = tpu.memref_squeeze %dma_wait3A_1023 : memref<1x128xi32, #tpu.memory_space<vmem>> -> memref<128xi32, #tpu.memory_space<vmem>>
      %dma_wait3A_1025 = arith.constant 0 : i32
      %dma_wait3A_1026 = tpu.memref_slice %arg5[%dma_wait3A_1025] : memref<100096xi32, #tpu.memory_space<hbm>> -> memref<100096xi32, #tpu.memory_space<hbm>>
      tpu.wait_indirect_dma semaphore(%arg26 : memref<!tpu.dma_semaphore, #tpu.memory_space<semaphore_mem>>) src(%dma_wait3A_1026 : memref<100096xi32, #tpu.memory_space<hbm>>) dst(%dma_wait3A_1021 : memref<128xi32, #tpu.memory_space<vmem>>)
      %dma_wait3A_1027 = arith.constant 15 : i32
      %dma_wait3A_1028 = arith.constant 1920 : i32
      %dma_wait3A_1029 = tpu.memref_slice %arg16[%dma_wait3A_1028] : memref<2048xi32, #tpu.memory_space<vmem>> -> memref<128xi32, #tpu.memory_space<vmem>>
      %dma_wait3A_1030 = arith.constant 0 : i32
      %dma_wait3A_1031 = tpu.memref_slice %arg13[%dma_wait3A_1027, %dma_wait3A_1030] : memref<16x128xi32, #tpu.memory_space<vmem>> -> memref<1x128xi32, #tpu.memory_space<vmem>>
      %dma_wait3A_1032 = tpu.memref_squeeze %dma_wait3A_1031 : memref<1x128xi32, #tpu.memory_space<vmem>> -> memref<128xi32, #tpu.memory_space<vmem>>
      %dma_wait3A_1033 = arith.constant 0 : i32
      %dma_wait3A_1034 = tpu.memref_slice %arg5[%dma_wait3A_1033] : memref<100096xi32, #tpu.memory_space<hbm>> -> memref<100096xi32, #tpu.memory_space<hbm>>
      tpu.wait_indirect_dma semaphore(%arg26 : memref<!tpu.dma_semaphore, #tpu.memory_space<semaphore_mem>>) src(%dma_wait3A_1034 : memref<100096xi32, #tpu.memory_space<hbm>>) dst(%dma_wait3A_1029 : memref<128xi32, #tpu.memory_space<vmem>>)
      %dma_wait3A_1035 = arith.constant 15 : i32
      %dma_wait3A_1036 = arith.constant 1920 : i32
      %dma_wait3A_1037 = tpu.memref_slice %arg17[%dma_wait3A_1036] : memref<2048xf32, #tpu.memory_space<vmem>> -> memref<128xf32, #tpu.memory_space<vmem>>
      %dma_wait3A_1038 = arith.constant 0 : i32
      %dma_wait3A_1039 = tpu.memref_slice %arg12[%dma_wait3A_1035, %dma_wait3A_1038] : memref<16x128xi32, #tpu.memory_space<vmem>> -> memref<1x128xi32, #tpu.memory_space<vmem>>
      %dma_wait3A_1040 = tpu.memref_squeeze %dma_wait3A_1039 : memref<1x128xi32, #tpu.memory_space<vmem>> -> memref<128xi32, #tpu.memory_space<vmem>>
      %dma_wait3A_1041 = arith.constant 0 : i32
      %dma_wait3A_1042 = tpu.memref_slice %arg6[%dma_wait3A_1041] : memref<100096xf32, #tpu.memory_space<hbm>> -> memref<100096xf32, #tpu.memory_space<hbm>>
      tpu.wait_indirect_dma semaphore(%arg26 : memref<!tpu.dma_semaphore, #tpu.memory_space<semaphore_mem>>) src(%dma_wait3A_1042 : memref<100096xf32, #tpu.memory_space<hbm>>) dst(%dma_wait3A_1037 : memref<128xf32, #tpu.memory_space<vmem>>)
      %dma_wait3A_1043 = arith.constant 15 : i32
      %dma_wait3A_1044 = arith.constant 1920 : i32
      %dma_wait3A_1045 = tpu.memref_slice %arg18[%dma_wait3A_1044] : memref<2048xf32, #tpu.memory_space<vmem>> -> memref<128xf32, #tpu.memory_space<vmem>>
      %dma_wait3A_1046 = arith.constant 0 : i32
      %dma_wait3A_1047 = tpu.memref_slice %arg13[%dma_wait3A_1043, %dma_wait3A_1046] : memref<16x128xi32, #tpu.memory_space<vmem>> -> memref<1x128xi32, #tpu.memory_space<vmem>>
      %dma_wait3A_1048 = tpu.memref_squeeze %dma_wait3A_1047 : memref<1x128xi32, #tpu.memory_space<vmem>> -> memref<128xi32, #tpu.memory_space<vmem>>
      %dma_wait3A_1049 = arith.constant 0 : i32
      %dma_wait3A_1050 = tpu.memref_slice %arg6[%dma_wait3A_1049] : memref<100096xf32, #tpu.memory_space<hbm>> -> memref<100096xf32, #tpu.memory_space<hbm>>
      tpu.wait_indirect_dma semaphore(%arg26 : memref<!tpu.dma_semaphore, #tpu.memory_space<semaphore_mem>>) src(%dma_wait3A_1050 : memref<100096xf32, #tpu.memory_space<hbm>>) dst(%dma_wait3A_1045 : memref<128xf32, #tpu.memory_space<vmem>>)
      %scan3A_1051 = arith.constant 0 : i32
      %scan3A_1052 = arith.constant 0 : i32
      %scan3A_1053 = arith.constant 128 : i32
      %scan3A_1054 = arith.addi %scan3A_1052, %scan3A_1053 : i32
      %scan3A_1055 = arith.constant 1 : i32
      %scan3A_1056 = scf.for %scan3A_1578 = %scan3A_1052 to %scan3A_1054 step %scan3A_1055 iter_args(%scan3A_1579 = %scan3A_1051) -> (i32)  : i32 {
        %mul3A_1580 = arith.constant 16 : i32
        %mul3A_1581 = arith.muli %scan3A_1578, %mul3A_1580 : i32
        %get3A = arith.index_cast %mul3A_1581 : i32 to index
        %get3A_1582 = tpu.vector_load %arg15[%get3A] {strides = array<i32>} : memref<2048xi32, #tpu.memory_space<vmem>>, vector<16xi32>,
        %mul3A_1583 = arith.constant 87 : i32
        %mul3A_1584 = vector.broadcast %mul3A_1583 : i32 to vector<16xi32>
        %mul3A_1585 = arith.muli %get3A_1582, %mul3A_1584 : vector<16xi32>
        %get3A_1586 = arith.index_cast %mul3A_1581 : i32 to index
        %get3A_1587 = tpu.vector_load %arg16[%get3A_1586] {strides = array<i32>} : memref<2048xi32, #tpu.memory_space<vmem>>, vector<16xi32>,
        %add3A_1588 = arith.addi %mul3A_1585, %get3A_1587 : vector<16xi32>
        %swap3A = arith.index_cast %mul3A_1581 : i32 to index
        %swap3A_1589 = tpu.vector_load %arg19[%swap3A] {strides = array<i32>} : memref<2048xi32, #tpu.memory_space<vmem>>, vector<16xi32>,
        tpu.vector_store %arg19[%swap3A], %add3A_1588 {strides = array<i32>} : memref<2048xi32, #tpu.memory_space<vmem>>, vector<16xi32>,
        %scan3A_1590 = arith.constant 0 : i32
        scf.yield %scan3A_1590 : i32
      }
      %scan3A_1057 = arith.constant 128 : i32
      %dma_start3A_1058 = arith.constant 0 : i32
      %dma_start3A_1059 = arith.constant 0 : i32
      %dma_start3A_1060 = tpu.memref_slice %arg20[%dma_start3A_1058, %dma_start3A_1059] : memref<2048x32xf32, #tpu.memory_space<vmem>> -> memref<128x32xf32, #tpu.memory_space<vmem>>
      %dma_start3A_1061 = arith.constant 0 : i32
      %dma_start3A_1062 = tpu.memref_slice %arg19[%dma_start3A_1061] : memref<2048xi32, #tpu.memory_space<vmem>> -> memref<128xi32, #tpu.memory_space<vmem>>
      %dma_start3A_1063 = arith.constant 0 : i32
      %dma_start3A_1064 = arith.constant 0 : i32
      %dma_start3A_1065 = tpu.memref_slice %arg7[%dma_start3A_1063, %dma_start3A_1064] : memref<7569x32xf32, #tpu.memory_space<hbm>> -> memref<7569x32xf32, #tpu.memory_space<hbm>>
      tpu.enqueue_indirect_dma source(%dma_start3A_1065 : memref<7569x32xf32, #tpu.memory_space<hbm>>) target(%dma_start3A_1060 : memref<128x32xf32, #tpu.memory_space<vmem>>) offsets(%dma_start3A_1062 : memref<128xi32, #tpu.memory_space<vmem>>) semaphore(%arg26 : memref<!tpu.dma_semaphore, #tpu.memory_space<semaphore_mem>>)
      %dma_start3A_1066 = arith.constant 128 : i32
      %dma_start3A_1067 = arith.constant 0 : i32
      %dma_start3A_1068 = tpu.memref_slice %arg20[%dma_start3A_1066, %dma_start3A_1067] : memref<2048x32xf32, #tpu.memory_space<vmem>> -> memref<128x32xf32, #tpu.memory_space<vmem>>
      %dma_start3A_1069 = arith.constant 128 : i32
      %dma_start3A_1070 = tpu.memref_slice %arg19[%dma_start3A_1069] : memref<2048xi32, #tpu.memory_space<vmem>> -> memref<128xi32, #tpu.memory_space<vmem>>
      %dma_start3A_1071 = arith.constant 0 : i32
      %dma_start3A_1072 = arith.constant 0 : i32
      %dma_start3A_1073 = tpu.memref_slice %arg7[%dma_start3A_1071, %dma_start3A_1072] : memref<7569x32xf32, #tpu.memory_space<hbm>> -> memref<7569x32xf32, #tpu.memory_space<hbm>>
      tpu.enqueue_indirect_dma source(%dma_start3A_1073 : memref<7569x32xf32, #tpu.memory_space<hbm>>) target(%dma_start3A_1068 : memref<128x32xf32, #tpu.memory_space<vmem>>) offsets(%dma_start3A_1070 : memref<128xi32, #tpu.memory_space<vmem>>) semaphore(%arg26 : memref<!tpu.dma_semaphore, #tpu.memory_space<semaphore_mem>>)
      %dma_start3A_1074 = arith.constant 256 : i32
      %dma_start3A_1075 = arith.constant 0 : i32
      %dma_start3A_1076 = tpu.memref_slice %arg20[%dma_start3A_1074, %dma_start3A_1075] : memref<2048x32xf32, #tpu.memory_space<vmem>> -> memref<128x32xf32, #tpu.memory_space<vmem>>
      %dma_start3A_1077 = arith.constant 256 : i32
      %dma_start3A_1078 = tpu.memref_slice %arg19[%dma_start3A_1077] : memref<2048xi32, #tpu.memory_space<vmem>> -> memref<128xi32, #tpu.memory_space<vmem>>
      %dma_start3A_1079 = arith.constant 0 : i32
      %dma_start3A_1080 = arith.constant 0 : i32
      %dma_start3A_1081 = tpu.memref_slice %arg7[%dma_start3A_1079, %dma_start3A_1080] : memref<7569x32xf32, #tpu.memory_space<hbm>> -> memref<7569x32xf32, #tpu.memory_space<hbm>>
      tpu.enqueue_indirect_dma source(%dma_start3A_1081 : memref<7569x32xf32, #tpu.memory_space<hbm>>) target(%dma_start3A_1076 : memref<128x32xf32, #tpu.memory_space<vmem>>) offsets(%dma_start3A_1078 : memref<128xi32, #tpu.memory_space<vmem>>) semaphore(%arg26 : memref<!tpu.dma_semaphore, #tpu.memory_space<semaphore_mem>>)
      %dma_start3A_1082 = arith.constant 384 : i32
      %dma_start3A_1083 = arith.constant 0 : i32
      %dma_start3A_1084 = tpu.memref_slice %arg20[%dma_start3A_1082, %dma_start3A_1083] : memref<2048x32xf32, #tpu.memory_space<vmem>> -> memref<128x32xf32, #tpu.memory_space<vmem>>
      %dma_start3A_1085 = arith.constant 384 : i32
      %dma_start3A_1086 = tpu.memref_slice %arg19[%dma_start3A_1085] : memref<2048xi32, #tpu.memory_space<vmem>> -> memref<128xi32, #tpu.memory_space<vmem>>
      %dma_start3A_1087 = arith.constant 0 : i32
      %dma_start3A_1088 = arith.constant 0 : i32
      %dma_start3A_1089 = tpu.memref_slice %arg7[%dma_start3A_1087, %dma_start3A_1088] : memref<7569x32xf32, #tpu.memory_space<hbm>> -> memref<7569x32xf32, #tpu.memory_space<hbm>>
      tpu.enqueue_indirect_dma source(%dma_start3A_1089 : memref<7569x32xf32, #tpu.memory_space<hbm>>) target(%dma_start3A_1084 : memref<128x32xf32, #tpu.memory_space<vmem>>) offsets(%dma_start3A_1086 : memref<128xi32, #tpu.memory_space<vmem>>) semaphore(%arg26 : memref<!tpu.dma_semaphore, #tpu.memory_space<semaphore_mem>>)
      %dma_start3A_1090 = arith.constant 512 : i32
      %dma_start3A_1091 = arith.constant 0 : i32
      %dma_start3A_1092 = tpu.memref_slice %arg20[%dma_start3A_1090, %dma_start3A_1091] : memref<2048x32xf32, #tpu.memory_space<vmem>> -> memref<128x32xf32, #tpu.memory_space<vmem>>
      %dma_start3A_1093 = arith.constant 512 : i32
      %dma_start3A_1094 = tpu.memref_slice %arg19[%dma_start3A_1093] : memref<2048xi32, #tpu.memory_space<vmem>> -> memref<128xi32, #tpu.memory_space<vmem>>
      %dma_start3A_1095 = arith.constant 0 : i32
      %dma_start3A_1096 = arith.constant 0 : i32
      %dma_start3A_1097 = tpu.memref_slice %arg7[%dma_start3A_1095, %dma_start3A_1096] : memref<7569x32xf32, #tpu.memory_space<hbm>> -> memref<7569x32xf32, #tpu.memory_space<hbm>>
      tpu.enqueue_indirect_dma source(%dma_start3A_1097 : memref<7569x32xf32, #tpu.memory_space<hbm>>) target(%dma_start3A_1092 : memref<128x32xf32, #tpu.memory_space<vmem>>) offsets(%dma_start3A_1094 : memref<128xi32, #tpu.memory_space<vmem>>) semaphore(%arg26 : memref<!tpu.dma_semaphore, #tpu.memory_space<semaphore_mem>>)
      %dma_start3A_1098 = arith.constant 640 : i32
      %dma_start3A_1099 = arith.constant 0 : i32
      %dma_start3A_1100 = tpu.memref_slice %arg20[%dma_start3A_1098, %dma_start3A_1099] : memref<2048x32xf32, #tpu.memory_space<vmem>> -> memref<128x32xf32, #tpu.memory_space<vmem>>
      %dma_start3A_1101 = arith.constant 640 : i32
      %dma_start3A_1102 = tpu.memref_slice %arg19[%dma_start3A_1101] : memref<2048xi32, #tpu.memory_space<vmem>> -> memref<128xi32, #tpu.memory_space<vmem>>
      %dma_start3A_1103 = arith.constant 0 : i32
      %dma_start3A_1104 = arith.constant 0 : i32
      %dma_start3A_1105 = tpu.memref_slice %arg7[%dma_start3A_1103, %dma_start3A_1104] : memref<7569x32xf32, #tpu.memory_space<hbm>> -> memref<7569x32xf32, #tpu.memory_space<hbm>>
      tpu.enqueue_indirect_dma source(%dma_start3A_1105 : memref<7569x32xf32, #tpu.memory_space<hbm>>) target(%dma_start3A_1100 : memref<128x32xf32, #tpu.memory_space<vmem>>) offsets(%dma_start3A_1102 : memref<128xi32, #tpu.memory_space<vmem>>) semaphore(%arg26 : memref<!tpu.dma_semaphore, #tpu.memory_space<semaphore_mem>>)
      %dma_start3A_1106 = arith.constant 768 : i32
      %dma_start3A_1107 = arith.constant 0 : i32
      %dma_start3A_1108 = tpu.memref_slice %arg20[%dma_start3A_1106, %dma_start3A_1107] : memref<2048x32xf32, #tpu.memory_space<vmem>> -> memref<128x32xf32, #tpu.memory_space<vmem>>
      %dma_start3A_1109 = arith.constant 768 : i32
      %dma_start3A_1110 = tpu.memref_slice %arg19[%dma_start3A_1109] : memref<2048xi32, #tpu.memory_space<vmem>> -> memref<128xi32, #tpu.memory_space<vmem>>
      %dma_start3A_1111 = arith.constant 0 : i32
      %dma_start3A_1112 = arith.constant 0 : i32
      %dma_start3A_1113 = tpu.memref_slice %arg7[%dma_start3A_1111, %dma_start3A_1112] : memref<7569x32xf32, #tpu.memory_space<hbm>> -> memref<7569x32xf32, #tpu.memory_space<hbm>>
      tpu.enqueue_indirect_dma source(%dma_start3A_1113 : memref<7569x32xf32, #tpu.memory_space<hbm>>) target(%dma_start3A_1108 : memref<128x32xf32, #tpu.memory_space<vmem>>) offsets(%dma_start3A_1110 : memref<128xi32, #tpu.memory_space<vmem>>) semaphore(%arg26 : memref<!tpu.dma_semaphore, #tpu.memory_space<semaphore_mem>>)
      %dma_start3A_1114 = arith.constant 896 : i32
      %dma_start3A_1115 = arith.constant 0 : i32
      %dma_start3A_1116 = tpu.memref_slice %arg20[%dma_start3A_1114, %dma_start3A_1115] : memref<2048x32xf32, #tpu.memory_space<vmem>> -> memref<128x32xf32, #tpu.memory_space<vmem>>
      %dma_start3A_1117 = arith.constant 896 : i32
      %dma_start3A_1118 = tpu.memref_slice %arg19[%dma_start3A_1117] : memref<2048xi32, #tpu.memory_space<vmem>> -> memref<128xi32, #tpu.memory_space<vmem>>
      %dma_start3A_1119 = arith.constant 0 : i32
      %dma_start3A_1120 = arith.constant 0 : i32
      %dma_start3A_1121 = tpu.memref_slice %arg7[%dma_start3A_1119, %dma_start3A_1120] : memref<7569x32xf32, #tpu.memory_space<hbm>> -> memref<7569x32xf32, #tpu.memory_space<hbm>>
      tpu.enqueue_indirect_dma source(%dma_start3A_1121 : memref<7569x32xf32, #tpu.memory_space<hbm>>) target(%dma_start3A_1116 : memref<128x32xf32, #tpu.memory_space<vmem>>) offsets(%dma_start3A_1118 : memref<128xi32, #tpu.memory_space<vmem>>) semaphore(%arg26 : memref<!tpu.dma_semaphore, #tpu.memory_space<semaphore_mem>>)
      %dma_start3A_1122 = arith.constant 1024 : i32
      %dma_start3A_1123 = arith.constant 0 : i32
      %dma_start3A_1124 = tpu.memref_slice %arg20[%dma_start3A_1122, %dma_start3A_1123] : memref<2048x32xf32, #tpu.memory_space<vmem>> -> memref<128x32xf32, #tpu.memory_space<vmem>>
      %dma_start3A_1125 = arith.constant 1024 : i32
      %dma_start3A_1126 = tpu.memref_slice %arg19[%dma_start3A_1125] : memref<2048xi32, #tpu.memory_space<vmem>> -> memref<128xi32, #tpu.memory_space<vmem>>
      %dma_start3A_1127 = arith.constant 0 : i32
      %dma_start3A_1128 = arith.constant 0 : i32
      %dma_start3A_1129 = tpu.memref_slice %arg7[%dma_start3A_1127, %dma_start3A_1128] : memref<7569x32xf32, #tpu.memory_space<hbm>> -> memref<7569x32xf32, #tpu.memory_space<hbm>>
      tpu.enqueue_indirect_dma source(%dma_start3A_1129 : memref<7569x32xf32, #tpu.memory_space<hbm>>) target(%dma_start3A_1124 : memref<128x32xf32, #tpu.memory_space<vmem>>) offsets(%dma_start3A_1126 : memref<128xi32, #tpu.memory_space<vmem>>) semaphore(%arg26 : memref<!tpu.dma_semaphore, #tpu.memory_space<semaphore_mem>>)
      %dma_start3A_1130 = arith.constant 1152 : i32
      %dma_start3A_1131 = arith.constant 0 : i32
      %dma_start3A_1132 = tpu.memref_slice %arg20[%dma_start3A_1130, %dma_start3A_1131] : memref<2048x32xf32, #tpu.memory_space<vmem>> -> memref<128x32xf32, #tpu.memory_space<vmem>>
      %dma_start3A_1133 = arith.constant 1152 : i32
      %dma_start3A_1134 = tpu.memref_slice %arg19[%dma_start3A_1133] : memref<2048xi32, #tpu.memory_space<vmem>> -> memref<128xi32, #tpu.memory_space<vmem>>
      %dma_start3A_1135 = arith.constant 0 : i32
      %dma_start3A_1136 = arith.constant 0 : i32
      %dma_start3A_1137 = tpu.memref_slice %arg7[%dma_start3A_1135, %dma_start3A_1136] : memref<7569x32xf32, #tpu.memory_space<hbm>> -> memref<7569x32xf32, #tpu.memory_space<hbm>>
      tpu.enqueue_indirect_dma source(%dma_start3A_1137 : memref<7569x32xf32, #tpu.memory_space<hbm>>) target(%dma_start3A_1132 : memref<128x32xf32, #tpu.memory_space<vmem>>) offsets(%dma_start3A_1134 : memref<128xi32, #tpu.memory_space<vmem>>) semaphore(%arg26 : memref<!tpu.dma_semaphore, #tpu.memory_space<semaphore_mem>>)
      %dma_start3A_1138 = arith.constant 1280 : i32
      %dma_start3A_1139 = arith.constant 0 : i32
      %dma_start3A_1140 = tpu.memref_slice %arg20[%dma_start3A_1138, %dma_start3A_1139] : memref<2048x32xf32, #tpu.memory_space<vmem>> -> memref<128x32xf32, #tpu.memory_space<vmem>>
      %dma_start3A_1141 = arith.constant 1280 : i32
      %dma_start3A_1142 = tpu.memref_slice %arg19[%dma_start3A_1141] : memref<2048xi32, #tpu.memory_space<vmem>> -> memref<128xi32, #tpu.memory_space<vmem>>
      %dma_start3A_1143 = arith.constant 0 : i32
      %dma_start3A_1144 = arith.constant 0 : i32
      %dma_start3A_1145 = tpu.memref_slice %arg7[%dma_start3A_1143, %dma_start3A_1144] : memref<7569x32xf32, #tpu.memory_space<hbm>> -> memref<7569x32xf32, #tpu.memory_space<hbm>>
      tpu.enqueue_indirect_dma source(%dma_start3A_1145 : memref<7569x32xf32, #tpu.memory_space<hbm>>) target(%dma_start3A_1140 : memref<128x32xf32, #tpu.memory_space<vmem>>) offsets(%dma_start3A_1142 : memref<128xi32, #tpu.memory_space<vmem>>) semaphore(%arg26 : memref<!tpu.dma_semaphore, #tpu.memory_space<semaphore_mem>>)
      %dma_start3A_1146 = arith.constant 1408 : i32
      %dma_start3A_1147 = arith.constant 0 : i32
      %dma_start3A_1148 = tpu.memref_slice %arg20[%dma_start3A_1146, %dma_start3A_1147] : memref<2048x32xf32, #tpu.memory_space<vmem>> -> memref<128x32xf32, #tpu.memory_space<vmem>>
      %dma_start3A_1149 = arith.constant 1408 : i32
      %dma_start3A_1150 = tpu.memref_slice %arg19[%dma_start3A_1149] : memref<2048xi32, #tpu.memory_space<vmem>> -> memref<128xi32, #tpu.memory_space<vmem>>
      %dma_start3A_1151 = arith.constant 0 : i32
      %dma_start3A_1152 = arith.constant 0 : i32
      %dma_start3A_1153 = tpu.memref_slice %arg7[%dma_start3A_1151, %dma_start3A_1152] : memref<7569x32xf32, #tpu.memory_space<hbm>> -> memref<7569x32xf32, #tpu.memory_space<hbm>>
      tpu.enqueue_indirect_dma source(%dma_start3A_1153 : memref<7569x32xf32, #tpu.memory_space<hbm>>) target(%dma_start3A_1148 : memref<128x32xf32, #tpu.memory_space<vmem>>) offsets(%dma_start3A_1150 : memref<128xi32, #tpu.memory_space<vmem>>) semaphore(%arg26 : memref<!tpu.dma_semaphore, #tpu.memory_space<semaphore_mem>>)
      %dma_start3A_1154 = arith.constant 1536 : i32
      %dma_start3A_1155 = arith.constant 0 : i32
      %dma_start3A_1156 = tpu.memref_slice %arg20[%dma_start3A_1154, %dma_start3A_1155] : memref<2048x32xf32, #tpu.memory_space<vmem>> -> memref<128x32xf32, #tpu.memory_space<vmem>>
      %dma_start3A_1157 = arith.constant 1536 : i32
      %dma_start3A_1158 = tpu.memref_slice %arg19[%dma_start3A_1157] : memref<2048xi32, #tpu.memory_space<vmem>> -> memref<128xi32, #tpu.memory_space<vmem>>
      %dma_start3A_1159 = arith.constant 0 : i32
      %dma_start3A_1160 = arith.constant 0 : i32
      %dma_start3A_1161 = tpu.memref_slice %arg7[%dma_start3A_1159, %dma_start3A_1160] : memref<7569x32xf32, #tpu.memory_space<hbm>> -> memref<7569x32xf32, #tpu.memory_space<hbm>>
      tpu.enqueue_indirect_dma source(%dma_start3A_1161 : memref<7569x32xf32, #tpu.memory_space<hbm>>) target(%dma_start3A_1156 : memref<128x32xf32, #tpu.memory_space<vmem>>) offsets(%dma_start3A_1158 : memref<128xi32, #tpu.memory_space<vmem>>) semaphore(%arg26 : memref<!tpu.dma_semaphore, #tpu.memory_space<semaphore_mem>>)
      %dma_start3A_1162 = arith.constant 1664 : i32
      %dma_start3A_1163 = arith.constant 0 : i32
      %dma_start3A_1164 = tpu.memref_slice %arg20[%dma_start3A_1162, %dma_start3A_1163] : memref<2048x32xf32, #tpu.memory_space<vmem>> -> memref<128x32xf32, #tpu.memory_space<vmem>>
      %dma_start3A_1165 = arith.constant 1664 : i32
      %dma_start3A_1166 = tpu.memref_slice %arg19[%dma_start3A_1165] : memref<2048xi32, #tpu.memory_space<vmem>> -> memref<128xi32, #tpu.memory_space<vmem>>
      %dma_start3A_1167 = arith.constant 0 : i32
      %dma_start3A_1168 = arith.constant 0 : i32
      %dma_start3A_1169 = tpu.memref_slice %arg7[%dma_start3A_1167, %dma_start3A_1168] : memref<7569x32xf32, #tpu.memory_space<hbm>> -> memref<7569x32xf32, #tpu.memory_space<hbm>>
      tpu.enqueue_indirect_dma source(%dma_start3A_1169 : memref<7569x32xf32, #tpu.memory_space<hbm>>) target(%dma_start3A_1164 : memref<128x32xf32, #tpu.memory_space<vmem>>) offsets(%dma_start3A_1166 : memref<128xi32, #tpu.memory_space<vmem>>) semaphore(%arg26 : memref<!tpu.dma_semaphore, #tpu.memory_space<semaphore_mem>>)
      %dma_start3A_1170 = arith.constant 1792 : i32
      %dma_start3A_1171 = arith.constant 0 : i32
      %dma_start3A_1172 = tpu.memref_slice %arg20[%dma_start3A_1170, %dma_start3A_1171] : memref<2048x32xf32, #tpu.memory_space<vmem>> -> memref<128x32xf32, #tpu.memory_space<vmem>>
      %dma_start3A_1173 = arith.constant 1792 : i32
      %dma_start3A_1174 = tpu.memref_slice %arg19[%dma_start3A_1173] : memref<2048xi32, #tpu.memory_space<vmem>> -> memref<128xi32, #tpu.memory_space<vmem>>
      %dma_start3A_1175 = arith.constant 0 : i32
      %dma_start3A_1176 = arith.constant 0 : i32
      %dma_start3A_1177 = tpu.memref_slice %arg7[%dma_start3A_1175, %dma_start3A_1176] : memref<7569x32xf32, #tpu.memory_space<hbm>> -> memref<7569x32xf32, #tpu.memory_space<hbm>>
      tpu.enqueue_indirect_dma source(%dma_start3A_1177 : memref<7569x32xf32, #tpu.memory_space<hbm>>) target(%dma_start3A_1172 : memref<128x32xf32, #tpu.memory_space<vmem>>) offsets(%dma_start3A_1174 : memref<128xi32, #tpu.memory_space<vmem>>) semaphore(%arg26 : memref<!tpu.dma_semaphore, #tpu.memory_space<semaphore_mem>>)
      %dma_start3A_1178 = arith.constant 1920 : i32
      %dma_start3A_1179 = arith.constant 0 : i32
      %dma_start3A_1180 = tpu.memref_slice %arg20[%dma_start3A_1178, %dma_start3A_1179] : memref<2048x32xf32, #tpu.memory_space<vmem>> -> memref<128x32xf32, #tpu.memory_space<vmem>>
      %dma_start3A_1181 = arith.constant 1920 : i32
      %dma_start3A_1182 = tpu.memref_slice %arg19[%dma_start3A_1181] : memref<2048xi32, #tpu.memory_space<vmem>> -> memref<128xi32, #tpu.memory_space<vmem>>
      %dma_start3A_1183 = arith.constant 0 : i32
      %dma_start3A_1184 = arith.constant 0 : i32
      %dma_start3A_1185 = tpu.memref_slice %arg7[%dma_start3A_1183, %dma_start3A_1184] : memref<7569x32xf32, #tpu.memory_space<hbm>> -> memref<7569x32xf32, #tpu.memory_space<hbm>>
      tpu.enqueue_indirect_dma source(%dma_start3A_1185 : memref<7569x32xf32, #tpu.memory_space<hbm>>) target(%dma_start3A_1180 : memref<128x32xf32, #tpu.memory_space<vmem>>) offsets(%dma_start3A_1182 : memref<128xi32, #tpu.memory_space<vmem>>) semaphore(%arg26 : memref<!tpu.dma_semaphore, #tpu.memory_space<semaphore_mem>>)
      %dma_wait3A_1186 = arith.constant 0 : i32
      %dma_wait3A_1187 = arith.constant 0 : i32
      %dma_wait3A_1188 = tpu.memref_slice %arg20[%dma_wait3A_1186, %dma_wait3A_1187] : memref<2048x32xf32, #tpu.memory_space<vmem>> -> memref<128x32xf32, #tpu.memory_space<vmem>>
      %dma_wait3A_1189 = arith.constant 0 : i32
      %dma_wait3A_1190 = tpu.memref_slice %arg19[%dma_wait3A_1189] : memref<2048xi32, #tpu.memory_space<vmem>> -> memref<128xi32, #tpu.memory_space<vmem>>
      %dma_wait3A_1191 = arith.constant 0 : i32
      %dma_wait3A_1192 = arith.constant 0 : i32
      %dma_wait3A_1193 = tpu.memref_slice %arg7[%dma_wait3A_1191, %dma_wait3A_1192] : memref<7569x32xf32, #tpu.memory_space<hbm>> -> memref<7569x32xf32, #tpu.memory_space<hbm>>
      tpu.wait_indirect_dma semaphore(%arg26 : memref<!tpu.dma_semaphore, #tpu.memory_space<semaphore_mem>>) src(%dma_wait3A_1193 : memref<7569x32xf32, #tpu.memory_space<hbm>>) dst(%dma_wait3A_1188 : memref<128x32xf32, #tpu.memory_space<vmem>>)
      %dma_wait3A_1194 = arith.constant 128 : i32
      %dma_wait3A_1195 = arith.constant 0 : i32
      %dma_wait3A_1196 = tpu.memref_slice %arg20[%dma_wait3A_1194, %dma_wait3A_1195] : memref<2048x32xf32, #tpu.memory_space<vmem>> -> memref<128x32xf32, #tpu.memory_space<vmem>>
      %dma_wait3A_1197 = arith.constant 128 : i32
      %dma_wait3A_1198 = tpu.memref_slice %arg19[%dma_wait3A_1197] : memref<2048xi32, #tpu.memory_space<vmem>> -> memref<128xi32, #tpu.memory_space<vmem>>
      %dma_wait3A_1199 = arith.constant 0 : i32
      %dma_wait3A_1200 = arith.constant 0 : i32
      %dma_wait3A_1201 = tpu.memref_slice %arg7[%dma_wait3A_1199, %dma_wait3A_1200] : memref<7569x32xf32, #tpu.memory_space<hbm>> -> memref<7569x32xf32, #tpu.memory_space<hbm>>
      tpu.wait_indirect_dma semaphore(%arg26 : memref<!tpu.dma_semaphore, #tpu.memory_space<semaphore_mem>>) src(%dma_wait3A_1201 : memref<7569x32xf32, #tpu.memory_space<hbm>>) dst(%dma_wait3A_1196 : memref<128x32xf32, #tpu.memory_space<vmem>>)
      %dma_wait3A_1202 = arith.constant 256 : i32
      %dma_wait3A_1203 = arith.constant 0 : i32
      %dma_wait3A_1204 = tpu.memref_slice %arg20[%dma_wait3A_1202, %dma_wait3A_1203] : memref<2048x32xf32, #tpu.memory_space<vmem>> -> memref<128x32xf32, #tpu.memory_space<vmem>>
      %dma_wait3A_1205 = arith.constant 256 : i32
      %dma_wait3A_1206 = tpu.memref_slice %arg19[%dma_wait3A_1205] : memref<2048xi32, #tpu.memory_space<vmem>> -> memref<128xi32, #tpu.memory_space<vmem>>
      %dma_wait3A_1207 = arith.constant 0 : i32
      %dma_wait3A_1208 = arith.constant 0 : i32
      %dma_wait3A_1209 = tpu.memref_slice %arg7[%dma_wait3A_1207, %dma_wait3A_1208] : memref<7569x32xf32, #tpu.memory_space<hbm>> -> memref<7569x32xf32, #tpu.memory_space<hbm>>
      tpu.wait_indirect_dma semaphore(%arg26 : memref<!tpu.dma_semaphore, #tpu.memory_space<semaphore_mem>>) src(%dma_wait3A_1209 : memref<7569x32xf32, #tpu.memory_space<hbm>>) dst(%dma_wait3A_1204 : memref<128x32xf32, #tpu.memory_space<vmem>>)
      %dma_wait3A_1210 = arith.constant 384 : i32
      %dma_wait3A_1211 = arith.constant 0 : i32
      %dma_wait3A_1212 = tpu.memref_slice %arg20[%dma_wait3A_1210, %dma_wait3A_1211] : memref<2048x32xf32, #tpu.memory_space<vmem>> -> memref<128x32xf32, #tpu.memory_space<vmem>>
      %dma_wait3A_1213 = arith.constant 384 : i32
      %dma_wait3A_1214 = tpu.memref_slice %arg19[%dma_wait3A_1213] : memref<2048xi32, #tpu.memory_space<vmem>> -> memref<128xi32, #tpu.memory_space<vmem>>
      %dma_wait3A_1215 = arith.constant 0 : i32
      %dma_wait3A_1216 = arith.constant 0 : i32
      %dma_wait3A_1217 = tpu.memref_slice %arg7[%dma_wait3A_1215, %dma_wait3A_1216] : memref<7569x32xf32, #tpu.memory_space<hbm>> -> memref<7569x32xf32, #tpu.memory_space<hbm>>
      tpu.wait_indirect_dma semaphore(%arg26 : memref<!tpu.dma_semaphore, #tpu.memory_space<semaphore_mem>>) src(%dma_wait3A_1217 : memref<7569x32xf32, #tpu.memory_space<hbm>>) dst(%dma_wait3A_1212 : memref<128x32xf32, #tpu.memory_space<vmem>>)
      %dma_wait3A_1218 = arith.constant 512 : i32
      %dma_wait3A_1219 = arith.constant 0 : i32
      %dma_wait3A_1220 = tpu.memref_slice %arg20[%dma_wait3A_1218, %dma_wait3A_1219] : memref<2048x32xf32, #tpu.memory_space<vmem>> -> memref<128x32xf32, #tpu.memory_space<vmem>>
      %dma_wait3A_1221 = arith.constant 512 : i32
      %dma_wait3A_1222 = tpu.memref_slice %arg19[%dma_wait3A_1221] : memref<2048xi32, #tpu.memory_space<vmem>> -> memref<128xi32, #tpu.memory_space<vmem>>
      %dma_wait3A_1223 = arith.constant 0 : i32
      %dma_wait3A_1224 = arith.constant 0 : i32
      %dma_wait3A_1225 = tpu.memref_slice %arg7[%dma_wait3A_1223, %dma_wait3A_1224] : memref<7569x32xf32, #tpu.memory_space<hbm>> -> memref<7569x32xf32, #tpu.memory_space<hbm>>
      tpu.wait_indirect_dma semaphore(%arg26 : memref<!tpu.dma_semaphore, #tpu.memory_space<semaphore_mem>>) src(%dma_wait3A_1225 : memref<7569x32xf32, #tpu.memory_space<hbm>>) dst(%dma_wait3A_1220 : memref<128x32xf32, #tpu.memory_space<vmem>>)
      %dma_wait3A_1226 = arith.constant 640 : i32
      %dma_wait3A_1227 = arith.constant 0 : i32
      %dma_wait3A_1228 = tpu.memref_slice %arg20[%dma_wait3A_1226, %dma_wait3A_1227] : memref<2048x32xf32, #tpu.memory_space<vmem>> -> memref<128x32xf32, #tpu.memory_space<vmem>>
      %dma_wait3A_1229 = arith.constant 640 : i32
      %dma_wait3A_1230 = tpu.memref_slice %arg19[%dma_wait3A_1229] : memref<2048xi32, #tpu.memory_space<vmem>> -> memref<128xi32, #tpu.memory_space<vmem>>
      %dma_wait3A_1231 = arith.constant 0 : i32
      %dma_wait3A_1232 = arith.constant 0 : i32
      %dma_wait3A_1233 = tpu.memref_slice %arg7[%dma_wait3A_1231, %dma_wait3A_1232] : memref<7569x32xf32, #tpu.memory_space<hbm>> -> memref<7569x32xf32, #tpu.memory_space<hbm>>
      tpu.wait_indirect_dma semaphore(%arg26 : memref<!tpu.dma_semaphore, #tpu.memory_space<semaphore_mem>>) src(%dma_wait3A_1233 : memref<7569x32xf32, #tpu.memory_space<hbm>>) dst(%dma_wait3A_1228 : memref<128x32xf32, #tpu.memory_space<vmem>>)
      %dma_wait3A_1234 = arith.constant 768 : i32
      %dma_wait3A_1235 = arith.constant 0 : i32
      %dma_wait3A_1236 = tpu.memref_slice %arg20[%dma_wait3A_1234, %dma_wait3A_1235] : memref<2048x32xf32, #tpu.memory_space<vmem>> -> memref<128x32xf32, #tpu.memory_space<vmem>>
      %dma_wait3A_1237 = arith.constant 768 : i32
      %dma_wait3A_1238 = tpu.memref_slice %arg19[%dma_wait3A_1237] : memref<2048xi32, #tpu.memory_space<vmem>> -> memref<128xi32, #tpu.memory_space<vmem>>
      %dma_wait3A_1239 = arith.constant 0 : i32
      %dma_wait3A_1240 = arith.constant 0 : i32
      %dma_wait3A_1241 = tpu.memref_slice %arg7[%dma_wait3A_1239, %dma_wait3A_1240] : memref<7569x32xf32, #tpu.memory_space<hbm>> -> memref<7569x32xf32, #tpu.memory_space<hbm>>
      tpu.wait_indirect_dma semaphore(%arg26 : memref<!tpu.dma_semaphore, #tpu.memory_space<semaphore_mem>>) src(%dma_wait3A_1241 : memref<7569x32xf32, #tpu.memory_space<hbm>>) dst(%dma_wait3A_1236 : memref<128x32xf32, #tpu.memory_space<vmem>>)
      %dma_wait3A_1242 = arith.constant 896 : i32
      %dma_wait3A_1243 = arith.constant 0 : i32
      %dma_wait3A_1244 = tpu.memref_slice %arg20[%dma_wait3A_1242, %dma_wait3A_1243] : memref<2048x32xf32, #tpu.memory_space<vmem>> -> memref<128x32xf32, #tpu.memory_space<vmem>>
      %dma_wait3A_1245 = arith.constant 896 : i32
      %dma_wait3A_1246 = tpu.memref_slice %arg19[%dma_wait3A_1245] : memref<2048xi32, #tpu.memory_space<vmem>> -> memref<128xi32, #tpu.memory_space<vmem>>
      %dma_wait3A_1247 = arith.constant 0 : i32
      %dma_wait3A_1248 = arith.constant 0 : i32
      %dma_wait3A_1249 = tpu.memref_slice %arg7[%dma_wait3A_1247, %dma_wait3A_1248] : memref<7569x32xf32, #tpu.memory_space<hbm>> -> memref<7569x32xf32, #tpu.memory_space<hbm>>
      tpu.wait_indirect_dma semaphore(%arg26 : memref<!tpu.dma_semaphore, #tpu.memory_space<semaphore_mem>>) src(%dma_wait3A_1249 : memref<7569x32xf32, #tpu.memory_space<hbm>>) dst(%dma_wait3A_1244 : memref<128x32xf32, #tpu.memory_space<vmem>>)
      %dma_wait3A_1250 = arith.constant 1024 : i32
      %dma_wait3A_1251 = arith.constant 0 : i32
      %dma_wait3A_1252 = tpu.memref_slice %arg20[%dma_wait3A_1250, %dma_wait3A_1251] : memref<2048x32xf32, #tpu.memory_space<vmem>> -> memref<128x32xf32, #tpu.memory_space<vmem>>
      %dma_wait3A_1253 = arith.constant 1024 : i32
      %dma_wait3A_1254 = tpu.memref_slice %arg19[%dma_wait3A_1253] : memref<2048xi32, #tpu.memory_space<vmem>> -> memref<128xi32, #tpu.memory_space<vmem>>
      %dma_wait3A_1255 = arith.constant 0 : i32
      %dma_wait3A_1256 = arith.constant 0 : i32
      %dma_wait3A_1257 = tpu.memref_slice %arg7[%dma_wait3A_1255, %dma_wait3A_1256] : memref<7569x32xf32, #tpu.memory_space<hbm>> -> memref<7569x32xf32, #tpu.memory_space<hbm>>
      tpu.wait_indirect_dma semaphore(%arg26 : memref<!tpu.dma_semaphore, #tpu.memory_space<semaphore_mem>>) src(%dma_wait3A_1257 : memref<7569x32xf32, #tpu.memory_space<hbm>>) dst(%dma_wait3A_1252 : memref<128x32xf32, #tpu.memory_space<vmem>>)
      %dma_wait3A_1258 = arith.constant 1152 : i32
      %dma_wait3A_1259 = arith.constant 0 : i32
      %dma_wait3A_1260 = tpu.memref_slice %arg20[%dma_wait3A_1258, %dma_wait3A_1259] : memref<2048x32xf32, #tpu.memory_space<vmem>> -> memref<128x32xf32, #tpu.memory_space<vmem>>
      %dma_wait3A_1261 = arith.constant 1152 : i32
      %dma_wait3A_1262 = tpu.memref_slice %arg19[%dma_wait3A_1261] : memref<2048xi32, #tpu.memory_space<vmem>> -> memref<128xi32, #tpu.memory_space<vmem>>
      %dma_wait3A_1263 = arith.constant 0 : i32
      %dma_wait3A_1264 = arith.constant 0 : i32
      %dma_wait3A_1265 = tpu.memref_slice %arg7[%dma_wait3A_1263, %dma_wait3A_1264] : memref<7569x32xf32, #tpu.memory_space<hbm>> -> memref<7569x32xf32, #tpu.memory_space<hbm>>
      tpu.wait_indirect_dma semaphore(%arg26 : memref<!tpu.dma_semaphore, #tpu.memory_space<semaphore_mem>>) src(%dma_wait3A_1265 : memref<7569x32xf32, #tpu.memory_space<hbm>>) dst(%dma_wait3A_1260 : memref<128x32xf32, #tpu.memory_space<vmem>>)
      %dma_wait3A_1266 = arith.constant 1280 : i32
      %dma_wait3A_1267 = arith.constant 0 : i32
      %dma_wait3A_1268 = tpu.memref_slice %arg20[%dma_wait3A_1266, %dma_wait3A_1267] : memref<2048x32xf32, #tpu.memory_space<vmem>> -> memref<128x32xf32, #tpu.memory_space<vmem>>
      %dma_wait3A_1269 = arith.constant 1280 : i32
      %dma_wait3A_1270 = tpu.memref_slice %arg19[%dma_wait3A_1269] : memref<2048xi32, #tpu.memory_space<vmem>> -> memref<128xi32, #tpu.memory_space<vmem>>
      %dma_wait3A_1271 = arith.constant 0 : i32
      %dma_wait3A_1272 = arith.constant 0 : i32
      %dma_wait3A_1273 = tpu.memref_slice %arg7[%dma_wait3A_1271, %dma_wait3A_1272] : memref<7569x32xf32, #tpu.memory_space<hbm>> -> memref<7569x32xf32, #tpu.memory_space<hbm>>
      tpu.wait_indirect_dma semaphore(%arg26 : memref<!tpu.dma_semaphore, #tpu.memory_space<semaphore_mem>>) src(%dma_wait3A_1273 : memref<7569x32xf32, #tpu.memory_space<hbm>>) dst(%dma_wait3A_1268 : memref<128x32xf32, #tpu.memory_space<vmem>>)
      %dma_wait3A_1274 = arith.constant 1408 : i32
      %dma_wait3A_1275 = arith.constant 0 : i32
      %dma_wait3A_1276 = tpu.memref_slice %arg20[%dma_wait3A_1274, %dma_wait3A_1275] : memref<2048x32xf32, #tpu.memory_space<vmem>> -> memref<128x32xf32, #tpu.memory_space<vmem>>
      %dma_wait3A_1277 = arith.constant 1408 : i32
      %dma_wait3A_1278 = tpu.memref_slice %arg19[%dma_wait3A_1277] : memref<2048xi32, #tpu.memory_space<vmem>> -> memref<128xi32, #tpu.memory_space<vmem>>
      %dma_wait3A_1279 = arith.constant 0 : i32
      %dma_wait3A_1280 = arith.constant 0 : i32
      %dma_wait3A_1281 = tpu.memref_slice %arg7[%dma_wait3A_1279, %dma_wait3A_1280] : memref<7569x32xf32, #tpu.memory_space<hbm>> -> memref<7569x32xf32, #tpu.memory_space<hbm>>
      tpu.wait_indirect_dma semaphore(%arg26 : memref<!tpu.dma_semaphore, #tpu.memory_space<semaphore_mem>>) src(%dma_wait3A_1281 : memref<7569x32xf32, #tpu.memory_space<hbm>>) dst(%dma_wait3A_1276 : memref<128x32xf32, #tpu.memory_space<vmem>>)
      %dma_wait3A_1282 = arith.constant 1536 : i32
      %dma_wait3A_1283 = arith.constant 0 : i32
      %dma_wait3A_1284 = tpu.memref_slice %arg20[%dma_wait3A_1282, %dma_wait3A_1283] : memref<2048x32xf32, #tpu.memory_space<vmem>> -> memref<128x32xf32, #tpu.memory_space<vmem>>
      %dma_wait3A_1285 = arith.constant 1536 : i32
      %dma_wait3A_1286 = tpu.memref_slice %arg19[%dma_wait3A_1285] : memref<2048xi32, #tpu.memory_space<vmem>> -> memref<128xi32, #tpu.memory_space<vmem>>
      %dma_wait3A_1287 = arith.constant 0 : i32
      %dma_wait3A_1288 = arith.constant 0 : i32
      %dma_wait3A_1289 = tpu.memref_slice %arg7[%dma_wait3A_1287, %dma_wait3A_1288] : memref<7569x32xf32, #tpu.memory_space<hbm>> -> memref<7569x32xf32, #tpu.memory_space<hbm>>
      tpu.wait_indirect_dma semaphore(%arg26 : memref<!tpu.dma_semaphore, #tpu.memory_space<semaphore_mem>>) src(%dma_wait3A_1289 : memref<7569x32xf32, #tpu.memory_space<hbm>>) dst(%dma_wait3A_1284 : memref<128x32xf32, #tpu.memory_space<vmem>>)
      %dma_wait3A_1290 = arith.constant 1664 : i32
      %dma_wait3A_1291 = arith.constant 0 : i32
      %dma_wait3A_1292 = tpu.memref_slice %arg20[%dma_wait3A_1290, %dma_wait3A_1291] : memref<2048x32xf32, #tpu.memory_space<vmem>> -> memref<128x32xf32, #tpu.memory_space<vmem>>
      %dma_wait3A_1293 = arith.constant 1664 : i32
      %dma_wait3A_1294 = tpu.memref_slice %arg19[%dma_wait3A_1293] : memref<2048xi32, #tpu.memory_space<vmem>> -> memref<128xi32, #tpu.memory_space<vmem>>
      %dma_wait3A_1295 = arith.constant 0 : i32
      %dma_wait3A_1296 = arith.constant 0 : i32
      %dma_wait3A_1297 = tpu.memref_slice %arg7[%dma_wait3A_1295, %dma_wait3A_1296] : memref<7569x32xf32, #tpu.memory_space<hbm>> -> memref<7569x32xf32, #tpu.memory_space<hbm>>
      tpu.wait_indirect_dma semaphore(%arg26 : memref<!tpu.dma_semaphore, #tpu.memory_space<semaphore_mem>>) src(%dma_wait3A_1297 : memref<7569x32xf32, #tpu.memory_space<hbm>>) dst(%dma_wait3A_1292 : memref<128x32xf32, #tpu.memory_space<vmem>>)
      %dma_wait3A_1298 = arith.constant 1792 : i32
      %dma_wait3A_1299 = arith.constant 0 : i32
      %dma_wait3A_1300 = tpu.memref_slice %arg20[%dma_wait3A_1298, %dma_wait3A_1299] : memref<2048x32xf32, #tpu.memory_space<vmem>> -> memref<128x32xf32, #tpu.memory_space<vmem>>
      %dma_wait3A_1301 = arith.constant 1792 : i32
      %dma_wait3A_1302 = tpu.memref_slice %arg19[%dma_wait3A_1301] : memref<2048xi32, #tpu.memory_space<vmem>> -> memref<128xi32, #tpu.memory_space<vmem>>
      %dma_wait3A_1303 = arith.constant 0 : i32
      %dma_wait3A_1304 = arith.constant 0 : i32
      %dma_wait3A_1305 = tpu.memref_slice %arg7[%dma_wait3A_1303, %dma_wait3A_1304] : memref<7569x32xf32, #tpu.memory_space<hbm>> -> memref<7569x32xf32, #tpu.memory_space<hbm>>
      tpu.wait_indirect_dma semaphore(%arg26 : memref<!tpu.dma_semaphore, #tpu.memory_space<semaphore_mem>>) src(%dma_wait3A_1305 : memref<7569x32xf32, #tpu.memory_space<hbm>>) dst(%dma_wait3A_1300 : memref<128x32xf32, #tpu.memory_space<vmem>>)
      %dma_wait3A_1306 = arith.constant 1920 : i32
      %dma_wait3A_1307 = arith.constant 0 : i32
      %dma_wait3A_1308 = tpu.memref_slice %arg20[%dma_wait3A_1306, %dma_wait3A_1307] : memref<2048x32xf32, #tpu.memory_space<vmem>> -> memref<128x32xf32, #tpu.memory_space<vmem>>
      %dma_wait3A_1309 = arith.constant 1920 : i32
      %dma_wait3A_1310 = tpu.memref_slice %arg19[%dma_wait3A_1309] : memref<2048xi32, #tpu.memory_space<vmem>> -> memref<128xi32, #tpu.memory_space<vmem>>
      %dma_wait3A_1311 = arith.constant 0 : i32
      %dma_wait3A_1312 = arith.constant 0 : i32
      %dma_wait3A_1313 = tpu.memref_slice %arg7[%dma_wait3A_1311, %dma_wait3A_1312] : memref<7569x32xf32, #tpu.memory_space<hbm>> -> memref<7569x32xf32, #tpu.memory_space<hbm>>
      tpu.wait_indirect_dma semaphore(%arg26 : memref<!tpu.dma_semaphore, #tpu.memory_space<semaphore_mem>>) src(%dma_wait3A_1313 : memref<7569x32xf32, #tpu.memory_space<hbm>>) dst(%dma_wait3A_1308 : memref<128x32xf32, #tpu.memory_space<vmem>>)
      %scan3A_1314 = arith.constant 0 : i32
      %scan3A_1315 = arith.constant 0 : i32
      %scan3A_1316 = arith.constant 128 : i32
      %scan3A_1317 = arith.addi %scan3A_1315, %scan3A_1316 : i32
      %scan3A_1318 = arith.constant 1 : i32
      %scan3A_1319 = scf.for %scan3A_1578 = %scan3A_1315 to %scan3A_1317 step %scan3A_1318 iter_args(%scan3A_1579 = %scan3A_1314) -> (i32)  : i32 {
        %mul3A_1580 = arith.constant 16 : i32
        %mul3A_1581 = arith.muli %scan3A_1578, %mul3A_1580 : i32
        %get3A = arith.index_cast %mul3A_1581 : i32 to index
        %get3A_1582 = tpu.vector_load %arg15[%get3A] {strides = array<i32>} : memref<2048xi32, #tpu.memory_space<vmem>>, vector<16xi32>,
        %get3A_1583 = arith.index_cast %mul3A_1581 : i32 to index
        %get3A_1584 = tpu.vector_load %arg16[%get3A_1583] {strides = array<i32>} : memref<2048xi32, #tpu.memory_space<vmem>>, vector<16xi32>,
        %get3A_1585 = arith.index_cast %mul3A_1581 : i32 to index
        %get3A_1586 = tpu.vector_load %arg14[%get3A_1585] {strides = array<i32>} : memref<2048xf32, #tpu.memory_space<vmem>>, vector<16xf32>,
        %mul3A_1587 = arith.constant 1.88972592 : f32
        %mul3A_1588 = vector.broadcast %mul3A_1587 : f32 to vector<16xf32>
        %mul3A_1589 = arith.mulf %get3A_1586, %mul3A_1588 : vector<16xf32>
        %get3A_1590 = arith.index_cast %mul3A_1581 : i32 to index
        %get3A_1591 = tpu.vector_load %arg17[%get3A_1590] {strides = array<i32>} : memref<2048xf32, #tpu.memory_space<vmem>>, vector<16xf32>,
        %get3A_1592 = arith.index_cast %mul3A_1581 : i32 to index
        %get3A_1593 = tpu.vector_load %arg18[%get3A_1592] {strides = array<i32>} : memref<2048xf32, #tpu.memory_space<vmem>>, vector<16xf32>,
        %broadcast_in_dim3A = arith.constant 0.000000e+00 : f32
        %broadcast_in_dim3A_1594 = vector.broadcast %broadcast_in_dim3A : f32 to vector<16xf32>
        %broadcast_in_dim3A_1595 = arith.constant 0.000000e+00 : f32
        %broadcast_in_dim3A_1596 = vector.broadcast %broadcast_in_dim3A_1595 : f32 to vector<16xf32>
        %mul3A_1597 = arith.constant 5 : i32
        %mul3A_1598 = vector.broadcast %mul3A_1597 : i32 to vector<16xi32>
        %mul3A_1599 = arith.muli %get3A_1582, %mul3A_1598 : vector<16xi32>
        %mul3A_1600 = arith.constant 5 : i32
        %mul3A_1601 = vector.broadcast %mul3A_1600 : i32 to vector<16xi32>
        %mul3A_1602 = arith.muli %get3A_1584, %mul3A_1601 : vector<16xi32>
        %add3A_1603 = arith.constant 0 : i32
        %add3A_1604 = vector.broadcast %add3A_1603 : i32 to vector<16xi32>
        %add3A_1605 = arith.addi %mul3A_1599, %add3A_1604 : vector<16xi32>
        %gather3A = tpu.vector_load_idx %arg23[%add3A_1605] : memref<448xf32, #tpu.memory_space<vmem>>[vector<16xi32>], vector<16xf32>,
        %sub3A = arith.subf %get3A_1591, %gather3A : vector<16xf32>
        %mul3A_1606 = arith.constant -4.000000e+00 : f32
        %mul3A_1607 = vector.broadcast %mul3A_1606 : f32 to vector<16xf32>
        %mul3A_1608 = arith.mulf %mul3A_1607, %sub3A : vector<16xf32>
        %mul3A_1609 = arith.mulf %mul3A_1608, %sub3A : vector<16xf32>
        %exp3A = math.exp %mul3A_1609 : vector<16xf32>
        %add3A_1610 = arith.addf %broadcast_in_dim3A_1594, %exp3A : vector<16xf32>
        %add3A_1611 = arith.constant 0 : i32
        %add3A_1612 = vector.broadcast %add3A_1611 : i32 to vector<16xi32>
        %add3A_1613 = arith.addi %mul3A_1602, %add3A_1612 : vector<16xi32>
        %gather3A_1614 = tpu.vector_load_idx %arg23[%add3A_1613] : memref<448xf32, #tpu.memory_space<vmem>>[vector<16xi32>], vector<16xf32>,
        %sub3A_1615 = arith.subf %get3A_1593, %gather3A_1614 : vector<16xf32>
        %mul3A_1616 = arith.constant -4.000000e+00 : f32
        %mul3A_1617 = vector.broadcast %mul3A_1616 : f32 to vector<16xf32>
        %mul3A_1618 = arith.mulf %mul3A_1617, %sub3A_1615 : vector<16xf32>
        %mul3A_1619 = arith.mulf %mul3A_1618, %sub3A_1615 : vector<16xf32>
        %exp3A_1620 = math.exp %mul3A_1619 : vector<16xf32>
        %add3A_1621 = arith.addf %broadcast_in_dim3A_1596, %exp3A_1620 : vector<16xf32>
        %add3A_1622 = arith.constant 1 : i32
        %add3A_1623 = vector.broadcast %add3A_1622 : i32 to vector<16xi32>
        %add3A_1624 = arith.addi %mul3A_1599, %add3A_1623 : vector<16xi32>
        %gather3A_1625 = tpu.vector_load_idx %arg23[%add3A_1624] : memref<448xf32, #tpu.memory_space<vmem>>[vector<16xi32>], vector<16xf32>,
        %sub3A_1626 = arith.subf %get3A_1591, %gather3A_1625 : vector<16xf32>
        %mul3A_1627 = arith.constant -4.000000e+00 : f32
        %mul3A_1628 = vector.broadcast %mul3A_1627 : f32 to vector<16xf32>
        %mul3A_1629 = arith.mulf %mul3A_1628, %sub3A_1626 : vector<16xf32>
        %mul3A_1630 = arith.mulf %mul3A_1629, %sub3A_1626 : vector<16xf32>
        %exp3A_1631 = math.exp %mul3A_1630 : vector<16xf32>
        %add3A_1632 = arith.addf %add3A_1610, %exp3A_1631 : vector<16xf32>
        %add3A_1633 = arith.constant 1 : i32
        %add3A_1634 = vector.broadcast %add3A_1633 : i32 to vector<16xi32>
        %add3A_1635 = arith.addi %mul3A_1602, %add3A_1634 : vector<16xi32>
        %gather3A_1636 = tpu.vector_load_idx %arg23[%add3A_1635] : memref<448xf32, #tpu.memory_space<vmem>>[vector<16xi32>], vector<16xf32>,
        %sub3A_1637 = arith.subf %get3A_1593, %gather3A_1636 : vector<16xf32>
        %mul3A_1638 = arith.constant -4.000000e+00 : f32
        %mul3A_1639 = vector.broadcast %mul3A_1638 : f32 to vector<16xf32>
        %mul3A_1640 = arith.mulf %mul3A_1639, %sub3A_1637 : vector<16xf32>
        %mul3A_1641 = arith.mulf %mul3A_1640, %sub3A_1637 : vector<16xf32>
        %exp3A_1642 = math.exp %mul3A_1641 : vector<16xf32>
        %add3A_1643 = arith.addf %add3A_1621, %exp3A_1642 : vector<16xf32>
        %add3A_1644 = arith.constant 2 : i32
        %add3A_1645 = vector.broadcast %add3A_1644 : i32 to vector<16xi32>
        %add3A_1646 = arith.addi %mul3A_1599, %add3A_1645 : vector<16xi32>
        %gather3A_1647 = tpu.vector_load_idx %arg23[%add3A_1646] : memref<448xf32, #tpu.memory_space<vmem>>[vector<16xi32>], vector<16xf32>,
        %sub3A_1648 = arith.subf %get3A_1591, %gather3A_1647 : vector<16xf32>
        %mul3A_1649 = arith.constant -4.000000e+00 : f32
        %mul3A_1650 = vector.broadcast %mul3A_1649 : f32 to vector<16xf32>
        %mul3A_1651 = arith.mulf %mul3A_1650, %sub3A_1648 : vector<16xf32>
        %mul3A_1652 = arith.mulf %mul3A_1651, %sub3A_1648 : vector<16xf32>
        %exp3A_1653 = math.exp %mul3A_1652 : vector<16xf32>
        %add3A_1654 = arith.addf %add3A_1632, %exp3A_1653 : vector<16xf32>
        %add3A_1655 = arith.constant 2 : i32
        %add3A_1656 = vector.broadcast %add3A_1655 : i32 to vector<16xi32>
        %add3A_1657 = arith.addi %mul3A_1602, %add3A_1656 : vector<16xi32>
        %gather3A_1658 = tpu.vector_load_idx %arg23[%add3A_1657] : memref<448xf32, #tpu.memory_space<vmem>>[vector<16xi32>], vector<16xf32>,
        %sub3A_1659 = arith.subf %get3A_1593, %gather3A_1658 : vector<16xf32>
        %mul3A_1660 = arith.constant -4.000000e+00 : f32
        %mul3A_1661 = vector.broadcast %mul3A_1660 : f32 to vector<16xf32>
        %mul3A_1662 = arith.mulf %mul3A_1661, %sub3A_1659 : vector<16xf32>
        %mul3A_1663 = arith.mulf %mul3A_1662, %sub3A_1659 : vector<16xf32>
        %exp3A_1664 = math.exp %mul3A_1663 : vector<16xf32>
        %add3A_1665 = arith.addf %add3A_1643, %exp3A_1664 : vector<16xf32>
        %add3A_1666 = arith.constant 3 : i32
        %add3A_1667 = vector.broadcast %add3A_1666 : i32 to vector<16xi32>
        %add3A_1668 = arith.addi %mul3A_1599, %add3A_1667 : vector<16xi32>
        %gather3A_1669 = tpu.vector_load_idx %arg23[%add3A_1668] : memref<448xf32, #tpu.memory_space<vmem>>[vector<16xi32>], vector<16xf32>,
        %sub3A_1670 = arith.subf %get3A_1591, %gather3A_1669 : vector<16xf32>
        %mul3A_1671 = arith.constant -4.000000e+00 : f32
        %mul3A_1672 = vector.broadcast %mul3A_1671 : f32 to vector<16xf32>
        %mul3A_1673 = arith.mulf %mul3A_1672, %sub3A_1670 : vector<16xf32>
        %mul3A_1674 = arith.mulf %mul3A_1673, %sub3A_1670 : vector<16xf32>
        %exp3A_1675 = math.exp %mul3A_1674 : vector<16xf32>
        %add3A_1676 = arith.addf %add3A_1654, %exp3A_1675 : vector<16xf32>
        %add3A_1677 = arith.constant 3 : i32
        %add3A_1678 = vector.broadcast %add3A_1677 : i32 to vector<16xi32>
        %add3A_1679 = arith.addi %mul3A_1602, %add3A_1678 : vector<16xi32>
        %gather3A_1680 = tpu.vector_load_idx %arg23[%add3A_1679] : memref<448xf32, #tpu.memory_space<vmem>>[vector<16xi32>], vector<16xf32>,
        %sub3A_1681 = arith.subf %get3A_1593, %gather3A_1680 : vector<16xf32>
        %mul3A_1682 = arith.constant -4.000000e+00 : f32
        %mul3A_1683 = vector.broadcast %mul3A_1682 : f32 to vector<16xf32>
        %mul3A_1684 = arith.mulf %mul3A_1683, %sub3A_1681 : vector<16xf32>
        %mul3A_1685 = arith.mulf %mul3A_1684, %sub3A_1681 : vector<16xf32>
        %exp3A_1686 = math.exp %mul3A_1685 : vector<16xf32>
        %add3A_1687 = arith.addf %add3A_1665, %exp3A_1686 : vector<16xf32>
        %add3A_1688 = arith.constant 4 : i32
        %add3A_1689 = vector.broadcast %add3A_1688 : i32 to vector<16xi32>
        %add3A_1690 = arith.addi %mul3A_1599, %add3A_1689 : vector<16xi32>
        %gather3A_1691 = tpu.vector_load_idx %arg23[%add3A_1690] : memref<448xf32, #tpu.memory_space<vmem>>[vector<16xi32>], vector<16xf32>,
        %sub3A_1692 = arith.subf %get3A_1591, %gather3A_1691 : vector<16xf32>
        %mul3A_1693 = arith.constant -4.000000e+00 : f32
        %mul3A_1694 = vector.broadcast %mul3A_1693 : f32 to vector<16xf32>
        %mul3A_1695 = arith.mulf %mul3A_1694, %sub3A_1692 : vector<16xf32>
        %mul3A_1696 = arith.mulf %mul3A_1695, %sub3A_1692 : vector<16xf32>
        %exp3A_1697 = math.exp %mul3A_1696 : vector<16xf32>
        %add3A_1698 = arith.addf %add3A_1676, %exp3A_1697 : vector<16xf32>
        %add3A_1699 = arith.constant 4 : i32
        %add3A_1700 = vector.broadcast %add3A_1699 : i32 to vector<16xi32>
        %add3A_1701 = arith.addi %mul3A_1602, %add3A_1700 : vector<16xi32>
        %gather3A_1702 = tpu.vector_load_idx %arg23[%add3A_1701] : memref<448xf32, #tpu.memory_space<vmem>>[vector<16xi32>], vector<16xf32>,
        %sub3A_1703 = arith.subf %get3A_1593, %gather3A_1702 : vector<16xf32>
        %mul3A_1704 = arith.constant -4.000000e+00 : f32
        %mul3A_1705 = vector.broadcast %mul3A_1704 : f32 to vector<16xf32>
        %mul3A_1706 = arith.mulf %mul3A_1705, %sub3A_1703 : vector<16xf32>
        %mul3A_1707 = arith.mulf %mul3A_1706, %sub3A_1703 : vector<16xf32>
        %exp3A_1708 = math.exp %mul3A_1707 : vector<16xf32>
        %add3A_1709 = arith.addf %add3A_1687, %exp3A_1708 : vector<16xf32>
        %mul3A_1710 = arith.constant 16 : i32
        %mul3A_1711 = arith.muli %scan3A_1578, %mul3A_1710 : i32
        %iota3A = tpu.iota {dimensions = array<i32: 0>} : vector<16xi32>
        %add3A_1712 = vector.broadcast %mul3A_1711 : i32 to vector<16xi32>
        %add3A_1713 = arith.addi %add3A_1712, %iota3A : vector<16xi32>
        %broadcast_in_dim3A_1714 = arith.constant 0.000000e+00 : f32
        %broadcast_in_dim3A_1715 = vector.broadcast %broadcast_in_dim3A_1714 : f32 to vector<16xf32>
        %broadcast_in_dim3A_1716 = arith.constant 0.000000e+00 : f32
        %broadcast_in_dim3A_1717 = vector.broadcast %broadcast_in_dim3A_1716 : f32 to vector<16xf32>
        %broadcast_in_dim3A_1718 = arith.constant 0 : i32
        %broadcast_in_dim3A_1719 = vector.broadcast %broadcast_in_dim3A_1718 : i32 to vector<16xi32>
        %gather3A_1720 = tpu.vector_load_idx %arg20[%add3A_1713, %broadcast_in_dim3A_1719] : memref<2048x32xf32, #tpu.memory_space<vmem>>[vector<16xi32>, vector<16xi32>], vector<16xf32>,
        %mul3A_1721 = arith.mulf %gather3A_1720, %exp3A_1620 : vector<16xf32>
        %add3A_1722 = arith.addf %broadcast_in_dim3A_1717, %mul3A_1721 : vector<16xf32>
        %broadcast_in_dim3A_1723 = arith.constant 1 : i32
        %broadcast_in_dim3A_1724 = vector.broadcast %broadcast_in_dim3A_1723 : i32 to vector<16xi32>
        %gather3A_1725 = tpu.vector_load_idx %arg20[%add3A_1713, %broadcast_in_dim3A_1724] : memref<2048x32xf32, #tpu.memory_space<vmem>>[vector<16xi32>, vector<16xi32>], vector<16xf32>,
        %mul3A_1726 = arith.mulf %gather3A_1725, %exp3A_1642 : vector<16xf32>
        %add3A_1727 = arith.addf %add3A_1722, %mul3A_1726 : vector<16xf32>
        %broadcast_in_dim3A_1728 = arith.constant 2 : i32
        %broadcast_in_dim3A_1729 = vector.broadcast %broadcast_in_dim3A_1728 : i32 to vector<16xi32>
        %gather3A_1730 = tpu.vector_load_idx %arg20[%add3A_1713, %broadcast_in_dim3A_1729] : memref<2048x32xf32, #tpu.memory_space<vmem>>[vector<16xi32>, vector<16xi32>], vector<16xf32>,
        %mul3A_1731 = arith.mulf %gather3A_1730, %exp3A_1664 : vector<16xf32>
        %add3A_1732 = arith.addf %add3A_1727, %mul3A_1731 : vector<16xf32>
        %broadcast_in_dim3A_1733 = arith.constant 3 : i32
        %broadcast_in_dim3A_1734 = vector.broadcast %broadcast_in_dim3A_1733 : i32 to vector<16xi32>
        %gather3A_1735 = tpu.vector_load_idx %arg20[%add3A_1713, %broadcast_in_dim3A_1734] : memref<2048x32xf32, #tpu.memory_space<vmem>>[vector<16xi32>, vector<16xi32>], vector<16xf32>,
        %mul3A_1736 = arith.mulf %gather3A_1735, %exp3A_1686 : vector<16xf32>
        %add3A_1737 = arith.addf %add3A_1732, %mul3A_1736 : vector<16xf32>
        %broadcast_in_dim3A_1738 = arith.constant 4 : i32
        %broadcast_in_dim3A_1739 = vector.broadcast %broadcast_in_dim3A_1738 : i32 to vector<16xi32>
        %gather3A_1740 = tpu.vector_load_idx %arg20[%add3A_1713, %broadcast_in_dim3A_1739] : memref<2048x32xf32, #tpu.memory_space<vmem>>[vector<16xi32>, vector<16xi32>], vector<16xf32>,
        %mul3A_1741 = arith.mulf %gather3A_1740, %exp3A_1708 : vector<16xf32>
        %add3A_1742 = arith.addf %add3A_1737, %mul3A_1741 : vector<16xf32>
        %mul3A_1743 = arith.mulf %add3A_1742, %exp3A : vector<16xf32>
        %add3A_1744 = arith.addf %broadcast_in_dim3A_1715, %mul3A_1743 : vector<16xf32>
        %broadcast_in_dim3A_1745 = arith.constant 0.000000e+00 : f32
        %broadcast_in_dim3A_1746 = vector.broadcast %broadcast_in_dim3A_1745 : f32 to vector<16xf32>
        %broadcast_in_dim3A_1747 = arith.constant 5 : i32
        %broadcast_in_dim3A_1748 = vector.broadcast %broadcast_in_dim3A_1747 : i32 to vector<16xi32>
        %gather3A_1749 = tpu.vector_load_idx %arg20[%add3A_1713, %broadcast_in_dim3A_1748] : memref<2048x32xf32, #tpu.memory_space<vmem>>[vector<16xi32>, vector<16xi32>], vector<16xf32>,
        %mul3A_1750 = arith.mulf %gather3A_1749, %exp3A_1620 : vector<16xf32>
        %add3A_1751 = arith.addf %broadcast_in_dim3A_1746, %mul3A_1750 : vector<16xf32>
        %broadcast_in_dim3A_1752 = arith.constant 6 : i32
        %broadcast_in_dim3A_1753 = vector.broadcast %broadcast_in_dim3A_1752 : i32 to vector<16xi32>
        %gather3A_1754 = tpu.vector_load_idx %arg20[%add3A_1713, %broadcast_in_dim3A_1753] : memref<2048x32xf32, #tpu.memory_space<vmem>>[vector<16xi32>, vector<16xi32>], vector<16xf32>,
        %mul3A_1755 = arith.mulf %gather3A_1754, %exp3A_1642 : vector<16xf32>
        %add3A_1756 = arith.addf %add3A_1751, %mul3A_1755 : vector<16xf32>
        %broadcast_in_dim3A_1757 = arith.constant 7 : i32
        %broadcast_in_dim3A_1758 = vector.broadcast %broadcast_in_dim3A_1757 : i32 to vector<16xi32>
        %gather3A_1759 = tpu.vector_load_idx %arg20[%add3A_1713, %broadcast_in_dim3A_1758] : memref<2048x32xf32, #tpu.memory_space<vmem>>[vector<16xi32>, vector<16xi32>], vector<16xf32>,
        %mul3A_1760 = arith.mulf %gather3A_1759, %exp3A_1664 : vector<16xf32>
        %add3A_1761 = arith.addf %add3A_1756, %mul3A_1760 : vector<16xf32>
        %broadcast_in_dim3A_1762 = arith.constant 8 : i32
        %broadcast_in_dim3A_1763 = vector.broadcast %broadcast_in_dim3A_1762 : i32 to vector<16xi32>
        %gather3A_1764 = tpu.vector_load_idx %arg20[%add3A_1713, %broadcast_in_dim3A_1763] : memref<2048x32xf32, #tpu.memory_space<vmem>>[vector<16xi32>, vector<16xi32>], vector<16xf32>,
        %mul3A_1765 = arith.mulf %gather3A_1764, %exp3A_1686 : vector<16xf32>
        %add3A_1766 = arith.addf %add3A_1761, %mul3A_1765 : vector<16xf32>
        %broadcast_in_dim3A_1767 = arith.constant 9 : i32
        %broadcast_in_dim3A_1768 = vector.broadcast %broadcast_in_dim3A_1767 : i32 to vector<16xi32>
        %gather3A_1769 = tpu.vector_load_idx %arg20[%add3A_1713, %broadcast_in_dim3A_1768] : memref<2048x32xf32, #tpu.memory_space<vmem>>[vector<16xi32>, vector<16xi32>], vector<16xf32>,
        %mul3A_1770 = arith.mulf %gather3A_1769, %exp3A_1708 : vector<16xf32>
        %add3A_1771 = arith.addf %add3A_1766, %mul3A_1770 : vector<16xf32>
        %mul3A_1772 = arith.mulf %add3A_1771, %exp3A_1631 : vector<16xf32>
        %add3A_1773 = arith.addf %add3A_1744, %mul3A_1772 : vector<16xf32>
        %broadcast_in_dim3A_1774 = arith.constant 0.000000e+00 : f32
        %broadcast_in_dim3A_1775 = vector.broadcast %broadcast_in_dim3A_1774 : f32 to vector<16xf32>
        %broadcast_in_dim3A_1776 = arith.constant 10 : i32
        %broadcast_in_dim3A_1777 = vector.broadcast %broadcast_in_dim3A_1776 : i32 to vector<16xi32>
        %gather3A_1778 = tpu.vector_load_idx %arg20[%add3A_1713, %broadcast_in_dim3A_1777] : memref<2048x32xf32, #tpu.memory_space<vmem>>[vector<16xi32>, vector<16xi32>], vector<16xf32>,
        %mul3A_1779 = arith.mulf %gather3A_1778, %exp3A_1620 : vector<16xf32>
        %add3A_1780 = arith.addf %broadcast_in_dim3A_1775, %mul3A_1779 : vector<16xf32>
        %broadcast_in_dim3A_1781 = arith.constant 11 : i32
        %broadcast_in_dim3A_1782 = vector.broadcast %broadcast_in_dim3A_1781 : i32 to vector<16xi32>
        %gather3A_1783 = tpu.vector_load_idx %arg20[%add3A_1713, %broadcast_in_dim3A_1782] : memref<2048x32xf32, #tpu.memory_space<vmem>>[vector<16xi32>, vector<16xi32>], vector<16xf32>,
        %mul3A_1784 = arith.mulf %gather3A_1783, %exp3A_1642 : vector<16xf32>
        %add3A_1785 = arith.addf %add3A_1780, %mul3A_1784 : vector<16xf32>
        %broadcast_in_dim3A_1786 = arith.constant 12 : i32
        %broadcast_in_dim3A_1787 = vector.broadcast %broadcast_in_dim3A_1786 : i32 to vector<16xi32>
        %gather3A_1788 = tpu.vector_load_idx %arg20[%add3A_1713, %broadcast_in_dim3A_1787] : memref<2048x32xf32, #tpu.memory_space<vmem>>[vector<16xi32>, vector<16xi32>], vector<16xf32>,
        %mul3A_1789 = arith.mulf %gather3A_1788, %exp3A_1664 : vector<16xf32>
        %add3A_1790 = arith.addf %add3A_1785, %mul3A_1789 : vector<16xf32>
        %broadcast_in_dim3A_1791 = arith.constant 13 : i32
        %broadcast_in_dim3A_1792 = vector.broadcast %broadcast_in_dim3A_1791 : i32 to vector<16xi32>
        %gather3A_1793 = tpu.vector_load_idx %arg20[%add3A_1713, %broadcast_in_dim3A_1792] : memref<2048x32xf32, #tpu.memory_space<vmem>>[vector<16xi32>, vector<16xi32>], vector<16xf32>,
        %mul3A_1794 = arith.mulf %gather3A_1793, %exp3A_1686 : vector<16xf32>
        %add3A_1795 = arith.addf %add3A_1790, %mul3A_1794 : vector<16xf32>
        %broadcast_in_dim3A_1796 = arith.constant 14 : i32
        %broadcast_in_dim3A_1797 = vector.broadcast %broadcast_in_dim3A_1796 : i32 to vector<16xi32>
        %gather3A_1798 = tpu.vector_load_idx %arg20[%add3A_1713, %broadcast_in_dim3A_1797] : memref<2048x32xf32, #tpu.memory_space<vmem>>[vector<16xi32>, vector<16xi32>], vector<16xf32>,
        %mul3A_1799 = arith.mulf %gather3A_1798, %exp3A_1708 : vector<16xf32>
        %add3A_1800 = arith.addf %add3A_1795, %mul3A_1799 : vector<16xf32>
        %mul3A_1801 = arith.mulf %add3A_1800, %exp3A_1653 : vector<16xf32>
        %add3A_1802 = arith.addf %add3A_1773, %mul3A_1801 : vector<16xf32>
        %broadcast_in_dim3A_1803 = arith.constant 0.000000e+00 : f32
        %broadcast_in_dim3A_1804 = vector.broadcast %broadcast_in_dim3A_1803 : f32 to vector<16xf32>
        %broadcast_in_dim3A_1805 = arith.constant 15 : i32
        %broadcast_in_dim3A_1806 = vector.broadcast %broadcast_in_dim3A_1805 : i32 to vector<16xi32>
        %gather3A_1807 = tpu.vector_load_idx %arg20[%add3A_1713, %broadcast_in_dim3A_1806] : memref<2048x32xf32, #tpu.memory_space<vmem>>[vector<16xi32>, vector<16xi32>], vector<16xf32>,
        %mul3A_1808 = arith.mulf %gather3A_1807, %exp3A_1620 : vector<16xf32>
        %add3A_1809 = arith.addf %broadcast_in_dim3A_1804, %mul3A_1808 : vector<16xf32>
        %broadcast_in_dim3A_1810 = arith.constant 16 : i32
        %broadcast_in_dim3A_1811 = vector.broadcast %broadcast_in_dim3A_1810 : i32 to vector<16xi32>
        %gather3A_1812 = tpu.vector_load_idx %arg20[%add3A_1713, %broadcast_in_dim3A_1811] : memref<2048x32xf32, #tpu.memory_space<vmem>>[vector<16xi32>, vector<16xi32>], vector<16xf32>,
        %mul3A_1813 = arith.mulf %gather3A_1812, %exp3A_1642 : vector<16xf32>
        %add3A_1814 = arith.addf %add3A_1809, %mul3A_1813 : vector<16xf32>
        %broadcast_in_dim3A_1815 = arith.constant 17 : i32
        %broadcast_in_dim3A_1816 = vector.broadcast %broadcast_in_dim3A_1815 : i32 to vector<16xi32>
        %gather3A_1817 = tpu.vector_load_idx %arg20[%add3A_1713, %broadcast_in_dim3A_1816] : memref<2048x32xf32, #tpu.memory_space<vmem>>[vector<16xi32>, vector<16xi32>], vector<16xf32>,
        %mul3A_1818 = arith.mulf %gather3A_1817, %exp3A_1664 : vector<16xf32>
        %add3A_1819 = arith.addf %add3A_1814, %mul3A_1818 : vector<16xf32>
        %broadcast_in_dim3A_1820 = arith.constant 18 : i32
        %broadcast_in_dim3A_1821 = vector.broadcast %broadcast_in_dim3A_1820 : i32 to vector<16xi32>
        %gather3A_1822 = tpu.vector_load_idx %arg20[%add3A_1713, %broadcast_in_dim3A_1821] : memref<2048x32xf32, #tpu.memory_space<vmem>>[vector<16xi32>, vector<16xi32>], vector<16xf32>,
        %mul3A_1823 = arith.mulf %gather3A_1822, %exp3A_1686 : vector<16xf32>
        %add3A_1824 = arith.addf %add3A_1819, %mul3A_1823 : vector<16xf32>
        %broadcast_in_dim3A_1825 = arith.constant 19 : i32
        %broadcast_in_dim3A_1826 = vector.broadcast %broadcast_in_dim3A_1825 : i32 to vector<16xi32>
        %gather3A_1827 = tpu.vector_load_idx %arg20[%add3A_1713, %broadcast_in_dim3A_1826] : memref<2048x32xf32, #tpu.memory_space<vmem>>[vector<16xi32>, vector<16xi32>], vector<16xf32>,
        %mul3A_1828 = arith.mulf %gather3A_1827, %exp3A_1708 : vector<16xf32>
        %add3A_1829 = arith.addf %add3A_1824, %mul3A_1828 : vector<16xf32>
        %mul3A_1830 = arith.mulf %add3A_1829, %exp3A_1675 : vector<16xf32>
        %add3A_1831 = arith.addf %add3A_1802, %mul3A_1830 : vector<16xf32>
        %broadcast_in_dim3A_1832 = arith.constant 0.000000e+00 : f32
        %broadcast_in_dim3A_1833 = vector.broadcast %broadcast_in_dim3A_1832 : f32 to vector<16xf32>
        %broadcast_in_dim3A_1834 = arith.constant 20 : i32
        %broadcast_in_dim3A_1835 = vector.broadcast %broadcast_in_dim3A_1834 : i32 to vector<16xi32>
        %gather3A_1836 = tpu.vector_load_idx %arg20[%add3A_1713, %broadcast_in_dim3A_1835] : memref<2048x32xf32, #tpu.memory_space<vmem>>[vector<16xi32>, vector<16xi32>], vector<16xf32>,
        %mul3A_1837 = arith.mulf %gather3A_1836, %exp3A_1620 : vector<16xf32>
        %add3A_1838 = arith.addf %broadcast_in_dim3A_1833, %mul3A_1837 : vector<16xf32>
        %broadcast_in_dim3A_1839 = arith.constant 21 : i32
        %broadcast_in_dim3A_1840 = vector.broadcast %broadcast_in_dim3A_1839 : i32 to vector<16xi32>
        %gather3A_1841 = tpu.vector_load_idx %arg20[%add3A_1713, %broadcast_in_dim3A_1840] : memref<2048x32xf32, #tpu.memory_space<vmem>>[vector<16xi32>, vector<16xi32>], vector<16xf32>,
        %mul3A_1842 = arith.mulf %gather3A_1841, %exp3A_1642 : vector<16xf32>
        %add3A_1843 = arith.addf %add3A_1838, %mul3A_1842 : vector<16xf32>
        %broadcast_in_dim3A_1844 = arith.constant 22 : i32
        %broadcast_in_dim3A_1845 = vector.broadcast %broadcast_in_dim3A_1844 : i32 to vector<16xi32>
        %gather3A_1846 = tpu.vector_load_idx %arg20[%add3A_1713, %broadcast_in_dim3A_1845] : memref<2048x32xf32, #tpu.memory_space<vmem>>[vector<16xi32>, vector<16xi32>], vector<16xf32>,
        %mul3A_1847 = arith.mulf %gather3A_1846, %exp3A_1664 : vector<16xf32>
        %add3A_1848 = arith.addf %add3A_1843, %mul3A_1847 : vector<16xf32>
        %broadcast_in_dim3A_1849 = arith.constant 23 : i32
        %broadcast_in_dim3A_1850 = vector.broadcast %broadcast_in_dim3A_1849 : i32 to vector<16xi32>
        %gather3A_1851 = tpu.vector_load_idx %arg20[%add3A_1713, %broadcast_in_dim3A_1850] : memref<2048x32xf32, #tpu.memory_space<vmem>>[vector<16xi32>, vector<16xi32>], vector<16xf32>,
        %mul3A_1852 = arith.mulf %gather3A_1851, %exp3A_1686 : vector<16xf32>
        %add3A_1853 = arith.addf %add3A_1848, %mul3A_1852 : vector<16xf32>
        %broadcast_in_dim3A_1854 = arith.constant 24 : i32
        %broadcast_in_dim3A_1855 = vector.broadcast %broadcast_in_dim3A_1854 : i32 to vector<16xi32>
        %gather3A_1856 = tpu.vector_load_idx %arg20[%add3A_1713, %broadcast_in_dim3A_1855] : memref<2048x32xf32, #tpu.memory_space<vmem>>[vector<16xi32>, vector<16xi32>], vector<16xf32>,
        %mul3A_1857 = arith.mulf %gather3A_1856, %exp3A_1708 : vector<16xf32>
        %add3A_1858 = arith.addf %add3A_1853, %mul3A_1857 : vector<16xf32>
        %mul3A_1859 = arith.mulf %add3A_1858, %exp3A_1697 : vector<16xf32>
        %add3A_1860 = arith.addf %add3A_1831, %mul3A_1859 : vector<16xf32>
        %mul3A_1861 = arith.mulf %add3A_1698, %add3A_1709 : vector<16xf32>
        %div3A = arith.divf %add3A_1860, %mul3A_1861 : vector<16xf32>
        %gather3A_1862 = tpu.vector_load_idx %arg22[%get3A_1582] : memref<96xf32, #tpu.memory_space<vmem>>[vector<16xi32>], vector<16xf32>,
        %gather3A_1863 = tpu.vector_load_idx %arg22[%get3A_1584] : memref<96xf32, #tpu.memory_space<vmem>>[vector<16xi32>], vector<16xf32>,
        %mul3A_1864 = arith.mulf %gather3A_1862, %gather3A_1863 : vector<16xf32>
        %mul3A_1865 = arith.constant 3.000000e+00 : f32
        %mul3A_1866 = vector.broadcast %mul3A_1865 : f32 to vector<16xf32>
        %mul3A_1867 = arith.mulf %mul3A_1866, %div3A : vector<16xf32>
        %mul3A_1868 = arith.mulf %mul3A_1864, %mul3A_1864 : vector<16xf32>
        %mul3A_1869 = arith.mulf %mul3A_1867, %mul3A_1868 : vector<16xf32>
        %mul3A_1870 = arith.constant 0.742876589 : f32
        %mul3A_1871 = vector.broadcast %mul3A_1870 : f32 to vector<16xf32>
        %mul3A_1872 = arith.mulf %mul3A_1871, %mul3A_1864 : vector<16xf32>
        %add3A_1873 = arith.constant 4.440700e+00 : f32
        %add3A_1874 = vector.broadcast %add3A_1873 : f32 to vector<16xf32>
        %add3A_1875 = arith.addf %mul3A_1872, %add3A_1874 : vector<16xf32>
        %mul3A_1876 = arith.mulf %mul3A_1589, %mul3A_1589 : vector<16xf32>
        %mul3A_1877 = arith.mulf %mul3A_1876, %mul3A_1876 : vector<16xf32>
        %mul3A_1878 = arith.mulf %mul3A_1877, %mul3A_1876 : vector<16xf32>
        %mul3A_1879 = arith.mulf %mul3A_1878, %mul3A_1876 : vector<16xf32>
        %mul3A_1880 = arith.mulf %add3A_1875, %add3A_1875 : vector<16xf32>
        %mul3A_1881 = arith.mulf %mul3A_1880, %mul3A_1880 : vector<16xf32>
        %mul3A_1882 = arith.mulf %mul3A_1881, %mul3A_1880 : vector<16xf32>
        %mul3A_1883 = arith.mulf %mul3A_1882, %mul3A_1880 : vector<16xf32>
        %add3A_1884 = arith.addf %mul3A_1878, %mul3A_1882 : vector<16xf32>
        %div3A_1885 = arith.divf %div3A, %add3A_1884 : vector<16xf32>
        %add3A_1886 = arith.addf %mul3A_1879, %mul3A_1883 : vector<16xf32>
        %div3A_1887 = arith.divf %mul3A_1869, %add3A_1886 : vector<16xf32>
        %mul3A_1888 = arith.constant 1.000000e+00 : f32
        %mul3A_1889 = vector.broadcast %mul3A_1888 : f32 to vector<16xf32>
        %mul3A_1890 = arith.mulf %mul3A_1889, %div3A_1885 : vector<16xf32>
        %mul3A_1891 = arith.constant 7.875000e-01 : f32
        %mul3A_1892 = vector.broadcast %mul3A_1891 : f32 to vector<16xf32>
        %mul3A_1893 = arith.mulf %mul3A_1892, %div3A_1887 : vector<16xf32>
        %add3A_1894 = arith.addf %mul3A_1890, %mul3A_1893 : vector<16xf32>
        %mul3A_1895 = arith.constant -5.000000e-01 : f32
        %mul3A_1896 = vector.broadcast %mul3A_1895 : f32 to vector<16xf32>
        %mul3A_1897 = arith.mulf %mul3A_1896, %add3A_1894 : vector<16xf32>
        %swap3A = arith.index_cast %mul3A_1581 : i32 to index
        %swap3A_1898 = tpu.vector_load %arg21[%swap3A] {strides = array<i32>} : memref<2048xf32, #tpu.memory_space<vmem>>, vector<16xf32>,
        tpu.vector_store %arg21[%swap3A], %mul3A_1897 {strides = array<i32>} : memref<2048xf32, #tpu.memory_space<vmem>>, vector<16xf32>,
        %scan3A_1899 = arith.constant 0 : i32
        scf.yield %scan3A_1899 : i32
      }
      %scan3A_1320 = arith.constant 128 : i32
      %dma_start3A_1321 = arith.constant 0 : i32
      %dma_start3A_1322 = arith.constant 0 : i32
      %dma_start3A_1323 = tpu.memref_slice %arg21[%dma_start3A_1322] : memref<2048xf32, #tpu.memory_space<vmem>> -> memref<128xf32, #tpu.memory_space<vmem>>
      %dma_start3A_1324 = arith.constant 0 : i32
      %dma_start3A_1325 = tpu.memref_slice %arg12[%dma_start3A_1321, %dma_start3A_1324] : memref<16x128xi32, #tpu.memory_space<vmem>> -> memref<1x128xi32, #tpu.memory_space<vmem>>
      %dma_start3A_1326 = tpu.memref_squeeze %dma_start3A_1325 : memref<1x128xi32, #tpu.memory_space<vmem>> -> memref<128xi32, #tpu.memory_space<vmem>>
      %dma_start3A_1327 = arith.constant 0 : i32
      %dma_start3A_1328 = tpu.memref_slice %arg25[%dma_start3A_1327] : memref<100096xf32, #tpu.memory_space<vmem_shared>> -> memref<100096xf32, #tpu.memory_space<vmem_shared>>
      tpu.enqueue_indirect_dma source(%dma_start3A_1323 : memref<128xf32, #tpu.memory_space<vmem>>) target(%dma_start3A_1328 : memref<100096xf32, #tpu.memory_space<vmem_shared>>) offsets(%dma_start3A_1326 : memref<128xi32, #tpu.memory_space<vmem>>) semaphore(%arg26 : memref<!tpu.dma_semaphore, #tpu.memory_space<semaphore_mem>>) {add = true}
      %dma_start3A_1329 = arith.constant 1 : i32
      %dma_start3A_1330 = arith.constant 128 : i32
      %dma_start3A_1331 = tpu.memref_slice %arg21[%dma_start3A_1330] : memref<2048xf32, #tpu.memory_space<vmem>> -> memref<128xf32, #tpu.memory_space<vmem>>
      %dma_start3A_1332 = arith.constant 0 : i32
      %dma_start3A_1333 = tpu.memref_slice %arg12[%dma_start3A_1329, %dma_start3A_1332] : memref<16x128xi32, #tpu.memory_space<vmem>> -> memref<1x128xi32, #tpu.memory_space<vmem>>
      %dma_start3A_1334 = tpu.memref_squeeze %dma_start3A_1333 : memref<1x128xi32, #tpu.memory_space<vmem>> -> memref<128xi32, #tpu.memory_space<vmem>>
      %dma_start3A_1335 = arith.constant 0 : i32
      %dma_start3A_1336 = tpu.memref_slice %arg25[%dma_start3A_1335] : memref<100096xf32, #tpu.memory_space<vmem_shared>> -> memref<100096xf32, #tpu.memory_space<vmem_shared>>
      tpu.enqueue_indirect_dma source(%dma_start3A_1331 : memref<128xf32, #tpu.memory_space<vmem>>) target(%dma_start3A_1336 : memref<100096xf32, #tpu.memory_space<vmem_shared>>) offsets(%dma_start3A_1334 : memref<128xi32, #tpu.memory_space<vmem>>) semaphore(%arg26 : memref<!tpu.dma_semaphore, #tpu.memory_space<semaphore_mem>>) {add = true}
      %dma_start3A_1337 = arith.constant 2 : i32
      %dma_start3A_1338 = arith.constant 256 : i32
      %dma_start3A_1339 = tpu.memref_slice %arg21[%dma_start3A_1338] : memref<2048xf32, #tpu.memory_space<vmem>> -> memref<128xf32, #tpu.memory_space<vmem>>
      %dma_start3A_1340 = arith.constant 0 : i32
      %dma_start3A_1341 = tpu.memref_slice %arg12[%dma_start3A_1337, %dma_start3A_1340] : memref<16x128xi32, #tpu.memory_space<vmem>> -> memref<1x128xi32, #tpu.memory_space<vmem>>
      %dma_start3A_1342 = tpu.memref_squeeze %dma_start3A_1341 : memref<1x128xi32, #tpu.memory_space<vmem>> -> memref<128xi32, #tpu.memory_space<vmem>>
      %dma_start3A_1343 = arith.constant 0 : i32
      %dma_start3A_1344 = tpu.memref_slice %arg25[%dma_start3A_1343] : memref<100096xf32, #tpu.memory_space<vmem_shared>> -> memref<100096xf32, #tpu.memory_space<vmem_shared>>
      tpu.enqueue_indirect_dma source(%dma_start3A_1339 : memref<128xf32, #tpu.memory_space<vmem>>) target(%dma_start3A_1344 : memref<100096xf32, #tpu.memory_space<vmem_shared>>) offsets(%dma_start3A_1342 : memref<128xi32, #tpu.memory_space<vmem>>) semaphore(%arg26 : memref<!tpu.dma_semaphore, #tpu.memory_space<semaphore_mem>>) {add = true}
      %dma_start3A_1345 = arith.constant 3 : i32
      %dma_start3A_1346 = arith.constant 384 : i32
      %dma_start3A_1347 = tpu.memref_slice %arg21[%dma_start3A_1346] : memref<2048xf32, #tpu.memory_space<vmem>> -> memref<128xf32, #tpu.memory_space<vmem>>
      %dma_start3A_1348 = arith.constant 0 : i32
      %dma_start3A_1349 = tpu.memref_slice %arg12[%dma_start3A_1345, %dma_start3A_1348] : memref<16x128xi32, #tpu.memory_space<vmem>> -> memref<1x128xi32, #tpu.memory_space<vmem>>
      %dma_start3A_1350 = tpu.memref_squeeze %dma_start3A_1349 : memref<1x128xi32, #tpu.memory_space<vmem>> -> memref<128xi32, #tpu.memory_space<vmem>>
      %dma_start3A_1351 = arith.constant 0 : i32
      %dma_start3A_1352 = tpu.memref_slice %arg25[%dma_start3A_1351] : memref<100096xf32, #tpu.memory_space<vmem_shared>> -> memref<100096xf32, #tpu.memory_space<vmem_shared>>
      tpu.enqueue_indirect_dma source(%dma_start3A_1347 : memref<128xf32, #tpu.memory_space<vmem>>) target(%dma_start3A_1352 : memref<100096xf32, #tpu.memory_space<vmem_shared>>) offsets(%dma_start3A_1350 : memref<128xi32, #tpu.memory_space<vmem>>) semaphore(%arg26 : memref<!tpu.dma_semaphore, #tpu.memory_space<semaphore_mem>>) {add = true}
      %dma_start3A_1353 = arith.constant 4 : i32
      %dma_start3A_1354 = arith.constant 512 : i32
      %dma_start3A_1355 = tpu.memref_slice %arg21[%dma_start3A_1354] : memref<2048xf32, #tpu.memory_space<vmem>> -> memref<128xf32, #tpu.memory_space<vmem>>
      %dma_start3A_1356 = arith.constant 0 : i32
      %dma_start3A_1357 = tpu.memref_slice %arg12[%dma_start3A_1353, %dma_start3A_1356] : memref<16x128xi32, #tpu.memory_space<vmem>> -> memref<1x128xi32, #tpu.memory_space<vmem>>
      %dma_start3A_1358 = tpu.memref_squeeze %dma_start3A_1357 : memref<1x128xi32, #tpu.memory_space<vmem>> -> memref<128xi32, #tpu.memory_space<vmem>>
      %dma_start3A_1359 = arith.constant 0 : i32
      %dma_start3A_1360 = tpu.memref_slice %arg25[%dma_start3A_1359] : memref<100096xf32, #tpu.memory_space<vmem_shared>> -> memref<100096xf32, #tpu.memory_space<vmem_shared>>
      tpu.enqueue_indirect_dma source(%dma_start3A_1355 : memref<128xf32, #tpu.memory_space<vmem>>) target(%dma_start3A_1360 : memref<100096xf32, #tpu.memory_space<vmem_shared>>) offsets(%dma_start3A_1358 : memref<128xi32, #tpu.memory_space<vmem>>) semaphore(%arg26 : memref<!tpu.dma_semaphore, #tpu.memory_space<semaphore_mem>>) {add = true}
      %dma_start3A_1361 = arith.constant 5 : i32
      %dma_start3A_1362 = arith.constant 640 : i32
      %dma_start3A_1363 = tpu.memref_slice %arg21[%dma_start3A_1362] : memref<2048xf32, #tpu.memory_space<vmem>> -> memref<128xf32, #tpu.memory_space<vmem>>
      %dma_start3A_1364 = arith.constant 0 : i32
      %dma_start3A_1365 = tpu.memref_slice %arg12[%dma_start3A_1361, %dma_start3A_1364] : memref<16x128xi32, #tpu.memory_space<vmem>> -> memref<1x128xi32, #tpu.memory_space<vmem>>
      %dma_start3A_1366 = tpu.memref_squeeze %dma_start3A_1365 : memref<1x128xi32, #tpu.memory_space<vmem>> -> memref<128xi32, #tpu.memory_space<vmem>>
      %dma_start3A_1367 = arith.constant 0 : i32
      %dma_start3A_1368 = tpu.memref_slice %arg25[%dma_start3A_1367] : memref<100096xf32, #tpu.memory_space<vmem_shared>> -> memref<100096xf32, #tpu.memory_space<vmem_shared>>
      tpu.enqueue_indirect_dma source(%dma_start3A_1363 : memref<128xf32, #tpu.memory_space<vmem>>) target(%dma_start3A_1368 : memref<100096xf32, #tpu.memory_space<vmem_shared>>) offsets(%dma_start3A_1366 : memref<128xi32, #tpu.memory_space<vmem>>) semaphore(%arg26 : memref<!tpu.dma_semaphore, #tpu.memory_space<semaphore_mem>>) {add = true}
      %dma_start3A_1369 = arith.constant 6 : i32
      %dma_start3A_1370 = arith.constant 768 : i32
      %dma_start3A_1371 = tpu.memref_slice %arg21[%dma_start3A_1370] : memref<2048xf32, #tpu.memory_space<vmem>> -> memref<128xf32, #tpu.memory_space<vmem>>
      %dma_start3A_1372 = arith.constant 0 : i32
      %dma_start3A_1373 = tpu.memref_slice %arg12[%dma_start3A_1369, %dma_start3A_1372] : memref<16x128xi32, #tpu.memory_space<vmem>> -> memref<1x128xi32, #tpu.memory_space<vmem>>
      %dma_start3A_1374 = tpu.memref_squeeze %dma_start3A_1373 : memref<1x128xi32, #tpu.memory_space<vmem>> -> memref<128xi32, #tpu.memory_space<vmem>>
      %dma_start3A_1375 = arith.constant 0 : i32
      %dma_start3A_1376 = tpu.memref_slice %arg25[%dma_start3A_1375] : memref<100096xf32, #tpu.memory_space<vmem_shared>> -> memref<100096xf32, #tpu.memory_space<vmem_shared>>
      tpu.enqueue_indirect_dma source(%dma_start3A_1371 : memref<128xf32, #tpu.memory_space<vmem>>) target(%dma_start3A_1376 : memref<100096xf32, #tpu.memory_space<vmem_shared>>) offsets(%dma_start3A_1374 : memref<128xi32, #tpu.memory_space<vmem>>) semaphore(%arg26 : memref<!tpu.dma_semaphore, #tpu.memory_space<semaphore_mem>>) {add = true}
      %dma_start3A_1377 = arith.constant 7 : i32
      %dma_start3A_1378 = arith.constant 896 : i32
      %dma_start3A_1379 = tpu.memref_slice %arg21[%dma_start3A_1378] : memref<2048xf32, #tpu.memory_space<vmem>> -> memref<128xf32, #tpu.memory_space<vmem>>
      %dma_start3A_1380 = arith.constant 0 : i32
      %dma_start3A_1381 = tpu.memref_slice %arg12[%dma_start3A_1377, %dma_start3A_1380] : memref<16x128xi32, #tpu.memory_space<vmem>> -> memref<1x128xi32, #tpu.memory_space<vmem>>
      %dma_start3A_1382 = tpu.memref_squeeze %dma_start3A_1381 : memref<1x128xi32, #tpu.memory_space<vmem>> -> memref<128xi32, #tpu.memory_space<vmem>>
      %dma_start3A_1383 = arith.constant 0 : i32
      %dma_start3A_1384 = tpu.memref_slice %arg25[%dma_start3A_1383] : memref<100096xf32, #tpu.memory_space<vmem_shared>> -> memref<100096xf32, #tpu.memory_space<vmem_shared>>
      tpu.enqueue_indirect_dma source(%dma_start3A_1379 : memref<128xf32, #tpu.memory_space<vmem>>) target(%dma_start3A_1384 : memref<100096xf32, #tpu.memory_space<vmem_shared>>) offsets(%dma_start3A_1382 : memref<128xi32, #tpu.memory_space<vmem>>) semaphore(%arg26 : memref<!tpu.dma_semaphore, #tpu.memory_space<semaphore_mem>>) {add = true}
      %dma_start3A_1385 = arith.constant 8 : i32
      %dma_start3A_1386 = arith.constant 1024 : i32
      %dma_start3A_1387 = tpu.memref_slice %arg21[%dma_start3A_1386] : memref<2048xf32, #tpu.memory_space<vmem>> -> memref<128xf32, #tpu.memory_space<vmem>>
      %dma_start3A_1388 = arith.constant 0 : i32
      %dma_start3A_1389 = tpu.memref_slice %arg12[%dma_start3A_1385, %dma_start3A_1388] : memref<16x128xi32, #tpu.memory_space<vmem>> -> memref<1x128xi32, #tpu.memory_space<vmem>>
      %dma_start3A_1390 = tpu.memref_squeeze %dma_start3A_1389 : memref<1x128xi32, #tpu.memory_space<vmem>> -> memref<128xi32, #tpu.memory_space<vmem>>
      %dma_start3A_1391 = arith.constant 0 : i32
      %dma_start3A_1392 = tpu.memref_slice %arg25[%dma_start3A_1391] : memref<100096xf32, #tpu.memory_space<vmem_shared>> -> memref<100096xf32, #tpu.memory_space<vmem_shared>>
      tpu.enqueue_indirect_dma source(%dma_start3A_1387 : memref<128xf32, #tpu.memory_space<vmem>>) target(%dma_start3A_1392 : memref<100096xf32, #tpu.memory_space<vmem_shared>>) offsets(%dma_start3A_1390 : memref<128xi32, #tpu.memory_space<vmem>>) semaphore(%arg26 : memref<!tpu.dma_semaphore, #tpu.memory_space<semaphore_mem>>) {add = true}
      %dma_start3A_1393 = arith.constant 9 : i32
      %dma_start3A_1394 = arith.constant 1152 : i32
      %dma_start3A_1395 = tpu.memref_slice %arg21[%dma_start3A_1394] : memref<2048xf32, #tpu.memory_space<vmem>> -> memref<128xf32, #tpu.memory_space<vmem>>
      %dma_start3A_1396 = arith.constant 0 : i32
      %dma_start3A_1397 = tpu.memref_slice %arg12[%dma_start3A_1393, %dma_start3A_1396] : memref<16x128xi32, #tpu.memory_space<vmem>> -> memref<1x128xi32, #tpu.memory_space<vmem>>
      %dma_start3A_1398 = tpu.memref_squeeze %dma_start3A_1397 : memref<1x128xi32, #tpu.memory_space<vmem>> -> memref<128xi32, #tpu.memory_space<vmem>>
      %dma_start3A_1399 = arith.constant 0 : i32
      %dma_start3A_1400 = tpu.memref_slice %arg25[%dma_start3A_1399] : memref<100096xf32, #tpu.memory_space<vmem_shared>> -> memref<100096xf32, #tpu.memory_space<vmem_shared>>
      tpu.enqueue_indirect_dma source(%dma_start3A_1395 : memref<128xf32, #tpu.memory_space<vmem>>) target(%dma_start3A_1400 : memref<100096xf32, #tpu.memory_space<vmem_shared>>) offsets(%dma_start3A_1398 : memref<128xi32, #tpu.memory_space<vmem>>) semaphore(%arg26 : memref<!tpu.dma_semaphore, #tpu.memory_space<semaphore_mem>>) {add = true}
      %dma_start3A_1401 = arith.constant 10 : i32
      %dma_start3A_1402 = arith.constant 1280 : i32
      %dma_start3A_1403 = tpu.memref_slice %arg21[%dma_start3A_1402] : memref<2048xf32, #tpu.memory_space<vmem>> -> memref<128xf32, #tpu.memory_space<vmem>>
      %dma_start3A_1404 = arith.constant 0 : i32
      %dma_start3A_1405 = tpu.memref_slice %arg12[%dma_start3A_1401, %dma_start3A_1404] : memref<16x128xi32, #tpu.memory_space<vmem>> -> memref<1x128xi32, #tpu.memory_space<vmem>>
      %dma_start3A_1406 = tpu.memref_squeeze %dma_start3A_1405 : memref<1x128xi32, #tpu.memory_space<vmem>> -> memref<128xi32, #tpu.memory_space<vmem>>
      %dma_start3A_1407 = arith.constant 0 : i32
      %dma_start3A_1408 = tpu.memref_slice %arg25[%dma_start3A_1407] : memref<100096xf32, #tpu.memory_space<vmem_shared>> -> memref<100096xf32, #tpu.memory_space<vmem_shared>>
      tpu.enqueue_indirect_dma source(%dma_start3A_1403 : memref<128xf32, #tpu.memory_space<vmem>>) target(%dma_start3A_1408 : memref<100096xf32, #tpu.memory_space<vmem_shared>>) offsets(%dma_start3A_1406 : memref<128xi32, #tpu.memory_space<vmem>>) semaphore(%arg26 : memref<!tpu.dma_semaphore, #tpu.memory_space<semaphore_mem>>) {add = true}
      %dma_start3A_1409 = arith.constant 11 : i32
      %dma_start3A_1410 = arith.constant 1408 : i32
      %dma_start3A_1411 = tpu.memref_slice %arg21[%dma_start3A_1410] : memref<2048xf32, #tpu.memory_space<vmem>> -> memref<128xf32, #tpu.memory_space<vmem>>
      %dma_start3A_1412 = arith.constant 0 : i32
      %dma_start3A_1413 = tpu.memref_slice %arg12[%dma_start3A_1409, %dma_start3A_1412] : memref<16x128xi32, #tpu.memory_space<vmem>> -> memref<1x128xi32, #tpu.memory_space<vmem>>
      %dma_start3A_1414 = tpu.memref_squeeze %dma_start3A_1413 : memref<1x128xi32, #tpu.memory_space<vmem>> -> memref<128xi32, #tpu.memory_space<vmem>>
      %dma_start3A_1415 = arith.constant 0 : i32
      %dma_start3A_1416 = tpu.memref_slice %arg25[%dma_start3A_1415] : memref<100096xf32, #tpu.memory_space<vmem_shared>> -> memref<100096xf32, #tpu.memory_space<vmem_shared>>
      tpu.enqueue_indirect_dma source(%dma_start3A_1411 : memref<128xf32, #tpu.memory_space<vmem>>) target(%dma_start3A_1416 : memref<100096xf32, #tpu.memory_space<vmem_shared>>) offsets(%dma_start3A_1414 : memref<128xi32, #tpu.memory_space<vmem>>) semaphore(%arg26 : memref<!tpu.dma_semaphore, #tpu.memory_space<semaphore_mem>>) {add = true}
      %dma_start3A_1417 = arith.constant 12 : i32
      %dma_start3A_1418 = arith.constant 1536 : i32
      %dma_start3A_1419 = tpu.memref_slice %arg21[%dma_start3A_1418] : memref<2048xf32, #tpu.memory_space<vmem>> -> memref<128xf32, #tpu.memory_space<vmem>>
      %dma_start3A_1420 = arith.constant 0 : i32
      %dma_start3A_1421 = tpu.memref_slice %arg12[%dma_start3A_1417, %dma_start3A_1420] : memref<16x128xi32, #tpu.memory_space<vmem>> -> memref<1x128xi32, #tpu.memory_space<vmem>>
      %dma_start3A_1422 = tpu.memref_squeeze %dma_start3A_1421 : memref<1x128xi32, #tpu.memory_space<vmem>> -> memref<128xi32, #tpu.memory_space<vmem>>
      %dma_start3A_1423 = arith.constant 0 : i32
      %dma_start3A_1424 = tpu.memref_slice %arg25[%dma_start3A_1423] : memref<100096xf32, #tpu.memory_space<vmem_shared>> -> memref<100096xf32, #tpu.memory_space<vmem_shared>>
      tpu.enqueue_indirect_dma source(%dma_start3A_1419 : memref<128xf32, #tpu.memory_space<vmem>>) target(%dma_start3A_1424 : memref<100096xf32, #tpu.memory_space<vmem_shared>>) offsets(%dma_start3A_1422 : memref<128xi32, #tpu.memory_space<vmem>>) semaphore(%arg26 : memref<!tpu.dma_semaphore, #tpu.memory_space<semaphore_mem>>) {add = true}
      %dma_start3A_1425 = arith.constant 13 : i32
      %dma_start3A_1426 = arith.constant 1664 : i32
      %dma_start3A_1427 = tpu.memref_slice %arg21[%dma_start3A_1426] : memref<2048xf32, #tpu.memory_space<vmem>> -> memref<128xf32, #tpu.memory_space<vmem>>
      %dma_start3A_1428 = arith.constant 0 : i32
      %dma_start3A_1429 = tpu.memref_slice %arg12[%dma_start3A_1425, %dma_start3A_1428] : memref<16x128xi32, #tpu.memory_space<vmem>> -> memref<1x128xi32, #tpu.memory_space<vmem>>
      %dma_start3A_1430 = tpu.memref_squeeze %dma_start3A_1429 : memref<1x128xi32, #tpu.memory_space<vmem>> -> memref<128xi32, #tpu.memory_space<vmem>>
      %dma_start3A_1431 = arith.constant 0 : i32
      %dma_start3A_1432 = tpu.memref_slice %arg25[%dma_start3A_1431] : memref<100096xf32, #tpu.memory_space<vmem_shared>> -> memref<100096xf32, #tpu.memory_space<vmem_shared>>
      tpu.enqueue_indirect_dma source(%dma_start3A_1427 : memref<128xf32, #tpu.memory_space<vmem>>) target(%dma_start3A_1432 : memref<100096xf32, #tpu.memory_space<vmem_shared>>) offsets(%dma_start3A_1430 : memref<128xi32, #tpu.memory_space<vmem>>) semaphore(%arg26 : memref<!tpu.dma_semaphore, #tpu.memory_space<semaphore_mem>>) {add = true}
      %dma_start3A_1433 = arith.constant 14 : i32
      %dma_start3A_1434 = arith.constant 1792 : i32
      %dma_start3A_1435 = tpu.memref_slice %arg21[%dma_start3A_1434] : memref<2048xf32, #tpu.memory_space<vmem>> -> memref<128xf32, #tpu.memory_space<vmem>>
      %dma_start3A_1436 = arith.constant 0 : i32
      %dma_start3A_1437 = tpu.memref_slice %arg12[%dma_start3A_1433, %dma_start3A_1436] : memref<16x128xi32, #tpu.memory_space<vmem>> -> memref<1x128xi32, #tpu.memory_space<vmem>>
      %dma_start3A_1438 = tpu.memref_squeeze %dma_start3A_1437 : memref<1x128xi32, #tpu.memory_space<vmem>> -> memref<128xi32, #tpu.memory_space<vmem>>
      %dma_start3A_1439 = arith.constant 0 : i32
      %dma_start3A_1440 = tpu.memref_slice %arg25[%dma_start3A_1439] : memref<100096xf32, #tpu.memory_space<vmem_shared>> -> memref<100096xf32, #tpu.memory_space<vmem_shared>>
      tpu.enqueue_indirect_dma source(%dma_start3A_1435 : memref<128xf32, #tpu.memory_space<vmem>>) target(%dma_start3A_1440 : memref<100096xf32, #tpu.memory_space<vmem_shared>>) offsets(%dma_start3A_1438 : memref<128xi32, #tpu.memory_space<vmem>>) semaphore(%arg26 : memref<!tpu.dma_semaphore, #tpu.memory_space<semaphore_mem>>) {add = true}
      %dma_start3A_1441 = arith.constant 15 : i32
      %dma_start3A_1442 = arith.constant 1920 : i32
      %dma_start3A_1443 = tpu.memref_slice %arg21[%dma_start3A_1442] : memref<2048xf32, #tpu.memory_space<vmem>> -> memref<128xf32, #tpu.memory_space<vmem>>
      %dma_start3A_1444 = arith.constant 0 : i32
      %dma_start3A_1445 = tpu.memref_slice %arg12[%dma_start3A_1441, %dma_start3A_1444] : memref<16x128xi32, #tpu.memory_space<vmem>> -> memref<1x128xi32, #tpu.memory_space<vmem>>
      %dma_start3A_1446 = tpu.memref_squeeze %dma_start3A_1445 : memref<1x128xi32, #tpu.memory_space<vmem>> -> memref<128xi32, #tpu.memory_space<vmem>>
      %dma_start3A_1447 = arith.constant 0 : i32
      %dma_start3A_1448 = tpu.memref_slice %arg25[%dma_start3A_1447] : memref<100096xf32, #tpu.memory_space<vmem_shared>> -> memref<100096xf32, #tpu.memory_space<vmem_shared>>
      tpu.enqueue_indirect_dma source(%dma_start3A_1443 : memref<128xf32, #tpu.memory_space<vmem>>) target(%dma_start3A_1448 : memref<100096xf32, #tpu.memory_space<vmem_shared>>) offsets(%dma_start3A_1446 : memref<128xi32, #tpu.memory_space<vmem>>) semaphore(%arg26 : memref<!tpu.dma_semaphore, #tpu.memory_space<semaphore_mem>>) {add = true}
      %dma_wait3A_1449 = arith.constant 0 : i32
      %dma_wait3A_1450 = arith.constant 0 : i32
      %dma_wait3A_1451 = tpu.memref_slice %arg21[%dma_wait3A_1450] : memref<2048xf32, #tpu.memory_space<vmem>> -> memref<128xf32, #tpu.memory_space<vmem>>
      %dma_wait3A_1452 = arith.constant 0 : i32
      %dma_wait3A_1453 = tpu.memref_slice %arg12[%dma_wait3A_1449, %dma_wait3A_1452] : memref<16x128xi32, #tpu.memory_space<vmem>> -> memref<1x128xi32, #tpu.memory_space<vmem>>
      %dma_wait3A_1454 = tpu.memref_squeeze %dma_wait3A_1453 : memref<1x128xi32, #tpu.memory_space<vmem>> -> memref<128xi32, #tpu.memory_space<vmem>>
      %dma_wait3A_1455 = arith.constant 0 : i32
      %dma_wait3A_1456 = tpu.memref_slice %arg25[%dma_wait3A_1455] : memref<100096xf32, #tpu.memory_space<vmem_shared>> -> memref<100096xf32, #tpu.memory_space<vmem_shared>>
      tpu.wait_indirect_dma semaphore(%arg26 : memref<!tpu.dma_semaphore, #tpu.memory_space<semaphore_mem>>) src(%dma_wait3A_1451 : memref<128xf32, #tpu.memory_space<vmem>>) dst(%dma_wait3A_1456 : memref<100096xf32, #tpu.memory_space<vmem_shared>>)
      %dma_wait3A_1457 = arith.constant 1 : i32
      %dma_wait3A_1458 = arith.constant 128 : i32
      %dma_wait3A_1459 = tpu.memref_slice %arg21[%dma_wait3A_1458] : memref<2048xf32, #tpu.memory_space<vmem>> -> memref<128xf32, #tpu.memory_space<vmem>>
      %dma_wait3A_1460 = arith.constant 0 : i32
      %dma_wait3A_1461 = tpu.memref_slice %arg12[%dma_wait3A_1457, %dma_wait3A_1460] : memref<16x128xi32, #tpu.memory_space<vmem>> -> memref<1x128xi32, #tpu.memory_space<vmem>>
      %dma_wait3A_1462 = tpu.memref_squeeze %dma_wait3A_1461 : memref<1x128xi32, #tpu.memory_space<vmem>> -> memref<128xi32, #tpu.memory_space<vmem>>
      %dma_wait3A_1463 = arith.constant 0 : i32
      %dma_wait3A_1464 = tpu.memref_slice %arg25[%dma_wait3A_1463] : memref<100096xf32, #tpu.memory_space<vmem_shared>> -> memref<100096xf32, #tpu.memory_space<vmem_shared>>
      tpu.wait_indirect_dma semaphore(%arg26 : memref<!tpu.dma_semaphore, #tpu.memory_space<semaphore_mem>>) src(%dma_wait3A_1459 : memref<128xf32, #tpu.memory_space<vmem>>) dst(%dma_wait3A_1464 : memref<100096xf32, #tpu.memory_space<vmem_shared>>)
      %dma_wait3A_1465 = arith.constant 2 : i32
      %dma_wait3A_1466 = arith.constant 256 : i32
      %dma_wait3A_1467 = tpu.memref_slice %arg21[%dma_wait3A_1466] : memref<2048xf32, #tpu.memory_space<vmem>> -> memref<128xf32, #tpu.memory_space<vmem>>
      %dma_wait3A_1468 = arith.constant 0 : i32
      %dma_wait3A_1469 = tpu.memref_slice %arg12[%dma_wait3A_1465, %dma_wait3A_1468] : memref<16x128xi32, #tpu.memory_space<vmem>> -> memref<1x128xi32, #tpu.memory_space<vmem>>
      %dma_wait3A_1470 = tpu.memref_squeeze %dma_wait3A_1469 : memref<1x128xi32, #tpu.memory_space<vmem>> -> memref<128xi32, #tpu.memory_space<vmem>>
      %dma_wait3A_1471 = arith.constant 0 : i32
      %dma_wait3A_1472 = tpu.memref_slice %arg25[%dma_wait3A_1471] : memref<100096xf32, #tpu.memory_space<vmem_shared>> -> memref<100096xf32, #tpu.memory_space<vmem_shared>>
      tpu.wait_indirect_dma semaphore(%arg26 : memref<!tpu.dma_semaphore, #tpu.memory_space<semaphore_mem>>) src(%dma_wait3A_1467 : memref<128xf32, #tpu.memory_space<vmem>>) dst(%dma_wait3A_1472 : memref<100096xf32, #tpu.memory_space<vmem_shared>>)
      %dma_wait3A_1473 = arith.constant 3 : i32
      %dma_wait3A_1474 = arith.constant 384 : i32
      %dma_wait3A_1475 = tpu.memref_slice %arg21[%dma_wait3A_1474] : memref<2048xf32, #tpu.memory_space<vmem>> -> memref<128xf32, #tpu.memory_space<vmem>>
      %dma_wait3A_1476 = arith.constant 0 : i32
      %dma_wait3A_1477 = tpu.memref_slice %arg12[%dma_wait3A_1473, %dma_wait3A_1476] : memref<16x128xi32, #tpu.memory_space<vmem>> -> memref<1x128xi32, #tpu.memory_space<vmem>>
      %dma_wait3A_1478 = tpu.memref_squeeze %dma_wait3A_1477 : memref<1x128xi32, #tpu.memory_space<vmem>> -> memref<128xi32, #tpu.memory_space<vmem>>
      %dma_wait3A_1479 = arith.constant 0 : i32
      %dma_wait3A_1480 = tpu.memref_slice %arg25[%dma_wait3A_1479] : memref<100096xf32, #tpu.memory_space<vmem_shared>> -> memref<100096xf32, #tpu.memory_space<vmem_shared>>
      tpu.wait_indirect_dma semaphore(%arg26 : memref<!tpu.dma_semaphore, #tpu.memory_space<semaphore_mem>>) src(%dma_wait3A_1475 : memref<128xf32, #tpu.memory_space<vmem>>) dst(%dma_wait3A_1480 : memref<100096xf32, #tpu.memory_space<vmem_shared>>)
      %dma_wait3A_1481 = arith.constant 4 : i32
      %dma_wait3A_1482 = arith.constant 512 : i32
      %dma_wait3A_1483 = tpu.memref_slice %arg21[%dma_wait3A_1482] : memref<2048xf32, #tpu.memory_space<vmem>> -> memref<128xf32, #tpu.memory_space<vmem>>
      %dma_wait3A_1484 = arith.constant 0 : i32
      %dma_wait3A_1485 = tpu.memref_slice %arg12[%dma_wait3A_1481, %dma_wait3A_1484] : memref<16x128xi32, #tpu.memory_space<vmem>> -> memref<1x128xi32, #tpu.memory_space<vmem>>
      %dma_wait3A_1486 = tpu.memref_squeeze %dma_wait3A_1485 : memref<1x128xi32, #tpu.memory_space<vmem>> -> memref<128xi32, #tpu.memory_space<vmem>>
      %dma_wait3A_1487 = arith.constant 0 : i32
      %dma_wait3A_1488 = tpu.memref_slice %arg25[%dma_wait3A_1487] : memref<100096xf32, #tpu.memory_space<vmem_shared>> -> memref<100096xf32, #tpu.memory_space<vmem_shared>>
      tpu.wait_indirect_dma semaphore(%arg26 : memref<!tpu.dma_semaphore, #tpu.memory_space<semaphore_mem>>) src(%dma_wait3A_1483 : memref<128xf32, #tpu.memory_space<vmem>>) dst(%dma_wait3A_1488 : memref<100096xf32, #tpu.memory_space<vmem_shared>>)
      %dma_wait3A_1489 = arith.constant 5 : i32
      %dma_wait3A_1490 = arith.constant 640 : i32
      %dma_wait3A_1491 = tpu.memref_slice %arg21[%dma_wait3A_1490] : memref<2048xf32, #tpu.memory_space<vmem>> -> memref<128xf32, #tpu.memory_space<vmem>>
      %dma_wait3A_1492 = arith.constant 0 : i32
      %dma_wait3A_1493 = tpu.memref_slice %arg12[%dma_wait3A_1489, %dma_wait3A_1492] : memref<16x128xi32, #tpu.memory_space<vmem>> -> memref<1x128xi32, #tpu.memory_space<vmem>>
      %dma_wait3A_1494 = tpu.memref_squeeze %dma_wait3A_1493 : memref<1x128xi32, #tpu.memory_space<vmem>> -> memref<128xi32, #tpu.memory_space<vmem>>
      %dma_wait3A_1495 = arith.constant 0 : i32
      %dma_wait3A_1496 = tpu.memref_slice %arg25[%dma_wait3A_1495] : memref<100096xf32, #tpu.memory_space<vmem_shared>> -> memref<100096xf32, #tpu.memory_space<vmem_shared>>
      tpu.wait_indirect_dma semaphore(%arg26 : memref<!tpu.dma_semaphore, #tpu.memory_space<semaphore_mem>>) src(%dma_wait3A_1491 : memref<128xf32, #tpu.memory_space<vmem>>) dst(%dma_wait3A_1496 : memref<100096xf32, #tpu.memory_space<vmem_shared>>)
      %dma_wait3A_1497 = arith.constant 6 : i32
      %dma_wait3A_1498 = arith.constant 768 : i32
      %dma_wait3A_1499 = tpu.memref_slice %arg21[%dma_wait3A_1498] : memref<2048xf32, #tpu.memory_space<vmem>> -> memref<128xf32, #tpu.memory_space<vmem>>
      %dma_wait3A_1500 = arith.constant 0 : i32
      %dma_wait3A_1501 = tpu.memref_slice %arg12[%dma_wait3A_1497, %dma_wait3A_1500] : memref<16x128xi32, #tpu.memory_space<vmem>> -> memref<1x128xi32, #tpu.memory_space<vmem>>
      %dma_wait3A_1502 = tpu.memref_squeeze %dma_wait3A_1501 : memref<1x128xi32, #tpu.memory_space<vmem>> -> memref<128xi32, #tpu.memory_space<vmem>>
      %dma_wait3A_1503 = arith.constant 0 : i32
      %dma_wait3A_1504 = tpu.memref_slice %arg25[%dma_wait3A_1503] : memref<100096xf32, #tpu.memory_space<vmem_shared>> -> memref<100096xf32, #tpu.memory_space<vmem_shared>>
      tpu.wait_indirect_dma semaphore(%arg26 : memref<!tpu.dma_semaphore, #tpu.memory_space<semaphore_mem>>) src(%dma_wait3A_1499 : memref<128xf32, #tpu.memory_space<vmem>>) dst(%dma_wait3A_1504 : memref<100096xf32, #tpu.memory_space<vmem_shared>>)
      %dma_wait3A_1505 = arith.constant 7 : i32
      %dma_wait3A_1506 = arith.constant 896 : i32
      %dma_wait3A_1507 = tpu.memref_slice %arg21[%dma_wait3A_1506] : memref<2048xf32, #tpu.memory_space<vmem>> -> memref<128xf32, #tpu.memory_space<vmem>>
      %dma_wait3A_1508 = arith.constant 0 : i32
      %dma_wait3A_1509 = tpu.memref_slice %arg12[%dma_wait3A_1505, %dma_wait3A_1508] : memref<16x128xi32, #tpu.memory_space<vmem>> -> memref<1x128xi32, #tpu.memory_space<vmem>>
      %dma_wait3A_1510 = tpu.memref_squeeze %dma_wait3A_1509 : memref<1x128xi32, #tpu.memory_space<vmem>> -> memref<128xi32, #tpu.memory_space<vmem>>
      %dma_wait3A_1511 = arith.constant 0 : i32
      %dma_wait3A_1512 = tpu.memref_slice %arg25[%dma_wait3A_1511] : memref<100096xf32, #tpu.memory_space<vmem_shared>> -> memref<100096xf32, #tpu.memory_space<vmem_shared>>
      tpu.wait_indirect_dma semaphore(%arg26 : memref<!tpu.dma_semaphore, #tpu.memory_space<semaphore_mem>>) src(%dma_wait3A_1507 : memref<128xf32, #tpu.memory_space<vmem>>) dst(%dma_wait3A_1512 : memref<100096xf32, #tpu.memory_space<vmem_shared>>)
      %dma_wait3A_1513 = arith.constant 8 : i32
      %dma_wait3A_1514 = arith.constant 1024 : i32
      %dma_wait3A_1515 = tpu.memref_slice %arg21[%dma_wait3A_1514] : memref<2048xf32, #tpu.memory_space<vmem>> -> memref<128xf32, #tpu.memory_space<vmem>>
      %dma_wait3A_1516 = arith.constant 0 : i32
      %dma_wait3A_1517 = tpu.memref_slice %arg12[%dma_wait3A_1513, %dma_wait3A_1516] : memref<16x128xi32, #tpu.memory_space<vmem>> -> memref<1x128xi32, #tpu.memory_space<vmem>>
      %dma_wait3A_1518 = tpu.memref_squeeze %dma_wait3A_1517 : memref<1x128xi32, #tpu.memory_space<vmem>> -> memref<128xi32, #tpu.memory_space<vmem>>
      %dma_wait3A_1519 = arith.constant 0 : i32
      %dma_wait3A_1520 = tpu.memref_slice %arg25[%dma_wait3A_1519] : memref<100096xf32, #tpu.memory_space<vmem_shared>> -> memref<100096xf32, #tpu.memory_space<vmem_shared>>
      tpu.wait_indirect_dma semaphore(%arg26 : memref<!tpu.dma_semaphore, #tpu.memory_space<semaphore_mem>>) src(%dma_wait3A_1515 : memref<128xf32, #tpu.memory_space<vmem>>) dst(%dma_wait3A_1520 : memref<100096xf32, #tpu.memory_space<vmem_shared>>)
      %dma_wait3A_1521 = arith.constant 9 : i32
      %dma_wait3A_1522 = arith.constant 1152 : i32
      %dma_wait3A_1523 = tpu.memref_slice %arg21[%dma_wait3A_1522] : memref<2048xf32, #tpu.memory_space<vmem>> -> memref<128xf32, #tpu.memory_space<vmem>>
      %dma_wait3A_1524 = arith.constant 0 : i32
      %dma_wait3A_1525 = tpu.memref_slice %arg12[%dma_wait3A_1521, %dma_wait3A_1524] : memref<16x128xi32, #tpu.memory_space<vmem>> -> memref<1x128xi32, #tpu.memory_space<vmem>>
      %dma_wait3A_1526 = tpu.memref_squeeze %dma_wait3A_1525 : memref<1x128xi32, #tpu.memory_space<vmem>> -> memref<128xi32, #tpu.memory_space<vmem>>
      %dma_wait3A_1527 = arith.constant 0 : i32
      %dma_wait3A_1528 = tpu.memref_slice %arg25[%dma_wait3A_1527] : memref<100096xf32, #tpu.memory_space<vmem_shared>> -> memref<100096xf32, #tpu.memory_space<vmem_shared>>
      tpu.wait_indirect_dma semaphore(%arg26 : memref<!tpu.dma_semaphore, #tpu.memory_space<semaphore_mem>>) src(%dma_wait3A_1523 : memref<128xf32, #tpu.memory_space<vmem>>) dst(%dma_wait3A_1528 : memref<100096xf32, #tpu.memory_space<vmem_shared>>)
      %dma_wait3A_1529 = arith.constant 10 : i32
      %dma_wait3A_1530 = arith.constant 1280 : i32
      %dma_wait3A_1531 = tpu.memref_slice %arg21[%dma_wait3A_1530] : memref<2048xf32, #tpu.memory_space<vmem>> -> memref<128xf32, #tpu.memory_space<vmem>>
      %dma_wait3A_1532 = arith.constant 0 : i32
      %dma_wait3A_1533 = tpu.memref_slice %arg12[%dma_wait3A_1529, %dma_wait3A_1532] : memref<16x128xi32, #tpu.memory_space<vmem>> -> memref<1x128xi32, #tpu.memory_space<vmem>>
      %dma_wait3A_1534 = tpu.memref_squeeze %dma_wait3A_1533 : memref<1x128xi32, #tpu.memory_space<vmem>> -> memref<128xi32, #tpu.memory_space<vmem>>
      %dma_wait3A_1535 = arith.constant 0 : i32
      %dma_wait3A_1536 = tpu.memref_slice %arg25[%dma_wait3A_1535] : memref<100096xf32, #tpu.memory_space<vmem_shared>> -> memref<100096xf32, #tpu.memory_space<vmem_shared>>
      tpu.wait_indirect_dma semaphore(%arg26 : memref<!tpu.dma_semaphore, #tpu.memory_space<semaphore_mem>>) src(%dma_wait3A_1531 : memref<128xf32, #tpu.memory_space<vmem>>) dst(%dma_wait3A_1536 : memref<100096xf32, #tpu.memory_space<vmem_shared>>)
      %dma_wait3A_1537 = arith.constant 11 : i32
      %dma_wait3A_1538 = arith.constant 1408 : i32
      %dma_wait3A_1539 = tpu.memref_slice %arg21[%dma_wait3A_1538] : memref<2048xf32, #tpu.memory_space<vmem>> -> memref<128xf32, #tpu.memory_space<vmem>>
      %dma_wait3A_1540 = arith.constant 0 : i32
      %dma_wait3A_1541 = tpu.memref_slice %arg12[%dma_wait3A_1537, %dma_wait3A_1540] : memref<16x128xi32, #tpu.memory_space<vmem>> -> memref<1x128xi32, #tpu.memory_space<vmem>>
      %dma_wait3A_1542 = tpu.memref_squeeze %dma_wait3A_1541 : memref<1x128xi32, #tpu.memory_space<vmem>> -> memref<128xi32, #tpu.memory_space<vmem>>
      %dma_wait3A_1543 = arith.constant 0 : i32
      %dma_wait3A_1544 = tpu.memref_slice %arg25[%dma_wait3A_1543] : memref<100096xf32, #tpu.memory_space<vmem_shared>> -> memref<100096xf32, #tpu.memory_space<vmem_shared>>
      tpu.wait_indirect_dma semaphore(%arg26 : memref<!tpu.dma_semaphore, #tpu.memory_space<semaphore_mem>>) src(%dma_wait3A_1539 : memref<128xf32, #tpu.memory_space<vmem>>) dst(%dma_wait3A_1544 : memref<100096xf32, #tpu.memory_space<vmem_shared>>)
      %dma_wait3A_1545 = arith.constant 12 : i32
      %dma_wait3A_1546 = arith.constant 1536 : i32
      %dma_wait3A_1547 = tpu.memref_slice %arg21[%dma_wait3A_1546] : memref<2048xf32, #tpu.memory_space<vmem>> -> memref<128xf32, #tpu.memory_space<vmem>>
      %dma_wait3A_1548 = arith.constant 0 : i32
      %dma_wait3A_1549 = tpu.memref_slice %arg12[%dma_wait3A_1545, %dma_wait3A_1548] : memref<16x128xi32, #tpu.memory_space<vmem>> -> memref<1x128xi32, #tpu.memory_space<vmem>>
      %dma_wait3A_1550 = tpu.memref_squeeze %dma_wait3A_1549 : memref<1x128xi32, #tpu.memory_space<vmem>> -> memref<128xi32, #tpu.memory_space<vmem>>
      %dma_wait3A_1551 = arith.constant 0 : i32
      %dma_wait3A_1552 = tpu.memref_slice %arg25[%dma_wait3A_1551] : memref<100096xf32, #tpu.memory_space<vmem_shared>> -> memref<100096xf32, #tpu.memory_space<vmem_shared>>
      tpu.wait_indirect_dma semaphore(%arg26 : memref<!tpu.dma_semaphore, #tpu.memory_space<semaphore_mem>>) src(%dma_wait3A_1547 : memref<128xf32, #tpu.memory_space<vmem>>) dst(%dma_wait3A_1552 : memref<100096xf32, #tpu.memory_space<vmem_shared>>)
      %dma_wait3A_1553 = arith.constant 13 : i32
      %dma_wait3A_1554 = arith.constant 1664 : i32
      %dma_wait3A_1555 = tpu.memref_slice %arg21[%dma_wait3A_1554] : memref<2048xf32, #tpu.memory_space<vmem>> -> memref<128xf32, #tpu.memory_space<vmem>>
      %dma_wait3A_1556 = arith.constant 0 : i32
      %dma_wait3A_1557 = tpu.memref_slice %arg12[%dma_wait3A_1553, %dma_wait3A_1556] : memref<16x128xi32, #tpu.memory_space<vmem>> -> memref<1x128xi32, #tpu.memory_space<vmem>>
      %dma_wait3A_1558 = tpu.memref_squeeze %dma_wait3A_1557 : memref<1x128xi32, #tpu.memory_space<vmem>> -> memref<128xi32, #tpu.memory_space<vmem>>
      %dma_wait3A_1559 = arith.constant 0 : i32
      %dma_wait3A_1560 = tpu.memref_slice %arg25[%dma_wait3A_1559] : memref<100096xf32, #tpu.memory_space<vmem_shared>> -> memref<100096xf32, #tpu.memory_space<vmem_shared>>
      tpu.wait_indirect_dma semaphore(%arg26 : memref<!tpu.dma_semaphore, #tpu.memory_space<semaphore_mem>>) src(%dma_wait3A_1555 : memref<128xf32, #tpu.memory_space<vmem>>) dst(%dma_wait3A_1560 : memref<100096xf32, #tpu.memory_space<vmem_shared>>)
      %dma_wait3A_1561 = arith.constant 14 : i32
      %dma_wait3A_1562 = arith.constant 1792 : i32
      %dma_wait3A_1563 = tpu.memref_slice %arg21[%dma_wait3A_1562] : memref<2048xf32, #tpu.memory_space<vmem>> -> memref<128xf32, #tpu.memory_space<vmem>>
      %dma_wait3A_1564 = arith.constant 0 : i32
      %dma_wait3A_1565 = tpu.memref_slice %arg12[%dma_wait3A_1561, %dma_wait3A_1564] : memref<16x128xi32, #tpu.memory_space<vmem>> -> memref<1x128xi32, #tpu.memory_space<vmem>>
      %dma_wait3A_1566 = tpu.memref_squeeze %dma_wait3A_1565 : memref<1x128xi32, #tpu.memory_space<vmem>> -> memref<128xi32, #tpu.memory_space<vmem>>
      %dma_wait3A_1567 = arith.constant 0 : i32
      %dma_wait3A_1568 = tpu.memref_slice %arg25[%dma_wait3A_1567] : memref<100096xf32, #tpu.memory_space<vmem_shared>> -> memref<100096xf32, #tpu.memory_space<vmem_shared>>
      tpu.wait_indirect_dma semaphore(%arg26 : memref<!tpu.dma_semaphore, #tpu.memory_space<semaphore_mem>>) src(%dma_wait3A_1563 : memref<128xf32, #tpu.memory_space<vmem>>) dst(%dma_wait3A_1568 : memref<100096xf32, #tpu.memory_space<vmem_shared>>)
      %dma_wait3A_1569 = arith.constant 15 : i32
      %dma_wait3A_1570 = arith.constant 1920 : i32
      %dma_wait3A_1571 = tpu.memref_slice %arg21[%dma_wait3A_1570] : memref<2048xf32, #tpu.memory_space<vmem>> -> memref<128xf32, #tpu.memory_space<vmem>>
      %dma_wait3A_1572 = arith.constant 0 : i32
      %dma_wait3A_1573 = tpu.memref_slice %arg12[%dma_wait3A_1569, %dma_wait3A_1572] : memref<16x128xi32, #tpu.memory_space<vmem>> -> memref<1x128xi32, #tpu.memory_space<vmem>>
      %dma_wait3A_1574 = tpu.memref_squeeze %dma_wait3A_1573 : memref<1x128xi32, #tpu.memory_space<vmem>> -> memref<128xi32, #tpu.memory_space<vmem>>
      %dma_wait3A_1575 = arith.constant 0 : i32
      %dma_wait3A_1576 = tpu.memref_slice %arg25[%dma_wait3A_1575] : memref<100096xf32, #tpu.memory_space<vmem_shared>> -> memref<100096xf32, #tpu.memory_space<vmem_shared>>
      tpu.wait_indirect_dma semaphore(%arg26 : memref<!tpu.dma_semaphore, #tpu.memory_space<semaphore_mem>>) src(%dma_wait3A_1571 : memref<128xf32, #tpu.memory_space<vmem>>) dst(%dma_wait3A_1576 : memref<100096xf32, #tpu.memory_space<vmem_shared>>)
      %scan3A_1577 = arith.constant 0 : i32
      scf.yield %scan3A_1577 : i32
    }
    %scan3A_15 = arith.constant 25 : i32
    %barrier3A_16 = arith.constant 0 : index
    tpu.barrier barrier_id(%barrier3A_16)
    %mul3A_17 = arith.constant 6256 : i32
    %mul3A_18 = arith.muli %arg1, %mul3A_17 : i32
    "tpu.region"() ({
      %run_scoped3A = tpu.sem_alloc : memref<!tpu.dma_semaphore, #tpu.memory_space<semaphore_mem>>
      %dma_start3A = tpu.memref_slice %arg25[%mul3A_18] : memref<100096xf32, #tpu.memory_space<vmem_shared>> -> memref<6256xf32, #tpu.memory_space<vmem_shared>>
      %dma_start3A_24 = tpu.memref_slice %arg25[%mul3A_18] : memref<100096xf32, #tpu.memory_space<vmem_shared>> -> memref<6256xf32, #tpu.memory_space<vmem_shared>>
      tpu.enqueue_dma source(%dma_start3A_24 : memref<6256xf32, #tpu.memory_space<vmem_shared>>) target(%arg24 : memref<6256xf32, #tpu.memory_space<vmem>>) target_semaphore(%run_scoped3A : memref<!tpu.dma_semaphore, #tpu.memory_space<semaphore_mem>>)
      %dma_wait3A = tpu.memref_slice %arg25[%mul3A_18] : memref<100096xf32, #tpu.memory_space<vmem_shared>> -> memref<6256xf32, #tpu.memory_space<vmem_shared>>
      %dma_wait3A_25 = tpu.memref_slice %arg25[%mul3A_18] : memref<100096xf32, #tpu.memory_space<vmem_shared>> -> memref<6256xf32, #tpu.memory_space<vmem_shared>>
      tpu.wait_dma2 semaphore(%run_scoped3A : memref<!tpu.dma_semaphore, #tpu.memory_space<semaphore_mem>>) src(%dma_wait3A_25 : memref<6256xf32, #tpu.memory_space<vmem_shared>>) dst(%arg24 : memref<6256xf32, #tpu.memory_space<vmem>>)
      tpu.yield
    }) : () -> ()
    %mul3A_19 = arith.constant 100096 : i32
    %mul3A_20 = arith.muli %arg0, %mul3A_19 : i32
    %mul3A_21 = arith.constant 6256 : i32
    %mul3A_22 = arith.muli %arg1, %mul3A_21 : i32
    %add3A_23 = arith.addi %mul3A_20, %mul3A_22 : i32
    "tpu.region"() ({
      %run_scoped3A = tpu.sem_alloc : memref<!tpu.dma_semaphore, #tpu.memory_space<semaphore_mem>>
      %dma_start3A = tpu.memref_slice %arg11[%add3A_23] : memref<200192xf32, #tpu.memory_space<hbm>> -> memref<6256xf32, #tpu.memory_space<hbm>>
      %dma_start3A_24 = tpu.memref_slice %arg11[%add3A_23] : memref<200192xf32, #tpu.memory_space<hbm>> -> memref<6256xf32, #tpu.memory_space<hbm>>
      tpu.enqueue_dma source(%arg24 : memref<6256xf32, #tpu.memory_space<vmem>>) target(%dma_start3A_24 : memref<6256xf32, #tpu.memory_space<hbm>>) target_semaphore(%run_scoped3A : memref<!tpu.dma_semaphore, #tpu.memory_space<semaphore_mem>>)
      %dma_wait3A = tpu.memref_slice %arg11[%add3A_23] : memref<200192xf32, #tpu.memory_space<hbm>> -> memref<6256xf32, #tpu.memory_space<hbm>>
      %dma_wait3A_25 = tpu.memref_slice %arg11[%add3A_23] : memref<200192xf32, #tpu.memory_space<hbm>> -> memref<6256xf32, #tpu.memory_space<hbm>>
      tpu.wait_dma2 semaphore(%run_scoped3A : memref<!tpu.dma_semaphore, #tpu.memory_space<semaphore_mem>>) src(%arg24 : memref<6256xf32, #tpu.memory_space<vmem>>) dst(%dma_wait3A_25 : memref<6256xf32, #tpu.memory_space<hbm>>)
      tpu.yield
    }) : () -> ()
    return
  }
}

</mosaic_0001>

<sc_bundles>
// kernel: kernel.4.cloned.1.call-start
scs
__scs_entry_jumppad:
0x0: {  	(pc) =	sbr.rel $0x88, $3  }
0x1: {  	(tag) =	ssettag $0x0;
	lr =	simm.s32 $0x1  }
0x2: {  	[smem:$0x3F9E] =	sst lr;
	_ =	strace $0xD0000000  }
0x3: {  	_ = 	snop  }
0x4: {  	_ = 	snop  }
0x5: {  	_ = 	snop  }
0x6: {  	_ = 	snop  }
0x7: {  	_ = 	snop  }
__scs_overlays_trampoline_lowered:
0x8: {  	[smem:$0x3FAD] =	sst s0  }
0x9: {  	[smem:$0x3FAE] =	sst s1  }
0xa: {  	[smem:$0x3FAF] =	sst s2  }
0xb: {  	[smem:$0x3FB0] =	sst s3  }
0xc: {  	[smem:$0x3FB1] =	sst s4  }
0xd: {  	[smem:$0x3FB2] =	sst s5  }
0xe: {  	[smem:$0x3FB3] =	sst s6  }
0xf: {  	[smem:$0x3FB4] =	sst s7  }
0x10: {  	[smem:$0x3FB5] =	sst s8  }
0x11: {  	[smem:$0x3FB6] =	sst s9;
	s0 =	simm.s32 @!p0 $0x0  }
0x12: {  	s1 =	sld [smem:$0x3F9C];
	s0 =	simm.s32 @p0 $0x1  }
0x13: {  	[smem:$0x3FB7] =	sst s0;
	s0 =	simm.s32 @!p1 $0x0  }
0x14: {  	s2 =	sld [smem:$0x3F9B];
	s0 =	simm.s32 @p1 $0x1  }
0x15: {  	[smem:$0x3FB8] =	sst s0;
	s0 =	simm.s32 @!p2 $0x0  }
0x16: {  	s3 =	sld [smem:$0x3FDB];
	s0 =	simm.s32 @p2 $0x1  }
0x17: {  	s4 =	simm.s32 $0x1BF5;
	[smem:$0x3FBA] =	sst s0  }
0x18: {  	s0 =	sld [smem:$0x3F9D];
	_ =	swait.ge [sflag:s4], $0x0  }
0x19: {  	s7 =	sld [smem:$0x3F9E]  }
0x1a: {  	s8 =	sadd.s32 $0xFFFFE003, lr  }
0x1b: {  	s9 =	sadd.s32 $0xFFFFFEF7, lr;
	s5 =	simm.s32 $0xFFFFFFFF;
	p2 =	slt.u32 s8, $0xFFFFF086  }
0x1c: {  	p1 =	slt.u32 s9, $0xF7A;
	s5 =	simm.s32 @!p2 $0x0  }
0x1d: {  	s5 =	simm.s32 @p1 $0x1;
	p0 =	seq.s32 s7, s2  }
0x1e: {  	s7 =	smul.u32 @!p0 $0xF7A, s2;
	p2 =	seq.s32 @!p0 s5, $0x0  }
0x1f: {  	s9 =	smul.u32 $0xF7A, s1;
	s8 =	simm.s32 @!p0 $0x1BF5;
	p2 =	por !p2, p0  }
0x20: {  	[sflag:s8] =	ssyncset.s32 @!p0 $0xFFFFF086;
	s6 =	sadd.s32 @!p0 s3, s7;
	s7 =	simm.s32 @!p0 $0x108  }
0x21: {  	s3 =	sadd.s32 s3, s9;
	s6 =	sadd.s32 @!p0 $0x88, s6;
	s7 =	simm.s32 @p2 $0x1082  }
0x22: {  	[simem:s7], [sflag:s8] =	dma.local @!p0 [hbm:s6], $0xF7A  }
0x23: {  	s9 =	sor.u32 $0xD0000000, s2;
	s6 =	simm.s32 $0x108;
	_ =	swait.ge @!p0 [sflag:s8], $0x0  }
0x24: {  	s3 =	sadd.s32 $0x88, s3;
	s6 =	simm.s32 @!p1 $0x1082;
	[sflag:s4] =	ssyncset.s32 $0xFFFFF086  }
0x25: {  	[simem:s6], [sflag:s4] =	dma.local [hbm:s3], $0xF7A  }
0x26: {  	[smem:$0x3F9E] =	sst s1;
	(tag) =	ssettag s2;
	_ =	strace s9  }
0x27: {  	s1 =	sld [smem:$0x3FAE]  }
0x28: {  	s2 =	sld [smem:$0x3FAF]  }
0x29: {  	s4 =	sld [smem:$0x3FB1]  }
0x2a: {  	p0 =	seq.s32 s5, $0x0;
	s5 =	sld [smem:$0x3FB2]  }
0x2b: {  	s6 =	sld [smem:$0x3FB3]  }
0x2c: {  	s7 =	sld [smem:$0x3FB4]  }
0x2d: {  	s3 =	simm.s32 $0x108;
	s8 =	sld [smem:$0x3FB5]  }
0x2e: {  	s3 =	simm.s32 @!p0 $0x1082;
	s9 =	sld [smem:$0x3FB6]  }
0x2f: {  	lr =	sadd.s32 s0, s3;
	s0 =	sld [smem:$0x3FAD]  }
0x30: {  	s3 =	sld [smem:$0x3FB0]  }
0x31: {  	[smem:$0x3FB9] =	sst s10  }
0x32: {  	s10 =	sld [smem:$0x3FB7];
	_ =	sdelay $0x3  }
0x33: {  	p0 =	seq.s32 s10, $0x1;
	s10 =	sld [smem:$0x3FB9];
	_ =	sdelay $0x3  }
0x34: {  	[smem:$0x3FB9] =	sst s10  }
0x35: {  	s10 =	sld [smem:$0x3FB8];
	_ =	sdelay $0x3  }
0x36: {  	p1 =	seq.s32 s10, $0x1;
	s10 =	sld [smem:$0x3FB9];
	_ =	sdelay $0x3  }
0x37: {  	[smem:$0x3FB9] =	sst s10  }
0x38: {  	s10 =	sld [smem:$0x3FBA]  }
0x39: {  	_ = 	snop;
	(pc) =	sbr.ind lr, $3  }
0x3a: {  	_ = 	snop  }
0x3b: {  	_ = 	snop  }
0x3c: {  	p2 =	seq.s32 s10, $0x1;
	s10 =	sld [smem:$0x3FB9]  }
0x3d: {  	_ =	shalt  }
0x3e: {  	_ =	shalt  }
0x3f: {  	_ =	shalt  }
0x40: {  	_ =	shalt  }
0x41: {  	_ =	shalt  }
0x42: {  	_ =	shalt  }
0x43: {  	_ =	shalt  }
0x44: {  	_ =	shalt  }
0x45: {  	_ =	shalt  }
0x46: {  	_ =	shalt  }
0x47: {  	_ =	shalt  }
0x48: {  	_ =	shalt  }
0x49: {  	_ =	shalt  }
0x4a: {  	_ =	shalt  }
0x4b: {  	_ =	shalt  }
0x4c: {  	_ =	shalt  }
0x4d: {  	_ =	shalt  }
0x4e: {  	_ =	shalt  }
0x4f: {  	_ =	shalt  }
0x50: {  	_ =	shalt  }
0x51: {  	_ =	shalt  }
0x52: {  	_ =	shalt  }
0x53: {  	_ =	shalt  }
0x54: {  	_ =	shalt  }
0x55: {  	_ =	shalt  }
0x56: {  	_ =	shalt  }
0x57: {  	_ =	shalt  }
0x58: {  	_ =	shalt  }
0x59: {  	_ =	shalt  }
0x5a: {  	_ =	shalt  }
0x5b: {  	_ =	shalt  }
0x5c: {  	_ =	shalt  }
0x5d: {  	_ =	shalt  }
0x5e: {  	_ =	shalt  }
0x5f: {  	_ =	shalt  }
0x60: {  	_ =	shalt  }
0x61: {  	_ =	shalt  }
0x62: {  	_ =	shalt  }
0x63: {  	_ =	shalt  }
0x64: {  	_ =	shalt  }
0x65: {  	_ =	shalt  }
0x66: {  	_ =	shalt  }
0x67: {  	_ =	shalt  }
0x68: {  	_ =	shalt  }
0x69: {  	_ =	shalt  }
0x6a: {  	_ =	shalt  }
0x6b: {  	_ =	shalt  }
0x6c: {  	_ =	shalt  }
0x6d: {  	_ =	shalt  }
0x6e: {  	_ =	shalt  }
0x6f: {  	_ =	shalt  }
0x70: {  	_ =	shalt  }
0x71: {  	_ =	shalt  }
0x72: {  	_ =	shalt  }
0x73: {  	_ =	shalt  }
0x74: {  	_ =	shalt  }
0x75: {  	_ =	shalt  }
0x76: {  	_ =	shalt  }
0x77: {  	_ =	shalt  }
0x78: {  	_ =	shalt  }
0x79: {  	_ =	shalt  }
0x7a: {  	_ =	shalt  }
0x7b: {  	_ =	shalt  }
0x7c: {  	_ =	shalt  }
0x7d: {  	_ =	shalt  }
0x7e: {  	_ =	shalt  }
0x7f: {  	_ =	shalt  }
0x80: {  	_ =	shalt  }
0x81: {  	_ =	shalt  }
0x82: {  	_ =	shalt  }
0x83: {  	_ =	shalt  }
0x84: {  	_ =	shalt  }
0x85: {  	_ =	shalt  }
0x86: {  	_ =	shalt  }
0x87: {  	_ =	shalt  }
.Lfunc_end0:
.L_simem_size_0:
called_computation_lowered:
.L_overlay_start_0:
0x88: {  	s2 =	sld [smem:$0x3FD9]  }
0x89: {  	s3 =	sld [smem:$0x3FFE];
	_ =	sdelay $0x1  }
0x8a: {  	s1 =	srdreg.scid  }
0x8b: {  	s0 =	sand.u32 $0x1, s1  }
0x8c: {  	s17 =	sshll.u32 s0, $0xA;
	s2 =	sadd.s32 s3, s2  }
0x8d: {  	s2 =	sadd.s32 s2, s17  }
0x8e: {  	[smem:$0x3FC5] =	sst s2  }
0x8f: {  	_ = 	snop  }
0x90: {  	s2 =	sld [smem:$0x3FD0];
	(tm) =	ssettm $0x1  }
0x91: {  	s18 =	sld [smem:$0x3FFB];
	_ =	sdelay $0x3  }
0x92: {  	_ =	strace s18  }
0x93: {  	s3 =	sld [smem:$0x3FFC];
	_ =	sdelay $0x3  }
0x94: {  	_ =	strace s3  }
0x95: {  	s3 =	sld [smem:$0x3FFD];
	_ =	sdelay $0x3  }
0x96: {  	_ =	strace s3  }
0x97: {  	_ =	strace $0x8FFFFFFF  }
0x98: {  	s19 =	sld [smem:$0x3FDB];
	_ =	sdelay $0x1  }
0x99: {  	s4 =	simm.s32 $_scs_section_size  }
0x9a: {  	s5 =	simm.s32 $_size__tile_overlayer_lowered;
	s6 =	simm.s32 $_tile_overlayer_lowered  }
0x9b: {  	s22 =	simm.s32 $0x1BFF;
	s21 =	sshll.u32 s6, $0x1;
	s3 =	sadd.s32 s4, s19  }
0x9c: {  	s7 =	simm.s32 $0x0;
	s20 =	sshll.u32 s5, $0x1;
	s5 =	sadd.s32 s21, s3  }
0x9d: {  	[timem:s7], [sflag:s22] =	dma.local [hbm:s5], s20  }
0x9e: {  	_ =	swait.ge [sflag:s22], s20  }
0x9f: {  	s4 =	ssub.s32 $0x0, s20;
	[sflag:s22] =	ssyncset.done $0x0  }
0xa0: {  	[sflag:s22] =	ssyncadd.s32 s4;
	_ =	sdelay $0x1  }
0xa1: {  	s23 =	simm.s32 $0x1B8B  }
0xa2: {  	_ =	swait.ge [sflag:s23], $0x1  }
0xa3: {  	[sflag:s23] =	ssyncset.done $0x0  }
0xa4: {  	s25 =	simm.s32 $0x1B8E;
	s24 =	sld [smem:$0x3FFE];
	[sflag:s23] =	ssyncadd.s32 $0xFFFFFFFF  }
0xa5: {  	s26 =	simm.s32 $execute0_lowered;
	[smem:$0x3FD2] =	sst s25  }
0xa6: {  	s5 =	sshll.u32 s26, $0x1;
	_ =	strace $0x80000046;
	[dreg:$0x1] =	wrdreg $0xFFFFFFFF  }
0xa7: {  	s28 =	simm.s32 $_size_execute0_lowered;
	s3 =	sadd.s32 s3, s5;
	[dreg:$0x0] =	wrdreg $0x0  }
0xa8: {  	s5 =	sshll.u32 s28, $0x1;
	[dreg:$0x2] =	wrdreg s3  }
0xa9: {  	[dreg:$0x3] =	wrdreg s5  }
0xaa: {  	[dreg:$0x4] =	wrdreg $0xC0  }
0xab: {  	_ =	task [dreg:s7], $0x5FFFF  }
0xac: {  	[dreg:$0x1] =	wrdreg $0xFFFFFFFF  }
0xad: {  	[dreg:$0x0] =	wrdreg $0x60  }
0xae: {  	[dreg:$0x2] =	wrdreg s24  }
0xaf: {  	[dreg:$0x3] =	wrdreg s2  }
0xb0: {  	[dreg:$0x4] =	wrdreg $0x48D00  }
0xb1: {  	[dreg:$0x5] =	wrdreg $0x9  }
0xb2: {  	_ =	task.clear_ibuf [dreg:s7], $0x6FFFF;
	_ =	strace $0x90000046  }
0xb3: {  	s29 =	simm.s32 $0x9;
	_ =	strace $0x80000048  }
0xb4: {  	_ =	swait.ge [sflag:s29], $0x1  }
0xb5: {  	[sflag:s29] =	ssyncadd.s32 $0xFFFFFFFF  }
0xb6: {  	_ =	strace $0x90000048  }
0xb7: {  	_ =	sfence  }
0xb8: {  	s30 =	sld [smem:$0x0];
	_ =	sdelay $0x2  }
0xb9: {  	s31 =	sshll.u32 s1, $0xD;
	s1 =	sshrl.u32 s1, $0x2  }
0xba: {  	s3 =	sand.u32 $0x4000, s31;
	s1 =	sadd.s32 s1, s30  }
0xbb: {  	s0 =	sor.u32 s3, s0;
	s1 =	sshll.u32 s1, $0x11  }
0xbc: {  	s0 =	sor.u32 s1, s0  }
0xbd: {  	s0 =	sadd.s32 $0x8F2B, s0  }
0xbe: {  	[sflag:s0] =	ssyncadd.remote.s32 $0x1  }
0xbf: {  	_ =	sfence.sel $0xFFFF  }
0xc0: {  	[dreg:$0x0] =	wrdreg $0xFFFFFFFF;
	(pc) =	sbr.abs _section_cstart, $3  }
0xc1: {  	[dreg:$0x1] =	wrdreg $0xFFFFFFFF  }
0xc2: {  	_ =	task.clear_ibuf [dreg:s7], $0x2FFFF;
	_ =	strace $0x9FFFFFFF  }
0xc3: {  	(tm) =	ssettm $0x7FFFFFFF  }
tec
execute0_lowered:
.L_overlay_start_1:
0x0: {  	(tag) =	ssettag $0x1  }
0x1: {  	s0 =	rddreg [dreg:$0x0]  }
0x2: {  	s2 =	rddreg [dreg:$0x1]  }
0x3: {  	s3 =	rddreg [dreg:$0x2]  }
0x4: {  	s1 =	srdreg.scid;
	s10 =	stileid.u32  }
0x5: {  	s5 =	simm.s32 $0x0;
	s28 =	simm.s32 $0x3060;
	s14 =	simm.s32 $0x2  }
0x6: {  	s15 =	simm.s32 $0x3000;
	s16 =	simm.s32 $0x800;
	s18 =	simm.s32 $0x80  }
0x7: {  	s24 =	simm.s32 $0x100;
	s29 =	simm.s32 $0x180;
	s13 =	simm.s32 $0x280  }
0x8: {  	s19 =	simm.s32 $0x300;
	s23 =	simm.s32 $0x380;
	s30 =	simm.s32 $0x400  }
0x9: {  	s11 =	simm.s32 $0x480;
	s17 =	simm.s32 $0x500;
	s12 =	simm.s32 $0x780  }
0xa: {  	s22 =	simm.s32 $0x1;
	s20 =	simm.s32 $0x0;
	s1 =	sand.u32 $0x1, s1  }
0xb: {  	s4 =	smul.u32 $0x1870, s10;
	[smem:$0x7FF] =	sst s5;
	s5 =	sadd.s32 $0x32600, s0  }
0xc: {  	s6 =	sadd.s32 $0x600, s0;
	s7 =	sadd.s32 $0x64600, s0;
	s9 =	sadd.s32 $0x96600, s0  }
0xd: {  	s8 =	smul.u32 $0x18700, s1;
	_ =	strace $0x80000047;
	[dreg:$0x4] =	wrdreg s9  }
0xe: {  	s25 =	ssub.s32 $0x2, s1;
	s1 =	sshll.u32 s1, $0x4;
	s9 =	simm.s32 $0x2F80  }
0xf: {  	s26 =	sshrl.u32 s25, $0x1;
	s1 =	sor.u32 s10, s1;
	s8 =	sadd.s32 s4, s8  }
0x10: {  	s21 =	sadd.s32 s4, s3;
	s10 =	smul.u32 $0x19, s1;
	s8 =	sshrl.u32 s8, $0x3  }
0x11: {  	s1 =	simm.s32 $0x200;
	s4 =	simm.s32 $0x680;
	s0 =	sadd.s32 s8, s0  }
0x12: {  	[dreg:$0x5] =	wrdreg s21;
	s8 =	ssub.s32 s25, s26;
	s0 =	sadd.s32 $0x96A00, s0  }
0x13: {  	s25 =	simm.s32 $0x580;
	s31 =	smax.u32 s8, $0x1;
	[dreg:$0x6] =	wrdreg s0  }
0x14: {  	v0 =	vimm.f32 $0.0e+00;
	s26 =	simm.s32 $0x700;
	[dreg:$0x7] =	wrdreg s31;
	s0 =	simm.s32 $0x600  }
.LBB2_1:
0x15: {  	[dreg:$0x8] =	wrdreg s20;
	s8 =	simm.s32 $0x40;
	s20 =	simm.s32 $0x0  }
.LBB2_2:
0x16: {  	p0 =	sne.s32 s8, $0x6180;
	[tilespmem:s20+$0x3060] =	vst v0;
	s20 =	smov.u32 s8;
	s8 =	sadd.s32 $0x40, s8  }
.Ltmp0:
0x17: {  	(pc) =	sbr.rel @p0 .LBB2_2-.Ltmp0, $2  }
0x18: {  	_ =	sdelay $0x2  }
0x19: {  	s20 =	sshra.s32 s20, $0x2  }
0x1a: {  	[tilespmem:s20+$0x3060] =	vst v0  }
0x1b: {  	[spmem:s21] =	stream.linear.scatter [tilespmem:s28], [sflag:$0x2], $0x1870, $0x38;
	[tilespmem:$0x6140] =	vst v63  }
0x1c: {  	_ =	swait.ge [sflag:s14], $0x1870  }
0x1d: {  	[sflag:s14] =	ssyncset.done $0x0  }
0x1e: {  	s20 =	simm.s32 $0x0;
	s8 =	rddreg [dreg:$0x4];
	[sflag:s14] =	ssyncadd.s32 $0xFFFFE790  }
0x1f: {  	[tilespmem:s15], [sflag:$0x2] =	stream.linear.gather [hbm4b:s8+s20], $0x60, $0x38;
	[tilespmem:$0x6140] =	vst v63  }
0x20: {  	_ =	swait.ge [sflag:s14], $0x60  }
0x21: {  	[sflag:s14] =	ssyncset.done $0x0  }
0x22: {  	[sflag:s14] =	ssyncadd.s32 $0xFFFFFFA0  }
0x23: {  	s21 =	simm.s32 $0x0;
	[bflag:$0x0] =	sbarrier.arrive $0xFFFF  }
.LBB2_4:
0x24: {  	s8 =	sadd.s32 s10, s21  }
0x25: {  	s8 =	sshll.u32 s8, $0x8  }
0x26: {  	s28 =	sadd.s32 s5, s8  }
0x27: {  	[tilespmem:s20], [sflag:$0x2] =	stream.linear.gather [hbm4b:s28+s20], $0x800, $0x38;
	[tilespmem:$0x6140] =	vst v63  }
0x28: {  	_ =	swait.ge [sflag:s14], $0x800  }
0x29: {  	[sflag:s14] =	ssyncset.done $0x0  }
0x2a: {  	s28 =	sadd.s32 s6, s8;
	[sflag:s14] =	ssyncadd.s32 $0xFFFFF800  }
0x2b: {  	[tilespmem:s16], [sflag:$0x2] =	stream.linear.gather [hbm4b:s28+s20], $0x800, $0x38;
	[tilespmem:$0x6140] =	vst v63  }
0x2c: {  	_ =	swait.ge [sflag:s14], $0x800  }
0x2d: {  	[sflag:s14] =	ssyncset.done $0x0  }
0x2e: {  	s8 =	sadd.s32 s7, s8;
	s28 =	simm.s32 $0x1000;
	[sflag:s14] =	ssyncadd.s32 $0xFFFFF800  }
0x2f: {  	[tilespmem:s28], [sflag:$0x2] =	stream.linear.gather [hbm4b:s8+s20], $0x800, $0x38;
	[tilespmem:$0x6140] =	vst v63  }
0x30: {  	_ =	swait.ge [sflag:s14], $0x800  }
0x31: {  	[sflag:s14] =	ssyncset.done $0x0  }
0x32: {  	s8 =	simm.s32 $0x1800;
	[sflag:s14] =	ssyncadd.s32 $0xFFFFF800  }
0x33: {  	[tilespmem:s8], [sflag:$0x1] =	stream.indirect.gather [hbm4b:s2+s18], $0x1, s20, s18, $0xb8;
	[tilespmem:$0x6140] =	vst v63  }
0x34: {  	s8 =	simm.s32 $0x2000  }
0x35: {  	[tilespmem:s8], [sflag:$0x1] =	stream.indirect.gather [hbm4b:s2+s18], $0x1, s16, s18, $0xb8;
	[tilespmem:$0x6140] =	vst v63  }
0x36: {  	s8 =	simm.s32 $0x1880  }
0x37: {  	[tilespmem:s8], [sflag:$0x1] =	stream.indirect.gather [hbm4b:s2+s18], $0x1, s18, s18, $0xb8;
	[tilespmem:$0x6140] =	vst v63  }
0x38: {  	s28 =	simm.s32 $0x2080;
	s8 =	simm.s32 $0x880  }
0x39: {  	[tilespmem:s28], [sflag:$0x1] =	stream.indirect.gather [hbm4b:s2+s18], $0x1, s8, s18, $0xb8;
	[tilespmem:$0x6140] =	vst v63  }
0x3a: {  	s8 =	simm.s32 $0x1900  }
0x3b: {  	[tilespmem:s8], [sflag:$0x1] =	stream.indirect.gather [hbm4b:s2+s18], $0x1, s24, s18, $0xb8;
	[tilespmem:$0x6140] =	vst v63  }
0x3c: {  	s28 =	simm.s32 $0x2100;
	s8 =	simm.s32 $0x900  }
0x3d: {  	[tilespmem:s28], [sflag:$0x1] =	stream.indirect.gather [hbm4b:s2+s18], $0x1, s8, s18, $0xb8;
	[tilespmem:$0x6140] =	vst v63  }
0x3e: {  	s8 =	simm.s32 $0x1980  }
0x3f: {  	[tilespmem:s8], [sflag:$0x1] =	stream.indirect.gather [hbm4b:s2+s18], $0x1, s29, s18, $0xb8;
	[tilespmem:$0x6140] =	vst v63  }
0x40: {  	s28 =	simm.s32 $0x2180;
	s8 =	simm.s32 $0x980  }
0x41: {  	[tilespmem:s28], [sflag:$0x1] =	stream.indirect.gather [hbm4b:s2+s18], $0x1, s8, s18, $0xb8;
	[tilespmem:$0x6140] =	vst v63  }
0x42: {  	s8 =	simm.s32 $0x1A00  }
0x43: {  	[tilespmem:s8], [sflag:$0x1] =	stream.indirect.gather [hbm4b:s2+s18], $0x1, s1, s18, $0xb8;
	[tilespmem:$0x6140] =	vst v63  }
0x44: {  	s28 =	simm.s32 $0x2200;
	s8 =	simm.s32 $0xA00  }
0x45: {  	[tilespmem:s28], [sflag:$0x1] =	stream.indirect.gather [hbm4b:s2+s18], $0x1, s8, s18, $0xb8;
	[tilespmem:$0x6140] =	vst v63  }
0x46: {  	s8 =	simm.s32 $0x1A80  }
0x47: {  	[tilespmem:s8], [sflag:$0x1] =	stream.indirect.gather [hbm4b:s2+s18], $0x1, s13, s18, $0xb8;
	[tilespmem:$0x6140] =	vst v63  }
0x48: {  	s28 =	simm.s32 $0x2280;
	s8 =	simm.s32 $0xA80  }
0x49: {  	[tilespmem:s28], [sflag:$0x1] =	stream.indirect.gather [hbm4b:s2+s18], $0x1, s8, s18, $0xb8;
	[tilespmem:$0x6140] =	vst v63  }
0x4a: {  	s8 =	simm.s32 $0x1B00  }
0x4b: {  	[tilespmem:s8], [sflag:$0x1] =	stream.indirect.gather [hbm4b:s2+s18], $0x1, s19, s18, $0xb8;
	[tilespmem:$0x6140] =	vst v63  }
0x4c: {  	s28 =	simm.s32 $0x2300;
	s8 =	simm.s32 $0xB00  }
0x4d: {  	[tilespmem:s28], [sflag:$0x1] =	stream.indirect.gather [hbm4b:s2+s18], $0x1, s8, s18, $0xb8;
	[tilespmem:$0x6140] =	vst v63  }
0x4e: {  	s8 =	simm.s32 $0x1B80  }
0x4f: {  	[tilespmem:s8], [sflag:$0x1] =	stream.indirect.gather [hbm4b:s2+s18], $0x1, s23, s18, $0xb8;
	[tilespmem:$0x6140] =	vst v63  }
0x50: {  	s28 =	simm.s32 $0x2380;
	s8 =	simm.s32 $0xB80  }
0x51: {  	[tilespmem:s28], [sflag:$0x1] =	stream.indirect.gather [hbm4b:s2+s18], $0x1, s8, s18, $0xb8;
	[tilespmem:$0x6140] =	vst v63  }
0x52: {  	s8 =	simm.s32 $0x1C00  }
0x53: {  	[tilespmem:s8], [sflag:$0x1] =	stream.indirect.gather [hbm4b:s2+s18], $0x1, s30, s18, $0xb8;
	[tilespmem:$0x6140] =	vst v63  }
0x54: {  	s28 =	simm.s32 $0x2400;
	s8 =	simm.s32 $0xC00  }
0x55: {  	[tilespmem:s28], [sflag:$0x1] =	stream.indirect.gather [hbm4b:s2+s18], $0x1, s8, s18, $0xb8;
	[tilespmem:$0x6140] =	vst v63  }
0x56: {  	s8 =	simm.s32 $0x1C80  }
0x57: {  	[tilespmem:s8], [sflag:$0x1] =	stream.indirect.gather [hbm4b:s2+s18], $0x1, s11, s18, $0xb8;
	[tilespmem:$0x6140] =	vst v63  }
0x58: {  	s28 =	simm.s32 $0x2480;
	s8 =	simm.s32 $0xC80  }
0x59: {  	[tilespmem:s28], [sflag:$0x1] =	stream.indirect.gather [hbm4b:s2+s18], $0x1, s8, s18, $0xb8;
	[tilespmem:$0x6140] =	vst v63  }
0x5a: {  	s8 =	simm.s32 $0x1D00  }
0x5b: {  	[tilespmem:s8], [sflag:$0x1] =	stream.indirect.gather [hbm4b:s2+s18], $0x1, s17, s18, $0xb8;
	[tilespmem:$0x6140] =	vst v63  }
0x5c: {  	s28 =	simm.s32 $0x2500;
	s8 =	simm.s32 $0xD00  }
0x5d: {  	[tilespmem:s28], [sflag:$0x1] =	stream.indirect.gather [hbm4b:s2+s18], $0x1, s8, s18, $0xb8;
	[tilespmem:$0x6140] =	vst v63  }
0x5e: {  	s8 =	simm.s32 $0x1D80  }
0x5f: {  	[tilespmem:s8], [sflag:$0x1] =	stream.indirect.gather [hbm4b:s2+s18], $0x1, s25, s18, $0xb8;
	[tilespmem:$0x6140] =	vst v63  }
0x60: {  	s28 =	simm.s32 $0x2580;
	s8 =	simm.s32 $0xD80  }
0x61: {  	[tilespmem:s28], [sflag:$0x1] =	stream.indirect.gather [hbm4b:s2+s18], $0x1, s8, s18, $0xb8;
	[tilespmem:$0x6140] =	vst v63  }
0x62: {  	s8 =	simm.s32 $0x1E00  }
0x63: {  	[tilespmem:s8], [sflag:$0x1] =	stream.indirect.gather [hbm4b:s2+s18], $0x1, s0, s18, $0xb8;
	[tilespmem:$0x6140] =	vst v63  }
0x64: {  	s28 =	simm.s32 $0x2600;
	s8 =	simm.s32 $0xE00  }
0x65: {  	[tilespmem:s28], [sflag:$0x1] =	stream.indirect.gather [hbm4b:s2+s18], $0x1, s8, s18, $0xb8;
	[tilespmem:$0x6140] =	vst v63  }
0x66: {  	s8 =	simm.s32 $0x1E80  }
0x67: {  	[tilespmem:s8], [sflag:$0x1] =	stream.indirect.gather [hbm4b:s2+s18], $0x1, s4, s18, $0xb8;
	[tilespmem:$0x6140] =	vst v63  }
0x68: {  	s28 =	simm.s32 $0x2680;
	s8 =	simm.s32 $0xE80  }
0x69: {  	[tilespmem:s28], [sflag:$0x1] =	stream.indirect.gather [hbm4b:s2+s18], $0x1, s8, s18, $0xb8;
	[tilespmem:$0x6140] =	vst v63  }
0x6a: {  	s8 =	simm.s32 $0x1F00  }
0x6b: {  	[tilespmem:s8], [sflag:$0x1] =	stream.indirect.gather [hbm4b:s2+s18], $0x1, s26, s18, $0xb8;
	[tilespmem:$0x6140] =	vst v63  }
0x6c: {  	s28 =	simm.s32 $0x2700;
	s8 =	simm.s32 $0xF00  }
0x6d: {  	[tilespmem:s28], [sflag:$0x1] =	stream.indirect.gather [hbm4b:s2+s18], $0x1, s8, s18, $0xb8;
	[tilespmem:$0x6140] =	vst v63  }
0x6e: {  	s8 =	simm.s32 $0x1F80  }
0x6f: {  	[tilespmem:s8], [sflag:$0x1] =	stream.indirect.gather [hbm4b:s2+s18], $0x1, s12, s18, $0xb8;
	[tilespmem:$0x6140] =	vst v63  }
0x70: {  	s28 =	simm.s32 $0x2780;
	s8 =	simm.s32 $0xF80  }
0x71: {  	[tilespmem:s28], [sflag:$0x1] =	stream.indirect.gather [hbm4b:s2+s18], $0x1, s8, s18, $0xb8;
	[tilespmem:$0x6140] =	vst v63  }
0x72: {  	_ =	swait.ge [sflag:s22], $0x80  }
0x73: {  	[sflag:s22] =	ssyncset.done $0x0  }
0x74: {  	[sflag:s22] =	ssyncadd.s32 $0xFFFFFF80  }
0x75: {  	_ =	swait.ge [sflag:s22], $0x80  }
0x76: {  	[sflag:s22] =	ssyncset.done $0x0  }
0x77: {  	[sflag:s22] =	ssyncadd.s32 $0xFFFFFF80  }
0x78: {  	_ =	swait.ge [sflag:s22], $0x80  }
0x79: {  	[sflag:s22] =	ssyncset.done $0x0  }
0x7a: {  	[sflag:s22] =	ssyncadd.s32 $0xFFFFFF80  }
0x7b: {  	_ =	swait.ge [sflag:s22], $0x80  }
0x7c: {  	[sflag:s22] =	ssyncset.done $0x0  }
0x7d: {  	[sflag:s22] =	ssyncadd.s32 $0xFFFFFF80  }
0x7e: {  	_ =	swait.ge [sflag:s22], $0x80  }
0x7f: {  	[sflag:s22] =	ssyncset.done $0x0  }
0x80: {  	[sflag:s22] =	ssyncadd.s32 $0xFFFFFF80  }
0x81: {  	_ =	swait.ge [sflag:s22], $0x80  }
0x82: {  	[sflag:s22] =	ssyncset.done $0x0  }
0x83: {  	[sflag:s22] =	ssyncadd.s32 $0xFFFFFF80  }
0x84: {  	_ =	swait.ge [sflag:s22], $0x80  }
0x85: {  	[sflag:s22] =	ssyncset.done $0x0  }
0x86: {  	[sflag:s22] =	ssyncadd.s32 $0xFFFFFF80  }
0x87: {  	_ =	swait.ge [sflag:s22], $0x80  }
0x88: {  	[sflag:s22] =	ssyncset.done $0x0  }
0x89: {  	[sflag:s22] =	ssyncadd.s32 $0xFFFFFF80  }
0x8a: {  	_ =	swait.ge [sflag:s22], $0x80  }
0x8b: {  	[sflag:s22] =	ssyncset.done $0x0  }
0x8c: {  	[sflag:s22] =	ssyncadd.s32 $0xFFFFFF80  }
0x8d: {  	_ =	swait.ge [sflag:s22], $0x80  }
0x8e: {  	[sflag:s22] =	ssyncset.done $0x0  }
0x8f: {  	[sflag:s22] =	ssyncadd.s32 $0xFFFFFF80  }
0x90: {  	_ =	swait.ge [sflag:s22], $0x80  }
0x91: {  	[sflag:s22] =	ssyncset.done $0x0  }
0x92: {  	[sflag:s22] =	ssyncadd.s32 $0xFFFFFF80  }
0x93: {  	_ =	swait.ge [sflag:s22], $0x80  }
0x94: {  	[sflag:s22] =	ssyncset.done $0x0  }
0x95: {  	[sflag:s22] =	ssyncadd.s32 $0xFFFFFF80  }
0x96: {  	_ =	swait.ge [sflag:s22], $0x80  }
0x97: {  	[sflag:s22] =	ssyncset.done $0x0  }
0x98: {  	[sflag:s22] =	ssyncadd.s32 $0xFFFFFF80  }
0x99: {  	_ =	swait.ge [sflag:s22], $0x80  }
0x9a: {  	[sflag:s22] =	ssyncset.done $0x0  }
0x9b: {  	[sflag:s22] =	ssyncadd.s32 $0xFFFFFF80  }
0x9c: {  	_ =	swait.ge [sflag:s22], $0x80  }
0x9d: {  	[sflag:s22] =	ssyncset.done $0x0  }
0x9e: {  	[sflag:s22] =	ssyncadd.s32 $0xFFFFFF80  }
0x9f: {  	_ =	swait.ge [sflag:s22], $0x80  }
0xa0: {  	[sflag:s22] =	ssyncset.done $0x0  }
0xa1: {  	[sflag:s22] =	ssyncadd.s32 $0xFFFFFF80  }
0xa2: {  	_ =	swait.ge [sflag:s22], $0x80  }
0xa3: {  	[sflag:s22] =	ssyncset.done $0x0  }
0xa4: {  	[sflag:s22] =	ssyncadd.s32 $0xFFFFFF80  }
0xa5: {  	_ =	swait.ge [sflag:s22], $0x80  }
0xa6: {  	[sflag:s22] =	ssyncset.done $0x0  }
0xa7: {  	[sflag:s22] =	ssyncadd.s32 $0xFFFFFF80  }
0xa8: {  	_ =	swait.ge [sflag:s22], $0x80  }
0xa9: {  	[sflag:s22] =	ssyncset.done $0x0  }
0xaa: {  	[sflag:s22] =	ssyncadd.s32 $0xFFFFFF80  }
0xab: {  	_ =	swait.ge [sflag:s22], $0x80  }
0xac: {  	[sflag:s22] =	ssyncset.done $0x0  }
0xad: {  	[sflag:s22] =	ssyncadd.s32 $0xFFFFFF80  }
0xae: {  	_ =	swait.ge [sflag:s22], $0x80  }
0xaf: {  	[sflag:s22] =	ssyncset.done $0x0  }
0xb0: {  	[sflag:s22] =	ssyncadd.s32 $0xFFFFFF80  }
0xb1: {  	_ =	swait.ge [sflag:s22], $0x80  }
0xb2: {  	[sflag:s22] =	ssyncset.done $0x0  }
0xb3: {  	[sflag:s22] =	ssyncadd.s32 $0xFFFFFF80  }
0xb4: {  	_ =	swait.ge [sflag:s22], $0x80  }
0xb5: {  	[sflag:s22] =	ssyncset.done $0x0  }
0xb6: {  	[sflag:s22] =	ssyncadd.s32 $0xFFFFFF80  }
0xb7: {  	_ =	swait.ge [sflag:s22], $0x80  }
0xb8: {  	[sflag:s22] =	ssyncset.done $0x0  }
0xb9: {  	[sflag:s22] =	ssyncadd.s32 $0xFFFFFF80  }
0xba: {  	_ =	swait.ge [sflag:s22], $0x80  }
0xbb: {  	[sflag:s22] =	ssyncset.done $0x0  }
0xbc: {  	[sflag:s22] =	ssyncadd.s32 $0xFFFFFF80  }
0xbd: {  	_ =	swait.ge [sflag:s22], $0x80  }
0xbe: {  	[sflag:s22] =	ssyncset.done $0x0  }
0xbf: {  	[sflag:s22] =	ssyncadd.s32 $0xFFFFFF80  }
0xc0: {  	_ =	swait.ge [sflag:s22], $0x80  }
0xc1: {  	[sflag:s22] =	ssyncset.done $0x0  }
0xc2: {  	[sflag:s22] =	ssyncadd.s32 $0xFFFFFF80  }
0xc3: {  	_ =	swait.ge [sflag:s22], $0x80  }
0xc4: {  	[sflag:s22] =	ssyncset.done $0x0  }
0xc5: {  	[sflag:s22] =	ssyncadd.s32 $0xFFFFFF80  }
0xc6: {  	_ =	swait.ge [sflag:s22], $0x80  }
0xc7: {  	[sflag:s22] =	ssyncset.done $0x0  }
0xc8: {  	[sflag:s22] =	ssyncadd.s32 $0xFFFFFF80  }
0xc9: {  	_ =	swait.ge [sflag:s22], $0x80  }
0xca: {  	[sflag:s22] =	ssyncset.done $0x0  }
0xcb: {  	[sflag:s22] =	ssyncadd.s32 $0xFFFFFF80  }
0xcc: {  	_ =	swait.ge [sflag:s22], $0x80  }
0xcd: {  	[sflag:s22] =	ssyncset.done $0x0  }
0xce: {  	[sflag:s22] =	ssyncadd.s32 $0xFFFFFF80  }
0xcf: {  	_ =	swait.ge [sflag:s22], $0x80  }
0xd0: {  	[sflag:s22] =	ssyncset.done $0x0  }
0xd1: {  	s28 =	simm.s32 $0x0;
	[sflag:s22] =	ssyncadd.s32 $0xFFFFFF80  }
0xd2: {  	v1 =	vld [tilespmem:s28+$0x2000]  }
0xd3: {  	v2 =	vld [tilespmem:s28+$0x1800];
	_ =	sdelay $0x1  }
0xd4: {  	v3 =	vld [tilespmem:s28+$0x1000];
	_ =	sdelay $0x4  }
0xd5: {  	(erf) = vrcp.f32 v3;
	v1 =	vld.idx.msk [tilespmem:v1+s15+$0x0], $0xffff  }
0xd6: {  	v2 =	vld.idx.msk [tilespmem:v2+s15+$0x0], $0xffff;
	_ =	sdelay $0x4  }
0xd7: {  	v1 =	vadd.f32 v1, v2;
	_ =	sdelay $0x1  }
0xd8: {  	v1 =	vmul.f32 $7.055696840e-01, v1  }
0xd9: {  	v2 =	vpop (erf)  }
0xda: {  	v1 =	vmul.f32 v1, v2;
	_ =	sdelay $0x1  }
0xdb: {  	v1 =	vadd.f32 $-1.000000000e+00, v1;
	_ =	sdelay $0x1  }
0xdc: {  	v1 =	vmul.f32 $-1.600000000e+01, v1;
	_ =	sdelay $0x1  }
0xdd: {  	v1 =	vmul.f32 $1.442695020e+00, v1;
	_ =	sdelay $0x1  }
0xde: {  	(erf) = vpow2.f32 v1;
	_ =	sdelay $0x8  }
0xdf: {  	v1 =	vpop (erf)  }
0xe0: {  	v1 =	vadd.f32 $1.000000000e+00, v1;
	_ =	sdelay $0x1  }
0xe1: {  	(erf) = vrcp.f32 v1;
	_ =	sdelay $0x1  }
0xe2: {  	s8 =	simm.s32 $0x10  }
0xe3: {  	s31 =	simm.s32 $0x80;
	v1 =	vld [tilespmem:s8+$0x2000]  }
.LBB2_5:
0xe4: {  	p0 =	sne.s32 s31, $0x1FC0;
	v2 =	vld [tilespmem:s8+$0x1800];
	_ =	sdelay $0x2  }
0xe5: {  	v3 =	vld [tilespmem:s8+$0x1000];
	_ =	sdelay $0x1  }
0xe6: {  	v4 =	vpop (erf)  }
0xe7: {  	[tilespmem:s28+$0x2800] =	vst v4;
	s28 =	smov.u32 s8  }
0xe8: {  	v1 =	vld.idx.msk [tilespmem:v1+s15+$0x0], $0xffff  }
0xe9: {  	v2 =	vld.idx.msk [tilespmem:v2+s15+$0x0], $0xffff;
	(erf) = vrcp.f32 v3;
	_ =	sdelay $0x5  }
0xea: {  	v1 =	vadd.f32 v1, v2;
	_ =	sdelay $0x1  }
0xeb: {  	v1 =	vmul.f32 $7.055696840e-01, v1  }
0xec: {  	v2 =	vpop (erf)  }
0xed: {  	v1 =	vmul.f32 v1, v2;
	_ =	sdelay $0x1  }
0xee: {  	v1 =	vadd.f32 $-1.000000000e+00, v1;
	_ =	sdelay $0x1  }
0xef: {  	v1 =	vmul.f32 $-1.600000000e+01, v1;
	_ =	sdelay $0x1  }
0xf0: {  	v1 =	vmul.f32 $1.442695020e+00, v1;
	_ =	sdelay $0x1  }
0xf1: {  	(erf) = vpow2.f32 v1;
	_ =	sdelay $0x8  }
0xf2: {  	v1 =	vpop (erf)  }
0xf3: {  	v1 =	vadd.f32 $1.000000000e+00, v1  }
.Ltmp1:
0xf4: {  	(pc) =	sbr.rel @p0 .LBB2_5-.Ltmp1, $3  }
0xf5: {  	(erf) = vrcp.f32 v1;
	_ =	sdelay $0x1  }
0xf6: {  	s8 =	sshra.s32 s31, $0x2  }
0xf7: {  	s31 =	sadd.s32 $0x40, s31;
	v1 =	vld [tilespmem:s8+$0x2000]  }
0xf8: {  	_ = 	snop  }
0xf9: {  	v2 =	vld [tilespmem:s8+$0x1800];
	_ =	sdelay $0x1  }
0xfa: {  	v3 =	vld [tilespmem:s8+$0x1000];
	_ =	sdelay $0x2  }
0xfb: {  	v4 =	vpop (erf)  }
0xfc: {  	[tilespmem:s28+$0x2800] =	vst v4  }
0xfd: {  	(erf) = vrcp.f32 v3;
	v1 =	vld.idx.msk [tilespmem:v1+s15+$0x0], $0xffff  }
0xfe: {  	v2 =	vld.idx.msk [tilespmem:v2+s15+$0x0], $0xffff;
	_ =	sdelay $0x4  }
0xff: {  	v1 =	vadd.f32 v1, v2;
	_ =	sdelay $0x1  }
0x100: {  	v1 =	vmul.f32 $7.055696840e-01, v1  }
0x101: {  	v2 =	vpop (erf)  }
0x102: {  	v1 =	vmul.f32 v1, v2;
	_ =	sdelay $0x1  }
0x103: {  	v1 =	vadd.f32 $-1.000000000e+00, v1;
	_ =	sdelay $0x1  }
0x104: {  	v1 =	vmul.f32 $-1.600000000e+01, v1;
	_ =	sdelay $0x1  }
0x105: {  	v1 =	vmul.f32 $1.442695020e+00, v1;
	_ =	sdelay $0x1  }
0x106: {  	(erf) = vpow2.f32 v1;
	_ =	sdelay $0x8  }
0x107: {  	v1 =	vpop (erf)  }
0x108: {  	v1 =	vadd.f32 $1.000000000e+00, v1;
	_ =	sdelay $0x1  }
0x109: {  	(erf) = vrcp.f32 v1;
	_ =	sdelay $0x8  }
0x10a: {  	v1 =	vpop (erf)  }
0x10b: {  	s31 =	simm.s32 $0x2800;
	[tilespmem:s8+$0x2800] =	vst v1;
	s8 =	simm.s32 $0x0  }
0x10c: {  	[spmem:s3] =	stream.indirect.scatter.add.f32 [tilespmem:s31], [sflag:$0x1], $0x1, s8, s18, $0xb8;
	[tilespmem:$0x6140] =	vst v63  }
0x10d: {  	s28 =	simm.s32 $0x2880  }
0x10e: {  	[spmem:s3] =	stream.indirect.scatter.add.f32 [tilespmem:s28], [sflag:$0x1], $0x1, s18, s18, $0xb8;
	[tilespmem:$0x6140] =	vst v63  }
0x10f: {  	s31 =	simm.s32 $0x2900  }
0x110: {  	[spmem:s3] =	stream.indirect.scatter.add.f32 [tilespmem:s31], [sflag:$0x1], $0x1, s24, s18, $0xb8;
	[tilespmem:$0x6140] =	vst v63  }
0x111: {  	s28 =	simm.s32 $0x2980  }
0x112: {  	[spmem:s3] =	stream.indirect.scatter.add.f32 [tilespmem:s28], [sflag:$0x1], $0x1, s29, s18, $0xb8;
	[tilespmem:$0x6140] =	vst v63  }
0x113: {  	s31 =	simm.s32 $0x2A00  }
0x114: {  	[spmem:s3] =	stream.indirect.scatter.add.f32 [tilespmem:s31], [sflag:$0x1], $0x1, s1, s18, $0xb8;
	[tilespmem:$0x6140] =	vst v63  }
0x115: {  	s28 =	simm.s32 $0x2A80  }
0x116: {  	[spmem:s3] =	stream.indirect.scatter.add.f32 [tilespmem:s28], [sflag:$0x1], $0x1, s13, s18, $0xb8;
	[tilespmem:$0x6140] =	vst v63  }
0x117: {  	s31 =	simm.s32 $0x2B00  }
0x118: {  	[spmem:s3] =	stream.indirect.scatter.add.f32 [tilespmem:s31], [sflag:$0x1], $0x1, s19, s18, $0xb8;
	[tilespmem:$0x6140] =	vst v63  }
0x119: {  	s28 =	simm.s32 $0x2B80  }
0x11a: {  	[spmem:s3] =	stream.indirect.scatter.add.f32 [tilespmem:s28], [sflag:$0x1], $0x1, s23, s18, $0xb8;
	[tilespmem:$0x6140] =	vst v63  }
0x11b: {  	s31 =	simm.s32 $0x2C00  }
0x11c: {  	[spmem:s3] =	stream.indirect.scatter.add.f32 [tilespmem:s31], [sflag:$0x1], $0x1, s30, s18, $0xb8;
	[tilespmem:$0x6140] =	vst v63  }
0x11d: {  	s28 =	simm.s32 $0x2C80  }
0x11e: {  	[spmem:s3] =	stream.indirect.scatter.add.f32 [tilespmem:s28], [sflag:$0x1], $0x1, s11, s18, $0xb8;
	[tilespmem:$0x6140] =	vst v63  }
0x11f: {  	s31 =	simm.s32 $0x2D00  }
0x120: {  	[spmem:s3] =	stream.indirect.scatter.add.f32 [tilespmem:s31], [sflag:$0x1], $0x1, s17, s18, $0xb8;
	[tilespmem:$0x6140] =	vst v63  }
0x121: {  	s28 =	simm.s32 $0x2D80  }
0x122: {  	[spmem:s3] =	stream.indirect.scatter.add.f32 [tilespmem:s28], [sflag:$0x1], $0x1, s25, s18, $0xb8;
	[tilespmem:$0x6140] =	vst v63  }
0x123: {  	s31 =	simm.s32 $0x2E00  }
0x124: {  	[spmem:s3] =	stream.indirect.scatter.add.f32 [tilespmem:s31], [sflag:$0x1], $0x1, s0, s18, $0xb8;
	[tilespmem:$0x6140] =	vst v63  }
0x125: {  	s28 =	simm.s32 $0x2E80  }
0x126: {  	[spmem:s3] =	stream.indirect.scatter.add.f32 [tilespmem:s28], [sflag:$0x1], $0x1, s4, s18, $0xb8;
	[tilespmem:$0x6140] =	vst v63  }
0x127: {  	s31 =	simm.s32 $0x2F00  }
0x128: {  	[spmem:s3] =	stream.indirect.scatter.add.f32 [tilespmem:s31], [sflag:$0x1], $0x1, s26, s18, $0xb8;
	[tilespmem:$0x6140] =	vst v63  }
0x129: {  	_ = 	snop  }
0x12a: {  	[spmem:s3] =	stream.indirect.scatter.add.f32 [tilespmem:s9], [sflag:$0x1], $0x1, s12, s18, $0xb8;
	[tilespmem:$0x6140] =	vst v63  }
0x12b: {  	_ =	swait.ge [sflag:s22], $0x80  }
0x12c: {  	[sflag:s22] =	ssyncset.done $0x0  }
0x12d: {  	[sflag:s22] =	ssyncadd.s32 $0xFFFFFF80  }
0x12e: {  	_ =	swait.ge [sflag:s22], $0x80  }
0x12f: {  	[sflag:s22] =	ssyncset.done $0x0  }
0x130: {  	[sflag:s22] =	ssyncadd.s32 $0xFFFFFF80  }
0x131: {  	_ =	swait.ge [sflag:s22], $0x80  }
0x132: {  	[sflag:s22] =	ssyncset.done $0x0  }
0x133: {  	[sflag:s22] =	ssyncadd.s32 $0xFFFFFF80  }
0x134: {  	_ =	swait.ge [sflag:s22], $0x80  }
0x135: {  	[sflag:s22] =	ssyncset.done $0x0  }
0x136: {  	[sflag:s22] =	ssyncadd.s32 $0xFFFFFF80  }
0x137: {  	_ =	swait.ge [sflag:s22], $0x80  }
0x138: {  	[sflag:s22] =	ssyncset.done $0x0  }
0x139: {  	[sflag:s22] =	ssyncadd.s32 $0xFFFFFF80  }
0x13a: {  	_ =	swait.ge [sflag:s22], $0x80  }
0x13b: {  	[sflag:s22] =	ssyncset.done $0x0  }
0x13c: {  	[sflag:s22] =	ssyncadd.s32 $0xFFFFFF80  }
0x13d: {  	_ =	swait.ge [sflag:s22], $0x80  }
0x13e: {  	[sflag:s22] =	ssyncset.done $0x0  }
0x13f: {  	[sflag:s22] =	ssyncadd.s32 $0xFFFFFF80  }
0x140: {  	_ =	swait.ge [sflag:s22], $0x80  }
0x141: {  	[sflag:s22] =	ssyncset.done $0x0  }
0x142: {  	[sflag:s22] =	ssyncadd.s32 $0xFFFFFF80  }
0x143: {  	_ =	swait.ge [sflag:s22], $0x80  }
0x144: {  	[sflag:s22] =	ssyncset.done $0x0  }
0x145: {  	[sflag:s22] =	ssyncadd.s32 $0xFFFFFF80  }
0x146: {  	_ =	swait.ge [sflag:s22], $0x80  }
0x147: {  	[sflag:s22] =	ssyncset.done $0x0  }
0x148: {  	[sflag:s22] =	ssyncadd.s32 $0xFFFFFF80  }
0x149: {  	_ =	swait.ge [sflag:s22], $0x80  }
0x14a: {  	[sflag:s22] =	ssyncset.done $0x0  }
0x14b: {  	[sflag:s22] =	ssyncadd.s32 $0xFFFFFF80  }
0x14c: {  	_ =	swait.ge [sflag:s22], $0x80  }
0x14d: {  	[sflag:s22] =	ssyncset.done $0x0  }
0x14e: {  	[sflag:s22] =	ssyncadd.s32 $0xFFFFFF80  }
0x14f: {  	_ =	swait.ge [sflag:s22], $0x80  }
0x150: {  	[sflag:s22] =	ssyncset.done $0x0  }
0x151: {  	[sflag:s22] =	ssyncadd.s32 $0xFFFFFF80  }
0x152: {  	_ =	swait.ge [sflag:s22], $0x80  }
0x153: {  	[sflag:s22] =	ssyncset.done $0x0  }
0x154: {  	s21 =	sadd.s32 $0x1, s21;
	[sflag:s22] =	ssyncadd.s32 $0xFFFFFF80  }
0x155: {  	p0 =	sne.s32 s21, $0x19;
	_ =	swait.ge [sflag:s22], $0x80  }
.Ltmp2:
0x156: {  	[sflag:s22] =	ssyncset.done $0x0;
	(pc) =	sbr.rel @p0 .LBB2_4-.Ltmp2, $4  }
0x157: {  	[sflag:s22] =	ssyncadd.s32 $0xFFFFFF80  }
0x158: {  	_ =	swait.ge [sflag:s22], $0x80  }
0x159: {  	[sflag:s22] =	ssyncset.done $0x0  }
0x15a: {  	[sflag:s22] =	ssyncadd.s32 $0xFFFFFF80  }
0x15b: {  	[bflag:$0x0] =	sbarrier.arrive $0xFFFF  }
0x15c: {  	s28 =	simm.s32 $0x3060;
	s21 =	rddreg [dreg:$0x5]  }
0x15d: {  	[tilespmem:s28], [sflag:$0x2] =	stream.linear.gather [spmem:s21], $0x1870, $0x38;
	[tilespmem:$0x6140] =	vst v63  }
0x15e: {  	_ =	swait.ge [sflag:s14], $0x1870  }
0x15f: {  	[sflag:s14] =	ssyncset.done $0x0  }
0x160: {  	s8 =	simm.s32 $0x0;
	s20 =	rddreg [dreg:$0x6];
	[sflag:s14] =	ssyncadd.s32 $0xFFFFE790  }
0x161: {  	[hbm4b:s20+s8] =	stream.linear.scatter [tilespmem:s28], [sflag:$0x2], $0x1870, $0x38;
	[tilespmem:$0x6140] =	vst v63  }
0x162: {  	_ =	swait.ge [sflag:s14], $0x1870  }
0x163: {  	s8 =	rddreg [dreg:$0x8]  }
0x164: {  	s31 =	rddreg [dreg:$0x7];
	s20 =	sadd.s32 $0x1, s8  }
0x165: {  	p0 =	sne.s32 s20, s31  }
.Ltmp3:
0x166: {  	_ = 	snop;
	(pc) =	sbr.rel @p0 .LBB2_1-.Ltmp3, $3  }
0x167: {  	_ =	sdelay $0x1  }
0x168: {  	[sflag:s14] =	ssyncset.done $0x0  }
0x169: {  	[sflag:s14] =	ssyncadd.s32 $0xFFFFE790  }
0x16a: {  	_ =	sfence.sel $0x180000  }
0x16b: {  	[bflag:$0x0] =	sbarrier.arrive $0xFFFF  }
0x16c: {  	_ =	strace $0x90000047  }
0x16d: {  	s0 =	stileid.u32;
	[bflag:$0x2] =	sbarrier.arrive $0xFFFF  }
0x16e: {  	p0 =	sne.s32 s0, $0x0;
	s0 =	rddreg [dreg:$0x3]  }
0x16f: {  	s0 =	sadd.s32 @!p0 $0x100000, s0  }
0x170: {  	[sflag:s0] =	ssyncadd.tile.s32 @!p0 $0x1;
	_ =	shalt  }
.Lfunc_end2:
_tile_overlayer_lowered:
.L_overlay_start_2:
0x171: {  	(tag) =	ssettag $0x2  }
0x172: {  	s0 =	rddreg [dreg:$0x0];
	s2 =	stileid.u32  }
0x173: {  	s1 =	rddreg [dreg:$0x1];
	p0 =	sne.s32 s2, $0x0  }
0x174: {  	s3 =	rddreg [dreg:$0x2];
	[bflag:$0x3] =	sbarrier.arrive $0xFFFF;
	s2 =	simm.s32 @!p0 $0x1C02  }
0x175: {  	[timem:s3], [sflag:s2] =	dma.local @!p0 [hbm:s0], s1  }
0x176: {  	s0 =	simm.s32 @!p0 $0x2  }
0x177: {  	_ =	swait.ge @!p0 [sflag:s0], s1  }
0x178: {  	s1 =	ssub.s32 @!p0 $0x0, s1;
	[sflag:s0] =	ssyncset.done @!p0 $0x0  }
0x179: {  	[sflag:s0] =	ssyncadd.s32 @!p0 s1  }
0x17a: {  	[bflag:$0x3] =	sbarrier.arrive $0xFFFF  }
0x17b: {  	_ =	shalt  }

// kernel: kernel.7.cloned.1.call-start
scs
__scs_entry_jumppad:
0x0: {  	(pc) =	sbr.rel $0x88, $3  }
0x1: {  	(tag) =	ssettag $0x0;
	lr =	simm.s32 $0x1  }
0x2: {  	[smem:$0x3F9E] =	sst lr;
	_ =	strace $0xD0000000  }
0x3: {  	_ = 	snop  }
0x4: {  	_ = 	snop  }
0x5: {  	_ = 	snop  }
0x6: {  	_ = 	snop  }
0x7: {  	_ = 	snop  }
__scs_overlays_trampoline_lowered:
0x8: {  	[smem:$0x3FAD] =	sst s0  }
0x9: {  	[smem:$0x3FAE] =	sst s1  }
0xa: {  	[smem:$0x3FAF] =	sst s2  }
0xb: {  	[smem:$0x3FB0] =	sst s3  }
0xc: {  	[smem:$0x3FB1] =	sst s4  }
0xd: {  	[smem:$0x3FB2] =	sst s5  }
0xe: {  	[smem:$0x3FB3] =	sst s6  }
0xf: {  	[smem:$0x3FB4] =	sst s7  }
0x10: {  	[smem:$0x3FB5] =	sst s8  }
0x11: {  	[smem:$0x3FB6] =	sst s9;
	s0 =	simm.s32 @!p0 $0x0  }
0x12: {  	s1 =	sld [smem:$0x3F9C];
	s0 =	simm.s32 @p0 $0x1  }
0x13: {  	[smem:$0x3FB7] =	sst s0;
	s0 =	simm.s32 @!p1 $0x0  }
0x14: {  	s2 =	sld [smem:$0x3F9B];
	s0 =	simm.s32 @p1 $0x1  }
0x15: {  	[smem:$0x3FB8] =	sst s0;
	s0 =	simm.s32 @!p2 $0x0  }
0x16: {  	s3 =	sld [smem:$0x3FDB];
	s0 =	simm.s32 @p2 $0x1  }
0x17: {  	s4 =	simm.s32 $0x1BF5;
	[smem:$0x3FBA] =	sst s0  }
0x18: {  	s0 =	sld [smem:$0x3F9D];
	_ =	swait.ge [sflag:s4], $0x0  }
0x19: {  	s7 =	sld [smem:$0x3F9E]  }
0x1a: {  	s8 =	sadd.s32 $0xFFFFE003, lr  }
0x1b: {  	s9 =	sadd.s32 $0xFFFFFEF7, lr;
	s5 =	simm.s32 $0xFFFFFFFF;
	p2 =	slt.u32 s8, $0xFFFFF086  }
0x1c: {  	p1 =	slt.u32 s9, $0xF7A;
	s5 =	simm.s32 @!p2 $0x0  }
0x1d: {  	s5 =	simm.s32 @p1 $0x1;
	p0 =	seq.s32 s7, s2  }
0x1e: {  	s7 =	smul.u32 @!p0 $0xF7A, s2;
	p2 =	seq.s32 @!p0 s5, $0x0  }
0x1f: {  	s9 =	smul.u32 $0xF7A, s1;
	s8 =	simm.s32 @!p0 $0x1BF5;
	p2 =	por !p2, p0  }
0x20: {  	[sflag:s8] =	ssyncset.s32 @!p0 $0xFFFFF086;
	s6 =	sadd.s32 @!p0 s3, s7;
	s7 =	simm.s32 @!p0 $0x108  }
0x21: {  	s3 =	sadd.s32 s3, s9;
	s6 =	sadd.s32 @!p0 $0x88, s6;
	s7 =	simm.s32 @p2 $0x1082  }
0x22: {  	[simem:s7], [sflag:s8] =	dma.local @!p0 [hbm:s6], $0xF7A  }
0x23: {  	s9 =	sor.u32 $0xD0000000, s2;
	s6 =	simm.s32 $0x108;
	_ =	swait.ge @!p0 [sflag:s8], $0x0  }
0x24: {  	s3 =	sadd.s32 $0x88, s3;
	s6 =	simm.s32 @!p1 $0x1082;
	[sflag:s4] =	ssyncset.s32 $0xFFFFF086  }
0x25: {  	[simem:s6], [sflag:s4] =	dma.local [hbm:s3], $0xF7A  }
0x26: {  	[smem:$0x3F9E] =	sst s1;
	(tag) =	ssettag s2;
	_ =	strace s9  }
0x27: {  	s1 =	sld [smem:$0x3FAE]  }
0x28: {  	s2 =	sld [smem:$0x3FAF]  }
0x29: {  	s4 =	sld [smem:$0x3FB1]  }
0x2a: {  	p0 =	seq.s32 s5, $0x0;
	s5 =	sld [smem:$0x3FB2]  }
0x2b: {  	s6 =	sld [smem:$0x3FB3]  }
0x2c: {  	s7 =	sld [smem:$0x3FB4]  }
0x2d: {  	s3 =	simm.s32 $0x108;
	s8 =	sld [smem:$0x3FB5]  }
0x2e: {  	s3 =	simm.s32 @!p0 $0x1082;
	s9 =	sld [smem:$0x3FB6]  }
0x2f: {  	lr =	sadd.s32 s0, s3;
	s0 =	sld [smem:$0x3FAD]  }
0x30: {  	s3 =	sld [smem:$0x3FB0]  }
0x31: {  	[smem:$0x3FB9] =	sst s10  }
0x32: {  	s10 =	sld [smem:$0x3FB7];
	_ =	sdelay $0x3  }
0x33: {  	p0 =	seq.s32 s10, $0x1;
	s10 =	sld [smem:$0x3FB9];
	_ =	sdelay $0x3  }
0x34: {  	[smem:$0x3FB9] =	sst s10  }
0x35: {  	s10 =	sld [smem:$0x3FB8];
	_ =	sdelay $0x3  }
0x36: {  	p1 =	seq.s32 s10, $0x1;
	s10 =	sld [smem:$0x3FB9];
	_ =	sdelay $0x3  }
0x37: {  	[smem:$0x3FB9] =	sst s10  }
0x38: {  	s10 =	sld [smem:$0x3FBA]  }
0x39: {  	_ = 	snop;
	(pc) =	sbr.ind lr, $3  }
0x3a: {  	_ = 	snop  }
0x3b: {  	_ = 	snop  }
0x3c: {  	p2 =	seq.s32 s10, $0x1;
	s10 =	sld [smem:$0x3FB9]  }
0x3d: {  	_ =	shalt  }
0x3e: {  	_ =	shalt  }
0x3f: {  	_ =	shalt  }
0x40: {  	_ =	shalt  }
0x41: {  	_ =	shalt  }
0x42: {  	_ =	shalt  }
0x43: {  	_ =	shalt  }
0x44: {  	_ =	shalt  }
0x45: {  	_ =	shalt  }
0x46: {  	_ =	shalt  }
0x47: {  	_ =	shalt  }
0x48: {  	_ =	shalt  }
0x49: {  	_ =	shalt  }
0x4a: {  	_ =	shalt  }
0x4b: {  	_ =	shalt  }
0x4c: {  	_ =	shalt  }
0x4d: {  	_ =	shalt  }
0x4e: {  	_ =	shalt  }
0x4f: {  	_ =	shalt  }
0x50: {  	_ =	shalt  }
0x51: {  	_ =	shalt  }
0x52: {  	_ =	shalt  }
0x53: {  	_ =	shalt  }
0x54: {  	_ =	shalt  }
0x55: {  	_ =	shalt  }
0x56: {  	_ =	shalt  }
0x57: {  	_ =	shalt  }
0x58: {  	_ =	shalt  }
0x59: {  	_ =	shalt  }
0x5a: {  	_ =	shalt  }
0x5b: {  	_ =	shalt  }
0x5c: {  	_ =	shalt  }
0x5d: {  	_ =	shalt  }
0x5e: {  	_ =	shalt  }
0x5f: {  	_ =	shalt  }
0x60: {  	_ =	shalt  }
0x61: {  	_ =	shalt  }
0x62: {  	_ =	shalt  }
0x63: {  	_ =	shalt  }
0x64: {  	_ =	shalt  }
0x65: {  	_ =	shalt  }
0x66: {  	_ =	shalt  }
0x67: {  	_ =	shalt  }
0x68: {  	_ =	shalt  }
0x69: {  	_ =	shalt  }
0x6a: {  	_ =	shalt  }
0x6b: {  	_ =	shalt  }
0x6c: {  	_ =	shalt  }
0x6d: {  	_ =	shalt  }
0x6e: {  	_ =	shalt  }
0x6f: {  	_ =	shalt  }
0x70: {  	_ =	shalt  }
0x71: {  	_ =	shalt  }
0x72: {  	_ =	shalt  }
0x73: {  	_ =	shalt  }
0x74: {  	_ =	shalt  }
0x75: {  	_ =	shalt  }
0x76: {  	_ =	shalt  }
0x77: {  	_ =	shalt  }
0x78: {  	_ =	shalt  }
0x79: {  	_ =	shalt  }
0x7a: {  	_ =	shalt  }
0x7b: {  	_ =	shalt  }
0x7c: {  	_ =	shalt  }
0x7d: {  	_ =	shalt  }
0x7e: {  	_ =	shalt  }
0x7f: {  	_ =	shalt  }
0x80: {  	_ =	shalt  }
0x81: {  	_ =	shalt  }
0x82: {  	_ =	shalt  }
0x83: {  	_ =	shalt  }
0x84: {  	_ =	shalt  }
0x85: {  	_ =	shalt  }
0x86: {  	_ =	shalt  }
0x87: {  	_ =	shalt  }
.Lfunc_end0:
.L_simem_size_0:
called_computation.1_lowered:
.L_overlay_start_0:
0x88: {  	s2 =	sld [smem:$0x3FD9]  }
0x89: {  	s3 =	sld [smem:$0x3FFE];
	_ =	sdelay $0x1  }
0x8a: {  	s1 =	srdreg.scid  }
0x8b: {  	s0 =	sand.u32 $0x1, s1  }
0x8c: {  	s17 =	sshll.u32 s0, $0xA;
	s2 =	sadd.s32 s3, s2  }
0x8d: {  	s2 =	sadd.s32 s2, s17  }
0x8e: {  	[smem:$0x3FC5] =	sst s2  }
0x8f: {  	_ = 	snop  }
0x90: {  	s2 =	sld [smem:$0x3FD0];
	(tm) =	ssettm $0x1  }
0x91: {  	s18 =	sld [smem:$0x3FFB];
	_ =	sdelay $0x3  }
0x92: {  	_ =	strace s18  }
0x93: {  	s3 =	sld [smem:$0x3FFC];
	_ =	sdelay $0x3  }
0x94: {  	_ =	strace s3  }
0x95: {  	s3 =	sld [smem:$0x3FFD];
	_ =	sdelay $0x3  }
0x96: {  	_ =	strace s3  }
0x97: {  	_ =	strace $0x8FFFFFFF  }
0x98: {  	s19 =	sld [smem:$0x3FDB];
	_ =	sdelay $0x1  }
0x99: {  	s4 =	simm.s32 $_scs_section_size  }
0x9a: {  	s5 =	simm.s32 $_size__tile_overlayer_lowered;
	s6 =	simm.s32 $_tile_overlayer_lowered  }
0x9b: {  	s22 =	simm.s32 $0x1BFF;
	s21 =	sshll.u32 s6, $0x1;
	s3 =	sadd.s32 s4, s19  }
0x9c: {  	s7 =	simm.s32 $0x0;
	s20 =	sshll.u32 s5, $0x1;
	s5 =	sadd.s32 s21, s3  }
0x9d: {  	[timem:s7], [sflag:s22] =	dma.local [hbm:s5], s20  }
0x9e: {  	_ =	swait.ge [sflag:s22], s20  }
0x9f: {  	s4 =	ssub.s32 $0x0, s20;
	[sflag:s22] =	ssyncset.done $0x0  }
0xa0: {  	[sflag:s22] =	ssyncadd.s32 s4;
	_ =	sdelay $0x1  }
0xa1: {  	s23 =	simm.s32 $0x1B8B  }
0xa2: {  	_ =	swait.ge [sflag:s23], $0x1  }
0xa3: {  	[sflag:s23] =	ssyncset.done $0x0  }
0xa4: {  	s25 =	simm.s32 $0x1B8E;
	s24 =	sld [smem:$0x3FFE];
	[sflag:s23] =	ssyncadd.s32 $0xFFFFFFFF  }
0xa5: {  	s26 =	simm.s32 $execute0_lowered;
	[smem:$0x3FD2] =	sst s25  }
0xa6: {  	s5 =	sshll.u32 s26, $0x1;
	_ =	strace $0x80000049;
	[dreg:$0x1] =	wrdreg $0xFFFFFFFF  }
0xa7: {  	s28 =	simm.s32 $_size_execute0_lowered;
	s3 =	sadd.s32 s3, s5;
	[dreg:$0x0] =	wrdreg $0x0  }
0xa8: {  	s5 =	sshll.u32 s28, $0x1;
	[dreg:$0x2] =	wrdreg s3  }
0xa9: {  	[dreg:$0x3] =	wrdreg s5  }
0xaa: {  	[dreg:$0x4] =	wrdreg $0xC0  }
0xab: {  	_ =	task [dreg:s7], $0x5FFFF  }
0xac: {  	[dreg:$0x1] =	wrdreg $0xFFFFFFFF  }
0xad: {  	[dreg:$0x0] =	wrdreg $0x60  }
0xae: {  	[dreg:$0x2] =	wrdreg s24  }
0xaf: {  	[dreg:$0x3] =	wrdreg s2  }
0xb0: {  	[dreg:$0x4] =	wrdreg $0x162900  }
0xb1: {  	[dreg:$0x5] =	wrdreg $0x9  }
0xb2: {  	_ =	task.clear_ibuf [dreg:s7], $0x6FFFF;
	_ =	strace $0x90000049  }
0xb3: {  	s29 =	simm.s32 $0x9;
	_ =	strace $0x8000004B  }
0xb4: {  	_ =	swait.ge [sflag:s29], $0x1  }
0xb5: {  	[sflag:s29] =	ssyncadd.s32 $0xFFFFFFFF  }
0xb6: {  	_ =	strace $0x9000004B  }
0xb7: {  	_ =	sfence  }
0xb8: {  	s30 =	sld [smem:$0x0];
	_ =	sdelay $0x2  }
0xb9: {  	s31 =	sshll.u32 s1, $0xD;
	s1 =	sshrl.u32 s1, $0x2  }
0xba: {  	s3 =	sand.u32 $0x4000, s31;
	s1 =	sadd.s32 s1, s30  }
0xbb: {  	s0 =	sor.u32 s3, s0;
	s1 =	sshll.u32 s1, $0x11  }
0xbc: {  	s0 =	sor.u32 s1, s0  }
0xbd: {  	s0 =	sadd.s32 $0x8F2B, s0  }
0xbe: {  	[sflag:s0] =	ssyncadd.remote.s32 $0x1  }
0xbf: {  	_ =	sfence.sel $0xFFFF  }
0xc0: {  	[dreg:$0x0] =	wrdreg $0xFFFFFFFF;
	(pc) =	sbr.abs _section_cstart, $3  }
0xc1: {  	[dreg:$0x1] =	wrdreg $0xFFFFFFFF  }
0xc2: {  	_ =	task.clear_ibuf [dreg:s7], $0x2FFFF;
	_ =	strace $0x9FFFFFFF  }
0xc3: {  	(tm) =	ssettm $0x7FFFFFFF  }
tec
execute0_lowered:
.L_overlay_start_1:
0x0: {  	(tag) =	ssettag $0x1  }
0x1: {  	s0 =	rddreg [dreg:$0x0]  }
0x2: {  	s1 =	rddreg [dreg:$0x1]  }
0x3: {  	s3 =	rddreg [dreg:$0x2];
	s4 =	simm.s32 $0x0  }
0x4: {  	s2 =	srdreg.scid;
	s7 =	stileid.u32;
	s12 =	simm.s32 $0x14A20  }
0x5: {  	s17 =	simm.s32 $0x2;
	s18 =	simm.s32 $0x14800;
	s19 =	simm.s32 $0x14860  }
0x6: {  	s16 =	simm.s32 $0x100;
	s20 =	simm.s32 $0x180;
	s15 =	simm.s32 $0x400  }
0x7: {  	s10 =	simm.s32 $0x500;
	s13 =	simm.s32 $0x600;
	s11 =	simm.s32 $0x680  }
0x8: {  	s30 =	simm.s32 $0x700;
	s31 =	simm.s32 $0x780;
	[smem:$0x7FF] =	sst s4  }
0x9: {  	s2 =	sand.u32 $0x1, s2;
	s21 =	smul.u32 $0x1870, s7;
	s5 =	sadd.s32 $0x32600, s0  }
0xa: {  	s6 =	sadd.s32 $0x600, s0;
	_ =	strace $0x8000004A;
	[dreg:$0x4] =	wrdreg s5  }
0xb: {  	s23 =	sadd.s32 $0x64600, s0;
	s8 =	sadd.s32 $0xA4400, s0;
	[dreg:$0x5] =	wrdreg s6  }
0xc: {  	s9 =	sadd.s32 $0x9CC00, s0;
	s24 =	sadd.s32 $0x96600, s0;
	[dreg:$0x6] =	wrdreg s23  }
0xd: {  	s25 =	sadd.s32 $0x96A00, s0;
	s4 =	simm.s32 $0x1;
	[dreg:$0x7] =	wrdreg s24  }
0xe: {  	s22 =	smul.u32 $0x18700, s2;
	[dreg:$0x8] =	wrdreg s25;
	s26 =	ssub.s32 $0x2, s2  }
0xf: {  	s2 =	sshll.u32 s2, $0x4;
	s23 =	simm.s32 $0x200;
	s25 =	simm.s32 $0x280  }
0x10: {  	s6 =	simm.s32 $0x580;
	s24 =	simm.s32 $0x4000;
	s28 =	sshrl.u32 s26, $0x1  }
0x11: {  	s2 =	sor.u32 s7, s2;
	s7 =	sadd.s32 s21, s3;
	s5 =	sadd.s32 s21, s22  }
0x12: {  	s2 =	smul.u32 $0x19, s2;
	s22 =	simm.s32 $0x80;
	s5 =	sshrl.u32 s5, $0x3  }
0x13: {  	s21 =	simm.s32 $0x380;
	[dreg:$0x9] =	wrdreg s7;
	s0 =	sadd.s32 s5, s0  }
0x14: {  	s5 =	ssub.s32 s26, s28;
	[dreg:$0xa] =	wrdreg s2;
	s0 =	sadd.s32 $0xA7600, s0  }
0x15: {  	v1 =	vlaneseq.u32;
	s26 =	simm.s32 $0x300;
	s29 =	smax.u32 s5, $0x1;
	[dreg:$0xb] =	wrdreg s0  }
0x16: {  	v0 =	vimm.f32 $0.0e+00;
	v1 =	vmul.u32 $0x20, v1;
	s5 =	simm.s32 $0x0;
	[dreg:$0xc] =	wrdreg s29;
	s0 =	simm.s32 $0x480  }
.LBB2_1:
0x17: {  	[dreg:$0xd] =	wrdreg s5;
	s2 =	simm.s32 $0x40;
	s5 =	simm.s32 $0x0  }
.LBB2_2:
0x18: {  	p0 =	sne.s32 s2, $0x6180;
	[tilespmem:s5+$0x14A20] =	vst v0;
	s5 =	smov.u32 s2;
	s2 =	sadd.s32 $0x40, s2  }
.Ltmp0:
0x19: {  	(pc) =	sbr.rel @p0 .LBB2_2-.Ltmp0, $2  }
0x1a: {  	_ =	sdelay $0x2  }
0x1b: {  	s5 =	sshra.s32 s5, $0x2  }
0x1c: {  	[tilespmem:s5+$0x14A20] =	vst v0  }
0x1d: {  	[spmem:s7] =	stream.linear.scatter [tilespmem:s12], [sflag:$0x2], $0x1870, $0x38;
	[tilespmem:$0x17B00] =	vst v63  }
0x1e: {  	_ =	swait.ge [sflag:s17], $0x1870  }
0x1f: {  	[sflag:s17] =	ssyncset.done $0x0  }
0x20: {  	s5 =	simm.s32 $0x0;
	s2 =	rddreg [dreg:$0x7];
	[sflag:s17] =	ssyncadd.s32 $0xFFFFE790  }
0x21: {  	[tilespmem:s18], [sflag:$0x2] =	stream.linear.gather [hbm4b:s2+s5], $0x60, $0x38;
	[tilespmem:$0x17B00] =	vst v63  }
0x22: {  	_ =	swait.ge [sflag:s17], $0x60  }
0x23: {  	[sflag:s17] =	ssyncset.done $0x0  }
0x24: {  	s29 =	rddreg [dreg:$0x8];
	[sflag:s17] =	ssyncadd.s32 $0xFFFFFFA0  }
0x25: {  	[tilespmem:s19], [sflag:$0x2] =	stream.linear.gather [hbm4b:s29+s5], $0x1C0, $0x38;
	[tilespmem:$0x17B00] =	vst v63  }
0x26: {  	_ =	swait.ge [sflag:s17], $0x1C0  }
0x27: {  	[sflag:s17] =	ssyncset.done $0x0  }
0x28: {  	[sflag:s17] =	ssyncadd.s32 $0xFFFFFE40  }
0x29: {  	s7 =	simm.s32 $0x0;
	[bflag:$0x0] =	sbarrier.arrive $0xFFFF  }
.LBB2_4:
0x2a: {  	s2 =	rddreg [dreg:$0xa]  }
0x2b: {  	s2 =	sadd.s32 s2, s7  }
0x2c: {  	s12 =	rddreg [dreg:$0x4];
	s2 =	sshll.u32 s2, $0x8  }
0x2d: {  	s12 =	sadd.s32 s12, s2  }
0x2e: {  	[tilespmem:s5], [sflag:$0x2] =	stream.linear.gather [hbm4b:s12+s5], $0x800, $0x38;
	[tilespmem:$0x17B00] =	vst v63  }
0x2f: {  	_ =	swait.ge [sflag:s17], $0x800  }
0x30: {  	[sflag:s17] =	ssyncset.done $0x0;
	s28 =	rddreg [dreg:$0x5]  }
0x31: {  	s14 =	simm.s32 $0x800;
	[sflag:s17] =	ssyncadd.s32 $0xFFFFF800;
	s12 =	sadd.s32 s28, s2  }
0x32: {  	[tilespmem:s14], [sflag:$0x2] =	stream.linear.gather [hbm4b:s12+s5], $0x800, $0x38;
	[tilespmem:$0x17B00] =	vst v63  }
0x33: {  	_ =	swait.ge [sflag:s17], $0x800  }
0x34: {  	[sflag:s17] =	ssyncset.done $0x0;
	s29 =	rddreg [dreg:$0x6]  }
0x35: {  	s28 =	simm.s32 $0x1000;
	[sflag:s17] =	ssyncadd.s32 $0xFFFFF800;
	s2 =	sadd.s32 s29, s2  }
0x36: {  	[tilespmem:s28], [sflag:$0x2] =	stream.linear.gather [hbm4b:s2+s5], $0x800, $0x38;
	[tilespmem:$0x17B00] =	vst v63  }
0x37: {  	_ =	swait.ge [sflag:s17], $0x800  }
0x38: {  	[sflag:s17] =	ssyncset.done $0x0  }
0x39: {  	s29 =	simm.s32 $0x1800;
	[sflag:s17] =	ssyncadd.s32 $0xFFFFF800  }
0x3a: {  	[tilespmem:s29], [sflag:$0x1] =	stream.indirect.gather [hbm4b:s1+s22], $0x1, s5, s22, $0xb8;
	[tilespmem:$0x17B00] =	vst v63  }
0x3b: {  	s12 =	simm.s32 $0x2000  }
0x3c: {  	[tilespmem:s12], [sflag:$0x1] =	stream.indirect.gather [hbm4b:s1+s22], $0x1, s14, s22, $0xb8;
	[tilespmem:$0x17B00] =	vst v63  }
0x3d: {  	s28 =	simm.s32 $0x2800  }
0x3e: {  	[tilespmem:s28], [sflag:$0x1] =	stream.indirect.gather [hbm4b:s8+s22], $0x1, s5, s22, $0xb8;
	[tilespmem:$0x17B00] =	vst v63  }
0x3f: {  	s29 =	simm.s32 $0x3000  }
0x40: {  	[tilespmem:s29], [sflag:$0x1] =	stream.indirect.gather [hbm4b:s8+s22], $0x1, s14, s22, $0xb8;
	[tilespmem:$0x17B00] =	vst v63  }
0x41: {  	s12 =	simm.s32 $0x1880  }
0x42: {  	[tilespmem:s12], [sflag:$0x1] =	stream.indirect.gather [hbm4b:s1+s22], $0x1, s22, s22, $0xb8;
	[tilespmem:$0x17B00] =	vst v63  }
0x43: {  	s2 =	simm.s32 $0x880;
	s14 =	simm.s32 $0x2080  }
0x44: {  	[tilespmem:s14], [sflag:$0x1] =	stream.indirect.gather [hbm4b:s1+s22], $0x1, s2, s22, $0xb8;
	[tilespmem:$0x17B00] =	vst v63  }
0x45: {  	s28 =	simm.s32 $0x2880  }
0x46: {  	[tilespmem:s28], [sflag:$0x1] =	stream.indirect.gather [hbm4b:s8+s22], $0x1, s22, s22, $0xb8;
	[tilespmem:$0x17B00] =	vst v63  }
0x47: {  	s29 =	simm.s32 $0x3080  }
0x48: {  	[tilespmem:s29], [sflag:$0x1] =	stream.indirect.gather [hbm4b:s8+s22], $0x1, s2, s22, $0xb8;
	[tilespmem:$0x17B00] =	vst v63  }
0x49: {  	s14 =	simm.s32 $0x1900  }
0x4a: {  	[tilespmem:s14], [sflag:$0x1] =	stream.indirect.gather [hbm4b:s1+s22], $0x1, s16, s22, $0xb8;
	[tilespmem:$0x17B00] =	vst v63  }
0x4b: {  	s28 =	simm.s32 $0x900;
	s29 =	simm.s32 $0x2100  }
0x4c: {  	[tilespmem:s29], [sflag:$0x1] =	stream.indirect.gather [hbm4b:s1+s22], $0x1, s28, s22, $0xb8;
	[tilespmem:$0x17B00] =	vst v63  }
0x4d: {  	s14 =	simm.s32 $0x2900  }
0x4e: {  	[tilespmem:s14], [sflag:$0x1] =	stream.indirect.gather [hbm4b:s8+s22], $0x1, s16, s22, $0xb8;
	[tilespmem:$0x17B00] =	vst v63  }
0x4f: {  	s16 =	simm.s32 $0x3100  }
0x50: {  	[tilespmem:s16], [sflag:$0x1] =	stream.indirect.gather [hbm4b:s8+s22], $0x1, s28, s22, $0xb8;
	[tilespmem:$0x17B00] =	vst v63  }
0x51: {  	s28 =	simm.s32 $0x1980  }
0x52: {  	[tilespmem:s28], [sflag:$0x1] =	stream.indirect.gather [hbm4b:s1+s22], $0x1, s20, s22, $0xb8;
	[tilespmem:$0x17B00] =	vst v63  }
0x53: {  	s29 =	simm.s32 $0x980;
	s14 =	simm.s32 $0x2180  }
0x54: {  	[tilespmem:s14], [sflag:$0x1] =	stream.indirect.gather [hbm4b:s1+s22], $0x1, s29, s22, $0xb8;
	[tilespmem:$0x17B00] =	vst v63  }
0x55: {  	s16 =	simm.s32 $0x2980  }
0x56: {  	[tilespmem:s16], [sflag:$0x1] =	stream.indirect.gather [hbm4b:s8+s22], $0x1, s20, s22, $0xb8;
	[tilespmem:$0x17B00] =	vst v63  }
0x57: {  	s20 =	simm.s32 $0x3180  }
0x58: {  	[tilespmem:s20], [sflag:$0x1] =	stream.indirect.gather [hbm4b:s8+s22], $0x1, s29, s22, $0xb8;
	[tilespmem:$0x17B00] =	vst v63  }
0x59: {  	s28 =	simm.s32 $0x1A00  }
0x5a: {  	[tilespmem:s28], [sflag:$0x1] =	stream.indirect.gather [hbm4b:s1+s22], $0x1, s23, s22, $0xb8;
	[tilespmem:$0x17B00] =	vst v63  }
0x5b: {  	s14 =	simm.s32 $0x2200;
	s29 =	simm.s32 $0xA00  }
0x5c: {  	[tilespmem:s14], [sflag:$0x1] =	stream.indirect.gather [hbm4b:s1+s22], $0x1, s29, s22, $0xb8;
	[tilespmem:$0x17B00] =	vst v63  }
0x5d: {  	s16 =	simm.s32 $0x2A00  }
0x5e: {  	[tilespmem:s16], [sflag:$0x1] =	stream.indirect.gather [hbm4b:s8+s22], $0x1, s23, s22, $0xb8;
	[tilespmem:$0x17B00] =	vst v63  }
0x5f: {  	s20 =	simm.s32 $0x3200  }
0x60: {  	[tilespmem:s20], [sflag:$0x1] =	stream.indirect.gather [hbm4b:s8+s22], $0x1, s29, s22, $0xb8;
	[tilespmem:$0x17B00] =	vst v63  }
0x61: {  	s23 =	simm.s32 $0x1A80  }
0x62: {  	[tilespmem:s23], [sflag:$0x1] =	stream.indirect.gather [hbm4b:s1+s22], $0x1, s25, s22, $0xb8;
	[tilespmem:$0x17B00] =	vst v63  }
0x63: {  	s28 =	simm.s32 $0xA80;
	s29 =	simm.s32 $0x2280  }
0x64: {  	[tilespmem:s29], [sflag:$0x1] =	stream.indirect.gather [hbm4b:s1+s22], $0x1, s28, s22, $0xb8;
	[tilespmem:$0x17B00] =	vst v63  }
0x65: {  	s14 =	simm.s32 $0x2A80  }
0x66: {  	[tilespmem:s14], [sflag:$0x1] =	stream.indirect.gather [hbm4b:s8+s22], $0x1, s25, s22, $0xb8;
	[tilespmem:$0x17B00] =	vst v63  }
0x67: {  	s16 =	simm.s32 $0x3280  }
0x68: {  	[tilespmem:s16], [sflag:$0x1] =	stream.indirect.gather [hbm4b:s8+s22], $0x1, s28, s22, $0xb8;
	[tilespmem:$0x17B00] =	vst v63  }
0x69: {  	s20 =	simm.s32 $0x1B00  }
0x6a: {  	[tilespmem:s20], [sflag:$0x1] =	stream.indirect.gather [hbm4b:s1+s22], $0x1, s26, s22, $0xb8;
	[tilespmem:$0x17B00] =	vst v63  }
0x6b: {  	s23 =	simm.s32 $0xB00;
	s25 =	simm.s32 $0x2300  }
0x6c: {  	[tilespmem:s25], [sflag:$0x1] =	stream.indirect.gather [hbm4b:s1+s22], $0x1, s23, s22, $0xb8;
	[tilespmem:$0x17B00] =	vst v63  }
0x6d: {  	s28 =	simm.s32 $0x2B00  }
0x6e: {  	[tilespmem:s28], [sflag:$0x1] =	stream.indirect.gather [hbm4b:s8+s22], $0x1, s26, s22, $0xb8;
	[tilespmem:$0x17B00] =	vst v63  }
0x6f: {  	s29 =	simm.s32 $0x3300  }
0x70: {  	[tilespmem:s29], [sflag:$0x1] =	stream.indirect.gather [hbm4b:s8+s22], $0x1, s23, s22, $0xb8;
	[tilespmem:$0x17B00] =	vst v63  }
0x71: {  	s12 =	simm.s32 $0x1B80  }
0x72: {  	[tilespmem:s12], [sflag:$0x1] =	stream.indirect.gather [hbm4b:s1+s22], $0x1, s21, s22, $0xb8;
	[tilespmem:$0x17B00] =	vst v63  }
0x73: {  	s14 =	simm.s32 $0xB80;
	s16 =	simm.s32 $0x2380  }
0x74: {  	[tilespmem:s16], [sflag:$0x1] =	stream.indirect.gather [hbm4b:s1+s22], $0x1, s14, s22, $0xb8;
	[tilespmem:$0x17B00] =	vst v63  }
0x75: {  	s20 =	simm.s32 $0x2B80  }
0x76: {  	[tilespmem:s20], [sflag:$0x1] =	stream.indirect.gather [hbm4b:s8+s22], $0x1, s21, s22, $0xb8;
	[tilespmem:$0x17B00] =	vst v63  }
0x77: {  	s23 =	simm.s32 $0x3380  }
0x78: {  	[tilespmem:s23], [sflag:$0x1] =	stream.indirect.gather [hbm4b:s8+s22], $0x1, s14, s22, $0xb8;
	[tilespmem:$0x17B00] =	vst v63  }
0x79: {  	s25 =	simm.s32 $0x1C00  }
0x7a: {  	[tilespmem:s25], [sflag:$0x1] =	stream.indirect.gather [hbm4b:s1+s22], $0x1, s15, s22, $0xb8;
	[tilespmem:$0x17B00] =	vst v63  }
0x7b: {  	s28 =	simm.s32 $0xC00;
	s29 =	simm.s32 $0x2400  }
0x7c: {  	[tilespmem:s29], [sflag:$0x1] =	stream.indirect.gather [hbm4b:s1+s22], $0x1, s28, s22, $0xb8;
	[tilespmem:$0x17B00] =	vst v63  }
0x7d: {  	s14 =	simm.s32 $0x2C00  }
0x7e: {  	[tilespmem:s14], [sflag:$0x1] =	stream.indirect.gather [hbm4b:s8+s22], $0x1, s15, s22, $0xb8;
	[tilespmem:$0x17B00] =	vst v63  }
0x7f: {  	s16 =	simm.s32 $0x3400  }
0x80: {  	[tilespmem:s16], [sflag:$0x1] =	stream.indirect.gather [hbm4b:s8+s22], $0x1, s28, s22, $0xb8;
	[tilespmem:$0x17B00] =	vst v63  }
0x81: {  	s20 =	simm.s32 $0x1C80  }
0x82: {  	[tilespmem:s20], [sflag:$0x1] =	stream.indirect.gather [hbm4b:s1+s22], $0x1, s0, s22, $0xb8;
	[tilespmem:$0x17B00] =	vst v63  }
0x83: {  	s23 =	simm.s32 $0xC80;
	s25 =	simm.s32 $0x2480  }
0x84: {  	[tilespmem:s25], [sflag:$0x1] =	stream.indirect.gather [hbm4b:s1+s22], $0x1, s23, s22, $0xb8;
	[tilespmem:$0x17B00] =	vst v63  }
0x85: {  	s28 =	simm.s32 $0x2C80  }
0x86: {  	[tilespmem:s28], [sflag:$0x1] =	stream.indirect.gather [hbm4b:s8+s22], $0x1, s0, s22, $0xb8;
	[tilespmem:$0x17B00] =	vst v63  }
0x87: {  	s29 =	simm.s32 $0x3480  }
0x88: {  	[tilespmem:s29], [sflag:$0x1] =	stream.indirect.gather [hbm4b:s8+s22], $0x1, s23, s22, $0xb8;
	[tilespmem:$0x17B00] =	vst v63  }
0x89: {  	s12 =	simm.s32 $0x1D00  }
0x8a: {  	[tilespmem:s12], [sflag:$0x1] =	stream.indirect.gather [hbm4b:s1+s22], $0x1, s10, s22, $0xb8;
	[tilespmem:$0x17B00] =	vst v63  }
0x8b: {  	s14 =	simm.s32 $0xD00;
	s16 =	simm.s32 $0x2500  }
0x8c: {  	[tilespmem:s16], [sflag:$0x1] =	stream.indirect.gather [hbm4b:s1+s22], $0x1, s14, s22, $0xb8;
	[tilespmem:$0x17B00] =	vst v63  }
0x8d: {  	s20 =	simm.s32 $0x2D00  }
0x8e: {  	[tilespmem:s20], [sflag:$0x1] =	stream.indirect.gather [hbm4b:s8+s22], $0x1, s10, s22, $0xb8;
	[tilespmem:$0x17B00] =	vst v63  }
0x8f: {  	s23 =	simm.s32 $0x3500  }
0x90: {  	[tilespmem:s23], [sflag:$0x1] =	stream.indirect.gather [hbm4b:s8+s22], $0x1, s14, s22, $0xb8;
	[tilespmem:$0x17B00] =	vst v63  }
0x91: {  	s25 =	simm.s32 $0x1D80  }
0x92: {  	[tilespmem:s25], [sflag:$0x1] =	stream.indirect.gather [hbm4b:s1+s22], $0x1, s6, s22, $0xb8;
	[tilespmem:$0x17B00] =	vst v63  }
0x93: {  	s28 =	simm.s32 $0xD80;
	s29 =	simm.s32 $0x2580  }
0x94: {  	[tilespmem:s29], [sflag:$0x1] =	stream.indirect.gather [hbm4b:s1+s22], $0x1, s28, s22, $0xb8;
	[tilespmem:$0x17B00] =	vst v63  }
0x95: {  	s14 =	simm.s32 $0x2D80  }
0x96: {  	[tilespmem:s14], [sflag:$0x1] =	stream.indirect.gather [hbm4b:s8+s22], $0x1, s6, s22, $0xb8;
	[tilespmem:$0x17B00] =	vst v63  }
0x97: {  	s16 =	simm.s32 $0x3580  }
0x98: {  	[tilespmem:s16], [sflag:$0x1] =	stream.indirect.gather [hbm4b:s8+s22], $0x1, s28, s22, $0xb8;
	[tilespmem:$0x17B00] =	vst v63  }
0x99: {  	s20 =	simm.s32 $0x1E00  }
0x9a: {  	[tilespmem:s20], [sflag:$0x1] =	stream.indirect.gather [hbm4b:s1+s22], $0x1, s13, s22, $0xb8;
	[tilespmem:$0x17B00] =	vst v63  }
0x9b: {  	s23 =	simm.s32 $0xE00;
	s25 =	simm.s32 $0x2600  }
0x9c: {  	[tilespmem:s25], [sflag:$0x1] =	stream.indirect.gather [hbm4b:s1+s22], $0x1, s23, s22, $0xb8;
	[tilespmem:$0x17B00] =	vst v63  }
0x9d: {  	s28 =	simm.s32 $0x2E00  }
0x9e: {  	[tilespmem:s28], [sflag:$0x1] =	stream.indirect.gather [hbm4b:s8+s22], $0x1, s13, s22, $0xb8;
	[tilespmem:$0x17B00] =	vst v63  }
0x9f: {  	s29 =	simm.s32 $0x3600  }
0xa0: {  	[tilespmem:s29], [sflag:$0x1] =	stream.indirect.gather [hbm4b:s8+s22], $0x1, s23, s22, $0xb8;
	[tilespmem:$0x17B00] =	vst v63  }
0xa1: {  	s12 =	simm.s32 $0x1E80  }
0xa2: {  	[tilespmem:s12], [sflag:$0x1] =	stream.indirect.gather [hbm4b:s1+s22], $0x1, s11, s22, $0xb8;
	[tilespmem:$0x17B00] =	vst v63  }
0xa3: {  	s14 =	simm.s32 $0xE80;
	s16 =	simm.s32 $0x2680  }
0xa4: {  	[tilespmem:s16], [sflag:$0x1] =	stream.indirect.gather [hbm4b:s1+s22], $0x1, s14, s22, $0xb8;
	[tilespmem:$0x17B00] =	vst v63  }
0xa5: {  	s20 =	simm.s32 $0x2E80  }
0xa6: {  	[tilespmem:s20], [sflag:$0x1] =	stream.indirect.gather [hbm4b:s8+s22], $0x1, s11, s22, $0xb8;
	[tilespmem:$0x17B00] =	vst v63  }
0xa7: {  	s23 =	simm.s32 $0x3680  }
0xa8: {  	[tilespmem:s23], [sflag:$0x1] =	stream.indirect.gather [hbm4b:s8+s22], $0x1, s14, s22, $0xb8;
	[tilespmem:$0x17B00] =	vst v63  }
0xa9: {  	s25 =	simm.s32 $0x1F00  }
0xaa: {  	[tilespmem:s25], [sflag:$0x1] =	stream.indirect.gather [hbm4b:s1+s22], $0x1, s30, s22, $0xb8;
	[tilespmem:$0x17B00] =	vst v63  }
0xab: {  	s28 =	simm.s32 $0xF00;
	s29 =	simm.s32 $0x2700  }
0xac: {  	[tilespmem:s29], [sflag:$0x1] =	stream.indirect.gather [hbm4b:s1+s22], $0x1, s28, s22, $0xb8;
	[tilespmem:$0x17B00] =	vst v63  }
0xad: {  	s14 =	simm.s32 $0x2F00  }
0xae: {  	[tilespmem:s14], [sflag:$0x1] =	stream.indirect.gather [hbm4b:s8+s22], $0x1, s30, s22, $0xb8;
	[tilespmem:$0x17B00] =	vst v63  }
0xaf: {  	s16 =	simm.s32 $0x3700  }
0xb0: {  	[tilespmem:s16], [sflag:$0x1] =	stream.indirect.gather [hbm4b:s8+s22], $0x1, s28, s22, $0xb8;
	[tilespmem:$0x17B00] =	vst v63  }
0xb1: {  	s20 =	simm.s32 $0x1F80  }
0xb2: {  	[tilespmem:s20], [sflag:$0x1] =	stream.indirect.gather [hbm4b:s1+s22], $0x1, s31, s22, $0xb8;
	[tilespmem:$0x17B00] =	vst v63  }
0xb3: {  	s23 =	simm.s32 $0xF80;
	s25 =	simm.s32 $0x2780  }
0xb4: {  	[tilespmem:s25], [sflag:$0x1] =	stream.indirect.gather [hbm4b:s1+s22], $0x1, s23, s22, $0xb8;
	[tilespmem:$0x17B00] =	vst v63  }
0xb5: {  	s28 =	simm.s32 $0x2F80  }
0xb6: {  	[tilespmem:s28], [sflag:$0x1] =	stream.indirect.gather [hbm4b:s8+s22], $0x1, s31, s22, $0xb8;
	[tilespmem:$0x17B00] =	vst v63  }
0xb7: {  	s29 =	simm.s32 $0x3780  }
0xb8: {  	[tilespmem:s29], [sflag:$0x1] =	stream.indirect.gather [hbm4b:s8+s22], $0x1, s23, s22, $0xb8;
	[tilespmem:$0x17B00] =	vst v63  }
0xb9: {  	_ =	swait.ge [sflag:s4], $0x80  }
0xba: {  	[sflag:s4] =	ssyncset.done $0x0  }
0xbb: {  	[sflag:s4] =	ssyncadd.s32 $0xFFFFFF80  }
0xbc: {  	_ =	swait.ge [sflag:s4], $0x80  }
0xbd: {  	[sflag:s4] =	ssyncset.done $0x0  }
0xbe: {  	[sflag:s4] =	ssyncadd.s32 $0xFFFFFF80  }
0xbf: {  	_ =	swait.ge [sflag:s4], $0x80  }
0xc0: {  	[sflag:s4] =	ssyncset.done $0x0  }
0xc1: {  	[sflag:s4] =	ssyncadd.s32 $0xFFFFFF80  }
0xc2: {  	_ =	swait.ge [sflag:s4], $0x80  }
0xc3: {  	[sflag:s4] =	ssyncset.done $0x0  }
0xc4: {  	[sflag:s4] =	ssyncadd.s32 $0xFFFFFF80  }
0xc5: {  	_ =	swait.ge [sflag:s4], $0x80  }
0xc6: {  	[sflag:s4] =	ssyncset.done $0x0  }
0xc7: {  	[sflag:s4] =	ssyncadd.s32 $0xFFFFFF80  }
0xc8: {  	_ =	swait.ge [sflag:s4], $0x80  }
0xc9: {  	[sflag:s4] =	ssyncset.done $0x0  }
0xca: {  	[sflag:s4] =	ssyncadd.s32 $0xFFFFFF80  }
0xcb: {  	_ =	swait.ge [sflag:s4], $0x80  }
0xcc: {  	[sflag:s4] =	ssyncset.done $0x0  }
0xcd: {  	[sflag:s4] =	ssyncadd.s32 $0xFFFFFF80  }
0xce: {  	_ =	swait.ge [sflag:s4], $0x80  }
0xcf: {  	[sflag:s4] =	ssyncset.done $0x0  }
0xd0: {  	[sflag:s4] =	ssyncadd.s32 $0xFFFFFF80  }
0xd1: {  	_ =	swait.ge [sflag:s4], $0x80  }
0xd2: {  	[sflag:s4] =	ssyncset.done $0x0  }
0xd3: {  	[sflag:s4] =	ssyncadd.s32 $0xFFFFFF80  }
0xd4: {  	_ =	swait.ge [sflag:s4], $0x80  }
0xd5: {  	[sflag:s4] =	ssyncset.done $0x0  }
0xd6: {  	[sflag:s4] =	ssyncadd.s32 $0xFFFFFF80  }
0xd7: {  	_ =	swait.ge [sflag:s4], $0x80  }
0xd8: {  	[sflag:s4] =	ssyncset.done $0x0  }
0xd9: {  	[sflag:s4] =	ssyncadd.s32 $0xFFFFFF80  }
0xda: {  	_ =	swait.ge [sflag:s4], $0x80  }
0xdb: {  	[sflag:s4] =	ssyncset.done $0x0  }
0xdc: {  	[sflag:s4] =	ssyncadd.s32 $0xFFFFFF80  }
0xdd: {  	_ =	swait.ge [sflag:s4], $0x80  }
0xde: {  	[sflag:s4] =	ssyncset.done $0x0  }
0xdf: {  	[sflag:s4] =	ssyncadd.s32 $0xFFFFFF80  }
0xe0: {  	_ =	swait.ge [sflag:s4], $0x80  }
0xe1: {  	[sflag:s4] =	ssyncset.done $0x0  }
0xe2: {  	[sflag:s4] =	ssyncadd.s32 $0xFFFFFF80  }
0xe3: {  	_ =	swait.ge [sflag:s4], $0x80  }
0xe4: {  	[sflag:s4] =	ssyncset.done $0x0  }
0xe5: {  	[sflag:s4] =	ssyncadd.s32 $0xFFFFFF80  }
0xe6: {  	_ =	swait.ge [sflag:s4], $0x80  }
0xe7: {  	[sflag:s4] =	ssyncset.done $0x0  }
0xe8: {  	[sflag:s4] =	ssyncadd.s32 $0xFFFFFF80  }
0xe9: {  	_ =	swait.ge [sflag:s4], $0x80  }
0xea: {  	[sflag:s4] =	ssyncset.done $0x0  }
0xeb: {  	[sflag:s4] =	ssyncadd.s32 $0xFFFFFF80  }
0xec: {  	_ =	swait.ge [sflag:s4], $0x80  }
0xed: {  	[sflag:s4] =	ssyncset.done $0x0  }
0xee: {  	[sflag:s4] =	ssyncadd.s32 $0xFFFFFF80  }
0xef: {  	_ =	swait.ge [sflag:s4], $0x80  }
0xf0: {  	[sflag:s4] =	ssyncset.done $0x0  }
0xf1: {  	[sflag:s4] =	ssyncadd.s32 $0xFFFFFF80  }
0xf2: {  	_ =	swait.ge [sflag:s4], $0x80  }
0xf3: {  	[sflag:s4] =	ssyncset.done $0x0  }
0xf4: {  	[sflag:s4] =	ssyncadd.s32 $0xFFFFFF80  }
0xf5: {  	_ =	swait.ge [sflag:s4], $0x80  }
0xf6: {  	[sflag:s4] =	ssyncset.done $0x0  }
0xf7: {  	[sflag:s4] =	ssyncadd.s32 $0xFFFFFF80  }
0xf8: {  	_ =	swait.ge [sflag:s4], $0x80  }
0xf9: {  	[sflag:s4] =	ssyncset.done $0x0  }
0xfa: {  	[sflag:s4] =	ssyncadd.s32 $0xFFFFFF80  }
0xfb: {  	_ =	swait.ge [sflag:s4], $0x80  }
0xfc: {  	[sflag:s4] =	ssyncset.done $0x0  }
0xfd: {  	[sflag:s4] =	ssyncadd.s32 $0xFFFFFF80  }
0xfe: {  	_ =	swait.ge [sflag:s4], $0x80  }
0xff: {  	[sflag:s4] =	ssyncset.done $0x0  }
0x100: {  	[sflag:s4] =	ssyncadd.s32 $0xFFFFFF80  }
0x101: {  	_ =	swait.ge [sflag:s4], $0x80  }
0x102: {  	[sflag:s4] =	ssyncset.done $0x0  }
0x103: {  	[sflag:s4] =	ssyncadd.s32 $0xFFFFFF80  }
0x104: {  	_ =	swait.ge [sflag:s4], $0x80  }
0x105: {  	[sflag:s4] =	ssyncset.done $0x0  }
0x106: {  	[sflag:s4] =	ssyncadd.s32 $0xFFFFFF80  }
0x107: {  	_ =	swait.ge [sflag:s4], $0x80  }
0x108: {  	[sflag:s4] =	ssyncset.done $0x0  }
0x109: {  	[sflag:s4] =	ssyncadd.s32 $0xFFFFFF80  }
0x10a: {  	_ =	swait.ge [sflag:s4], $0x80  }
0x10b: {  	[sflag:s4] =	ssyncset.done $0x0  }
0x10c: {  	[sflag:s4] =	ssyncadd.s32 $0xFFFFFF80  }
0x10d: {  	_ =	swait.ge [sflag:s4], $0x80  }
0x10e: {  	[sflag:s4] =	ssyncset.done $0x0  }
0x10f: {  	[sflag:s4] =	ssyncadd.s32 $0xFFFFFF80  }
0x110: {  	_ =	swait.ge [sflag:s4], $0x80  }
0x111: {  	[sflag:s4] =	ssyncset.done $0x0  }
0x112: {  	[sflag:s4] =	ssyncadd.s32 $0xFFFFFF80  }
0x113: {  	_ =	swait.ge [sflag:s4], $0x80  }
0x114: {  	[sflag:s4] =	ssyncset.done $0x0  }
0x115: {  	[sflag:s4] =	ssyncadd.s32 $0xFFFFFF80  }
0x116: {  	_ =	swait.ge [sflag:s4], $0x80  }
0x117: {  	[sflag:s4] =	ssyncset.done $0x0  }
0x118: {  	[sflag:s4] =	ssyncadd.s32 $0xFFFFFF80  }
0x119: {  	_ =	swait.ge [sflag:s4], $0x80  }
0x11a: {  	[sflag:s4] =	ssyncset.done $0x0  }
0x11b: {  	[sflag:s4] =	ssyncadd.s32 $0xFFFFFF80  }
0x11c: {  	_ =	swait.ge [sflag:s4], $0x80  }
0x11d: {  	[sflag:s4] =	ssyncset.done $0x0  }
0x11e: {  	[sflag:s4] =	ssyncadd.s32 $0xFFFFFF80  }
0x11f: {  	_ =	swait.ge [sflag:s4], $0x80  }
0x120: {  	[sflag:s4] =	ssyncset.done $0x0  }
0x121: {  	[sflag:s4] =	ssyncadd.s32 $0xFFFFFF80  }
0x122: {  	_ =	swait.ge [sflag:s4], $0x80  }
0x123: {  	[sflag:s4] =	ssyncset.done $0x0  }
0x124: {  	[sflag:s4] =	ssyncadd.s32 $0xFFFFFF80  }
0x125: {  	_ =	swait.ge [sflag:s4], $0x80  }
0x126: {  	[sflag:s4] =	ssyncset.done $0x0  }
0x127: {  	[sflag:s4] =	ssyncadd.s32 $0xFFFFFF80  }
0x128: {  	_ =	swait.ge [sflag:s4], $0x80  }
0x129: {  	[sflag:s4] =	ssyncset.done $0x0  }
0x12a: {  	[sflag:s4] =	ssyncadd.s32 $0xFFFFFF80  }
0x12b: {  	_ =	swait.ge [sflag:s4], $0x80  }
0x12c: {  	[sflag:s4] =	ssyncset.done $0x0  }
0x12d: {  	[sflag:s4] =	ssyncadd.s32 $0xFFFFFF80  }
0x12e: {  	_ =	swait.ge [sflag:s4], $0x80  }
0x12f: {  	[sflag:s4] =	ssyncset.done $0x0  }
0x130: {  	[sflag:s4] =	ssyncadd.s32 $0xFFFFFF80  }
0x131: {  	_ =	swait.ge [sflag:s4], $0x80  }
0x132: {  	[sflag:s4] =	ssyncset.done $0x0  }
0x133: {  	[sflag:s4] =	ssyncadd.s32 $0xFFFFFF80  }
0x134: {  	_ =	swait.ge [sflag:s4], $0x80  }
0x135: {  	[sflag:s4] =	ssyncset.done $0x0  }
0x136: {  	[sflag:s4] =	ssyncadd.s32 $0xFFFFFF80  }
0x137: {  	_ =	swait.ge [sflag:s4], $0x80  }
0x138: {  	[sflag:s4] =	ssyncset.done $0x0  }
0x139: {  	[sflag:s4] =	ssyncadd.s32 $0xFFFFFF80  }
0x13a: {  	_ =	swait.ge [sflag:s4], $0x80  }
0x13b: {  	[sflag:s4] =	ssyncset.done $0x0  }
0x13c: {  	[sflag:s4] =	ssyncadd.s32 $0xFFFFFF80  }
0x13d: {  	_ =	swait.ge [sflag:s4], $0x80  }
0x13e: {  	[sflag:s4] =	ssyncset.done $0x0  }
0x13f: {  	[sflag:s4] =	ssyncadd.s32 $0xFFFFFF80  }
0x140: {  	_ =	swait.ge [sflag:s4], $0x80  }
0x141: {  	[sflag:s4] =	ssyncset.done $0x0  }
0x142: {  	[sflag:s4] =	ssyncadd.s32 $0xFFFFFF80  }
0x143: {  	_ =	swait.ge [sflag:s4], $0x80  }
0x144: {  	[sflag:s4] =	ssyncset.done $0x0  }
0x145: {  	[sflag:s4] =	ssyncadd.s32 $0xFFFFFF80  }
0x146: {  	_ =	swait.ge [sflag:s4], $0x80  }
0x147: {  	[sflag:s4] =	ssyncset.done $0x0  }
0x148: {  	[sflag:s4] =	ssyncadd.s32 $0xFFFFFF80  }
0x149: {  	_ =	swait.ge [sflag:s4], $0x80  }
0x14a: {  	[sflag:s4] =	ssyncset.done $0x0  }
0x14b: {  	[sflag:s4] =	ssyncadd.s32 $0xFFFFFF80  }
0x14c: {  	_ =	swait.ge [sflag:s4], $0x80  }
0x14d: {  	[sflag:s4] =	ssyncset.done $0x0  }
0x14e: {  	[sflag:s4] =	ssyncadd.s32 $0xFFFFFF80  }
0x14f: {  	_ =	swait.ge [sflag:s4], $0x80  }
0x150: {  	[sflag:s4] =	ssyncset.done $0x0  }
0x151: {  	[sflag:s4] =	ssyncadd.s32 $0xFFFFFF80  }
0x152: {  	_ =	swait.ge [sflag:s4], $0x80  }
0x153: {  	[sflag:s4] =	ssyncset.done $0x0  }
0x154: {  	[sflag:s4] =	ssyncadd.s32 $0xFFFFFF80  }
0x155: {  	_ =	swait.ge [sflag:s4], $0x80  }
0x156: {  	[sflag:s4] =	ssyncset.done $0x0  }
0x157: {  	[sflag:s4] =	ssyncadd.s32 $0xFFFFFF80  }
0x158: {  	_ =	swait.ge [sflag:s4], $0x80  }
0x159: {  	[sflag:s4] =	ssyncset.done $0x0  }
0x15a: {  	[sflag:s4] =	ssyncadd.s32 $0xFFFFFF80  }
0x15b: {  	_ =	swait.ge [sflag:s4], $0x80  }
0x15c: {  	[sflag:s4] =	ssyncset.done $0x0  }
0x15d: {  	[sflag:s4] =	ssyncadd.s32 $0xFFFFFF80  }
0x15e: {  	_ =	swait.ge [sflag:s4], $0x80  }
0x15f: {  	[sflag:s4] =	ssyncset.done $0x0  }
0x160: {  	[sflag:s4] =	ssyncadd.s32 $0xFFFFFF80  }
0x161: {  	_ =	swait.ge [sflag:s4], $0x80  }
0x162: {  	[sflag:s4] =	ssyncset.done $0x0  }
0x163: {  	[sflag:s4] =	ssyncadd.s32 $0xFFFFFF80  }
0x164: {  	_ =	swait.ge [sflag:s4], $0x80  }
0x165: {  	[sflag:s4] =	ssyncset.done $0x0  }
0x166: {  	[sflag:s4] =	ssyncadd.s32 $0xFFFFFF80  }
0x167: {  	_ =	swait.ge [sflag:s4], $0x80  }
0x168: {  	[sflag:s4] =	ssyncset.done $0x0  }
0x169: {  	[sflag:s4] =	ssyncadd.s32 $0xFFFFFF80  }
0x16a: {  	_ =	swait.ge [sflag:s4], $0x80  }
0x16b: {  	[sflag:s4] =	ssyncset.done $0x0  }
0x16c: {  	[sflag:s4] =	ssyncadd.s32 $0xFFFFFF80  }
0x16d: {  	_ =	swait.ge [sflag:s4], $0x80  }
0x16e: {  	[sflag:s4] =	ssyncset.done $0x0  }
0x16f: {  	[sflag:s4] =	ssyncadd.s32 $0xFFFFFF80  }
0x170: {  	_ =	swait.ge [sflag:s4], $0x80  }
0x171: {  	[sflag:s4] =	ssyncset.done $0x0  }
0x172: {  	[sflag:s4] =	ssyncadd.s32 $0xFFFFFF80  }
0x173: {  	_ =	swait.ge [sflag:s4], $0x80  }
0x174: {  	[sflag:s4] =	ssyncset.done $0x0  }
0x175: {  	[sflag:s4] =	ssyncadd.s32 $0xFFFFFF80  }
0x176: {  	_ =	swait.ge [sflag:s4], $0x80  }
0x177: {  	[sflag:s4] =	ssyncset.done $0x0  }
0x178: {  	s2 =	simm.s32 $0x0;
	[sflag:s4] =	ssyncadd.s32 $0xFFFFFF80  }
0x179: {  	v2 =	vld [tilespmem:s2+$0x1800]  }
0x17a: {  	s12 =	simm.s32 $0x40;
	v3 =	vld [tilespmem:s2+$0x2000]  }
.LBB2_5:
0x17b: {  	_ = 	snop  }
0x17c: {  	p0 =	sne.s32 s12, $0x1FC0  }
.Ltmp1:
0x17d: {  	_ = 	snop;
	(pc) =	sbr.rel @p0 .LBB2_5-.Ltmp1, $4  }
0x17e: {  	v4 =	vmul.u32 $0x57, v2  }
0x17f: {  	s14 =	sshra.s32 s12, $0x2  }
0x180: {  	v2 =	vld [tilespmem:s14+$0x1800];
	v4 =	vadd.s32 v3, v4  }
0x181: {  	s12 =	sadd.s32 $0x40, s12;
	v3 =	vld [tilespmem:s14+$0x2000];
	[tilespmem:s2+$0x3800] =	vst v4;
	s2 =	smov.u32 s14  }
0x182: {  	_ =	sdelay $0x2  }
0x183: {  	v2 =	vmul.u32 $0x57, v2;
	_ =	sdelay $0x1  }
0x184: {  	v2 =	vadd.s32 v3, v2  }
0x185: {  	s12 =	simm.s32 $0x3800;
	[tilespmem:s2+$0x3800] =	vst v2  }
0x186: {  	[tilespmem:s24], [sflag:$0x1] =	stream.indirect.gather [hbm4b:s9+s22], $0x20, s12, s22, $0xb8;
	[tilespmem:$0x17B00] =	vst v63  }
0x187: {  	s14 =	simm.s32 $0x3880;
	s12 =	simm.s32 $0x5000  }
0x188: {  	[tilespmem:s12], [sflag:$0x1] =	stream.indirect.gather [hbm4b:s9+s22], $0x20, s14, s22, $0xb8;
	[tilespmem:$0x17B00] =	vst v63  }
0x189: {  	s16 =	simm.s32 $0x3900;
	s20 =	simm.s32 $0x6000  }
0x18a: {  	[tilespmem:s20], [sflag:$0x1] =	stream.indirect.gather [hbm4b:s9+s22], $0x20, s16, s22, $0xb8;
	[tilespmem:$0x17B00] =	vst v63  }
0x18b: {  	s23 =	simm.s32 $0x3980;
	s25 =	simm.s32 $0x7000  }
0x18c: {  	[tilespmem:s25], [sflag:$0x1] =	stream.indirect.gather [hbm4b:s9+s22], $0x20, s23, s22, $0xb8;
	[tilespmem:$0x17B00] =	vst v63  }
0x18d: {  	s12 =	simm.s32 $0x3A00;
	s14 =	simm.s32 $0x8000  }
0x18e: {  	[tilespmem:s14], [sflag:$0x1] =	stream.indirect.gather [hbm4b:s9+s22], $0x20, s12, s22, $0xb8;
	[tilespmem:$0x17B00] =	vst v63  }
0x18f: {  	s16 =	simm.s32 $0x3A80;
	s20 =	simm.s32 $0x9000  }
0x190: {  	[tilespmem:s20], [sflag:$0x1] =	stream.indirect.gather [hbm4b:s9+s22], $0x20, s16, s22, $0xb8;
	[tilespmem:$0x17B00] =	vst v63  }
0x191: {  	s23 =	simm.s32 $0x3B00;
	s25 =	simm.s32 $0xA000  }
0x192: {  	[tilespmem:s25], [sflag:$0x1] =	stream.indirect.gather [hbm4b:s9+s22], $0x20, s23, s22, $0xb8;
	[tilespmem:$0x17B00] =	vst v63  }
0x193: {  	s12 =	simm.s32 $0x3B80;
	s14 =	simm.s32 $0xB000  }
0x194: {  	[tilespmem:s14], [sflag:$0x1] =	stream.indirect.gather [hbm4b:s9+s22], $0x20, s12, s22, $0xb8;
	[tilespmem:$0x17B00] =	vst v63  }
0x195: {  	s16 =	simm.s32 $0x3C00;
	s20 =	simm.s32 $0xC000  }
0x196: {  	[tilespmem:s20], [sflag:$0x1] =	stream.indirect.gather [hbm4b:s9+s22], $0x20, s16, s22, $0xb8;
	[tilespmem:$0x17B00] =	vst v63  }
0x197: {  	s23 =	simm.s32 $0x3C80;
	s25 =	simm.s32 $0xD000  }
0x198: {  	[tilespmem:s25], [sflag:$0x1] =	stream.indirect.gather [hbm4b:s9+s22], $0x20, s23, s22, $0xb8;
	[tilespmem:$0x17B00] =	vst v63  }
0x199: {  	s12 =	simm.s32 $0x3D00;
	s14 =	simm.s32 $0xE000  }
0x19a: {  	[tilespmem:s14], [sflag:$0x1] =	stream.indirect.gather [hbm4b:s9+s22], $0x20, s12, s22, $0xb8;
	[tilespmem:$0x17B00] =	vst v63  }
0x19b: {  	s16 =	simm.s32 $0x3D80;
	s20 =	simm.s32 $0xF000  }
0x19c: {  	[tilespmem:s20], [sflag:$0x1] =	stream.indirect.gather [hbm4b:s9+s22], $0x20, s16, s22, $0xb8;
	[tilespmem:$0x17B00] =	vst v63  }
0x19d: {  	s23 =	simm.s32 $0x3E00;
	s25 =	simm.s32 $0x10000  }
0x19e: {  	[tilespmem:s25], [sflag:$0x1] =	stream.indirect.gather [hbm4b:s9+s22], $0x20, s23, s22, $0xb8;
	[tilespmem:$0x17B00] =	vst v63  }
0x19f: {  	s12 =	simm.s32 $0x3E80;
	s14 =	simm.s32 $0x11000  }
0x1a0: {  	[tilespmem:s14], [sflag:$0x1] =	stream.indirect.gather [hbm4b:s9+s22], $0x20, s12, s22, $0xb8;
	[tilespmem:$0x17B00] =	vst v63  }
0x1a1: {  	s16 =	simm.s32 $0x3F00;
	s20 =	simm.s32 $0x12000  }
0x1a2: {  	[tilespmem:s20], [sflag:$0x1] =	stream.indirect.gather [hbm4b:s9+s22], $0x20, s16, s22, $0xb8;
	[tilespmem:$0x17B00] =	vst v63  }
0x1a3: {  	s23 =	simm.s32 $0x3F80;
	s25 =	simm.s32 $0x13000  }
0x1a4: {  	[tilespmem:s25], [sflag:$0x1] =	stream.indirect.gather [hbm4b:s9+s22], $0x20, s23, s22, $0xb8;
	[tilespmem:$0x17B00] =	vst v63  }
0x1a5: {  	_ =	swait.ge [sflag:s4], $0x1000  }
0x1a6: {  	[sflag:s4] =	ssyncset.done $0x0  }
0x1a7: {  	[sflag:s4] =	ssyncadd.s32 $0xFFFFF000  }
0x1a8: {  	_ =	swait.ge [sflag:s4], $0x1000  }
0x1a9: {  	[sflag:s4] =	ssyncset.done $0x0  }
0x1aa: {  	[sflag:s4] =	ssyncadd.s32 $0xFFFFF000  }
0x1ab: {  	_ =	swait.ge [sflag:s4], $0x1000  }
0x1ac: {  	[sflag:s4] =	ssyncset.done $0x0  }
0x1ad: {  	[sflag:s4] =	ssyncadd.s32 $0xFFFFF000  }
0x1ae: {  	_ =	swait.ge [sflag:s4], $0x1000  }
0x1af: {  	[sflag:s4] =	ssyncset.done $0x0  }
0x1b0: {  	[sflag:s4] =	ssyncadd.s32 $0xFFFFF000  }
0x1b1: {  	_ =	swait.ge [sflag:s4], $0x1000  }
0x1b2: {  	[sflag:s4] =	ssyncset.done $0x0  }
0x1b3: {  	[sflag:s4] =	ssyncadd.s32 $0xFFFFF000  }
0x1b4: {  	_ =	swait.ge [sflag:s4], $0x1000  }
0x1b5: {  	[sflag:s4] =	ssyncset.done $0x0  }
0x1b6: {  	[sflag:s4] =	ssyncadd.s32 $0xFFFFF000  }
0x1b7: {  	_ =	swait.ge [sflag:s4], $0x1000  }
0x1b8: {  	[sflag:s4] =	ssyncset.done $0x0  }
0x1b9: {  	[sflag:s4] =	ssyncadd.s32 $0xFFFFF000  }
0x1ba: {  	_ =	swait.ge [sflag:s4], $0x1000  }
0x1bb: {  	[sflag:s4] =	ssyncset.done $0x0  }
0x1bc: {  	[sflag:s4] =	ssyncadd.s32 $0xFFFFF000  }
0x1bd: {  	_ =	swait.ge [sflag:s4], $0x1000  }
0x1be: {  	[sflag:s4] =	ssyncset.done $0x0  }
0x1bf: {  	[sflag:s4] =	ssyncadd.s32 $0xFFFFF000  }
0x1c0: {  	_ =	swait.ge [sflag:s4], $0x1000  }
0x1c1: {  	[sflag:s4] =	ssyncset.done $0x0  }
0x1c2: {  	[sflag:s4] =	ssyncadd.s32 $0xFFFFF000  }
0x1c3: {  	_ =	swait.ge [sflag:s4], $0x1000  }
0x1c4: {  	[sflag:s4] =	ssyncset.done $0x0  }
0x1c5: {  	[sflag:s4] =	ssyncadd.s32 $0xFFFFF000  }
0x1c6: {  	_ =	swait.ge [sflag:s4], $0x1000  }
0x1c7: {  	[sflag:s4] =	ssyncset.done $0x0  }
0x1c8: {  	[sflag:s4] =	ssyncadd.s32 $0xFFFFF000  }
0x1c9: {  	_ =	swait.ge [sflag:s4], $0x1000  }
0x1ca: {  	[sflag:s4] =	ssyncset.done $0x0  }
0x1cb: {  	[sflag:s4] =	ssyncadd.s32 $0xFFFFF000  }
0x1cc: {  	_ =	swait.ge [sflag:s4], $0x1000  }
0x1cd: {  	[sflag:s4] =	ssyncset.done $0x0  }
0x1ce: {  	[sflag:s4] =	ssyncadd.s32 $0xFFFFF000  }
0x1cf: {  	_ =	swait.ge [sflag:s4], $0x1000  }
0x1d0: {  	[sflag:s4] =	ssyncset.done $0x0  }
0x1d1: {  	[sflag:s4] =	ssyncadd.s32 $0xFFFFF000  }
0x1d2: {  	_ =	swait.ge [sflag:s4], $0x1000  }
0x1d3: {  	[sflag:s4] =	ssyncset.done $0x0  }
0x1d4: {  	s29 =	simm.s32 $0x2000;
	[sflag:s4] =	ssyncadd.s32 $0xFFFFF000  }
0x1d5: {  	s16 =	simm.s32 $0x1800;
	v6 =	vld [tilespmem:s29+$0x0]  }
0x1d6: {  	v4 =	vld [tilespmem:s16+$0x0];
	_ =	sdelay $0x3  }
0x1d7: {  	s23 =	simm.s32 $0x1000;
	v3 =	vmul.u32 $0x5, v6  }
0x1d8: {  	s14 =	simm.s32 $0x3000;
	v2 =	vld [tilespmem:s23+$0x0];
	v7 =	vmul.u32 $0x5, v4  }
0x1d9: {  	s20 =	simm.s32 $0x2800;
	v8 =	vld [tilespmem:s14+$0x0]  }
0x1da: {  	v14 =	vld [tilespmem:s20+$0x0];
	v5 =	vadd.s32 $0x2, v3  }
0x1db: {  	v9 =	vadd.s32 $0x3, v3;
	v6 =	vld.idx.msk [tilespmem:v6+s18+$0x0], $0xffff  }
0x1dc: {  	v10 =	vadd.s32 $0x1, v7;
	v4 =	vld.idx.msk [tilespmem:v4+s18+$0x0], $0xffff  }
0x1dd: {  	v12 =	vadd.s32 $0x1, v3;
	v11 =	vld.idx.msk [tilespmem:v3+s19+$0x0], $0xffff  }
0x1de: {  	s25 =	simm.s32 $0x0;
	v2 =	vmul.f32 $1.889725920e+00, v2;
	v15 =	vadd.s32 $0x4, v3;
	v42 =	vld.idx.msk [tilespmem:v7+s19+$0x0], $0xffff  }
0x1df: {  	v17 =	vmov s25;
	v16 =	vadd.s32 $0x2, v7;
	v5 =	vld.idx.msk [tilespmem:v5+s19+$0x0], $0xffff  }
0x1e0: {  	v17 =	vshll.u32 v17, $0x5;
	v2 =	vmul.f32 v2, v2;
	v18 =	vadd.s32 $0x3, v7;
	v9 =	vld.idx.msk [tilespmem:v9+s19+$0x0], $0xffff  }
0x1e1: {  	v17 =	vor.u32 v1, v17;
	v10 =	vld.idx.msk [tilespmem:v10+s19+$0x0], $0xffff  }
0x1e2: {  	v19 =	vor.u32 $0x8, v17;
	v20 =	vor.u32 $0x11, v17;
	v13 =	vmul.f32 v2, v2;
	v12 =	vld.idx.msk [tilespmem:v12+s19+$0x0], $0xffff  }
0x1e3: {  	v22 =	vor.u32 $0x10, v17;
	v24 =	vor.u32 $0xD, v17;
	v25 =	vor.u32 $0x14, v17;
	v15 =	vld.idx.msk [tilespmem:v15+s19+$0x0], $0xffff  }
0x1e4: {  	v26 =	vor.u32 $0xB, v17;
	v43 =	vor.u32 $0x6, v17;
	v3 =	vmul.f32 v13, v2;
	v16 =	vld.idx.msk [tilespmem:v16+s19+$0x0], $0xffff  }
0x1e5: {  	v7 =	vadd.s32 $0x4, v7;
	v18 =	vld.idx.msk [tilespmem:v18+s19+$0x0], $0xffff;
	v11 =	vsub.f32 v8, v11;
	v13 =	vsub.f32 v14, v42  }
0x1e6: {  	v4 =	vmul.f32 v6, v4;
	v21 =	vsub.f32 v8, v5;
	v9 =	vsub.f32 v8, v9  }
0x1e7: {  	v10 =	vsub.f32 v14, v10;
	v12 =	vsub.f32 v8, v12;
	v23 =	vmul.f32 $-4.000000000e+00, v11  }
0x1e8: {  	v8 =	vsub.f32 v8, v15;
	v33 =	vmul.f32 $-4.000000000e+00, v13;
	v27 =	vmul.f32 $-4.000000000e+00, v21  }
0x1e9: {  	v16 =	vsub.f32 v14, v16;
	v28 =	vmul.f32 $-4.000000000e+00, v9;
	v44 =	vmul.f32 $-4.000000000e+00, v10  }
0x1ea: {  	v18 =	vsub.f32 v14, v18;
	v45 =	vmul.f32 $-4.000000000e+00, v12;
	v30 =	vmul.f32 $-4.000000000e+00, v8  }
0x1eb: {  	v29 =	vor.u32 $0x1, v17;
	v52 =	vmul.f32 $-4.000000000e+00, v16;
	v11 =	vmul.f32 v23, v11  }
0x1ec: {  	v46 =	vor.u32 $0xA, v17;
	v60 =	vmul.f32 $-4.000000000e+00, v18;
	v13 =	vmul.f32 v33, v13  }
0x1ed: {  	v48 =	vor.u32 $0x2, v17;
	v7 =	vld.idx.msk [tilespmem:v7+s19+$0x0], $0xffff;
	v21 =	vmul.f32 v27, v21;
	v11 =	vmul.f32 $1.442695020e+00, v11  }
0x1ee: {  	v49 =	vor.u32 $0x7, v17;
	v12 =	vmul.f32 v45, v12;
	v9 =	vmul.f32 v28, v9  }
0x1ef: {  	v51 =	vor.u32 $0xF, v17;
	v47 =	vld.idx.msk [tilespmem:v22+s24+$0x0], $0xffff;
	v21 =	vmul.f32 $1.442695020e+00, v21;
	(erf) = vpow2.f32 v11  }
0x1f0: {  	v31 =	vor.u32 $0x5, v17;
	v25 =	vld.idx.msk [tilespmem:v25+s24+$0x0], $0xffff;
	v8 =	vmul.f32 v30, v8;
	v10 =	vmul.f32 v44, v10  }
0x1f1: {  	v54 =	vor.u32 $0xC, v17;
	v50 =	vld.idx.msk [tilespmem:v17+s24+$0x0], $0xffff;
	v12 =	vmul.f32 $1.442695020e+00, v12;
	(erf) = vpow2.f32 v21  }
0x1f2: {  	v53 =	vld.idx.msk [tilespmem:v48+s24+$0x0], $0xffff;
	v16 =	vmul.f32 v52, v16;
	v7 =	vsub.f32 v14, v7;
	v18 =	vmul.f32 v60, v18  }
0x1f3: {  	v32 =	vor.u32 $0x3, v17;
	v13 =	vmul.f32 $1.442695020e+00, v13;
	v11 =	vld.idx.msk [tilespmem:v20+s24+$0x0], $0xffff;
	(erf) = vpow2.f32 v12  }
0x1f4: {  	v55 =	vor.u32 $0x16, v17;
	v8 =	vmul.f32 $1.442695020e+00, v8;
	v33 =	vmul.f32 $-4.000000000e+00, v7;
	v20 =	vld.idx.msk [tilespmem:v46+s24+$0x0], $0xffff  }
0x1f5: {  	v34 =	vor.u32 $0x15, v17;
	v31 =	vld.idx.msk [tilespmem:v31+s24+$0x0], $0xffff;
	v10 =	vmul.f32 $1.442695020e+00, v10;
	v9 =	vmul.f32 $1.442695020e+00, v9  }
0x1f6: {  	v56 =	vor.u32 $0x4, v17;
	v28 =	vld.idx.msk [tilespmem:v51+s24+$0x0], $0xffff;
	v18 =	vmul.f32 $1.442695020e+00, v18;
	v7 =	vmul.f32 v33, v7  }
0x1f7: {  	v35 =	vor.u32 $0xE, v17;
	v22 =	vld.idx.msk [tilespmem:v54+s24+$0x0], $0xffff;
	(erf) = vpow2.f32 v10;
	v10 =	vmul.f32 $1.442695020e+00, v16  }
0x1f8: {  	v36 =	vor.u32 $0x9, v17;
	v27 =	vld.idx.msk [tilespmem:v49+s24+$0x0], $0xffff;
	v7 =	vmul.f32 $1.442695020e+00, v7;
	v57 =	vpop (erf);
	(erf) = vpow2.f32 v9  }
0x1f9: {  	v37 =	vor.u32 $0x13, v17;
	v58 =	vld.idx.msk [tilespmem:v43+s24+$0x0], $0xffff;
	v15 =	vmul.f32 v50, v57;
	v20 =	vmul.f32 v20, v57  }
0x1fa: {  	v39 =	vor.u32 $0x18, v17;
	v29 =	vld.idx.msk [tilespmem:v29+s24+$0x0], $0xffff;
	v38 =	vpop (erf);
	v25 =	vmul.f32 v25, v57;
	(erf) = vpow2.f32 v13  }
0x1fb: {  	v61 =	vld.idx.msk [tilespmem:v26+s24+$0x0], $0xffff;
	v5 =	vor.u32 $0x12, v17;
	v62 =	vmul.f32 v31, v57;
	v28 =	vmul.f32 v28, v57  }
0x1fc: {  	v40 =	vadd.f32 $0.0e+00, v57;
	v9 =	vmul.f32 v53, v38;
	v63 =	vpop (erf);
	(erf) = vpow2.f32 v8  }
0x1fd: {  	v17 =	vor.u32 $0x17, v17;
	v59 =	vmul.f32 v27, v38;
	v8 =	vmul.f32 v11, v38  }
0x1fe: {  	v19 =	vld.idx.msk [tilespmem:v19+s24+$0x0], $0xffff;
	v22 =	vmul.f32 v22, v38;
	v11 =	vadd.f32 v63, v40;
	v14 =	vadd.f32 $0.0e+00, v62  }
0x1ff: {  	v24 =	vld.idx.msk [tilespmem:v24+s24+$0x0], $0xffff;
	v12 =	vmul.f32 v58, v63;
	v20 =	vadd.f32 $0.0e+00, v20;
	(erf) = vpow2.f32 v10  }
0x200: {  	v41 =	vld.idx.msk [tilespmem:v35+s24+$0x0], $0xffff;
	v29 =	vmul.f32 v29, v63;
	v15 =	vadd.f32 $0.0e+00, v15;
	v13 =	vmul.f32 v61, v63  }
0x201: {  	v52 =	vld.idx.msk [tilespmem:v34+s24+$0x0], $0xffff;
	v28 =	vadd.f32 $0.0e+00, v28;
	v25 =	vadd.f32 $0.0e+00, v25;
	v10 =	vpop (erf);
	(erf) = vpow2.f32 v18  }
0x202: {  	v40 =	vld.idx.msk [tilespmem:v32+s24+$0x0], $0xffff;
	v44 =	vmul.f32 v47, v63;
	v15 =	vadd.f32 v29, v15;
	v13 =	vadd.f32 v13, v20  }
0x203: {  	v54 =	vld.idx.msk [tilespmem:v55+s24+$0x0], $0xffff;
	v12 =	vadd.f32 v12, v14;
	v11 =	vadd.f32 v38, v11;
	v43 =	vpop (erf);
	(erf) = vpow2.f32 v7  }
0x204: {  	v16 =	vld.idx.msk [tilespmem:v56+s24+$0x0], $0xffff;
	v14 =	vadd.f32 v44, v28;
	v13 =	vadd.f32 v22, v13;
	v45 =	vpop (erf);
	v47 =	vmul.f32 v24, v43  }
0x205: {  	v42 =	vld.idx.msk [tilespmem:v36+s24+$0x0], $0xffff;
	v58 =	vmul.f32 $7.428765890e-01, v4;
	v9 =	vadd.f32 v9, v15;
	v48 =	vpop (erf);
	v49 =	vadd.f32 $0.0e+00, v45  }
0x206: {  	v17 =	vld.idx.msk [tilespmem:v17+s24+$0x0], $0xffff;
	v12 =	vadd.f32 v59, v12;
	v7 =	vmul.f32 v41, v48;
	v13 =	vadd.f32 v47, v13  }
0x207: {  	v59 =	vmul.f32 v52, v63;
	v46 =	vmul.f32 v40, v43;
	v55 =	vadd.f32 v10, v49  }
0x208: {  	v57 =	vld.idx.msk [tilespmem:v5+s24+$0x0], $0xffff;
	v15 =	vmul.f32 v54, v38;
	v19 =	vmul.f32 v19, v43;
	v56 =	vpop (erf);
	v5 =	vadd.f32 v7, v13  }
0x209: {  	v9 =	vadd.f32 v46, v9;
	v50 =	vmul.f32 v48, v16;
	v7 =	vadd.f32 v56, v55  }
0x20a: {  	v11 =	vadd.f32 v43, v11;
	v53 =	vmul.f32 v42, v48;
	v6 =	vadd.f32 v19, v12;
	v60 =	vpop (erf)  }
0x20b: {  	v63 =	vmul.f32 v17, v43;
	v9 =	vadd.f32 v50, v9;
	v7 =	vadd.f32 v60, v7  }
0x20c: {  	v51 =	vld.idx.msk [tilespmem:v37+s24+$0x0], $0xffff;
	v6 =	vadd.f32 v53, v6;
	v13 =	vadd.f32 $4.440700050e+00, v58;
	v12 =	vmul.f32 v5, v56;
	v5 =	vpop (erf)  }
0x20d: {  	v11 =	vadd.f32 v48, v11;
	v9 =	vmul.f32 v9, v45;
	v7 =	vadd.f32 v5, v7  }
0x20e: {  	v61 =	vadd.f32 v59, v25;
	v6 =	vmul.f32 v6, v10;
	v10 =	vld.idx.msk [tilespmem:v39+s24+$0x0], $0xffff;
	v13 =	vmul.f32 v13, v13  }
0x20f: {  	v8 =	vadd.f32 v8, v14;
	v19 =	vmul.f32 v57, v43;
	v7 =	vmul.f32 v11, v7  }
0x210: {  	v14 =	vadd.f32 v15, v61;
	v9 =	vadd.f32 $0.0e+00, v9;
	v62 =	vmul.f32 v13, v13  }
0x211: {  	v16 =	vmul.f32 v51, v48;
	v8 =	vadd.f32 v19, v8;
	(erf) = vrcp.f32 v7  }
0x212: {  	v6 =	vadd.f32 v6, v9;
	v11 =	vmul.f32 v62, v13  }
0x213: {  	v14 =	vadd.f32 v63, v14;
	v8 =	vadd.f32 v16, v8;
	v10 =	vmul.f32 v10, v48  }
0x214: {  	s28 =	simm.s32 $0x14010;
	s2 =	simm.s32 $0x2810;
	v2 =	vmul.f32 v3, v2;
	v6 =	vadd.f32 v12, v6;
	v9 =	vmul.f32 v11, v13  }
0x215: {  	s12 =	simm.s32 $0x3010;
	s25 =	simm.s32 $0x14000;
	s20 =	simm.s32 $0x10;
	v3 =	vadd.f32 v11, v3;
	v7 =	vmul.f32 v8, v60;
	v8 =	vadd.f32 v10, v14  }
.LBB2_7:
0x216: {  	v2 =	vadd.f32 v9, v2;
	s16 =	sadd.s32 $0x10, s16;
	s29 =	sadd.s32 $0x10, s29;
	s23 =	sadd.s32 $0x10, s23  }
0x217: {  	p0 =	sne.s32 s20, $0x7F0;
	s14 =	smov.u32 s20;
	s20 =	sadd.s32 $0x10, s20;
	v6 =	vadd.f32 v7, v6;
	v7 =	vmul.f32 v8, v5  }
0x218: {  	(erf) = vrcp.f32 v2  }
0x219: {  	v2 =	vadd.f32 v7, v6  }
0x21a: {  	v5 =	vpop (erf);
	(erf) = vrcp.f32 v3  }
0x21b: {  	v2 =	vmul.f32 v2, v5;
	_ =	sdelay $0x2  }
0x21c: {  	v5 =	vmul.f32 v4, v4;
	v3 =	vmul.f32 $3.000000000e+00, v2;
	_ =	sdelay $0x1  }
0x21d: {  	v3 =	vmul.f32 v3, v5  }
0x21e: {  	v4 =	vpop (erf)  }
0x21f: {  	v3 =	vmul.f32 v4, v3  }
0x220: {  	v4 =	vpop (erf)  }
0x221: {  	v2 =	vmul.f32 v4, v2;
	v3 =	vmul.f32 $7.875000230e-01, v3;
	_ =	sdelay $0x1  }
0x222: {  	v2 =	vadd.f32 v3, v2;
	_ =	sdelay $0x1  }
0x223: {  	v2 =	vmul.f32 $-5.000000000e-01, v2;
	_ =	sdelay $0x1  }
0x224: {  	[tilespmem:s25+$0x0] =	vst v2;
	s25 =	smov.u32 s28  }
0x225: {  	v5 =	vld [tilespmem:s29+$0x0]  }
0x226: {  	v2 =	vld [tilespmem:s23+$0x0]  }
0x227: {  	v4 =	vld [tilespmem:s16+$0x0];
	_ =	sdelay $0x2  }
0x228: {  	v3 =	vmul.u32 $0x5, v5  }
0x229: {  	v2 =	vmul.f32 $1.889725920e+00, v2  }
0x22a: {  	v7 =	vmul.u32 $0x5, v4;
	v8 =	vadd.s32 $0x1, v3;
	v9 =	vadd.s32 $0x2, v3  }
0x22b: {  	v11 =	vadd.s32 $0x3, v3;
	v10 =	vld [tilespmem:s12+$0x0];
	v2 =	vmul.f32 v2, v2  }
0x22c: {  	v6 =	vld [tilespmem:s2+$0x0];
	v12 =	vadd.s32 $0x1, v7;
	v13 =	vadd.s32 $0x2, v7;
	v14 =	vadd.s32 $0x3, v7  }
0x22d: {  	v15 =	vadd.s32 $0x4, v7;
	v16 =	vmul.f32 v2, v2  }
0x22e: {  	v17 =	vld.idx.msk [tilespmem:v3+s19+$0x0], $0xffff  }
0x22f: {  	v18 =	vadd.s32 $0x4, v3;
	v9 =	vld.idx.msk [tilespmem:v9+s19+$0x0], $0xffff;
	v3 =	vmul.f32 v16, v2  }
0x230: {  	v11 =	vld.idx.msk [tilespmem:v11+s19+$0x0], $0xffff  }
0x231: {  	v16 =	vmov s14;
	v7 =	vld.idx.msk [tilespmem:v7+s19+$0x0], $0xffff;
	v2 =	vmul.f32 v3, v2  }
0x232: {  	v16 =	vshll.u32 v16, $0x5;
	v8 =	vld.idx.msk [tilespmem:v8+s19+$0x0], $0xffff  }
0x233: {  	v16 =	vor.u32 v1, v16;
	v12 =	vld.idx.msk [tilespmem:v12+s19+$0x0], $0xffff  }
0x234: {  	v19 =	vor.u32 $0x8, v16;
	v20 =	vor.u32 $0x11, v16;
	v17 =	vsub.f32 v10, v17;
	v18 =	vld.idx.msk [tilespmem:v18+s19+$0x0], $0xffff  }
0x235: {  	v21 =	vor.u32 $0x10, v16;
	v22 =	vor.u32 $0x12, v16;
	v9 =	vsub.f32 v10, v9  }
0x236: {  	v24 =	vor.u32 $0xD, v16;
	v25 =	vor.u32 $0x14, v16;
	v23 =	vmul.f32 $-4.000000000e+00, v17;
	v13 =	vld.idx.msk [tilespmem:v13+s19+$0x0], $0xffff  }
0x237: {  	v26 =	vor.u32 $0xB, v16;
	v11 =	vsub.f32 v10, v11;
	v7 =	vsub.f32 v6, v7  }
0x238: {  	v27 =	vor.u32 $0x6, v16;
	v17 =	vmul.f32 v23, v17;
	v23 =	vmul.f32 $-4.000000000e+00, v9  }
0x239: {  	v8 =	vsub.f32 v10, v8;
	v28 =	vmul.f32 $-4.000000000e+00, v11;
	v12 =	vsub.f32 v6, v12;
	v20 =	vld.idx.msk [tilespmem:v20+s24+$0x0], $0xffff  }
0x23a: {  	v17 =	vmul.f32 $1.442695020e+00, v17;
	v9 =	vmul.f32 v23, v9;
	v10 =	vsub.f32 v10, v18;
	v18 =	vld.idx.msk [tilespmem:v21+s24+$0x0], $0xffff  }
0x23b: {  	v29 =	vor.u32 $0x1, v16;
	v23 =	vmul.f32 $-4.000000000e+00, v8;
	v21 =	vmul.f32 $-4.000000000e+00, v12;
	v25 =	vld.idx.msk [tilespmem:v25+s24+$0x0], $0xffff  }
0x23c: {  	v30 =	vor.u32 $0xA, v16;
	v13 =	vsub.f32 v6, v13;
	v9 =	vmul.f32 $1.442695020e+00, v9;
	v26 =	vld.idx.msk [tilespmem:v26+s24+$0x0], $0xffff  }
0x23d: {  	v32 =	vor.u32 $0x2, v16;
	v31 =	vmul.f32 $-4.000000000e+00, v10;
	v27 =	vld.idx.msk [tilespmem:v27+s24+$0x0], $0xffff;
	(erf) = vpow2.f32 v17  }
0x23e: {  	v8 =	vmul.f32 v23, v8;
	v23 =	vor.u32 $0x7, v16;
	v17 =	vld.idx.msk [tilespmem:v16+s24+$0x0], $0xffff;
	(erf) = vpow2.f32 v9  }
0x23f: {  	v11 =	vmul.f32 v28, v11;
	v10 =	vmul.f32 v31, v10;
	v9 =	vld.idx.msk [tilespmem:v14+s19+$0x0], $0xffff;
	v14 =	vor.u32 $0xF, v16  }
0x240: {  	v28 =	vor.u32 $0x3, v16;
	v12 =	vmul.f32 v21, v12;
	v8 =	vmul.f32 $1.442695020e+00, v8;
	v21 =	vld.idx.msk [tilespmem:v29+s24+$0x0], $0xffff  }
0x241: {  	v31 =	vor.u32 $0x5, v16;
	v10 =	vmul.f32 $1.442695020e+00, v10;
	v29 =	vmul.f32 $-4.000000000e+00, v13;
	v30 =	vld.idx.msk [tilespmem:v30+s24+$0x0], $0xffff  }
0x242: {  	v33 =	vor.u32 $0xC, v16;
	v11 =	vmul.f32 $1.442695020e+00, v11;
	v12 =	vmul.f32 $1.442695020e+00, v12;
	v32 =	vld.idx.msk [tilespmem:v32+s24+$0x0], $0xffff  }
0x243: {  	v13 =	vmul.f32 v29, v13;
	v29 =	vor.u32 $0x16, v16;
	v23 =	vld.idx.msk [tilespmem:v23+s24+$0x0], $0xffff;
	(erf) = vpow2.f32 v8  }
0x244: {  	v34 =	vor.u32 $0x15, v16;
	v8 =	vmul.f32 $-4.000000000e+00, v7;
	v14 =	vld.idx.msk [tilespmem:v14+s24+$0x0], $0xffff;
	(erf) = vpow2.f32 v12  }
0x245: {  	v35 =	vor.u32 $0xE, v16;
	v12 =	vmul.f32 $1.442695020e+00, v13;
	v13 =	vld.idx.msk [tilespmem:v15+s19+$0x0], $0xffff;
	v15 =	vor.u32 $0x4, v16  }
0x246: {  	v7 =	vmul.f32 v8, v7;
	v8 =	vsub.f32 v6, v9;
	v9 =	vld.idx.msk [tilespmem:v31+s24+$0x0], $0xffff;
	v31 =	vor.u32 $0x9, v16;
	v36 =	vpop (erf)  }
0x247: {  	v37 =	vor.u32 $0x13, v16;
	v17 =	vmul.f32 v17, v36;
	v30 =	vmul.f32 v30, v36;
	v33 =	vld.idx.msk [tilespmem:v33+s24+$0x0], $0xffff;
	v38 =	vpop (erf)  }
0x248: {  	v39 =	vor.u32 $0x18, v16;
	v7 =	vmul.f32 $1.442695020e+00, v7;
	v29 =	vld.idx.msk [tilespmem:v29+s24+$0x0], $0xffff;
	(erf) = vpow2.f32 v11  }
0x249: {  	v16 =	vor.u32 $0x17, v16;
	v11 =	vmul.f32 v32, v38;
	v23 =	vmul.f32 v23, v38;
	v32 =	vld.idx.msk [tilespmem:v34+s24+$0x0], $0xffff  }
0x24a: {  	v25 =	vmul.f32 v25, v36;
	v34 =	vmul.f32 $-4.000000000e+00, v8;
	v5 =	vld.idx.msk [tilespmem:v5+s18+$0x0], $0xffff  }
0x24b: {  	v40 =	vadd.f32 $0.0e+00, v36;
	v6 =	vsub.f32 v6, v13;
	v13 =	vld.idx.msk [tilespmem:v31+s24+$0x0], $0xffff;
	(erf) = vpow2.f32 v7  }
0x24c: {  	v7 =	vmul.f32 v9, v36;
	v9 =	vld.idx.msk [tilespmem:v19+s24+$0x0], $0xffff;
	v19 =	vmul.f32 v20, v38;
	v20 =	vpop (erf)  }
0x24d: {  	v14 =	vmul.f32 v14, v36;
	v31 =	vadd.f32 v20, v40;
	v22 =	vld.idx.msk [tilespmem:v22+s24+$0x0], $0xffff;
	v36 =	vpop (erf);
	(erf) = vpow2.f32 v10  }
0x24e: {  	v33 =	vmul.f32 v33, v38;
	v10 =	vmul.f32 $-4.000000000e+00, v6;
	v7 =	vadd.f32 $0.0e+00, v7;
	v24 =	vld.idx.msk [tilespmem:v24+s24+$0x0], $0xffff  }
0x24f: {  	v30 =	vadd.f32 $0.0e+00, v30;
	v8 =	vmul.f32 v34, v8;
	v27 =	vmul.f32 v27, v20;
	v28 =	vld.idx.msk [tilespmem:v28+s24+$0x0], $0xffff  }
0x250: {  	v14 =	vadd.f32 $0.0e+00, v14;
	v6 =	vmul.f32 v10, v6;
	v10 =	vmul.f32 v21, v20;
	v21 =	vld.idx.msk [tilespmem:v35+s24+$0x0], $0xffff  }
0x251: {  	v17 =	vadd.f32 $0.0e+00, v17;
	v25 =	vadd.f32 $0.0e+00, v25;
	v15 =	vld.idx.msk [tilespmem:v15+s24+$0x0], $0xffff;
	(erf) = vpow2.f32 v12;
	v12 =	vpop (erf)  }
0x252: {  	v8 =	vmul.f32 $1.442695020e+00, v8;
	v26 =	vmul.f32 v26, v20;
	v7 =	vadd.f32 v27, v7;
	v27 =	vld.idx.msk [tilespmem:v37+s24+$0x0], $0xffff  }
0x253: {  	v34 =	vmul.f32 $1.442695020e+00, v6;
	v10 =	vadd.f32 v10, v17;
	v17 =	vmul.f32 v18, v20;
	v18 =	vld.idx.msk [tilespmem:v39+s24+$0x0], $0xffff  }
0x254: {  	v26 =	vadd.f32 v26, v30;
	v24 =	vmul.f32 v24, v12;
	v4 =	vld.idx.msk [tilespmem:v4+s18+$0x0], $0xffff;
	v30 =	vpop (erf);
	(erf) = vpow2.f32 v8  }
0x255: {  	v9 =	vmul.f32 v9, v12;
	v8 =	vadd.f32 v11, v10;
	v10 =	vmul.f32 v28, v12  }
0x256: {  	v26 =	vadd.f32 v33, v26;
	v11 =	vadd.f32 $0.0e+00, v30;
	(erf) = vpow2.f32 v34;
	v6 =	vpop (erf)  }
0x257: {  	v8 =	vadd.f32 v10, v8;
	v10 =	vmul.f32 v6, v15;
	v15 =	vmul.f32 v21, v6  }
0x258: {  	v7 =	vadd.f32 v23, v7;
	v13 =	vmul.f32 v13, v6;
	v21 =	vmul.f32 v27, v6  }
0x259: {  	v18 =	vmul.f32 v18, v6;
	v8 =	vadd.f32 v10, v8;
	v10 =	vadd.f32 v24, v26  }
0x25a: {  	v7 =	vadd.f32 v9, v7;
	v11 =	vadd.f32 v36, v11;
	v4 =	vmul.f32 v5, v4;
	v5 =	vpop (erf)  }
0x25b: {  	v9 =	vadd.f32 v38, v31;
	v8 =	vmul.f32 v8, v30;
	v10 =	vadd.f32 v15, v10  }
0x25c: {  	v7 =	vadd.f32 v13, v7;
	v11 =	vadd.f32 v5, v11;
	v13 =	vmul.f32 $7.428765890e-01, v4  }
0x25d: {  	v14 =	vadd.f32 v17, v14;
	v15 =	vmul.f32 v32, v20;
	v8 =	vadd.f32 $0.0e+00, v8;
	v17 =	vpop (erf)  }
0x25e: {  	v9 =	vadd.f32 v12, v9;
	v20 =	vmul.f32 v29, v38;
	v11 =	vadd.f32 v17, v11;
	v16 =	vld.idx.msk [tilespmem:v16+s24+$0x0], $0xffff  }
0x25f: {  	v7 =	vmul.f32 v7, v36;
	v10 =	vmul.f32 v10, v5;
	v13 =	vadd.f32 $4.440700050e+00, v13;
	v5 =	vpop (erf)  }
0x260: {  	v6 =	vadd.f32 v6, v9;
	v9 =	vmul.f32 v22, v12;
	v11 =	vadd.f32 v5, v11  }
0x261: {  	v7 =	vadd.f32 v7, v8;
	v8 =	vadd.f32 v19, v14;
	v13 =	vmul.f32 v13, v13  }
0x262: {  	v14 =	vadd.f32 v15, v25;
	v11 =	vmul.f32 v6, v11  }
0x263: {  	v6 =	vadd.f32 v10, v7;
	v7 =	vadd.f32 v9, v8;
	v8 =	vmul.f32 v13, v13  }
.Ltmp2:
0x264: {  	v9 =	vadd.f32 v20, v14;
	v10 =	vmul.f32 v16, v12;
	(erf) = vrcp.f32 v11;
	(pc) =	sbr.rel @p0 .LBB2_7-.Ltmp2, $4  }
0x265: {  	v7 =	vadd.f32 v21, v7;
	v8 =	vmul.f32 v8, v13  }
0x266: {  	v10 =	vadd.f32 v10, v9  }
0x267: {  	v9 =	vmul.f32 v8, v13;
	v3 =	vadd.f32 v8, v3  }
0x268: {  	s28 =	sadd.s32 $0x10, s28;
	s12 =	sadd.s32 $0x10, s12;
	s2 =	sadd.s32 $0x10, s2;
	v7 =	vmul.f32 v7, v17;
	v8 =	vadd.f32 v18, v10  }
0x269: {  	v2 =	vadd.f32 v9, v2;
	_ =	sdelay $0x1  }
0x26a: {  	v6 =	vadd.f32 v7, v6;
	v5 =	vmul.f32 v8, v5;
	(erf) = vrcp.f32 v2;
	_ =	sdelay $0x1  }
0x26b: {  	v2 =	vadd.f32 v5, v6;
	(erf) = vrcp.f32 v3  }
0x26c: {  	v3 =	vpop (erf)  }
0x26d: {  	v2 =	vmul.f32 v2, v3;
	_ =	sdelay $0x1  }
0x26e: {  	v4 =	vmul.f32 v4, v4;
	v3 =	vmul.f32 $3.000000000e+00, v2;
	_ =	sdelay $0x1  }
0x26f: {  	v3 =	vmul.f32 v3, v4  }
0x270: {  	v62 =	vpop (erf)  }
0x271: {  	v3 =	vmul.f32 v62, v3  }
0x272: {  	v63 =	vpop (erf)  }
0x273: {  	v2 =	vmul.f32 v63, v2;
	v3 =	vmul.f32 $7.875000230e-01, v3;
	_ =	sdelay $0x1  }
0x274: {  	v2 =	vadd.f32 v3, v2;
	_ =	sdelay $0x1  }
0x275: {  	v2 =	vmul.f32 $-5.000000000e-01, v2;
	_ =	sdelay $0x1  }
0x276: {  	s2 =	simm.s32 $0x0;
	s12 =	simm.s32 $0x14000;
	[tilespmem:s25+$0x0] =	vst v2  }
0x277: {  	[spmem:s3] =	stream.indirect.scatter.add.f32 [tilespmem:s12], [sflag:$0x1], $0x1, s2, s22, $0xb8;
	[tilespmem:$0x17B00] =	vst v63  }
0x278: {  	s25 =	simm.s32 $0x14080  }
0x279: {  	[spmem:s3] =	stream.indirect.scatter.add.f32 [tilespmem:s25], [sflag:$0x1], $0x1, s22, s22, $0xb8;
	[tilespmem:$0x17B00] =	vst v63  }
0x27a: {  	s16 =	simm.s32 $0x100;
	s28 =	simm.s32 $0x14100  }
0x27b: {  	[spmem:s3] =	stream.indirect.scatter.add.f32 [tilespmem:s28], [sflag:$0x1], $0x1, s16, s22, $0xb8;
	[tilespmem:$0x17B00] =	vst v63  }
0x27c: {  	s20 =	simm.s32 $0x180;
	s29 =	simm.s32 $0x14180  }
0x27d: {  	[spmem:s3] =	stream.indirect.scatter.add.f32 [tilespmem:s29], [sflag:$0x1], $0x1, s20, s22, $0xb8;
	[tilespmem:$0x17B00] =	vst v63  }
0x27e: {  	s23 =	simm.s32 $0x200;
	s12 =	simm.s32 $0x14200  }
0x27f: {  	[spmem:s3] =	stream.indirect.scatter.add.f32 [tilespmem:s12], [sflag:$0x1], $0x1, s23, s22, $0xb8;
	[tilespmem:$0x17B00] =	vst v63  }
0x280: {  	s14 =	simm.s32 $0x14280;
	s25 =	simm.s32 $0x280  }
0x281: {  	[spmem:s3] =	stream.indirect.scatter.add.f32 [tilespmem:s14], [sflag:$0x1], $0x1, s25, s22, $0xb8;
	[tilespmem:$0x17B00] =	vst v63  }
0x282: {  	s28 =	simm.s32 $0x14300  }
0x283: {  	[spmem:s3] =	stream.indirect.scatter.add.f32 [tilespmem:s28], [sflag:$0x1], $0x1, s26, s22, $0xb8;
	[tilespmem:$0x17B00] =	vst v63  }
0x284: {  	s29 =	simm.s32 $0x14380  }
0x285: {  	[spmem:s3] =	stream.indirect.scatter.add.f32 [tilespmem:s29], [sflag:$0x1], $0x1, s21, s22, $0xb8;
	[tilespmem:$0x17B00] =	vst v63  }
0x286: {  	s12 =	simm.s32 $0x14400  }
0x287: {  	[spmem:s3] =	stream.indirect.scatter.add.f32 [tilespmem:s12], [sflag:$0x1], $0x1, s15, s22, $0xb8;
	[tilespmem:$0x17B00] =	vst v63  }
0x288: {  	s14 =	simm.s32 $0x14480  }
0x289: {  	[spmem:s3] =	stream.indirect.scatter.add.f32 [tilespmem:s14], [sflag:$0x1], $0x1, s0, s22, $0xb8;
	[tilespmem:$0x17B00] =	vst v63  }
0x28a: {  	s28 =	simm.s32 $0x14500  }
0x28b: {  	[spmem:s3] =	stream.indirect.scatter.add.f32 [tilespmem:s28], [sflag:$0x1], $0x1, s10, s22, $0xb8;
	[tilespmem:$0x17B00] =	vst v63  }
0x28c: {  	s29 =	simm.s32 $0x14580  }
0x28d: {  	[spmem:s3] =	stream.indirect.scatter.add.f32 [tilespmem:s29], [sflag:$0x1], $0x1, s6, s22, $0xb8;
	[tilespmem:$0x17B00] =	vst v63  }
0x28e: {  	s12 =	simm.s32 $0x14600  }
0x28f: {  	[spmem:s3] =	stream.indirect.scatter.add.f32 [tilespmem:s12], [sflag:$0x1], $0x1, s13, s22, $0xb8;
	[tilespmem:$0x17B00] =	vst v63  }
0x290: {  	s14 =	simm.s32 $0x14680  }
0x291: {  	[spmem:s3] =	stream.indirect.scatter.add.f32 [tilespmem:s14], [sflag:$0x1], $0x1, s11, s22, $0xb8;
	[tilespmem:$0x17B00] =	vst v63  }
0x292: {  	s28 =	simm.s32 $0x14700  }
0x293: {  	[spmem:s3] =	stream.indirect.scatter.add.f32 [tilespmem:s28], [sflag:$0x1], $0x1, s30, s22, $0xb8;
	[tilespmem:$0x17B00] =	vst v63  }
0x294: {  	s29 =	simm.s32 $0x14780  }
0x295: {  	[spmem:s3] =	stream.indirect.scatter.add.f32 [tilespmem:s29], [sflag:$0x1], $0x1, s31, s22, $0xb8;
	[tilespmem:$0x17B00] =	vst v63  }
0x296: {  	_ =	swait.ge [sflag:s4], $0x80  }
0x297: {  	[sflag:s4] =	ssyncset.done $0x0  }
0x298: {  	[sflag:s4] =	ssyncadd.s32 $0xFFFFFF80  }
0x299: {  	_ =	swait.ge [sflag:s4], $0x80  }
0x29a: {  	[sflag:s4] =	ssyncset.done $0x0  }
0x29b: {  	[sflag:s4] =	ssyncadd.s32 $0xFFFFFF80  }
0x29c: {  	_ =	swait.ge [sflag:s4], $0x80  }
0x29d: {  	[sflag:s4] =	ssyncset.done $0x0  }
0x29e: {  	[sflag:s4] =	ssyncadd.s32 $0xFFFFFF80  }
0x29f: {  	_ =	swait.ge [sflag:s4], $0x80  }
0x2a0: {  	[sflag:s4] =	ssyncset.done $0x0  }
0x2a1: {  	[sflag:s4] =	ssyncadd.s32 $0xFFFFFF80  }
0x2a2: {  	_ =	swait.ge [sflag:s4], $0x80  }
0x2a3: {  	[sflag:s4] =	ssyncset.done $0x0  }
0x2a4: {  	[sflag:s4] =	ssyncadd.s32 $0xFFFFFF80  }
0x2a5: {  	_ =	swait.ge [sflag:s4], $0x80  }
0x2a6: {  	[sflag:s4] =	ssyncset.done $0x0  }
0x2a7: {  	[sflag:s4] =	ssyncadd.s32 $0xFFFFFF80  }
0x2a8: {  	_ =	swait.ge [sflag:s4], $0x80  }
0x2a9: {  	[sflag:s4] =	ssyncset.done $0x0  }
0x2aa: {  	[sflag:s4] =	ssyncadd.s32 $0xFFFFFF80  }
0x2ab: {  	_ =	swait.ge [sflag:s4], $0x80  }
0x2ac: {  	[sflag:s4] =	ssyncset.done $0x0  }
0x2ad: {  	[sflag:s4] =	ssyncadd.s32 $0xFFFFFF80  }
0x2ae: {  	_ =	swait.ge [sflag:s4], $0x80  }
0x2af: {  	[sflag:s4] =	ssyncset.done $0x0  }
0x2b0: {  	[sflag:s4] =	ssyncadd.s32 $0xFFFFFF80  }
0x2b1: {  	_ =	swait.ge [sflag:s4], $0x80  }
0x2b2: {  	[sflag:s4] =	ssyncset.done $0x0  }
0x2b3: {  	[sflag:s4] =	ssyncadd.s32 $0xFFFFFF80  }
0x2b4: {  	_ =	swait.ge [sflag:s4], $0x80  }
0x2b5: {  	[sflag:s4] =	ssyncset.done $0x0  }
0x2b6: {  	[sflag:s4] =	ssyncadd.s32 $0xFFFFFF80  }
0x2b7: {  	_ =	swait.ge [sflag:s4], $0x80  }
0x2b8: {  	[sflag:s4] =	ssyncset.done $0x0  }
0x2b9: {  	[sflag:s4] =	ssyncadd.s32 $0xFFFFFF80  }
0x2ba: {  	_ =	swait.ge [sflag:s4], $0x80  }
0x2bb: {  	[sflag:s4] =	ssyncset.done $0x0  }
0x2bc: {  	[sflag:s4] =	ssyncadd.s32 $0xFFFFFF80  }
0x2bd: {  	_ =	swait.ge [sflag:s4], $0x80  }
0x2be: {  	[sflag:s4] =	ssyncset.done $0x0  }
0x2bf: {  	s7 =	sadd.s32 $0x1, s7;
	[sflag:s4] =	ssyncadd.s32 $0xFFFFFF80  }
0x2c0: {  	p0 =	sne.s32 s7, $0x19;
	_ =	swait.ge [sflag:s4], $0x80  }
.Ltmp3:
0x2c1: {  	[sflag:s4] =	ssyncset.done $0x0;
	(pc) =	sbr.rel @p0 .LBB2_4-.Ltmp3, $4  }
0x2c2: {  	[sflag:s4] =	ssyncadd.s32 $0xFFFFFF80  }
0x2c3: {  	_ =	swait.ge [sflag:s4], $0x80  }
0x2c4: {  	[sflag:s4] =	ssyncset.done $0x0  }
0x2c5: {  	[sflag:s4] =	ssyncadd.s32 $0xFFFFFF80  }
0x2c6: {  	[bflag:$0x0] =	sbarrier.arrive $0xFFFF  }
0x2c7: {  	s12 =	simm.s32 $0x14A20;
	s7 =	rddreg [dreg:$0x9]  }
0x2c8: {  	[tilespmem:s12], [sflag:$0x2] =	stream.linear.gather [spmem:s7], $0x1870, $0x38;
	[tilespmem:$0x17B00] =	vst v63  }
0x2c9: {  	_ =	swait.ge [sflag:s17], $0x1870  }
0x2ca: {  	[sflag:s17] =	ssyncset.done $0x0  }
0x2cb: {  	s2 =	simm.s32 $0x0;
	s5 =	rddreg [dreg:$0xb];
	[sflag:s17] =	ssyncadd.s32 $0xFFFFE790  }
0x2cc: {  	[hbm4b:s5+s2] =	stream.linear.scatter [tilespmem:s12], [sflag:$0x2], $0x1870, $0x38;
	[tilespmem:$0x17B00] =	vst v63  }
0x2cd: {  	_ =	swait.ge [sflag:s17], $0x1870  }
0x2ce: {  	s28 =	rddreg [dreg:$0xd]  }
0x2cf: {  	s29 =	rddreg [dreg:$0xc];
	s5 =	sadd.s32 $0x1, s28  }
0x2d0: {  	p0 =	sne.s32 s5, s29  }
.Ltmp4:
0x2d1: {  	_ = 	snop;
	(pc) =	sbr.rel @p0 .LBB2_1-.Ltmp4, $3  }
0x2d2: {  	_ =	sdelay $0x1  }
0x2d3: {  	[sflag:s17] =	ssyncset.done $0x0  }
0x2d4: {  	[sflag:s17] =	ssyncadd.s32 $0xFFFFE790  }
0x2d5: {  	_ =	sfence.sel $0x180000  }
0x2d6: {  	[bflag:$0x0] =	sbarrier.arrive $0xFFFF  }
0x2d7: {  	_ =	strace $0x9000004A  }
0x2d8: {  	s0 =	stileid.u32;
	[bflag:$0x2] =	sbarrier.arrive $0xFFFF  }
0x2d9: {  	p0 =	sne.s32 s0, $0x0;
	s0 =	rddreg [dreg:$0x3]  }
0x2da: {  	s0 =	sadd.s32 @!p0 $0x100000, s0  }
0x2db: {  	[sflag:s0] =	ssyncadd.tile.s32 @!p0 $0x1;
	_ =	shalt  }
.Lfunc_end2:
_tile_overlayer_lowered:
.L_overlay_start_2:
0x2dc: {  	(tag) =	ssettag $0x2  }
0x2dd: {  	s0 =	rddreg [dreg:$0x0];
	s2 =	stileid.u32  }
0x2de: {  	s1 =	rddreg [dreg:$0x1];
	p0 =	sne.s32 s2, $0x0  }
0x2df: {  	s3 =	rddreg [dreg:$0x2];
	[bflag:$0x3] =	sbarrier.arrive $0xFFFF;
	s2 =	simm.s32 @!p0 $0x1C02  }
0x2e0: {  	[timem:s3], [sflag:s2] =	dma.local @!p0 [hbm:s0], s1  }
0x2e1: {  	s0 =	simm.s32 @!p0 $0x2  }
0x2e2: {  	_ =	swait.ge @!p0 [sflag:s0], s1  }
0x2e3: {  	s1 =	ssub.s32 @!p0 $0x0, s1;
	[sflag:s0] =	ssyncset.done @!p0 $0x0  }
0x2e4: {  	[sflag:s0] =	ssyncadd.s32 @!p0 s1  }
0x2e5: {  	[bflag:$0x3] =	sbarrier.arrive $0xFFFF  }
0x2e6: {  	_ =	shalt  }

</sc_bundles>
